<compile_context>
chip_gen: v7x
topology: tpu7x:2x2x1
jax: 0.10.2.dev20260603
libtpu: 0.0.44.dev20260713+nightly
codegen_flags: <defaults>
</compile_context>

<pallas_src>
import functools

import jax
import jax.numpy as jnp
from jax import lax
from jax.experimental import pallas as pl
from jax.experimental.pallas import tpu as pltpu
from jax.experimental.pallas import tpu_sc as plsc

NM = 1024
ND = 512
NE = 32768
FIN = 256
NEG_SLOPE = 0.01

CELLS = ND * NM
NSUB = 16
EPSUB = NE // NSUB
IDX_ROWS = 16
IDX_COLS = EPSUB // IDX_ROWS
ZCHUNK = 4096
CPSUB = CELLS // NSUB

KBLK = 1920
NKB = 96000 // KBLK


def _count_matrices(sm, dd, sd, dm):
    mesh = plsc.VectorSubcoreMesh(
        core_axis_name="c", subcore_axis_name="s", num_cores=2,
        num_subcores=NSUB)

    @functools.partial(
        pl.kernel,
        out_type=(jax.ShapeDtypeStruct((CELLS,), jnp.float32),
                  jax.ShapeDtypeStruct((CELLS,), jnp.float32)),
        mesh=mesh,
        scratch_types=[
            pltpu.VMEM((EPSUB,), jnp.int32),
            pltpu.VMEM((EPSUB,), jnp.int32),
            pltpu.VMEM((IDX_ROWS, IDX_COLS), jnp.int32),
            pltpu.VMEM((IDX_COLS,), jnp.float32),
            pltpu.VMEM((ZCHUNK,), jnp.float32),
            pltpu.VMEM_SHARED((CELLS,), jnp.float32),
            pltpu.SemaphoreType.DMA,
            pltpu.SemaphoreType.DMA,
            pltpu.SemaphoreType.DMA,
        ],
    )
    def body(sm_h, dd_h, sd_h, dm_h, outm_h, outd_h,
             src_v, dst_v, idx_v, ones_v, zero_v, c_sh,
             sem_e, sem_z, sem_s):
        cid = lax.axis_index("c")
        sid = lax.axis_index("s")
        base = sid * EPSUB
        is_m2d = cid == 0

        def fill_zero(t, carry):
            for u in range(4):
                zero_v[pl.ds(t * 64 + u * 16, 16)] = jnp.zeros(
                    (16,), jnp.float32)
            return carry
        lax.fori_loop(0, ZCHUNK // 64, fill_zero, 0)
        zcopies = [
            pltpu.async_copy(
                zero_v, c_sh.at[pl.ds(sid * CPSUB + j * ZCHUNK, ZCHUNK)],
                sem_z)
            for j in range(CPSUB // ZCHUNK)]

        @pl.when(is_m2d)
        def _():
            pltpu.async_copy(sm_h.at[pl.ds(base, EPSUB)], src_v, sem_e)
            pltpu.async_copy(dd_h.at[pl.ds(base, EPSUB)], dst_v, sem_e)

        @pl.when(jnp.logical_not(is_m2d))
        def _():
            pltpu.async_copy(sd_h.at[pl.ds(base, EPSUB)], src_v, sem_e)
            pltpu.async_copy(dm_h.at[pl.ds(base, EPSUB)], dst_v, sem_e)

        for t in range(IDX_COLS // 16):
            ones_v[pl.ds(t * 16, 16)] = jnp.ones((16,), jnp.float32)

        pltpu.make_async_copy(sm_h.at[pl.ds(base, EPSUB)], src_v,
                              sem_e).wait()
        pltpu.make_async_copy(sm_h.at[pl.ds(base, EPSUB)], dst_v,
                              sem_e).wait()

        width = jnp.where(is_m2d, NM, ND).astype(jnp.int32)

        for j in range(IDX_ROWS):
            for t in range(IDX_COLS // 16):
                sl = pl.ds(j * IDX_COLS + t * 16, 16)
                idx_v[j, pl.ds(t * 16, 16)] = dst_v[sl] * width + src_v[sl]

        for c in zcopies:
            c.wait()
        plsc.subcore_barrier()

        scopies = [
            pltpu.async_copy(ones_v, c_sh.at[idx_v.at[j]], sem_s, add=True)
            for j in range(IDX_ROWS)]
        for c in scopies:
            c.wait()
        plsc.subcore_barrier()

        @pl.when(is_m2d)
        def _():
            pltpu.sync_copy(c_sh.at[pl.ds(sid * CPSUB, CPSUB)],
                            outm_h.at[pl.ds(sid * CPSUB, CPSUB)])

        @pl.when(jnp.logical_not(is_m2d))
        def _():
            pltpu.sync_copy(c_sh.at[pl.ds(sid * CPSUB, CPSUB)],
                            outd_h.at[pl.ds(sid * CPSUB, CPSUB)])

    return body(sm, dd, sd, dm)


def _xm_body(mw_ref, ms_ref, wms_ref, ma_ref, wma_ref, b_ref, me_ref,
             wme_ref, o_ref):
    k = pl.program_id(0)

    @pl.when(k == 0)
    def _():
        o_ref[...] = (
            jnp.dot(ms_ref[...], wms_ref[...],
                    preferred_element_type=jnp.float32) * mw_ref[0]
            + jnp.dot(ma_ref[...], wma_ref[...],
                      preferred_element_type=jnp.float32) * mw_ref[1]
            + b_ref[...])

    o_ref[...] += jnp.dot(me_ref[...].astype(jnp.bfloat16),
                          wme_ref[...].astype(jnp.bfloat16),
                          preferred_element_type=jnp.float32) * mw_ref[2]


def _xm_project(mw, ms, wms, ma, wma, bias, me, wme):
    return pl.pallas_call(
        _xm_body,
        grid=(NKB,),
        in_specs=[
            pl.BlockSpec(memory_space=pltpu.SMEM),
            pl.BlockSpec((NM, NM), lambda k: (0, 0)),
            pl.BlockSpec((NM, FIN), lambda k: (0, 0)),
            pl.BlockSpec((NM, ND), lambda k: (0, 0)),
            pl.BlockSpec((ND, FIN), lambda k: (0, 0)),
            pl.BlockSpec((1, FIN), lambda k: (0, 0)),
            pl.BlockSpec((NM, KBLK), lambda k: (0, k)),
            pl.BlockSpec((KBLK, FIN), lambda k: (k, 0)),
        ],
        out_specs=pl.BlockSpec((NM, FIN), lambda k: (0, 0)),
        out_shape=jax.ShapeDtypeStruct((NM, FIN), jnp.float32),
        compiler_params=pltpu.CompilerParams(
            dimension_semantics=("arbitrary",)),
    )(mw, ms, wms, ma, wma, bias, me, wme)


def _leaky(x):
    return jnp.where(x >= 0, x, NEG_SLOPE * x)


def _gnn_body(dw_ref, ds_ref, wds_ref, da_ref, wda_ref, bd_ref, xm_ref,
              cm_ref, cd_ref, *rest):
    lrefs = rest[:18]
    xm_o, xd_o = rest[18], rest[19]

    x_d = (jnp.dot(ds_ref[...], wds_ref[...],
                   preferred_element_type=jnp.float32) * dw_ref[0]
           + jnp.dot(da_ref[...], wda_ref[...],
                     preferred_element_type=jnp.float32) * dw_ref[1]
           + bd_ref[...])
    x_m = xm_ref[...]

    cm = cm_ref[...]
    am = (cm * (1.0 / jnp.maximum(jnp.sum(cm, axis=1, keepdims=True),
                                  1.0))).astype(jnp.bfloat16)
    cd = cd_ref[...]
    ad = (cd * (1.0 / jnp.maximum(jnp.sum(cd, axis=1, keepdims=True),
                                  1.0))).astype(jnp.bfloat16)

    for li in range(3):
        wl1, bl1, wr1, wl2, bl2, wr2 = lrefs[6 * li:6 * li + 6]
        xmh = x_m.astype(jnp.bfloat16)
        xdh = x_d.astype(jnp.bfloat16)
        agg_d = jnp.dot(am, xmh, preferred_element_type=jnp.float32)
        agg_m = jnp.dot(ad, xdh, preferred_element_type=jnp.float32)
        new_d = _leaky(
            jnp.dot(agg_d.astype(jnp.bfloat16),
                    wl1[...].astype(jnp.bfloat16),
                    preferred_element_type=jnp.float32)
            + bl1[...]
            + jnp.dot(xdh, wr1[...].astype(jnp.bfloat16),
                      preferred_element_type=jnp.float32))
        new_m = _leaky(
            jnp.dot(agg_m.astype(jnp.bfloat16),
                    wl2[...].astype(jnp.bfloat16),
                    preferred_element_type=jnp.float32)
            + bl2[...]
            + jnp.dot(xmh, wr2[...].astype(jnp.bfloat16),
                      preferred_element_type=jnp.float32))
        x_m, x_d = new_m, new_d

    xm_o[...] = x_m
    xd_o[...] = x_d


def _gnn_layers(dw, ds, wds, da, wda, bias_d, x_m, cm, cd, layer_args):
    args = [dw, ds, wds, da, wda, bias_d, x_m, cm, cd] + list(layer_args)
    in_specs = [pl.BlockSpec(memory_space=pltpu.SMEM)]
    for a in args[1:]:
        in_specs.append(
            pl.BlockSpec(a.shape, lambda i, n=a.ndim: (0,) * n))
    fo_last = layer_args[-1].shape[1]
    return pl.pallas_call(
        _gnn_body,
        grid=(1,),
        in_specs=in_specs,
        out_specs=[
            pl.BlockSpec((NM, fo_last), lambda i: (0, 0)),
            pl.BlockSpec((ND, fo_last), lambda i: (0, 0)),
        ],
        out_shape=[
            jax.ShapeDtypeStruct((NM, fo_last), jnp.float32),
            jax.ShapeDtypeStruct((ND, fo_last), jnp.float32),
        ],
    )(*args)


def kernel(miRNA_similarity, miRNA_association, miRNA_embedding,
           disease_similarity, disease_association, edge_index_m2d,
           edge_index_d2m, params):
    p = params
    sm = edge_index_m2d[0].astype(jnp.int32)
    dd = edge_index_m2d[1].astype(jnp.int32)
    sd = edge_index_d2m[0].astype(jnp.int32)
    dm = edge_index_d2m[1].astype(jnp.int32)

    cm_flat, cd_flat = _count_matrices(sm, dd, sd, dm)
    cm = cm_flat.reshape(ND, NM)
    cd = cd_flat.reshape(NM, ND)

    mw = jax.nn.softmax(p['miRNA_weights'])
    dw = jax.nn.softmax(p['disease_weights'])
    bias_m = (mw[0] * p['b_msim'] + mw[1] * p['b_mass']
              + mw[2] * p['b_memb']).reshape(1, FIN)
    bias_d = (dw[0] * p['b_dsim'] + dw[1] * p['b_dass']).reshape(1, FIN)

    x_m = _xm_project(mw, miRNA_similarity, p['W_msim'], miRNA_association,
                      p['W_mass'], bias_m, miRNA_embedding, p['W_memb'])

    layer_args = []
    for li in range(3):
        layer_args += [
            p['Wl_m2d_%d' % li], p['bl_m2d_%d' % li].reshape(1, -1),
            p['Wr_m2d_%d' % li],
            p['Wl_d2m_%d' % li], p['bl_d2m_%d' % li].reshape(1, -1),
            p['Wr_d2m_%d' % li],
        ]

    xm_out, xd_out = _gnn_layers(dw, disease_similarity, p['W_dsim'],
                                 disease_association, p['W_dass'], bias_d,
                                 x_m, cm, cd, layer_args)
    return xm_out, xd_out

# --- scband reference (transcript-rebuilt; emitter-appended) ---
"""Pipeline reference for scband-rdgcnencoder-v6-6347961663821 (READ-ONLY COPY).

The authoritative reference and input builder live on the scoring server;
editing this copy changes nothing except your own understanding.
"""

import jax, jax.numpy as jnp
import numpy as np

N_M = 1024
N_D = 512
E = 32768
IN_DIMS = 256
OUT_DIMS = 128
EMB_DIM = 96000
SLOPE = 0.01


def _dense(key, fan_in, fan_out):
    return jax.random.normal(key, (fan_in, fan_out), dtype=jnp.float32) * (1.0 / np.sqrt(fan_in))


def _make_params(key):
    keys = iter(jax.random.split(key, 64))
    nk = lambda: next(keys)
    p = {}
    p['miRNA_weights'] = jnp.ones((3,), dtype=jnp.float32) / 3.0
    p['disease_weights'] = jnp.ones((2,), dtype=jnp.float32) / 2.0
    p['W_msim'] = _dense(nk(), N_M, IN_DIMS); p['b_msim'] = jnp.zeros((IN_DIMS,), dtype=jnp.float32)
    p['W_mass'] = _dense(nk(), N_D, IN_DIMS); p['b_mass'] = jnp.zeros((IN_DIMS,), dtype=jnp.float32)
    p['W_memb'] = _dense(nk(), EMB_DIM, IN_DIMS); p['b_memb'] = jnp.zeros((IN_DIMS,), dtype=jnp.float32)
    p['W_dsim'] = _dense(nk(), N_D, IN_DIMS); p['b_dsim'] = jnp.zeros((IN_DIMS,), dtype=jnp.float32)
    p['W_dass'] = _dense(nk(), N_M, IN_DIMS); p['b_dass'] = jnp.zeros((IN_DIMS,), dtype=jnp.float32)
    dims = [(IN_DIMS, OUT_DIMS * 4), (OUT_DIMS * 4, OUT_DIMS * 2), (OUT_DIMS * 2, OUT_DIMS)]
    for li, (fi, fo) in enumerate(dims):
        for rel in ('m2d', 'd2m'):
            p['Wl_%s_%d' % (rel, li)] = _dense(nk(), fi, fo)
            p['bl_%s_%d' % (rel, li)] = jnp.zeros((fo,), dtype=jnp.float32)
            p['Wr_%s_%d' % (rel, li)] = _dense(nk(), fi, fo)
    return p


def setup_inputs(seed: int = 0):
    key = jax.random.key(seed)
    k = jax.random.split(key, 8)
    inp = {}
    inp['miRNA_similarity'] = jax.random.normal(k[0], (N_M, N_M), dtype=jnp.float32)
    inp['miRNA_association'] = jax.random.normal(k[1], (N_M, N_D), dtype=jnp.float32)
    inp['miRNA_embedding'] = jax.random.normal(k[2], (N_M, EMB_DIM), dtype=jnp.float32)
    inp['disease_similarity'] = jax.random.normal(k[3], (N_D, N_D), dtype=jnp.float32)
    inp['disease_association'] = jax.random.normal(k[4], (N_D, N_M), dtype=jnp.float32)
    inp['edge_index_m2d'] = jnp.stack([jax.random.randint(k[5], (E,), 0, N_M), jax.random.randint(jax.random.fold_in(k[5], 1), (E,), 0, N_D)], axis=0)
    inp['edge_index_d2m'] = jnp.stack([jax.random.randint(k[6], (E,), 0, N_D), jax.random.randint(jax.random.fold_in(k[6], 1), (E,), 0, N_M)], axis=0)
    inp['params'] = _make_params(k[7])
    return inp


def _leaky(x):
    return jnp.where(x >= 0, x, SLOPE * x)


def _sage(x_src, x_dst, src, dst, n_dst, Wl, bl, Wr):
    # SAGEConv with mean aggregation: out = mean_neighbors(x_src) @ Wl + bl + x_dst @ Wr
    msg = jnp.take(x_src, src, axis=0)
    summed = jax.ops.segment_sum(msg, dst, num_segments=n_dst)
    cnt = jax.ops.segment_sum(jnp.ones((src.shape[0],), dtype=x_src.dtype), dst, num_segments=n_dst)
    agg = summed / jnp.maximum(cnt, 1.0)[:, None]
    return agg @ Wl + bl + x_dst @ Wr


def _forward(ms, ma, me, ds, da, em2d, ed2m, p):
    mw = jax.nn.softmax(p['miRNA_weights'])
    dw = jax.nn.softmax(p['disease_weights'])
    x_m = (ms @ p['W_msim'] + p['b_msim']) * mw[0] + (ma @ p['W_mass'] + p['b_mass']) * mw[1] + (me @ p['W_memb'] + p['b_memb']) * mw[2]
    x_d = (ds @ p['W_dsim'] + p['b_dsim']) * dw[0] + (da @ p['W_dass'] + p['b_dass']) * dw[1]
    sm, dd = em2d[0], em2d[1]
    sd, dm = ed2m[0], ed2m[1]
    for li in range(3):
        # to_hetero: each relation gets its own SAGEConv; both outputs computed from the old x_dict
        new_d = _leaky(_sage(x_m, x_d, sm, dd, N_D, p['Wl_m2d_%d' % li], p['bl_m2d_%d' % li], p['Wr_m2d_%d' % li]))
        new_m = _leaky(_sage(x_d, x_m, sd, dm, N_M, p['Wl_d2m_%d' % li], p['bl_d2m_%d' % li], p['Wr_d2m_%d' % li]))
        x_m, x_d = new_m, new_d
    return x_m, x_d


def reference(miRNA_similarity, miRNA_association, miRNA_embedding, disease_similarity, disease_association, edge_index_m2d, edge_index_d2m, params):
    return _forward(miRNA_similarity, miRNA_association, miRNA_embedding, disease_similarity, disease_association, edge_index_m2d, edge_index_d2m, params)

if __name__ == "__main__":
    import jax
    _d = setup_inputs()
    print(jax.jit(kernel)(*tuple(_d.values())))

</pallas_src>

<mosaic_0001>
#map = affine_map<(d0, d1) -> (0)>
module attributes {stable_mosaic.version = 14 : i64} {
  func.func @body(%arg0: i32, %arg1: i32, %arg2: memref<32768xi32, #tpu.memory_space<hbm>>, %arg3: memref<32768xi32, #tpu.memory_space<hbm>>, %arg4: memref<32768xi32, #tpu.memory_space<hbm>>, %arg5: memref<32768xi32, #tpu.memory_space<hbm>>, %arg6: memref<524288xf32, #tpu.memory_space<hbm>>, %arg7: memref<524288xf32, #tpu.memory_space<hbm>>, %arg8: memref<2048xi32, #tpu.memory_space<vmem>>, %arg9: memref<2048xi32, #tpu.memory_space<vmem>>, %arg10: memref<16x128xi32, #tpu.memory_space<vmem>>, %arg11: memref<128xf32, #tpu.memory_space<vmem>>, %arg12: memref<4096xf32, #tpu.memory_space<vmem>>, %arg13: memref<524288xf32, #tpu.memory_space<vmem_shared>>, %arg14: memref<!tpu.dma_semaphore, #tpu.memory_space<semaphore_mem>>, %arg15: memref<!tpu.dma_semaphore, #tpu.memory_space<semaphore_mem>>, %arg16: memref<!tpu.dma_semaphore, #tpu.memory_space<semaphore_mem>>) attributes {dimension_semantics = [#tpu.dimension_semantics<core_parallel>, #tpu.dimension_semantics<subcore_parallel>], iteration_bounds = array<i64: 2, 16>, scalar_prefetch = 0 : i64, scratch_operands = 9 : i64, tpu.core_type = #tpu.core_type<sc_vector_subcore>, window_params = [{transform_indices = #map}, {transform_indices = #map}, {transform_indices = #map}, {transform_indices = #map}, {transform_indices = #map}, {transform_indices = #map}]} {
    %mul3A = arith.constant 2048 : i32
    %mul3A_0 = arith.muli %arg1, %mul3A : i32
    %eq3A = arith.constant 0 : i32
    %eq3A_1 = arith.cmpi eq, %arg0, %eq3A : i32
    %scan3A = arith.constant 0 : i32
    %scan3A_2 = arith.constant 0 : i32
    %scan3A_3 = arith.constant 64 : i32
    %scan3A_4 = arith.addi %scan3A_2, %scan3A_3 : i32
    %scan3A_5 = arith.constant 1 : i32
    scf.for %scan3A_2244 = %scan3A_2 to %scan3A_4 step %scan3A_5  : i32 {
      %broadcast_in_dim3A_2245 = arith.constant 0.000000e+00 : f32
      %broadcast_in_dim3A_2246 = vector.broadcast %broadcast_in_dim3A_2245 : f32 to vector<16xf32>
      %mul3A_2247 = arith.constant 64 : i32
      %mul3A_2248 = arith.muli %scan3A_2244, %mul3A_2247 : i32
      %add3A_2249 = arith.constant 0 : i32
      %add3A_2250 = arith.addi %mul3A_2248, %add3A_2249 : i32
      %swap3A_2251 = arith.index_cast %add3A_2250 : i32 to index
      %swap3A_2252 = tpu.vector_load %arg12[%swap3A_2251] {strides = array<i32>} : memref<4096xf32, #tpu.memory_space<vmem>>, vector<16xf32>,
      %swap3A_2253 = vector.shape_cast %swap3A_2252 : vector<16xf32> to vector<16xf32>
      %swap3A_2254 = vector.shape_cast %broadcast_in_dim3A_2246 : vector<16xf32> to vector<16xf32>
      tpu.vector_store %arg12[%swap3A_2251], %swap3A_2254 {strides = array<i32>} : memref<4096xf32, #tpu.memory_space<vmem>>, vector<16xf32>,
      %broadcast_in_dim3A_2255 = arith.constant 0.000000e+00 : f32
      %broadcast_in_dim3A_2256 = vector.broadcast %broadcast_in_dim3A_2255 : f32 to vector<16xf32>
      %mul3A_2257 = arith.constant 64 : i32
      %mul3A_2258 = arith.muli %scan3A_2244, %mul3A_2257 : i32
      %add3A_2259 = arith.constant 16 : i32
      %add3A_2260 = arith.addi %mul3A_2258, %add3A_2259 : i32
      %swap3A_2261 = arith.index_cast %add3A_2260 : i32 to index
      %swap3A_2262 = tpu.vector_load %arg12[%swap3A_2261] {strides = array<i32>} : memref<4096xf32, #tpu.memory_space<vmem>>, vector<16xf32>,
      %swap3A_2263 = vector.shape_cast %swap3A_2262 : vector<16xf32> to vector<16xf32>
      %swap3A_2264 = vector.shape_cast %broadcast_in_dim3A_2256 : vector<16xf32> to vector<16xf32>
      tpu.vector_store %arg12[%swap3A_2261], %swap3A_2264 {strides = array<i32>} : memref<4096xf32, #tpu.memory_space<vmem>>, vector<16xf32>,
      %broadcast_in_dim3A_2265 = arith.constant 0.000000e+00 : f32
      %broadcast_in_dim3A_2266 = vector.broadcast %broadcast_in_dim3A_2265 : f32 to vector<16xf32>
      %mul3A_2267 = arith.constant 64 : i32
      %mul3A_2268 = arith.muli %scan3A_2244, %mul3A_2267 : i32
      %add3A_2269 = arith.constant 32 : i32
      %add3A_2270 = arith.addi %mul3A_2268, %add3A_2269 : i32
      %swap3A_2271 = arith.index_cast %add3A_2270 : i32 to index
      %swap3A_2272 = tpu.vector_load %arg12[%swap3A_2271] {strides = array<i32>} : memref<4096xf32, #tpu.memory_space<vmem>>, vector<16xf32>,
      %swap3A_2273 = vector.shape_cast %swap3A_2272 : vector<16xf32> to vector<16xf32>
      %swap3A_2274 = vector.shape_cast %broadcast_in_dim3A_2266 : vector<16xf32> to vector<16xf32>
      tpu.vector_store %arg12[%swap3A_2271], %swap3A_2274 {strides = array<i32>} : memref<4096xf32, #tpu.memory_space<vmem>>, vector<16xf32>,
      %broadcast_in_dim3A_2275 = arith.constant 0.000000e+00 : f32
      %broadcast_in_dim3A_2276 = vector.broadcast %broadcast_in_dim3A_2275 : f32 to vector<16xf32>
      %mul3A_2277 = arith.constant 64 : i32
      %mul3A_2278 = arith.muli %scan3A_2244, %mul3A_2277 : i32
      %add3A_2279 = arith.constant 48 : i32
      %add3A_2280 = arith.addi %mul3A_2278, %add3A_2279 : i32
      %swap3A_2281 = arith.index_cast %add3A_2280 : i32 to index
      %swap3A_2282 = tpu.vector_load %arg12[%swap3A_2281] {strides = array<i32>} : memref<4096xf32, #tpu.memory_space<vmem>>, vector<16xf32>,
      %swap3A_2283 = vector.shape_cast %swap3A_2282 : vector<16xf32> to vector<16xf32>
      %swap3A_2284 = vector.shape_cast %broadcast_in_dim3A_2276 : vector<16xf32> to vector<16xf32>
      tpu.vector_store %arg12[%swap3A_2281], %swap3A_2284 {strides = array<i32>} : memref<4096xf32, #tpu.memory_space<vmem>>, vector<16xf32>,
    }
    %scan3A_6 = arith.constant 64 : i32
    %mul3A_7 = arith.constant 32768 : i32
    %mul3A_8 = arith.muli %arg1, %mul3A_7 : i32
    %add3A = arith.constant 0 : i32
    %add3A_9 = arith.addi %mul3A_8, %add3A : i32
    %dma_start3A = tpu.memref_slice %arg13[%add3A_9] : memref<524288xf32, #tpu.memory_space<vmem_shared>> -> memref<4096xf32, #tpu.memory_space<vmem_shared>>
    %dma_start3A_10 = tpu.memref_slice %arg13[%add3A_9] : memref<524288xf32, #tpu.memory_space<vmem_shared>> -> memref<4096xf32, #tpu.memory_space<vmem_shared>>
    tpu.enqueue_dma source(%arg12 : memref<4096xf32, #tpu.memory_space<vmem>>) target(%dma_start3A_10 : memref<4096xf32, #tpu.memory_space<vmem_shared>>) target_semaphore(%arg15 : memref<!tpu.dma_semaphore, #tpu.memory_space<semaphore_mem>>)
    %mul3A_11 = arith.constant 32768 : i32
    %mul3A_12 = arith.muli %arg1, %mul3A_11 : i32
    %add3A_13 = arith.constant 4096 : i32
    %add3A_14 = arith.addi %mul3A_12, %add3A_13 : i32
    %dma_start3A_15 = tpu.memref_slice %arg13[%add3A_14] : memref<524288xf32, #tpu.memory_space<vmem_shared>> -> memref<4096xf32, #tpu.memory_space<vmem_shared>>
    %dma_start3A_16 = tpu.memref_slice %arg13[%add3A_14] : memref<524288xf32, #tpu.memory_space<vmem_shared>> -> memref<4096xf32, #tpu.memory_space<vmem_shared>>
    tpu.enqueue_dma source(%arg12 : memref<4096xf32, #tpu.memory_space<vmem>>) target(%dma_start3A_16 : memref<4096xf32, #tpu.memory_space<vmem_shared>>) target_semaphore(%arg15 : memref<!tpu.dma_semaphore, #tpu.memory_space<semaphore_mem>>)
    %mul3A_17 = arith.constant 32768 : i32
    %mul3A_18 = arith.muli %arg1, %mul3A_17 : i32
    %add3A_19 = arith.constant 8192 : i32
    %add3A_20 = arith.addi %mul3A_18, %add3A_19 : i32
    %dma_start3A_21 = tpu.memref_slice %arg13[%add3A_20] : memref<524288xf32, #tpu.memory_space<vmem_shared>> -> memref<4096xf32, #tpu.memory_space<vmem_shared>>
    %dma_start3A_22 = tpu.memref_slice %arg13[%add3A_20] : memref<524288xf32, #tpu.memory_space<vmem_shared>> -> memref<4096xf32, #tpu.memory_space<vmem_shared>>
    tpu.enqueue_dma source(%arg12 : memref<4096xf32, #tpu.memory_space<vmem>>) target(%dma_start3A_22 : memref<4096xf32, #tpu.memory_space<vmem_shared>>) target_semaphore(%arg15 : memref<!tpu.dma_semaphore, #tpu.memory_space<semaphore_mem>>)
    %mul3A_23 = arith.constant 32768 : i32
    %mul3A_24 = arith.muli %arg1, %mul3A_23 : i32
    %add3A_25 = arith.constant 12288 : i32
    %add3A_26 = arith.addi %mul3A_24, %add3A_25 : i32
    %dma_start3A_27 = tpu.memref_slice %arg13[%add3A_26] : memref<524288xf32, #tpu.memory_space<vmem_shared>> -> memref<4096xf32, #tpu.memory_space<vmem_shared>>
    %dma_start3A_28 = tpu.memref_slice %arg13[%add3A_26] : memref<524288xf32, #tpu.memory_space<vmem_shared>> -> memref<4096xf32, #tpu.memory_space<vmem_shared>>
    tpu.enqueue_dma source(%arg12 : memref<4096xf32, #tpu.memory_space<vmem>>) target(%dma_start3A_28 : memref<4096xf32, #tpu.memory_space<vmem_shared>>) target_semaphore(%arg15 : memref<!tpu.dma_semaphore, #tpu.memory_space<semaphore_mem>>)
    %mul3A_29 = arith.constant 32768 : i32
    %mul3A_30 = arith.muli %arg1, %mul3A_29 : i32
    %add3A_31 = arith.constant 16384 : i32
    %add3A_32 = arith.addi %mul3A_30, %add3A_31 : i32
    %dma_start3A_33 = tpu.memref_slice %arg13[%add3A_32] : memref<524288xf32, #tpu.memory_space<vmem_shared>> -> memref<4096xf32, #tpu.memory_space<vmem_shared>>
    %dma_start3A_34 = tpu.memref_slice %arg13[%add3A_32] : memref<524288xf32, #tpu.memory_space<vmem_shared>> -> memref<4096xf32, #tpu.memory_space<vmem_shared>>
    tpu.enqueue_dma source(%arg12 : memref<4096xf32, #tpu.memory_space<vmem>>) target(%dma_start3A_34 : memref<4096xf32, #tpu.memory_space<vmem_shared>>) target_semaphore(%arg15 : memref<!tpu.dma_semaphore, #tpu.memory_space<semaphore_mem>>)
    %mul3A_35 = arith.constant 32768 : i32
    %mul3A_36 = arith.muli %arg1, %mul3A_35 : i32
    %add3A_37 = arith.constant 20480 : i32
    %add3A_38 = arith.addi %mul3A_36, %add3A_37 : i32
    %dma_start3A_39 = tpu.memref_slice %arg13[%add3A_38] : memref<524288xf32, #tpu.memory_space<vmem_shared>> -> memref<4096xf32, #tpu.memory_space<vmem_shared>>
    %dma_start3A_40 = tpu.memref_slice %arg13[%add3A_38] : memref<524288xf32, #tpu.memory_space<vmem_shared>> -> memref<4096xf32, #tpu.memory_space<vmem_shared>>
    tpu.enqueue_dma source(%arg12 : memref<4096xf32, #tpu.memory_space<vmem>>) target(%dma_start3A_40 : memref<4096xf32, #tpu.memory_space<vmem_shared>>) target_semaphore(%arg15 : memref<!tpu.dma_semaphore, #tpu.memory_space<semaphore_mem>>)
    %mul3A_41 = arith.constant 32768 : i32
    %mul3A_42 = arith.muli %arg1, %mul3A_41 : i32
    %add3A_43 = arith.constant 24576 : i32
    %add3A_44 = arith.addi %mul3A_42, %add3A_43 : i32
    %dma_start3A_45 = tpu.memref_slice %arg13[%add3A_44] : memref<524288xf32, #tpu.memory_space<vmem_shared>> -> memref<4096xf32, #tpu.memory_space<vmem_shared>>
    %dma_start3A_46 = tpu.memref_slice %arg13[%add3A_44] : memref<524288xf32, #tpu.memory_space<vmem_shared>> -> memref<4096xf32, #tpu.memory_space<vmem_shared>>
    tpu.enqueue_dma source(%arg12 : memref<4096xf32, #tpu.memory_space<vmem>>) target(%dma_start3A_46 : memref<4096xf32, #tpu.memory_space<vmem_shared>>) target_semaphore(%arg15 : memref<!tpu.dma_semaphore, #tpu.memory_space<semaphore_mem>>)
    %mul3A_47 = arith.constant 32768 : i32
    %mul3A_48 = arith.muli %arg1, %mul3A_47 : i32
    %add3A_49 = arith.constant 28672 : i32
    %add3A_50 = arith.addi %mul3A_48, %add3A_49 : i32
    %dma_start3A_51 = tpu.memref_slice %arg13[%add3A_50] : memref<524288xf32, #tpu.memory_space<vmem_shared>> -> memref<4096xf32, #tpu.memory_space<vmem_shared>>
    %dma_start3A_52 = tpu.memref_slice %arg13[%add3A_50] : memref<524288xf32, #tpu.memory_space<vmem_shared>> -> memref<4096xf32, #tpu.memory_space<vmem_shared>>
    tpu.enqueue_dma source(%arg12 : memref<4096xf32, #tpu.memory_space<vmem>>) target(%dma_start3A_52 : memref<4096xf32, #tpu.memory_space<vmem_shared>>) target_semaphore(%arg15 : memref<!tpu.dma_semaphore, #tpu.memory_space<semaphore_mem>>)
    %convert_element_type3A = arith.extui %eq3A_1 : i1 to i32
    %cond3A = arith.constant 0 : i32
    %cond3A_53 = arith.cmpi ne, %convert_element_type3A, %cond3A : i32
    scf.if %cond3A_53 {
      %dma_start3A_2244 = tpu.memref_slice %arg2[%mul3A_0] : memref<32768xi32, #tpu.memory_space<hbm>> -> memref<2048xi32, #tpu.memory_space<hbm>>
      %dma_start3A_2245 = tpu.memref_slice %arg2[%mul3A_0] : memref<32768xi32, #tpu.memory_space<hbm>> -> memref<2048xi32, #tpu.memory_space<hbm>>
      tpu.enqueue_dma source(%dma_start3A_2245 : memref<2048xi32, #tpu.memory_space<hbm>>) target(%arg8 : memref<2048xi32, #tpu.memory_space<vmem>>) target_semaphore(%arg14 : memref<!tpu.dma_semaphore, #tpu.memory_space<semaphore_mem>>)
      %dma_start3A_2246 = tpu.memref_slice %arg3[%mul3A_0] : memref<32768xi32, #tpu.memory_space<hbm>> -> memref<2048xi32, #tpu.memory_space<hbm>>
      %dma_start3A_2247 = tpu.memref_slice %arg3[%mul3A_0] : memref<32768xi32, #tpu.memory_space<hbm>> -> memref<2048xi32, #tpu.memory_space<hbm>>
      tpu.enqueue_dma source(%dma_start3A_2247 : memref<2048xi32, #tpu.memory_space<hbm>>) target(%arg9 : memref<2048xi32, #tpu.memory_space<vmem>>) target_semaphore(%arg14 : memref<!tpu.dma_semaphore, #tpu.memory_space<semaphore_mem>>)
    } else {
    }
    %not3A = arith.constant true
    %not3A_54 = arith.xori %eq3A_1, %not3A : i1
    %convert_element_type3A_55 = arith.extui %not3A_54 : i1 to i32
    %cond3A_56 = arith.constant 0 : i32
    %cond3A_57 = arith.cmpi ne, %convert_element_type3A_55, %cond3A_56 : i32
    scf.if %cond3A_57 {
      %dma_start3A_2244 = tpu.memref_slice %arg4[%mul3A_0] : memref<32768xi32, #tpu.memory_space<hbm>> -> memref<2048xi32, #tpu.memory_space<hbm>>
      %dma_start3A_2245 = tpu.memref_slice %arg4[%mul3A_0] : memref<32768xi32, #tpu.memory_space<hbm>> -> memref<2048xi32, #tpu.memory_space<hbm>>
      tpu.enqueue_dma source(%dma_start3A_2245 : memref<2048xi32, #tpu.memory_space<hbm>>) target(%arg8 : memref<2048xi32, #tpu.memory_space<vmem>>) target_semaphore(%arg14 : memref<!tpu.dma_semaphore, #tpu.memory_space<semaphore_mem>>)
      %dma_start3A_2246 = tpu.memref_slice %arg5[%mul3A_0] : memref<32768xi32, #tpu.memory_space<hbm>> -> memref<2048xi32, #tpu.memory_space<hbm>>
      %dma_start3A_2247 = tpu.memref_slice %arg5[%mul3A_0] : memref<32768xi32, #tpu.memory_space<hbm>> -> memref<2048xi32, #tpu.memory_space<hbm>>
      tpu.enqueue_dma source(%dma_start3A_2247 : memref<2048xi32, #tpu.memory_space<hbm>>) target(%arg9 : memref<2048xi32, #tpu.memory_space<vmem>>) target_semaphore(%arg14 : memref<!tpu.dma_semaphore, #tpu.memory_space<semaphore_mem>>)
    } else {
    }
    %broadcast_in_dim3A = arith.constant 1.000000e+00 : f32
    %broadcast_in_dim3A_58 = vector.broadcast %broadcast_in_dim3A : f32 to vector<16xf32>
    %swap3A = arith.constant 0 : index
    %swap3A_59 = tpu.vector_load %arg11[%swap3A] {strides = array<i32>} : memref<128xf32, #tpu.memory_space<vmem>>, vector<16xf32>,
    %swap3A_60 = vector.shape_cast %swap3A_59 : vector<16xf32> to vector<16xf32>
    %swap3A_61 = vector.shape_cast %broadcast_in_dim3A_58 : vector<16xf32> to vector<16xf32>
    tpu.vector_store %arg11[%swap3A], %swap3A_61 {strides = array<i32>} : memref<128xf32, #tpu.memory_space<vmem>>, vector<16xf32>,
    %broadcast_in_dim3A_62 = arith.constant 1.000000e+00 : f32
    %broadcast_in_dim3A_63 = vector.broadcast %broadcast_in_dim3A_62 : f32 to vector<16xf32>
    %swap3A_64 = arith.constant 16 : index
    %swap3A_65 = tpu.vector_load %arg11[%swap3A_64] {strides = array<i32>} : memref<128xf32, #tpu.memory_space<vmem>>, vector<16xf32>,
    %swap3A_66 = vector.shape_cast %swap3A_65 : vector<16xf32> to vector<16xf32>
    %swap3A_67 = vector.shape_cast %broadcast_in_dim3A_63 : vector<16xf32> to vector<16xf32>
    tpu.vector_store %arg11[%swap3A_64], %swap3A_67 {strides = array<i32>} : memref<128xf32, #tpu.memory_space<vmem>>, vector<16xf32>,
    %broadcast_in_dim3A_68 = arith.constant 1.000000e+00 : f32
    %broadcast_in_dim3A_69 = vector.broadcast %broadcast_in_dim3A_68 : f32 to vector<16xf32>
    %swap3A_70 = arith.constant 32 : index
    %swap3A_71 = tpu.vector_load %arg11[%swap3A_70] {strides = array<i32>} : memref<128xf32, #tpu.memory_space<vmem>>, vector<16xf32>,
    %swap3A_72 = vector.shape_cast %swap3A_71 : vector<16xf32> to vector<16xf32>
    %swap3A_73 = vector.shape_cast %broadcast_in_dim3A_69 : vector<16xf32> to vector<16xf32>
    tpu.vector_store %arg11[%swap3A_70], %swap3A_73 {strides = array<i32>} : memref<128xf32, #tpu.memory_space<vmem>>, vector<16xf32>,
    %broadcast_in_dim3A_74 = arith.constant 1.000000e+00 : f32
    %broadcast_in_dim3A_75 = vector.broadcast %broadcast_in_dim3A_74 : f32 to vector<16xf32>
    %swap3A_76 = arith.constant 48 : index
    %swap3A_77 = tpu.vector_load %arg11[%swap3A_76] {strides = array<i32>} : memref<128xf32, #tpu.memory_space<vmem>>, vector<16xf32>,
    %swap3A_78 = vector.shape_cast %swap3A_77 : vector<16xf32> to vector<16xf32>
    %swap3A_79 = vector.shape_cast %broadcast_in_dim3A_75 : vector<16xf32> to vector<16xf32>
    tpu.vector_store %arg11[%swap3A_76], %swap3A_79 {strides = array<i32>} : memref<128xf32, #tpu.memory_space<vmem>>, vector<16xf32>,
    %broadcast_in_dim3A_80 = arith.constant 1.000000e+00 : f32
    %broadcast_in_dim3A_81 = vector.broadcast %broadcast_in_dim3A_80 : f32 to vector<16xf32>
    %swap3A_82 = arith.constant 64 : index
    %swap3A_83 = tpu.vector_load %arg11[%swap3A_82] {strides = array<i32>} : memref<128xf32, #tpu.memory_space<vmem>>, vector<16xf32>,
    %swap3A_84 = vector.shape_cast %swap3A_83 : vector<16xf32> to vector<16xf32>
    %swap3A_85 = vector.shape_cast %broadcast_in_dim3A_81 : vector<16xf32> to vector<16xf32>
    tpu.vector_store %arg11[%swap3A_82], %swap3A_85 {strides = array<i32>} : memref<128xf32, #tpu.memory_space<vmem>>, vector<16xf32>,
    %broadcast_in_dim3A_86 = arith.constant 1.000000e+00 : f32
    %broadcast_in_dim3A_87 = vector.broadcast %broadcast_in_dim3A_86 : f32 to vector<16xf32>
    %swap3A_88 = arith.constant 80 : index
    %swap3A_89 = tpu.vector_load %arg11[%swap3A_88] {strides = array<i32>} : memref<128xf32, #tpu.memory_space<vmem>>, vector<16xf32>,
    %swap3A_90 = vector.shape_cast %swap3A_89 : vector<16xf32> to vector<16xf32>
    %swap3A_91 = vector.shape_cast %broadcast_in_dim3A_87 : vector<16xf32> to vector<16xf32>
    tpu.vector_store %arg11[%swap3A_88], %swap3A_91 {strides = array<i32>} : memref<128xf32, #tpu.memory_space<vmem>>, vector<16xf32>,
    %broadcast_in_dim3A_92 = arith.constant 1.000000e+00 : f32
    %broadcast_in_dim3A_93 = vector.broadcast %broadcast_in_dim3A_92 : f32 to vector<16xf32>
    %swap3A_94 = arith.constant 96 : index
    %swap3A_95 = tpu.vector_load %arg11[%swap3A_94] {strides = array<i32>} : memref<128xf32, #tpu.memory_space<vmem>>, vector<16xf32>,
    %swap3A_96 = vector.shape_cast %swap3A_95 : vector<16xf32> to vector<16xf32>
    %swap3A_97 = vector.shape_cast %broadcast_in_dim3A_93 : vector<16xf32> to vector<16xf32>
    tpu.vector_store %arg11[%swap3A_94], %swap3A_97 {strides = array<i32>} : memref<128xf32, #tpu.memory_space<vmem>>, vector<16xf32>,
    %broadcast_in_dim3A_98 = arith.constant 1.000000e+00 : f32
    %broadcast_in_dim3A_99 = vector.broadcast %broadcast_in_dim3A_98 : f32 to vector<16xf32>
    %swap3A_100 = arith.constant 112 : index
    %swap3A_101 = tpu.vector_load %arg11[%swap3A_100] {strides = array<i32>} : memref<128xf32, #tpu.memory_space<vmem>>, vector<16xf32>,
    %swap3A_102 = vector.shape_cast %swap3A_101 : vector<16xf32> to vector<16xf32>
    %swap3A_103 = vector.shape_cast %broadcast_in_dim3A_99 : vector<16xf32> to vector<16xf32>
    tpu.vector_store %arg11[%swap3A_100], %swap3A_103 {strides = array<i32>} : memref<128xf32, #tpu.memory_space<vmem>>, vector<16xf32>,
    %dma_wait3A = tpu.memref_slice %arg2[%mul3A_0] : memref<32768xi32, #tpu.memory_space<hbm>> -> memref<2048xi32, #tpu.memory_space<hbm>>
    %dma_wait3A_104 = tpu.memref_slice %arg2[%mul3A_0] : memref<32768xi32, #tpu.memory_space<hbm>> -> memref<2048xi32, #tpu.memory_space<hbm>>
    tpu.wait_dma2 semaphore(%arg14 : memref<!tpu.dma_semaphore, #tpu.memory_space<semaphore_mem>>) src(%dma_wait3A_104 : memref<2048xi32, #tpu.memory_space<hbm>>) dst(%arg8 : memref<2048xi32, #tpu.memory_space<vmem>>)
    %dma_wait3A_105 = tpu.memref_slice %arg2[%mul3A_0] : memref<32768xi32, #tpu.memory_space<hbm>> -> memref<2048xi32, #tpu.memory_space<hbm>>
    %dma_wait3A_106 = tpu.memref_slice %arg2[%mul3A_0] : memref<32768xi32, #tpu.memory_space<hbm>> -> memref<2048xi32, #tpu.memory_space<hbm>>
    tpu.wait_dma2 semaphore(%arg14 : memref<!tpu.dma_semaphore, #tpu.memory_space<semaphore_mem>>) src(%dma_wait3A_106 : memref<2048xi32, #tpu.memory_space<hbm>>) dst(%arg9 : memref<2048xi32, #tpu.memory_space<vmem>>)
    %jit3A = arith.constant 1024 : i32
    %jit3A_107 = arith.constant 512 : i32
    %select_n3A = arith.select %eq3A_1, %jit3A, %jit3A_107 : i32
    %get3A = arith.constant 0 : index
    %get3A_108 = tpu.vector_load %arg9[%get3A] {strides = array<i32>} : memref<2048xi32, #tpu.memory_space<vmem>>, vector<16xi32>,
    %get3A_109 = vector.shape_cast %get3A_108 : vector<16xi32> to vector<16xi32>
    %mul3A_110 = vector.broadcast %select_n3A : i32 to vector<16xi32>
    %mul3A_111 = arith.muli %get3A_109, %mul3A_110 : vector<16xi32>
    %get3A_112 = arith.constant 0 : index
    %get3A_113 = tpu.vector_load %arg8[%get3A_112] {strides = array<i32>} : memref<2048xi32, #tpu.memory_space<vmem>>, vector<16xi32>,
    %get3A_114 = vector.shape_cast %get3A_113 : vector<16xi32> to vector<16xi32>
    %add3A_115 = arith.addi %mul3A_111, %get3A_114 : vector<16xi32>
    %swap3A_116 = arith.constant 0 : i32
    %swap3A_117 = arith.index_cast %swap3A_116 : i32 to index
    %swap3A_118 = arith.constant 0 : index
    %swap3A_119 = tpu.vector_load %arg10[%swap3A_117, %swap3A_118] {strides = array<i32>} : memref<16x128xi32, #tpu.memory_space<vmem>>, vector<1x16xi32>,
    %swap3A_120 = vector.shape_cast %swap3A_119 : vector<1x16xi32> to vector<16xi32>
    %swap3A_121 = vector.shape_cast %add3A_115 : vector<16xi32> to vector<1x16xi32>
    tpu.vector_store %arg10[%swap3A_117, %swap3A_118], %swap3A_121 {strides = array<i32>} : memref<16x128xi32, #tpu.memory_space<vmem>>, vector<1x16xi32>,
    %get3A_122 = arith.constant 16 : index
    %get3A_123 = tpu.vector_load %arg9[%get3A_122] {strides = array<i32>} : memref<2048xi32, #tpu.memory_space<vmem>>, vector<16xi32>,
    %get3A_124 = vector.shape_cast %get3A_123 : vector<16xi32> to vector<16xi32>
    %mul3A_125 = vector.broadcast %select_n3A : i32 to vector<16xi32>
    %mul3A_126 = arith.muli %get3A_124, %mul3A_125 : vector<16xi32>
    %get3A_127 = arith.constant 16 : index
    %get3A_128 = tpu.vector_load %arg8[%get3A_127] {strides = array<i32>} : memref<2048xi32, #tpu.memory_space<vmem>>, vector<16xi32>,
    %get3A_129 = vector.shape_cast %get3A_128 : vector<16xi32> to vector<16xi32>
    %add3A_130 = arith.addi %mul3A_126, %get3A_129 : vector<16xi32>
    %swap3A_131 = arith.constant 0 : i32
    %swap3A_132 = arith.index_cast %swap3A_131 : i32 to index
    %swap3A_133 = arith.constant 16 : index
    %swap3A_134 = tpu.vector_load %arg10[%swap3A_132, %swap3A_133] {strides = array<i32>} : memref<16x128xi32, #tpu.memory_space<vmem>>, vector<1x16xi32>,
    %swap3A_135 = vector.shape_cast %swap3A_134 : vector<1x16xi32> to vector<16xi32>
    %swap3A_136 = vector.shape_cast %add3A_130 : vector<16xi32> to vector<1x16xi32>
    tpu.vector_store %arg10[%swap3A_132, %swap3A_133], %swap3A_136 {strides = array<i32>} : memref<16x128xi32, #tpu.memory_space<vmem>>, vector<1x16xi32>,
    %get3A_137 = arith.constant 32 : index
    %get3A_138 = tpu.vector_load %arg9[%get3A_137] {strides = array<i32>} : memref<2048xi32, #tpu.memory_space<vmem>>, vector<16xi32>,
    %get3A_139 = vector.shape_cast %get3A_138 : vector<16xi32> to vector<16xi32>
    %mul3A_140 = vector.broadcast %select_n3A : i32 to vector<16xi32>
    %mul3A_141 = arith.muli %get3A_139, %mul3A_140 : vector<16xi32>
    %get3A_142 = arith.constant 32 : index
    %get3A_143 = tpu.vector_load %arg8[%get3A_142] {strides = array<i32>} : memref<2048xi32, #tpu.memory_space<vmem>>, vector<16xi32>,
    %get3A_144 = vector.shape_cast %get3A_143 : vector<16xi32> to vector<16xi32>
    %add3A_145 = arith.addi %mul3A_141, %get3A_144 : vector<16xi32>
    %swap3A_146 = arith.constant 0 : i32
    %swap3A_147 = arith.index_cast %swap3A_146 : i32 to index
    %swap3A_148 = arith.constant 32 : index
    %swap3A_149 = tpu.vector_load %arg10[%swap3A_147, %swap3A_148] {strides = array<i32>} : memref<16x128xi32, #tpu.memory_space<vmem>>, vector<1x16xi32>,
    %swap3A_150 = vector.shape_cast %swap3A_149 : vector<1x16xi32> to vector<16xi32>
    %swap3A_151 = vector.shape_cast %add3A_145 : vector<16xi32> to vector<1x16xi32>
    tpu.vector_store %arg10[%swap3A_147, %swap3A_148], %swap3A_151 {strides = array<i32>} : memref<16x128xi32, #tpu.memory_space<vmem>>, vector<1x16xi32>,
    %get3A_152 = arith.constant 48 : index
    %get3A_153 = tpu.vector_load %arg9[%get3A_152] {strides = array<i32>} : memref<2048xi32, #tpu.memory_space<vmem>>, vector<16xi32>,
    %get3A_154 = vector.shape_cast %get3A_153 : vector<16xi32> to vector<16xi32>
    %mul3A_155 = vector.broadcast %select_n3A : i32 to vector<16xi32>
    %mul3A_156 = arith.muli %get3A_154, %mul3A_155 : vector<16xi32>
    %get3A_157 = arith.constant 48 : index
    %get3A_158 = tpu.vector_load %arg8[%get3A_157] {strides = array<i32>} : memref<2048xi32, #tpu.memory_space<vmem>>, vector<16xi32>,
    %get3A_159 = vector.shape_cast %get3A_158 : vector<16xi32> to vector<16xi32>
    %add3A_160 = arith.addi %mul3A_156, %get3A_159 : vector<16xi32>
    %swap3A_161 = arith.constant 0 : i32
    %swap3A_162 = arith.index_cast %swap3A_161 : i32 to index
    %swap3A_163 = arith.constant 48 : index
    %swap3A_164 = tpu.vector_load %arg10[%swap3A_162, %swap3A_163] {strides = array<i32>} : memref<16x128xi32, #tpu.memory_space<vmem>>, vector<1x16xi32>,
    %swap3A_165 = vector.shape_cast %swap3A_164 : vector<1x16xi32> to vector<16xi32>
    %swap3A_166 = vector.shape_cast %add3A_160 : vector<16xi32> to vector<1x16xi32>
    tpu.vector_store %arg10[%swap3A_162, %swap3A_163], %swap3A_166 {strides = array<i32>} : memref<16x128xi32, #tpu.memory_space<vmem>>, vector<1x16xi32>,
    %get3A_167 = arith.constant 64 : index
    %get3A_168 = tpu.vector_load %arg9[%get3A_167] {strides = array<i32>} : memref<2048xi32, #tpu.memory_space<vmem>>, vector<16xi32>,
    %get3A_169 = vector.shape_cast %get3A_168 : vector<16xi32> to vector<16xi32>
    %mul3A_170 = vector.broadcast %select_n3A : i32 to vector<16xi32>
    %mul3A_171 = arith.muli %get3A_169, %mul3A_170 : vector<16xi32>
    %get3A_172 = arith.constant 64 : index
    %get3A_173 = tpu.vector_load %arg8[%get3A_172] {strides = array<i32>} : memref<2048xi32, #tpu.memory_space<vmem>>, vector<16xi32>,
    %get3A_174 = vector.shape_cast %get3A_173 : vector<16xi32> to vector<16xi32>
    %add3A_175 = arith.addi %mul3A_171, %get3A_174 : vector<16xi32>
    %swap3A_176 = arith.constant 0 : i32
    %swap3A_177 = arith.index_cast %swap3A_176 : i32 to index
    %swap3A_178 = arith.constant 64 : index
    %swap3A_179 = tpu.vector_load %arg10[%swap3A_177, %swap3A_178] {strides = array<i32>} : memref<16x128xi32, #tpu.memory_space<vmem>>, vector<1x16xi32>,
    %swap3A_180 = vector.shape_cast %swap3A_179 : vector<1x16xi32> to vector<16xi32>
    %swap3A_181 = vector.shape_cast %add3A_175 : vector<16xi32> to vector<1x16xi32>
    tpu.vector_store %arg10[%swap3A_177, %swap3A_178], %swap3A_181 {strides = array<i32>} : memref<16x128xi32, #tpu.memory_space<vmem>>, vector<1x16xi32>,
    %get3A_182 = arith.constant 80 : index
    %get3A_183 = tpu.vector_load %arg9[%get3A_182] {strides = array<i32>} : memref<2048xi32, #tpu.memory_space<vmem>>, vector<16xi32>,
    %get3A_184 = vector.shape_cast %get3A_183 : vector<16xi32> to vector<16xi32>
    %mul3A_185 = vector.broadcast %select_n3A : i32 to vector<16xi32>
    %mul3A_186 = arith.muli %get3A_184, %mul3A_185 : vector<16xi32>
    %get3A_187 = arith.constant 80 : index
    %get3A_188 = tpu.vector_load %arg8[%get3A_187] {strides = array<i32>} : memref<2048xi32, #tpu.memory_space<vmem>>, vector<16xi32>,
    %get3A_189 = vector.shape_cast %get3A_188 : vector<16xi32> to vector<16xi32>
    %add3A_190 = arith.addi %mul3A_186, %get3A_189 : vector<16xi32>
    %swap3A_191 = arith.constant 0 : i32
    %swap3A_192 = arith.index_cast %swap3A_191 : i32 to index
    %swap3A_193 = arith.constant 80 : index
    %swap3A_194 = tpu.vector_load %arg10[%swap3A_192, %swap3A_193] {strides = array<i32>} : memref<16x128xi32, #tpu.memory_space<vmem>>, vector<1x16xi32>,
    %swap3A_195 = vector.shape_cast %swap3A_194 : vector<1x16xi32> to vector<16xi32>
    %swap3A_196 = vector.shape_cast %add3A_190 : vector<16xi32> to vector<1x16xi32>
    tpu.vector_store %arg10[%swap3A_192, %swap3A_193], %swap3A_196 {strides = array<i32>} : memref<16x128xi32, #tpu.memory_space<vmem>>, vector<1x16xi32>,
    %get3A_197 = arith.constant 96 : index
    %get3A_198 = tpu.vector_load %arg9[%get3A_197] {strides = array<i32>} : memref<2048xi32, #tpu.memory_space<vmem>>, vector<16xi32>,
    %get3A_199 = vector.shape_cast %get3A_198 : vector<16xi32> to vector<16xi32>
    %mul3A_200 = vector.broadcast %select_n3A : i32 to vector<16xi32>
    %mul3A_201 = arith.muli %get3A_199, %mul3A_200 : vector<16xi32>
    %get3A_202 = arith.constant 96 : index
    %get3A_203 = tpu.vector_load %arg8[%get3A_202] {strides = array<i32>} : memref<2048xi32, #tpu.memory_space<vmem>>, vector<16xi32>,
    %get3A_204 = vector.shape_cast %get3A_203 : vector<16xi32> to vector<16xi32>
    %add3A_205 = arith.addi %mul3A_201, %get3A_204 : vector<16xi32>
    %swap3A_206 = arith.constant 0 : i32
    %swap3A_207 = arith.index_cast %swap3A_206 : i32 to index
    %swap3A_208 = arith.constant 96 : index
    %swap3A_209 = tpu.vector_load %arg10[%swap3A_207, %swap3A_208] {strides = array<i32>} : memref<16x128xi32, #tpu.memory_space<vmem>>, vector<1x16xi32>,
    %swap3A_210 = vector.shape_cast %swap3A_209 : vector<1x16xi32> to vector<16xi32>
    %swap3A_211 = vector.shape_cast %add3A_205 : vector<16xi32> to vector<1x16xi32>
    tpu.vector_store %arg10[%swap3A_207, %swap3A_208], %swap3A_211 {strides = array<i32>} : memref<16x128xi32, #tpu.memory_space<vmem>>, vector<1x16xi32>,
    %get3A_212 = arith.constant 112 : index
    %get3A_213 = tpu.vector_load %arg9[%get3A_212] {strides = array<i32>} : memref<2048xi32, #tpu.memory_space<vmem>>, vector<16xi32>,
    %get3A_214 = vector.shape_cast %get3A_213 : vector<16xi32> to vector<16xi32>
    %mul3A_215 = vector.broadcast %select_n3A : i32 to vector<16xi32>
    %mul3A_216 = arith.muli %get3A_214, %mul3A_215 : vector<16xi32>
    %get3A_217 = arith.constant 112 : index
    %get3A_218 = tpu.vector_load %arg8[%get3A_217] {strides = array<i32>} : memref<2048xi32, #tpu.memory_space<vmem>>, vector<16xi32>,
    %get3A_219 = vector.shape_cast %get3A_218 : vector<16xi32> to vector<16xi32>
    %add3A_220 = arith.addi %mul3A_216, %get3A_219 : vector<16xi32>
    %swap3A_221 = arith.constant 0 : i32
    %swap3A_222 = arith.index_cast %swap3A_221 : i32 to index
    %swap3A_223 = arith.constant 112 : index
    %swap3A_224 = tpu.vector_load %arg10[%swap3A_222, %swap3A_223] {strides = array<i32>} : memref<16x128xi32, #tpu.memory_space<vmem>>, vector<1x16xi32>,
    %swap3A_225 = vector.shape_cast %swap3A_224 : vector<1x16xi32> to vector<16xi32>
    %swap3A_226 = vector.shape_cast %add3A_220 : vector<16xi32> to vector<1x16xi32>
    tpu.vector_store %arg10[%swap3A_222, %swap3A_223], %swap3A_226 {strides = array<i32>} : memref<16x128xi32, #tpu.memory_space<vmem>>, vector<1x16xi32>,
    %get3A_227 = arith.constant 128 : index
    %get3A_228 = tpu.vector_load %arg9[%get3A_227] {strides = array<i32>} : memref<2048xi32, #tpu.memory_space<vmem>>, vector<16xi32>,
    %get3A_229 = vector.shape_cast %get3A_228 : vector<16xi32> to vector<16xi32>
    %mul3A_230 = vector.broadcast %select_n3A : i32 to vector<16xi32>
    %mul3A_231 = arith.muli %get3A_229, %mul3A_230 : vector<16xi32>
    %get3A_232 = arith.constant 128 : index
    %get3A_233 = tpu.vector_load %arg8[%get3A_232] {strides = array<i32>} : memref<2048xi32, #tpu.memory_space<vmem>>, vector<16xi32>,
    %get3A_234 = vector.shape_cast %get3A_233 : vector<16xi32> to vector<16xi32>
    %add3A_235 = arith.addi %mul3A_231, %get3A_234 : vector<16xi32>
    %swap3A_236 = arith.constant 1 : i32
    %swap3A_237 = arith.index_cast %swap3A_236 : i32 to index
    %swap3A_238 = arith.constant 0 : index
    %swap3A_239 = tpu.vector_load %arg10[%swap3A_237, %swap3A_238] {strides = array<i32>} : memref<16x128xi32, #tpu.memory_space<vmem>>, vector<1x16xi32>,
    %swap3A_240 = vector.shape_cast %swap3A_239 : vector<1x16xi32> to vector<16xi32>
    %swap3A_241 = vector.shape_cast %add3A_235 : vector<16xi32> to vector<1x16xi32>
    tpu.vector_store %arg10[%swap3A_237, %swap3A_238], %swap3A_241 {strides = array<i32>} : memref<16x128xi32, #tpu.memory_space<vmem>>, vector<1x16xi32>,
    %get3A_242 = arith.constant 144 : index
    %get3A_243 = tpu.vector_load %arg9[%get3A_242] {strides = array<i32>} : memref<2048xi32, #tpu.memory_space<vmem>>, vector<16xi32>,
    %get3A_244 = vector.shape_cast %get3A_243 : vector<16xi32> to vector<16xi32>
    %mul3A_245 = vector.broadcast %select_n3A : i32 to vector<16xi32>
    %mul3A_246 = arith.muli %get3A_244, %mul3A_245 : vector<16xi32>
    %get3A_247 = arith.constant 144 : index
    %get3A_248 = tpu.vector_load %arg8[%get3A_247] {strides = array<i32>} : memref<2048xi32, #tpu.memory_space<vmem>>, vector<16xi32>,
    %get3A_249 = vector.shape_cast %get3A_248 : vector<16xi32> to vector<16xi32>
    %add3A_250 = arith.addi %mul3A_246, %get3A_249 : vector<16xi32>
    %swap3A_251 = arith.constant 1 : i32
    %swap3A_252 = arith.index_cast %swap3A_251 : i32 to index
    %swap3A_253 = arith.constant 16 : index
    %swap3A_254 = tpu.vector_load %arg10[%swap3A_252, %swap3A_253] {strides = array<i32>} : memref<16x128xi32, #tpu.memory_space<vmem>>, vector<1x16xi32>,
    %swap3A_255 = vector.shape_cast %swap3A_254 : vector<1x16xi32> to vector<16xi32>
    %swap3A_256 = vector.shape_cast %add3A_250 : vector<16xi32> to vector<1x16xi32>
    tpu.vector_store %arg10[%swap3A_252, %swap3A_253], %swap3A_256 {strides = array<i32>} : memref<16x128xi32, #tpu.memory_space<vmem>>, vector<1x16xi32>,
    %get3A_257 = arith.constant 160 : index
    %get3A_258 = tpu.vector_load %arg9[%get3A_257] {strides = array<i32>} : memref<2048xi32, #tpu.memory_space<vmem>>, vector<16xi32>,
    %get3A_259 = vector.shape_cast %get3A_258 : vector<16xi32> to vector<16xi32>
    %mul3A_260 = vector.broadcast %select_n3A : i32 to vector<16xi32>
    %mul3A_261 = arith.muli %get3A_259, %mul3A_260 : vector<16xi32>
    %get3A_262 = arith.constant 160 : index
    %get3A_263 = tpu.vector_load %arg8[%get3A_262] {strides = array<i32>} : memref<2048xi32, #tpu.memory_space<vmem>>, vector<16xi32>,
    %get3A_264 = vector.shape_cast %get3A_263 : vector<16xi32> to vector<16xi32>
    %add3A_265 = arith.addi %mul3A_261, %get3A_264 : vector<16xi32>
    %swap3A_266 = arith.constant 1 : i32
    %swap3A_267 = arith.index_cast %swap3A_266 : i32 to index
    %swap3A_268 = arith.constant 32 : index
    %swap3A_269 = tpu.vector_load %arg10[%swap3A_267, %swap3A_268] {strides = array<i32>} : memref<16x128xi32, #tpu.memory_space<vmem>>, vector<1x16xi32>,
    %swap3A_270 = vector.shape_cast %swap3A_269 : vector<1x16xi32> to vector<16xi32>
    %swap3A_271 = vector.shape_cast %add3A_265 : vector<16xi32> to vector<1x16xi32>
    tpu.vector_store %arg10[%swap3A_267, %swap3A_268], %swap3A_271 {strides = array<i32>} : memref<16x128xi32, #tpu.memory_space<vmem>>, vector<1x16xi32>,
    %get3A_272 = arith.constant 176 : index
    %get3A_273 = tpu.vector_load %arg9[%get3A_272] {strides = array<i32>} : memref<2048xi32, #tpu.memory_space<vmem>>, vector<16xi32>,
    %get3A_274 = vector.shape_cast %get3A_273 : vector<16xi32> to vector<16xi32>
    %mul3A_275 = vector.broadcast %select_n3A : i32 to vector<16xi32>
    %mul3A_276 = arith.muli %get3A_274, %mul3A_275 : vector<16xi32>
    %get3A_277 = arith.constant 176 : index
    %get3A_278 = tpu.vector_load %arg8[%get3A_277] {strides = array<i32>} : memref<2048xi32, #tpu.memory_space<vmem>>, vector<16xi32>,
    %get3A_279 = vector.shape_cast %get3A_278 : vector<16xi32> to vector<16xi32>
    %add3A_280 = arith.addi %mul3A_276, %get3A_279 : vector<16xi32>
    %swap3A_281 = arith.constant 1 : i32
    %swap3A_282 = arith.index_cast %swap3A_281 : i32 to index
    %swap3A_283 = arith.constant 48 : index
    %swap3A_284 = tpu.vector_load %arg10[%swap3A_282, %swap3A_283] {strides = array<i32>} : memref<16x128xi32, #tpu.memory_space<vmem>>, vector<1x16xi32>,
    %swap3A_285 = vector.shape_cast %swap3A_284 : vector<1x16xi32> to vector<16xi32>
    %swap3A_286 = vector.shape_cast %add3A_280 : vector<16xi32> to vector<1x16xi32>
    tpu.vector_store %arg10[%swap3A_282, %swap3A_283], %swap3A_286 {strides = array<i32>} : memref<16x128xi32, #tpu.memory_space<vmem>>, vector<1x16xi32>,
    %get3A_287 = arith.constant 192 : index
    %get3A_288 = tpu.vector_load %arg9[%get3A_287] {strides = array<i32>} : memref<2048xi32, #tpu.memory_space<vmem>>, vector<16xi32>,
    %get3A_289 = vector.shape_cast %get3A_288 : vector<16xi32> to vector<16xi32>
    %mul3A_290 = vector.broadcast %select_n3A : i32 to vector<16xi32>
    %mul3A_291 = arith.muli %get3A_289, %mul3A_290 : vector<16xi32>
    %get3A_292 = arith.constant 192 : index
    %get3A_293 = tpu.vector_load %arg8[%get3A_292] {strides = array<i32>} : memref<2048xi32, #tpu.memory_space<vmem>>, vector<16xi32>,
    %get3A_294 = vector.shape_cast %get3A_293 : vector<16xi32> to vector<16xi32>
    %add3A_295 = arith.addi %mul3A_291, %get3A_294 : vector<16xi32>
    %swap3A_296 = arith.constant 1 : i32
    %swap3A_297 = arith.index_cast %swap3A_296 : i32 to index
    %swap3A_298 = arith.constant 64 : index
    %swap3A_299 = tpu.vector_load %arg10[%swap3A_297, %swap3A_298] {strides = array<i32>} : memref<16x128xi32, #tpu.memory_space<vmem>>, vector<1x16xi32>,
    %swap3A_300 = vector.shape_cast %swap3A_299 : vector<1x16xi32> to vector<16xi32>
    %swap3A_301 = vector.shape_cast %add3A_295 : vector<16xi32> to vector<1x16xi32>
    tpu.vector_store %arg10[%swap3A_297, %swap3A_298], %swap3A_301 {strides = array<i32>} : memref<16x128xi32, #tpu.memory_space<vmem>>, vector<1x16xi32>,
    %get3A_302 = arith.constant 208 : index
    %get3A_303 = tpu.vector_load %arg9[%get3A_302] {strides = array<i32>} : memref<2048xi32, #tpu.memory_space<vmem>>, vector<16xi32>,
    %get3A_304 = vector.shape_cast %get3A_303 : vector<16xi32> to vector<16xi32>
    %mul3A_305 = vector.broadcast %select_n3A : i32 to vector<16xi32>
    %mul3A_306 = arith.muli %get3A_304, %mul3A_305 : vector<16xi32>
    %get3A_307 = arith.constant 208 : index
    %get3A_308 = tpu.vector_load %arg8[%get3A_307] {strides = array<i32>} : memref<2048xi32, #tpu.memory_space<vmem>>, vector<16xi32>,
    %get3A_309 = vector.shape_cast %get3A_308 : vector<16xi32> to vector<16xi32>
    %add3A_310 = arith.addi %mul3A_306, %get3A_309 : vector<16xi32>
    %swap3A_311 = arith.constant 1 : i32
    %swap3A_312 = arith.index_cast %swap3A_311 : i32 to index
    %swap3A_313 = arith.constant 80 : index
    %swap3A_314 = tpu.vector_load %arg10[%swap3A_312, %swap3A_313] {strides = array<i32>} : memref<16x128xi32, #tpu.memory_space<vmem>>, vector<1x16xi32>,
    %swap3A_315 = vector.shape_cast %swap3A_314 : vector<1x16xi32> to vector<16xi32>
    %swap3A_316 = vector.shape_cast %add3A_310 : vector<16xi32> to vector<1x16xi32>
    tpu.vector_store %arg10[%swap3A_312, %swap3A_313], %swap3A_316 {strides = array<i32>} : memref<16x128xi32, #tpu.memory_space<vmem>>, vector<1x16xi32>,
    %get3A_317 = arith.constant 224 : index
    %get3A_318 = tpu.vector_load %arg9[%get3A_317] {strides = array<i32>} : memref<2048xi32, #tpu.memory_space<vmem>>, vector<16xi32>,
    %get3A_319 = vector.shape_cast %get3A_318 : vector<16xi32> to vector<16xi32>
    %mul3A_320 = vector.broadcast %select_n3A : i32 to vector<16xi32>
    %mul3A_321 = arith.muli %get3A_319, %mul3A_320 : vector<16xi32>
    %get3A_322 = arith.constant 224 : index
    %get3A_323 = tpu.vector_load %arg8[%get3A_322] {strides = array<i32>} : memref<2048xi32, #tpu.memory_space<vmem>>, vector<16xi32>,
    %get3A_324 = vector.shape_cast %get3A_323 : vector<16xi32> to vector<16xi32>
    %add3A_325 = arith.addi %mul3A_321, %get3A_324 : vector<16xi32>
    %swap3A_326 = arith.constant 1 : i32
    %swap3A_327 = arith.index_cast %swap3A_326 : i32 to index
    %swap3A_328 = arith.constant 96 : index
    %swap3A_329 = tpu.vector_load %arg10[%swap3A_327, %swap3A_328] {strides = array<i32>} : memref<16x128xi32, #tpu.memory_space<vmem>>, vector<1x16xi32>,
    %swap3A_330 = vector.shape_cast %swap3A_329 : vector<1x16xi32> to vector<16xi32>
    %swap3A_331 = vector.shape_cast %add3A_325 : vector<16xi32> to vector<1x16xi32>
    tpu.vector_store %arg10[%swap3A_327, %swap3A_328], %swap3A_331 {strides = array<i32>} : memref<16x128xi32, #tpu.memory_space<vmem>>, vector<1x16xi32>,
    %get3A_332 = arith.constant 240 : index
    %get3A_333 = tpu.vector_load %arg9[%get3A_332] {strides = array<i32>} : memref<2048xi32, #tpu.memory_space<vmem>>, vector<16xi32>,
    %get3A_334 = vector.shape_cast %get3A_333 : vector<16xi32> to vector<16xi32>
    %mul3A_335 = vector.broadcast %select_n3A : i32 to vector<16xi32>
    %mul3A_336 = arith.muli %get3A_334, %mul3A_335 : vector<16xi32>
    %get3A_337 = arith.constant 240 : index
    %get3A_338 = tpu.vector_load %arg8[%get3A_337] {strides = array<i32>} : memref<2048xi32, #tpu.memory_space<vmem>>, vector<16xi32>,
    %get3A_339 = vector.shape_cast %get3A_338 : vector<16xi32> to vector<16xi32>
    %add3A_340 = arith.addi %mul3A_336, %get3A_339 : vector<16xi32>
    %swap3A_341 = arith.constant 1 : i32
    %swap3A_342 = arith.index_cast %swap3A_341 : i32 to index
    %swap3A_343 = arith.constant 112 : index
    %swap3A_344 = tpu.vector_load %arg10[%swap3A_342, %swap3A_343] {strides = array<i32>} : memref<16x128xi32, #tpu.memory_space<vmem>>, vector<1x16xi32>,
    %swap3A_345 = vector.shape_cast %swap3A_344 : vector<1x16xi32> to vector<16xi32>
    %swap3A_346 = vector.shape_cast %add3A_340 : vector<16xi32> to vector<1x16xi32>
    tpu.vector_store %arg10[%swap3A_342, %swap3A_343], %swap3A_346 {strides = array<i32>} : memref<16x128xi32, #tpu.memory_space<vmem>>, vector<1x16xi32>,
    %get3A_347 = arith.constant 256 : index
    %get3A_348 = tpu.vector_load %arg9[%get3A_347] {strides = array<i32>} : memref<2048xi32, #tpu.memory_space<vmem>>, vector<16xi32>,
    %get3A_349 = vector.shape_cast %get3A_348 : vector<16xi32> to vector<16xi32>
    %mul3A_350 = vector.broadcast %select_n3A : i32 to vector<16xi32>
    %mul3A_351 = arith.muli %get3A_349, %mul3A_350 : vector<16xi32>
    %get3A_352 = arith.constant 256 : index
    %get3A_353 = tpu.vector_load %arg8[%get3A_352] {strides = array<i32>} : memref<2048xi32, #tpu.memory_space<vmem>>, vector<16xi32>,
    %get3A_354 = vector.shape_cast %get3A_353 : vector<16xi32> to vector<16xi32>
    %add3A_355 = arith.addi %mul3A_351, %get3A_354 : vector<16xi32>
    %swap3A_356 = arith.constant 2 : i32
    %swap3A_357 = arith.index_cast %swap3A_356 : i32 to index
    %swap3A_358 = arith.constant 0 : index
    %swap3A_359 = tpu.vector_load %arg10[%swap3A_357, %swap3A_358] {strides = array<i32>} : memref<16x128xi32, #tpu.memory_space<vmem>>, vector<1x16xi32>,
    %swap3A_360 = vector.shape_cast %swap3A_359 : vector<1x16xi32> to vector<16xi32>
    %swap3A_361 = vector.shape_cast %add3A_355 : vector<16xi32> to vector<1x16xi32>
    tpu.vector_store %arg10[%swap3A_357, %swap3A_358], %swap3A_361 {strides = array<i32>} : memref<16x128xi32, #tpu.memory_space<vmem>>, vector<1x16xi32>,
    %get3A_362 = arith.constant 272 : index
    %get3A_363 = tpu.vector_load %arg9[%get3A_362] {strides = array<i32>} : memref<2048xi32, #tpu.memory_space<vmem>>, vector<16xi32>,
    %get3A_364 = vector.shape_cast %get3A_363 : vector<16xi32> to vector<16xi32>
    %mul3A_365 = vector.broadcast %select_n3A : i32 to vector<16xi32>
    %mul3A_366 = arith.muli %get3A_364, %mul3A_365 : vector<16xi32>
    %get3A_367 = arith.constant 272 : index
    %get3A_368 = tpu.vector_load %arg8[%get3A_367] {strides = array<i32>} : memref<2048xi32, #tpu.memory_space<vmem>>, vector<16xi32>,
    %get3A_369 = vector.shape_cast %get3A_368 : vector<16xi32> to vector<16xi32>
    %add3A_370 = arith.addi %mul3A_366, %get3A_369 : vector<16xi32>
    %swap3A_371 = arith.constant 2 : i32
    %swap3A_372 = arith.index_cast %swap3A_371 : i32 to index
    %swap3A_373 = arith.constant 16 : index
    %swap3A_374 = tpu.vector_load %arg10[%swap3A_372, %swap3A_373] {strides = array<i32>} : memref<16x128xi32, #tpu.memory_space<vmem>>, vector<1x16xi32>,
    %swap3A_375 = vector.shape_cast %swap3A_374 : vector<1x16xi32> to vector<16xi32>
    %swap3A_376 = vector.shape_cast %add3A_370 : vector<16xi32> to vector<1x16xi32>
    tpu.vector_store %arg10[%swap3A_372, %swap3A_373], %swap3A_376 {strides = array<i32>} : memref<16x128xi32, #tpu.memory_space<vmem>>, vector<1x16xi32>,
    %get3A_377 = arith.constant 288 : index
    %get3A_378 = tpu.vector_load %arg9[%get3A_377] {strides = array<i32>} : memref<2048xi32, #tpu.memory_space<vmem>>, vector<16xi32>,
    %get3A_379 = vector.shape_cast %get3A_378 : vector<16xi32> to vector<16xi32>
    %mul3A_380 = vector.broadcast %select_n3A : i32 to vector<16xi32>
    %mul3A_381 = arith.muli %get3A_379, %mul3A_380 : vector<16xi32>
    %get3A_382 = arith.constant 288 : index
    %get3A_383 = tpu.vector_load %arg8[%get3A_382] {strides = array<i32>} : memref<2048xi32, #tpu.memory_space<vmem>>, vector<16xi32>,
    %get3A_384 = vector.shape_cast %get3A_383 : vector<16xi32> to vector<16xi32>
    %add3A_385 = arith.addi %mul3A_381, %get3A_384 : vector<16xi32>
    %swap3A_386 = arith.constant 2 : i32
    %swap3A_387 = arith.index_cast %swap3A_386 : i32 to index
    %swap3A_388 = arith.constant 32 : index
    %swap3A_389 = tpu.vector_load %arg10[%swap3A_387, %swap3A_388] {strides = array<i32>} : memref<16x128xi32, #tpu.memory_space<vmem>>, vector<1x16xi32>,
    %swap3A_390 = vector.shape_cast %swap3A_389 : vector<1x16xi32> to vector<16xi32>
    %swap3A_391 = vector.shape_cast %add3A_385 : vector<16xi32> to vector<1x16xi32>
    tpu.vector_store %arg10[%swap3A_387, %swap3A_388], %swap3A_391 {strides = array<i32>} : memref<16x128xi32, #tpu.memory_space<vmem>>, vector<1x16xi32>,
    %get3A_392 = arith.constant 304 : index
    %get3A_393 = tpu.vector_load %arg9[%get3A_392] {strides = array<i32>} : memref<2048xi32, #tpu.memory_space<vmem>>, vector<16xi32>,
    %get3A_394 = vector.shape_cast %get3A_393 : vector<16xi32> to vector<16xi32>
    %mul3A_395 = vector.broadcast %select_n3A : i32 to vector<16xi32>
    %mul3A_396 = arith.muli %get3A_394, %mul3A_395 : vector<16xi32>
    %get3A_397 = arith.constant 304 : index
    %get3A_398 = tpu.vector_load %arg8[%get3A_397] {strides = array<i32>} : memref<2048xi32, #tpu.memory_space<vmem>>, vector<16xi32>,
    %get3A_399 = vector.shape_cast %get3A_398 : vector<16xi32> to vector<16xi32>
    %add3A_400 = arith.addi %mul3A_396, %get3A_399 : vector<16xi32>
    %swap3A_401 = arith.constant 2 : i32
    %swap3A_402 = arith.index_cast %swap3A_401 : i32 to index
    %swap3A_403 = arith.constant 48 : index
    %swap3A_404 = tpu.vector_load %arg10[%swap3A_402, %swap3A_403] {strides = array<i32>} : memref<16x128xi32, #tpu.memory_space<vmem>>, vector<1x16xi32>,
    %swap3A_405 = vector.shape_cast %swap3A_404 : vector<1x16xi32> to vector<16xi32>
    %swap3A_406 = vector.shape_cast %add3A_400 : vector<16xi32> to vector<1x16xi32>
    tpu.vector_store %arg10[%swap3A_402, %swap3A_403], %swap3A_406 {strides = array<i32>} : memref<16x128xi32, #tpu.memory_space<vmem>>, vector<1x16xi32>,
    %get3A_407 = arith.constant 320 : index
    %get3A_408 = tpu.vector_load %arg9[%get3A_407] {strides = array<i32>} : memref<2048xi32, #tpu.memory_space<vmem>>, vector<16xi32>,
    %get3A_409 = vector.shape_cast %get3A_408 : vector<16xi32> to vector<16xi32>
    %mul3A_410 = vector.broadcast %select_n3A : i32 to vector<16xi32>
    %mul3A_411 = arith.muli %get3A_409, %mul3A_410 : vector<16xi32>
    %get3A_412 = arith.constant 320 : index
    %get3A_413 = tpu.vector_load %arg8[%get3A_412] {strides = array<i32>} : memref<2048xi32, #tpu.memory_space<vmem>>, vector<16xi32>,
    %get3A_414 = vector.shape_cast %get3A_413 : vector<16xi32> to vector<16xi32>
    %add3A_415 = arith.addi %mul3A_411, %get3A_414 : vector<16xi32>
    %swap3A_416 = arith.constant 2 : i32
    %swap3A_417 = arith.index_cast %swap3A_416 : i32 to index
    %swap3A_418 = arith.constant 64 : index
    %swap3A_419 = tpu.vector_load %arg10[%swap3A_417, %swap3A_418] {strides = array<i32>} : memref<16x128xi32, #tpu.memory_space<vmem>>, vector<1x16xi32>,
    %swap3A_420 = vector.shape_cast %swap3A_419 : vector<1x16xi32> to vector<16xi32>
    %swap3A_421 = vector.shape_cast %add3A_415 : vector<16xi32> to vector<1x16xi32>
    tpu.vector_store %arg10[%swap3A_417, %swap3A_418], %swap3A_421 {strides = array<i32>} : memref<16x128xi32, #tpu.memory_space<vmem>>, vector<1x16xi32>,
    %get3A_422 = arith.constant 336 : index
    %get3A_423 = tpu.vector_load %arg9[%get3A_422] {strides = array<i32>} : memref<2048xi32, #tpu.memory_space<vmem>>, vector<16xi32>,
    %get3A_424 = vector.shape_cast %get3A_423 : vector<16xi32> to vector<16xi32>
    %mul3A_425 = vector.broadcast %select_n3A : i32 to vector<16xi32>
    %mul3A_426 = arith.muli %get3A_424, %mul3A_425 : vector<16xi32>
    %get3A_427 = arith.constant 336 : index
    %get3A_428 = tpu.vector_load %arg8[%get3A_427] {strides = array<i32>} : memref<2048xi32, #tpu.memory_space<vmem>>, vector<16xi32>,
    %get3A_429 = vector.shape_cast %get3A_428 : vector<16xi32> to vector<16xi32>
    %add3A_430 = arith.addi %mul3A_426, %get3A_429 : vector<16xi32>
    %swap3A_431 = arith.constant 2 : i32
    %swap3A_432 = arith.index_cast %swap3A_431 : i32 to index
    %swap3A_433 = arith.constant 80 : index
    %swap3A_434 = tpu.vector_load %arg10[%swap3A_432, %swap3A_433] {strides = array<i32>} : memref<16x128xi32, #tpu.memory_space<vmem>>, vector<1x16xi32>,
    %swap3A_435 = vector.shape_cast %swap3A_434 : vector<1x16xi32> to vector<16xi32>
    %swap3A_436 = vector.shape_cast %add3A_430 : vector<16xi32> to vector<1x16xi32>
    tpu.vector_store %arg10[%swap3A_432, %swap3A_433], %swap3A_436 {strides = array<i32>} : memref<16x128xi32, #tpu.memory_space<vmem>>, vector<1x16xi32>,
    %get3A_437 = arith.constant 352 : index
    %get3A_438 = tpu.vector_load %arg9[%get3A_437] {strides = array<i32>} : memref<2048xi32, #tpu.memory_space<vmem>>, vector<16xi32>,
    %get3A_439 = vector.shape_cast %get3A_438 : vector<16xi32> to vector<16xi32>
    %mul3A_440 = vector.broadcast %select_n3A : i32 to vector<16xi32>
    %mul3A_441 = arith.muli %get3A_439, %mul3A_440 : vector<16xi32>
    %get3A_442 = arith.constant 352 : index
    %get3A_443 = tpu.vector_load %arg8[%get3A_442] {strides = array<i32>} : memref<2048xi32, #tpu.memory_space<vmem>>, vector<16xi32>,
    %get3A_444 = vector.shape_cast %get3A_443 : vector<16xi32> to vector<16xi32>
    %add3A_445 = arith.addi %mul3A_441, %get3A_444 : vector<16xi32>
    %swap3A_446 = arith.constant 2 : i32
    %swap3A_447 = arith.index_cast %swap3A_446 : i32 to index
    %swap3A_448 = arith.constant 96 : index
    %swap3A_449 = tpu.vector_load %arg10[%swap3A_447, %swap3A_448] {strides = array<i32>} : memref<16x128xi32, #tpu.memory_space<vmem>>, vector<1x16xi32>,
    %swap3A_450 = vector.shape_cast %swap3A_449 : vector<1x16xi32> to vector<16xi32>
    %swap3A_451 = vector.shape_cast %add3A_445 : vector<16xi32> to vector<1x16xi32>
    tpu.vector_store %arg10[%swap3A_447, %swap3A_448], %swap3A_451 {strides = array<i32>} : memref<16x128xi32, #tpu.memory_space<vmem>>, vector<1x16xi32>,
    %get3A_452 = arith.constant 368 : index
    %get3A_453 = tpu.vector_load %arg9[%get3A_452] {strides = array<i32>} : memref<2048xi32, #tpu.memory_space<vmem>>, vector<16xi32>,
    %get3A_454 = vector.shape_cast %get3A_453 : vector<16xi32> to vector<16xi32>
    %mul3A_455 = vector.broadcast %select_n3A : i32 to vector<16xi32>
    %mul3A_456 = arith.muli %get3A_454, %mul3A_455 : vector<16xi32>
    %get3A_457 = arith.constant 368 : index
    %get3A_458 = tpu.vector_load %arg8[%get3A_457] {strides = array<i32>} : memref<2048xi32, #tpu.memory_space<vmem>>, vector<16xi32>,
    %get3A_459 = vector.shape_cast %get3A_458 : vector<16xi32> to vector<16xi32>
    %add3A_460 = arith.addi %mul3A_456, %get3A_459 : vector<16xi32>
    %swap3A_461 = arith.constant 2 : i32
    %swap3A_462 = arith.index_cast %swap3A_461 : i32 to index
    %swap3A_463 = arith.constant 112 : index
    %swap3A_464 = tpu.vector_load %arg10[%swap3A_462, %swap3A_463] {strides = array<i32>} : memref<16x128xi32, #tpu.memory_space<vmem>>, vector<1x16xi32>,
    %swap3A_465 = vector.shape_cast %swap3A_464 : vector<1x16xi32> to vector<16xi32>
    %swap3A_466 = vector.shape_cast %add3A_460 : vector<16xi32> to vector<1x16xi32>
    tpu.vector_store %arg10[%swap3A_462, %swap3A_463], %swap3A_466 {strides = array<i32>} : memref<16x128xi32, #tpu.memory_space<vmem>>, vector<1x16xi32>,
    %get3A_467 = arith.constant 384 : index
    %get3A_468 = tpu.vector_load %arg9[%get3A_467] {strides = array<i32>} : memref<2048xi32, #tpu.memory_space<vmem>>, vector<16xi32>,
    %get3A_469 = vector.shape_cast %get3A_468 : vector<16xi32> to vector<16xi32>
    %mul3A_470 = vector.broadcast %select_n3A : i32 to vector<16xi32>
    %mul3A_471 = arith.muli %get3A_469, %mul3A_470 : vector<16xi32>
    %get3A_472 = arith.constant 384 : index
    %get3A_473 = tpu.vector_load %arg8[%get3A_472] {strides = array<i32>} : memref<2048xi32, #tpu.memory_space<vmem>>, vector<16xi32>,
    %get3A_474 = vector.shape_cast %get3A_473 : vector<16xi32> to vector<16xi32>
    %add3A_475 = arith.addi %mul3A_471, %get3A_474 : vector<16xi32>
    %swap3A_476 = arith.constant 3 : i32
    %swap3A_477 = arith.index_cast %swap3A_476 : i32 to index
    %swap3A_478 = arith.constant 0 : index
    %swap3A_479 = tpu.vector_load %arg10[%swap3A_477, %swap3A_478] {strides = array<i32>} : memref<16x128xi32, #tpu.memory_space<vmem>>, vector<1x16xi32>,
    %swap3A_480 = vector.shape_cast %swap3A_479 : vector<1x16xi32> to vector<16xi32>
    %swap3A_481 = vector.shape_cast %add3A_475 : vector<16xi32> to vector<1x16xi32>
    tpu.vector_store %arg10[%swap3A_477, %swap3A_478], %swap3A_481 {strides = array<i32>} : memref<16x128xi32, #tpu.memory_space<vmem>>, vector<1x16xi32>,
    %get3A_482 = arith.constant 400 : index
    %get3A_483 = tpu.vector_load %arg9[%get3A_482] {strides = array<i32>} : memref<2048xi32, #tpu.memory_space<vmem>>, vector<16xi32>,
    %get3A_484 = vector.shape_cast %get3A_483 : vector<16xi32> to vector<16xi32>
    %mul3A_485 = vector.broadcast %select_n3A : i32 to vector<16xi32>
    %mul3A_486 = arith.muli %get3A_484, %mul3A_485 : vector<16xi32>
    %get3A_487 = arith.constant 400 : index
    %get3A_488 = tpu.vector_load %arg8[%get3A_487] {strides = array<i32>} : memref<2048xi32, #tpu.memory_space<vmem>>, vector<16xi32>,
    %get3A_489 = vector.shape_cast %get3A_488 : vector<16xi32> to vector<16xi32>
    %add3A_490 = arith.addi %mul3A_486, %get3A_489 : vector<16xi32>
    %swap3A_491 = arith.constant 3 : i32
    %swap3A_492 = arith.index_cast %swap3A_491 : i32 to index
    %swap3A_493 = arith.constant 16 : index
    %swap3A_494 = tpu.vector_load %arg10[%swap3A_492, %swap3A_493] {strides = array<i32>} : memref<16x128xi32, #tpu.memory_space<vmem>>, vector<1x16xi32>,
    %swap3A_495 = vector.shape_cast %swap3A_494 : vector<1x16xi32> to vector<16xi32>
    %swap3A_496 = vector.shape_cast %add3A_490 : vector<16xi32> to vector<1x16xi32>
    tpu.vector_store %arg10[%swap3A_492, %swap3A_493], %swap3A_496 {strides = array<i32>} : memref<16x128xi32, #tpu.memory_space<vmem>>, vector<1x16xi32>,
    %get3A_497 = arith.constant 416 : index
    %get3A_498 = tpu.vector_load %arg9[%get3A_497] {strides = array<i32>} : memref<2048xi32, #tpu.memory_space<vmem>>, vector<16xi32>,
    %get3A_499 = vector.shape_cast %get3A_498 : vector<16xi32> to vector<16xi32>
    %mul3A_500 = vector.broadcast %select_n3A : i32 to vector<16xi32>
    %mul3A_501 = arith.muli %get3A_499, %mul3A_500 : vector<16xi32>
    %get3A_502 = arith.constant 416 : index
    %get3A_503 = tpu.vector_load %arg8[%get3A_502] {strides = array<i32>} : memref<2048xi32, #tpu.memory_space<vmem>>, vector<16xi32>,
    %get3A_504 = vector.shape_cast %get3A_503 : vector<16xi32> to vector<16xi32>
    %add3A_505 = arith.addi %mul3A_501, %get3A_504 : vector<16xi32>
    %swap3A_506 = arith.constant 3 : i32
    %swap3A_507 = arith.index_cast %swap3A_506 : i32 to index
    %swap3A_508 = arith.constant 32 : index
    %swap3A_509 = tpu.vector_load %arg10[%swap3A_507, %swap3A_508] {strides = array<i32>} : memref<16x128xi32, #tpu.memory_space<vmem>>, vector<1x16xi32>,
    %swap3A_510 = vector.shape_cast %swap3A_509 : vector<1x16xi32> to vector<16xi32>
    %swap3A_511 = vector.shape_cast %add3A_505 : vector<16xi32> to vector<1x16xi32>
    tpu.vector_store %arg10[%swap3A_507, %swap3A_508], %swap3A_511 {strides = array<i32>} : memref<16x128xi32, #tpu.memory_space<vmem>>, vector<1x16xi32>,
    %get3A_512 = arith.constant 432 : index
    %get3A_513 = tpu.vector_load %arg9[%get3A_512] {strides = array<i32>} : memref<2048xi32, #tpu.memory_space<vmem>>, vector<16xi32>,
    %get3A_514 = vector.shape_cast %get3A_513 : vector<16xi32> to vector<16xi32>
    %mul3A_515 = vector.broadcast %select_n3A : i32 to vector<16xi32>
    %mul3A_516 = arith.muli %get3A_514, %mul3A_515 : vector<16xi32>
    %get3A_517 = arith.constant 432 : index
    %get3A_518 = tpu.vector_load %arg8[%get3A_517] {strides = array<i32>} : memref<2048xi32, #tpu.memory_space<vmem>>, vector<16xi32>,
    %get3A_519 = vector.shape_cast %get3A_518 : vector<16xi32> to vector<16xi32>
    %add3A_520 = arith.addi %mul3A_516, %get3A_519 : vector<16xi32>
    %swap3A_521 = arith.constant 3 : i32
    %swap3A_522 = arith.index_cast %swap3A_521 : i32 to index
    %swap3A_523 = arith.constant 48 : index
    %swap3A_524 = tpu.vector_load %arg10[%swap3A_522, %swap3A_523] {strides = array<i32>} : memref<16x128xi32, #tpu.memory_space<vmem>>, vector<1x16xi32>,
    %swap3A_525 = vector.shape_cast %swap3A_524 : vector<1x16xi32> to vector<16xi32>
    %swap3A_526 = vector.shape_cast %add3A_520 : vector<16xi32> to vector<1x16xi32>
    tpu.vector_store %arg10[%swap3A_522, %swap3A_523], %swap3A_526 {strides = array<i32>} : memref<16x128xi32, #tpu.memory_space<vmem>>, vector<1x16xi32>,
    %get3A_527 = arith.constant 448 : index
    %get3A_528 = tpu.vector_load %arg9[%get3A_527] {strides = array<i32>} : memref<2048xi32, #tpu.memory_space<vmem>>, vector<16xi32>,
    %get3A_529 = vector.shape_cast %get3A_528 : vector<16xi32> to vector<16xi32>
    %mul3A_530 = vector.broadcast %select_n3A : i32 to vector<16xi32>
    %mul3A_531 = arith.muli %get3A_529, %mul3A_530 : vector<16xi32>
    %get3A_532 = arith.constant 448 : index
    %get3A_533 = tpu.vector_load %arg8[%get3A_532] {strides = array<i32>} : memref<2048xi32, #tpu.memory_space<vmem>>, vector<16xi32>,
    %get3A_534 = vector.shape_cast %get3A_533 : vector<16xi32> to vector<16xi32>
    %add3A_535 = arith.addi %mul3A_531, %get3A_534 : vector<16xi32>
    %swap3A_536 = arith.constant 3 : i32
    %swap3A_537 = arith.index_cast %swap3A_536 : i32 to index
    %swap3A_538 = arith.constant 64 : index
    %swap3A_539 = tpu.vector_load %arg10[%swap3A_537, %swap3A_538] {strides = array<i32>} : memref<16x128xi32, #tpu.memory_space<vmem>>, vector<1x16xi32>,
    %swap3A_540 = vector.shape_cast %swap3A_539 : vector<1x16xi32> to vector<16xi32>
    %swap3A_541 = vector.shape_cast %add3A_535 : vector<16xi32> to vector<1x16xi32>
    tpu.vector_store %arg10[%swap3A_537, %swap3A_538], %swap3A_541 {strides = array<i32>} : memref<16x128xi32, #tpu.memory_space<vmem>>, vector<1x16xi32>,
    %get3A_542 = arith.constant 464 : index
    %get3A_543 = tpu.vector_load %arg9[%get3A_542] {strides = array<i32>} : memref<2048xi32, #tpu.memory_space<vmem>>, vector<16xi32>,
    %get3A_544 = vector.shape_cast %get3A_543 : vector<16xi32> to vector<16xi32>
    %mul3A_545 = vector.broadcast %select_n3A : i32 to vector<16xi32>
    %mul3A_546 = arith.muli %get3A_544, %mul3A_545 : vector<16xi32>
    %get3A_547 = arith.constant 464 : index
    %get3A_548 = tpu.vector_load %arg8[%get3A_547] {strides = array<i32>} : memref<2048xi32, #tpu.memory_space<vmem>>, vector<16xi32>,
    %get3A_549 = vector.shape_cast %get3A_548 : vector<16xi32> to vector<16xi32>
    %add3A_550 = arith.addi %mul3A_546, %get3A_549 : vector<16xi32>
    %swap3A_551 = arith.constant 3 : i32
    %swap3A_552 = arith.index_cast %swap3A_551 : i32 to index
    %swap3A_553 = arith.constant 80 : index
    %swap3A_554 = tpu.vector_load %arg10[%swap3A_552, %swap3A_553] {strides = array<i32>} : memref<16x128xi32, #tpu.memory_space<vmem>>, vector<1x16xi32>,
    %swap3A_555 = vector.shape_cast %swap3A_554 : vector<1x16xi32> to vector<16xi32>
    %swap3A_556 = vector.shape_cast %add3A_550 : vector<16xi32> to vector<1x16xi32>
    tpu.vector_store %arg10[%swap3A_552, %swap3A_553], %swap3A_556 {strides = array<i32>} : memref<16x128xi32, #tpu.memory_space<vmem>>, vector<1x16xi32>,
    %get3A_557 = arith.constant 480 : index
    %get3A_558 = tpu.vector_load %arg9[%get3A_557] {strides = array<i32>} : memref<2048xi32, #tpu.memory_space<vmem>>, vector<16xi32>,
    %get3A_559 = vector.shape_cast %get3A_558 : vector<16xi32> to vector<16xi32>
    %mul3A_560 = vector.broadcast %select_n3A : i32 to vector<16xi32>
    %mul3A_561 = arith.muli %get3A_559, %mul3A_560 : vector<16xi32>
    %get3A_562 = arith.constant 480 : index
    %get3A_563 = tpu.vector_load %arg8[%get3A_562] {strides = array<i32>} : memref<2048xi32, #tpu.memory_space<vmem>>, vector<16xi32>,
    %get3A_564 = vector.shape_cast %get3A_563 : vector<16xi32> to vector<16xi32>
    %add3A_565 = arith.addi %mul3A_561, %get3A_564 : vector<16xi32>
    %swap3A_566 = arith.constant 3 : i32
    %swap3A_567 = arith.index_cast %swap3A_566 : i32 to index
    %swap3A_568 = arith.constant 96 : index
    %swap3A_569 = tpu.vector_load %arg10[%swap3A_567, %swap3A_568] {strides = array<i32>} : memref<16x128xi32, #tpu.memory_space<vmem>>, vector<1x16xi32>,
    %swap3A_570 = vector.shape_cast %swap3A_569 : vector<1x16xi32> to vector<16xi32>
    %swap3A_571 = vector.shape_cast %add3A_565 : vector<16xi32> to vector<1x16xi32>
    tpu.vector_store %arg10[%swap3A_567, %swap3A_568], %swap3A_571 {strides = array<i32>} : memref<16x128xi32, #tpu.memory_space<vmem>>, vector<1x16xi32>,
    %get3A_572 = arith.constant 496 : index
    %get3A_573 = tpu.vector_load %arg9[%get3A_572] {strides = array<i32>} : memref<2048xi32, #tpu.memory_space<vmem>>, vector<16xi32>,
    %get3A_574 = vector.shape_cast %get3A_573 : vector<16xi32> to vector<16xi32>
    %mul3A_575 = vector.broadcast %select_n3A : i32 to vector<16xi32>
    %mul3A_576 = arith.muli %get3A_574, %mul3A_575 : vector<16xi32>
    %get3A_577 = arith.constant 496 : index
    %get3A_578 = tpu.vector_load %arg8[%get3A_577] {strides = array<i32>} : memref<2048xi32, #tpu.memory_space<vmem>>, vector<16xi32>,
    %get3A_579 = vector.shape_cast %get3A_578 : vector<16xi32> to vector<16xi32>
    %add3A_580 = arith.addi %mul3A_576, %get3A_579 : vector<16xi32>
    %swap3A_581 = arith.constant 3 : i32
    %swap3A_582 = arith.index_cast %swap3A_581 : i32 to index
    %swap3A_583 = arith.constant 112 : index
    %swap3A_584 = tpu.vector_load %arg10[%swap3A_582, %swap3A_583] {strides = array<i32>} : memref<16x128xi32, #tpu.memory_space<vmem>>, vector<1x16xi32>,
    %swap3A_585 = vector.shape_cast %swap3A_584 : vector<1x16xi32> to vector<16xi32>
    %swap3A_586 = vector.shape_cast %add3A_580 : vector<16xi32> to vector<1x16xi32>
    tpu.vector_store %arg10[%swap3A_582, %swap3A_583], %swap3A_586 {strides = array<i32>} : memref<16x128xi32, #tpu.memory_space<vmem>>, vector<1x16xi32>,
    %get3A_587 = arith.constant 512 : index
    %get3A_588 = tpu.vector_load %arg9[%get3A_587] {strides = array<i32>} : memref<2048xi32, #tpu.memory_space<vmem>>, vector<16xi32>,
    %get3A_589 = vector.shape_cast %get3A_588 : vector<16xi32> to vector<16xi32>
    %mul3A_590 = vector.broadcast %select_n3A : i32 to vector<16xi32>
    %mul3A_591 = arith.muli %get3A_589, %mul3A_590 : vector<16xi32>
    %get3A_592 = arith.constant 512 : index
    %get3A_593 = tpu.vector_load %arg8[%get3A_592] {strides = array<i32>} : memref<2048xi32, #tpu.memory_space<vmem>>, vector<16xi32>,
    %get3A_594 = vector.shape_cast %get3A_593 : vector<16xi32> to vector<16xi32>
    %add3A_595 = arith.addi %mul3A_591, %get3A_594 : vector<16xi32>
    %swap3A_596 = arith.constant 4 : i32
    %swap3A_597 = arith.index_cast %swap3A_596 : i32 to index
    %swap3A_598 = arith.constant 0 : index
    %swap3A_599 = tpu.vector_load %arg10[%swap3A_597, %swap3A_598] {strides = array<i32>} : memref<16x128xi32, #tpu.memory_space<vmem>>, vector<1x16xi32>,
    %swap3A_600 = vector.shape_cast %swap3A_599 : vector<1x16xi32> to vector<16xi32>
    %swap3A_601 = vector.shape_cast %add3A_595 : vector<16xi32> to vector<1x16xi32>
    tpu.vector_store %arg10[%swap3A_597, %swap3A_598], %swap3A_601 {strides = array<i32>} : memref<16x128xi32, #tpu.memory_space<vmem>>, vector<1x16xi32>,
    %get3A_602 = arith.constant 528 : index
    %get3A_603 = tpu.vector_load %arg9[%get3A_602] {strides = array<i32>} : memref<2048xi32, #tpu.memory_space<vmem>>, vector<16xi32>,
    %get3A_604 = vector.shape_cast %get3A_603 : vector<16xi32> to vector<16xi32>
    %mul3A_605 = vector.broadcast %select_n3A : i32 to vector<16xi32>
    %mul3A_606 = arith.muli %get3A_604, %mul3A_605 : vector<16xi32>
    %get3A_607 = arith.constant 528 : index
    %get3A_608 = tpu.vector_load %arg8[%get3A_607] {strides = array<i32>} : memref<2048xi32, #tpu.memory_space<vmem>>, vector<16xi32>,
    %get3A_609 = vector.shape_cast %get3A_608 : vector<16xi32> to vector<16xi32>
    %add3A_610 = arith.addi %mul3A_606, %get3A_609 : vector<16xi32>
    %swap3A_611 = arith.constant 4 : i32
    %swap3A_612 = arith.index_cast %swap3A_611 : i32 to index
    %swap3A_613 = arith.constant 16 : index
    %swap3A_614 = tpu.vector_load %arg10[%swap3A_612, %swap3A_613] {strides = array<i32>} : memref<16x128xi32, #tpu.memory_space<vmem>>, vector<1x16xi32>,
    %swap3A_615 = vector.shape_cast %swap3A_614 : vector<1x16xi32> to vector<16xi32>
    %swap3A_616 = vector.shape_cast %add3A_610 : vector<16xi32> to vector<1x16xi32>
    tpu.vector_store %arg10[%swap3A_612, %swap3A_613], %swap3A_616 {strides = array<i32>} : memref<16x128xi32, #tpu.memory_space<vmem>>, vector<1x16xi32>,
    %get3A_617 = arith.constant 544 : index
    %get3A_618 = tpu.vector_load %arg9[%get3A_617] {strides = array<i32>} : memref<2048xi32, #tpu.memory_space<vmem>>, vector<16xi32>,
    %get3A_619 = vector.shape_cast %get3A_618 : vector<16xi32> to vector<16xi32>
    %mul3A_620 = vector.broadcast %select_n3A : i32 to vector<16xi32>
    %mul3A_621 = arith.muli %get3A_619, %mul3A_620 : vector<16xi32>
    %get3A_622 = arith.constant 544 : index
    %get3A_623 = tpu.vector_load %arg8[%get3A_622] {strides = array<i32>} : memref<2048xi32, #tpu.memory_space<vmem>>, vector<16xi32>,
    %get3A_624 = vector.shape_cast %get3A_623 : vector<16xi32> to vector<16xi32>
    %add3A_625 = arith.addi %mul3A_621, %get3A_624 : vector<16xi32>
    %swap3A_626 = arith.constant 4 : i32
    %swap3A_627 = arith.index_cast %swap3A_626 : i32 to index
    %swap3A_628 = arith.constant 32 : index
    %swap3A_629 = tpu.vector_load %arg10[%swap3A_627, %swap3A_628] {strides = array<i32>} : memref<16x128xi32, #tpu.memory_space<vmem>>, vector<1x16xi32>,
    %swap3A_630 = vector.shape_cast %swap3A_629 : vector<1x16xi32> to vector<16xi32>
    %swap3A_631 = vector.shape_cast %add3A_625 : vector<16xi32> to vector<1x16xi32>
    tpu.vector_store %arg10[%swap3A_627, %swap3A_628], %swap3A_631 {strides = array<i32>} : memref<16x128xi32, #tpu.memory_space<vmem>>, vector<1x16xi32>,
    %get3A_632 = arith.constant 560 : index
    %get3A_633 = tpu.vector_load %arg9[%get3A_632] {strides = array<i32>} : memref<2048xi32, #tpu.memory_space<vmem>>, vector<16xi32>,
    %get3A_634 = vector.shape_cast %get3A_633 : vector<16xi32> to vector<16xi32>
    %mul3A_635 = vector.broadcast %select_n3A : i32 to vector<16xi32>
    %mul3A_636 = arith.muli %get3A_634, %mul3A_635 : vector<16xi32>
    %get3A_637 = arith.constant 560 : index
    %get3A_638 = tpu.vector_load %arg8[%get3A_637] {strides = array<i32>} : memref<2048xi32, #tpu.memory_space<vmem>>, vector<16xi32>,
    %get3A_639 = vector.shape_cast %get3A_638 : vector<16xi32> to vector<16xi32>
    %add3A_640 = arith.addi %mul3A_636, %get3A_639 : vector<16xi32>
    %swap3A_641 = arith.constant 4 : i32
    %swap3A_642 = arith.index_cast %swap3A_641 : i32 to index
    %swap3A_643 = arith.constant 48 : index
    %swap3A_644 = tpu.vector_load %arg10[%swap3A_642, %swap3A_643] {strides = array<i32>} : memref<16x128xi32, #tpu.memory_space<vmem>>, vector<1x16xi32>,
    %swap3A_645 = vector.shape_cast %swap3A_644 : vector<1x16xi32> to vector<16xi32>
    %swap3A_646 = vector.shape_cast %add3A_640 : vector<16xi32> to vector<1x16xi32>
    tpu.vector_store %arg10[%swap3A_642, %swap3A_643], %swap3A_646 {strides = array<i32>} : memref<16x128xi32, #tpu.memory_space<vmem>>, vector<1x16xi32>,
    %get3A_647 = arith.constant 576 : index
    %get3A_648 = tpu.vector_load %arg9[%get3A_647] {strides = array<i32>} : memref<2048xi32, #tpu.memory_space<vmem>>, vector<16xi32>,
    %get3A_649 = vector.shape_cast %get3A_648 : vector<16xi32> to vector<16xi32>
    %mul3A_650 = vector.broadcast %select_n3A : i32 to vector<16xi32>
    %mul3A_651 = arith.muli %get3A_649, %mul3A_650 : vector<16xi32>
    %get3A_652 = arith.constant 576 : index
    %get3A_653 = tpu.vector_load %arg8[%get3A_652] {strides = array<i32>} : memref<2048xi32, #tpu.memory_space<vmem>>, vector<16xi32>,
    %get3A_654 = vector.shape_cast %get3A_653 : vector<16xi32> to vector<16xi32>
    %add3A_655 = arith.addi %mul3A_651, %get3A_654 : vector<16xi32>
    %swap3A_656 = arith.constant 4 : i32
    %swap3A_657 = arith.index_cast %swap3A_656 : i32 to index
    %swap3A_658 = arith.constant 64 : index
    %swap3A_659 = tpu.vector_load %arg10[%swap3A_657, %swap3A_658] {strides = array<i32>} : memref<16x128xi32, #tpu.memory_space<vmem>>, vector<1x16xi32>,
    %swap3A_660 = vector.shape_cast %swap3A_659 : vector<1x16xi32> to vector<16xi32>
    %swap3A_661 = vector.shape_cast %add3A_655 : vector<16xi32> to vector<1x16xi32>
    tpu.vector_store %arg10[%swap3A_657, %swap3A_658], %swap3A_661 {strides = array<i32>} : memref<16x128xi32, #tpu.memory_space<vmem>>, vector<1x16xi32>,
    %get3A_662 = arith.constant 592 : index
    %get3A_663 = tpu.vector_load %arg9[%get3A_662] {strides = array<i32>} : memref<2048xi32, #tpu.memory_space<vmem>>, vector<16xi32>,
    %get3A_664 = vector.shape_cast %get3A_663 : vector<16xi32> to vector<16xi32>
    %mul3A_665 = vector.broadcast %select_n3A : i32 to vector<16xi32>
    %mul3A_666 = arith.muli %get3A_664, %mul3A_665 : vector<16xi32>
    %get3A_667 = arith.constant 592 : index
    %get3A_668 = tpu.vector_load %arg8[%get3A_667] {strides = array<i32>} : memref<2048xi32, #tpu.memory_space<vmem>>, vector<16xi32>,
    %get3A_669 = vector.shape_cast %get3A_668 : vector<16xi32> to vector<16xi32>
    %add3A_670 = arith.addi %mul3A_666, %get3A_669 : vector<16xi32>
    %swap3A_671 = arith.constant 4 : i32
    %swap3A_672 = arith.index_cast %swap3A_671 : i32 to index
    %swap3A_673 = arith.constant 80 : index
    %swap3A_674 = tpu.vector_load %arg10[%swap3A_672, %swap3A_673] {strides = array<i32>} : memref<16x128xi32, #tpu.memory_space<vmem>>, vector<1x16xi32>,
    %swap3A_675 = vector.shape_cast %swap3A_674 : vector<1x16xi32> to vector<16xi32>
    %swap3A_676 = vector.shape_cast %add3A_670 : vector<16xi32> to vector<1x16xi32>
    tpu.vector_store %arg10[%swap3A_672, %swap3A_673], %swap3A_676 {strides = array<i32>} : memref<16x128xi32, #tpu.memory_space<vmem>>, vector<1x16xi32>,
    %get3A_677 = arith.constant 608 : index
    %get3A_678 = tpu.vector_load %arg9[%get3A_677] {strides = array<i32>} : memref<2048xi32, #tpu.memory_space<vmem>>, vector<16xi32>,
    %get3A_679 = vector.shape_cast %get3A_678 : vector<16xi32> to vector<16xi32>
    %mul3A_680 = vector.broadcast %select_n3A : i32 to vector<16xi32>
    %mul3A_681 = arith.muli %get3A_679, %mul3A_680 : vector<16xi32>
    %get3A_682 = arith.constant 608 : index
    %get3A_683 = tpu.vector_load %arg8[%get3A_682] {strides = array<i32>} : memref<2048xi32, #tpu.memory_space<vmem>>, vector<16xi32>,
    %get3A_684 = vector.shape_cast %get3A_683 : vector<16xi32> to vector<16xi32>
    %add3A_685 = arith.addi %mul3A_681, %get3A_684 : vector<16xi32>
    %swap3A_686 = arith.constant 4 : i32
    %swap3A_687 = arith.index_cast %swap3A_686 : i32 to index
    %swap3A_688 = arith.constant 96 : index
    %swap3A_689 = tpu.vector_load %arg10[%swap3A_687, %swap3A_688] {strides = array<i32>} : memref<16x128xi32, #tpu.memory_space<vmem>>, vector<1x16xi32>,
    %swap3A_690 = vector.shape_cast %swap3A_689 : vector<1x16xi32> to vector<16xi32>
    %swap3A_691 = vector.shape_cast %add3A_685 : vector<16xi32> to vector<1x16xi32>
    tpu.vector_store %arg10[%swap3A_687, %swap3A_688], %swap3A_691 {strides = array<i32>} : memref<16x128xi32, #tpu.memory_space<vmem>>, vector<1x16xi32>,
    %get3A_692 = arith.constant 624 : index
    %get3A_693 = tpu.vector_load %arg9[%get3A_692] {strides = array<i32>} : memref<2048xi32, #tpu.memory_space<vmem>>, vector<16xi32>,
    %get3A_694 = vector.shape_cast %get3A_693 : vector<16xi32> to vector<16xi32>
    %mul3A_695 = vector.broadcast %select_n3A : i32 to vector<16xi32>
    %mul3A_696 = arith.muli %get3A_694, %mul3A_695 : vector<16xi32>
    %get3A_697 = arith.constant 624 : index
    %get3A_698 = tpu.vector_load %arg8[%get3A_697] {strides = array<i32>} : memref<2048xi32, #tpu.memory_space<vmem>>, vector<16xi32>,
    %get3A_699 = vector.shape_cast %get3A_698 : vector<16xi32> to vector<16xi32>
    %add3A_700 = arith.addi %mul3A_696, %get3A_699 : vector<16xi32>
    %swap3A_701 = arith.constant 4 : i32
    %swap3A_702 = arith.index_cast %swap3A_701 : i32 to index
    %swap3A_703 = arith.constant 112 : index
    %swap3A_704 = tpu.vector_load %arg10[%swap3A_702, %swap3A_703] {strides = array<i32>} : memref<16x128xi32, #tpu.memory_space<vmem>>, vector<1x16xi32>,
    %swap3A_705 = vector.shape_cast %swap3A_704 : vector<1x16xi32> to vector<16xi32>
    %swap3A_706 = vector.shape_cast %add3A_700 : vector<16xi32> to vector<1x16xi32>
    tpu.vector_store %arg10[%swap3A_702, %swap3A_703], %swap3A_706 {strides = array<i32>} : memref<16x128xi32, #tpu.memory_space<vmem>>, vector<1x16xi32>,
    %get3A_707 = arith.constant 640 : index
    %get3A_708 = tpu.vector_load %arg9[%get3A_707] {strides = array<i32>} : memref<2048xi32, #tpu.memory_space<vmem>>, vector<16xi32>,
    %get3A_709 = vector.shape_cast %get3A_708 : vector<16xi32> to vector<16xi32>
    %mul3A_710 = vector.broadcast %select_n3A : i32 to vector<16xi32>
    %mul3A_711 = arith.muli %get3A_709, %mul3A_710 : vector<16xi32>
    %get3A_712 = arith.constant 640 : index
    %get3A_713 = tpu.vector_load %arg8[%get3A_712] {strides = array<i32>} : memref<2048xi32, #tpu.memory_space<vmem>>, vector<16xi32>,
    %get3A_714 = vector.shape_cast %get3A_713 : vector<16xi32> to vector<16xi32>
    %add3A_715 = arith.addi %mul3A_711, %get3A_714 : vector<16xi32>
    %swap3A_716 = arith.constant 5 : i32
    %swap3A_717 = arith.index_cast %swap3A_716 : i32 to index
    %swap3A_718 = arith.constant 0 : index
    %swap3A_719 = tpu.vector_load %arg10[%swap3A_717, %swap3A_718] {strides = array<i32>} : memref<16x128xi32, #tpu.memory_space<vmem>>, vector<1x16xi32>,
    %swap3A_720 = vector.shape_cast %swap3A_719 : vector<1x16xi32> to vector<16xi32>
    %swap3A_721 = vector.shape_cast %add3A_715 : vector<16xi32> to vector<1x16xi32>
    tpu.vector_store %arg10[%swap3A_717, %swap3A_718], %swap3A_721 {strides = array<i32>} : memref<16x128xi32, #tpu.memory_space<vmem>>, vector<1x16xi32>,
    %get3A_722 = arith.constant 656 : index
    %get3A_723 = tpu.vector_load %arg9[%get3A_722] {strides = array<i32>} : memref<2048xi32, #tpu.memory_space<vmem>>, vector<16xi32>,
    %get3A_724 = vector.shape_cast %get3A_723 : vector<16xi32> to vector<16xi32>
    %mul3A_725 = vector.broadcast %select_n3A : i32 to vector<16xi32>
    %mul3A_726 = arith.muli %get3A_724, %mul3A_725 : vector<16xi32>
    %get3A_727 = arith.constant 656 : index
    %get3A_728 = tpu.vector_load %arg8[%get3A_727] {strides = array<i32>} : memref<2048xi32, #tpu.memory_space<vmem>>, vector<16xi32>,
    %get3A_729 = vector.shape_cast %get3A_728 : vector<16xi32> to vector<16xi32>
    %add3A_730 = arith.addi %mul3A_726, %get3A_729 : vector<16xi32>
    %swap3A_731 = arith.constant 5 : i32
    %swap3A_732 = arith.index_cast %swap3A_731 : i32 to index
    %swap3A_733 = arith.constant 16 : index
    %swap3A_734 = tpu.vector_load %arg10[%swap3A_732, %swap3A_733] {strides = array<i32>} : memref<16x128xi32, #tpu.memory_space<vmem>>, vector<1x16xi32>,
    %swap3A_735 = vector.shape_cast %swap3A_734 : vector<1x16xi32> to vector<16xi32>
    %swap3A_736 = vector.shape_cast %add3A_730 : vector<16xi32> to vector<1x16xi32>
    tpu.vector_store %arg10[%swap3A_732, %swap3A_733], %swap3A_736 {strides = array<i32>} : memref<16x128xi32, #tpu.memory_space<vmem>>, vector<1x16xi32>,
    %get3A_737 = arith.constant 672 : index
    %get3A_738 = tpu.vector_load %arg9[%get3A_737] {strides = array<i32>} : memref<2048xi32, #tpu.memory_space<vmem>>, vector<16xi32>,
    %get3A_739 = vector.shape_cast %get3A_738 : vector<16xi32> to vector<16xi32>
    %mul3A_740 = vector.broadcast %select_n3A : i32 to vector<16xi32>
    %mul3A_741 = arith.muli %get3A_739, %mul3A_740 : vector<16xi32>
    %get3A_742 = arith.constant 672 : index
    %get3A_743 = tpu.vector_load %arg8[%get3A_742] {strides = array<i32>} : memref<2048xi32, #tpu.memory_space<vmem>>, vector<16xi32>,
    %get3A_744 = vector.shape_cast %get3A_743 : vector<16xi32> to vector<16xi32>
    %add3A_745 = arith.addi %mul3A_741, %get3A_744 : vector<16xi32>
    %swap3A_746 = arith.constant 5 : i32
    %swap3A_747 = arith.index_cast %swap3A_746 : i32 to index
    %swap3A_748 = arith.constant 32 : index
    %swap3A_749 = tpu.vector_load %arg10[%swap3A_747, %swap3A_748] {strides = array<i32>} : memref<16x128xi32, #tpu.memory_space<vmem>>, vector<1x16xi32>,
    %swap3A_750 = vector.shape_cast %swap3A_749 : vector<1x16xi32> to vector<16xi32>
    %swap3A_751 = vector.shape_cast %add3A_745 : vector<16xi32> to vector<1x16xi32>
    tpu.vector_store %arg10[%swap3A_747, %swap3A_748], %swap3A_751 {strides = array<i32>} : memref<16x128xi32, #tpu.memory_space<vmem>>, vector<1x16xi32>,
    %get3A_752 = arith.constant 688 : index
    %get3A_753 = tpu.vector_load %arg9[%get3A_752] {strides = array<i32>} : memref<2048xi32, #tpu.memory_space<vmem>>, vector<16xi32>,
    %get3A_754 = vector.shape_cast %get3A_753 : vector<16xi32> to vector<16xi32>
    %mul3A_755 = vector.broadcast %select_n3A : i32 to vector<16xi32>
    %mul3A_756 = arith.muli %get3A_754, %mul3A_755 : vector<16xi32>
    %get3A_757 = arith.constant 688 : index
    %get3A_758 = tpu.vector_load %arg8[%get3A_757] {strides = array<i32>} : memref<2048xi32, #tpu.memory_space<vmem>>, vector<16xi32>,
    %get3A_759 = vector.shape_cast %get3A_758 : vector<16xi32> to vector<16xi32>
    %add3A_760 = arith.addi %mul3A_756, %get3A_759 : vector<16xi32>
    %swap3A_761 = arith.constant 5 : i32
    %swap3A_762 = arith.index_cast %swap3A_761 : i32 to index
    %swap3A_763 = arith.constant 48 : index
    %swap3A_764 = tpu.vector_load %arg10[%swap3A_762, %swap3A_763] {strides = array<i32>} : memref<16x128xi32, #tpu.memory_space<vmem>>, vector<1x16xi32>,
    %swap3A_765 = vector.shape_cast %swap3A_764 : vector<1x16xi32> to vector<16xi32>
    %swap3A_766 = vector.shape_cast %add3A_760 : vector<16xi32> to vector<1x16xi32>
    tpu.vector_store %arg10[%swap3A_762, %swap3A_763], %swap3A_766 {strides = array<i32>} : memref<16x128xi32, #tpu.memory_space<vmem>>, vector<1x16xi32>,
    %get3A_767 = arith.constant 704 : index
    %get3A_768 = tpu.vector_load %arg9[%get3A_767] {strides = array<i32>} : memref<2048xi32, #tpu.memory_space<vmem>>, vector<16xi32>,
    %get3A_769 = vector.shape_cast %get3A_768 : vector<16xi32> to vector<16xi32>
    %mul3A_770 = vector.broadcast %select_n3A : i32 to vector<16xi32>
    %mul3A_771 = arith.muli %get3A_769, %mul3A_770 : vector<16xi32>
    %get3A_772 = arith.constant 704 : index
    %get3A_773 = tpu.vector_load %arg8[%get3A_772] {strides = array<i32>} : memref<2048xi32, #tpu.memory_space<vmem>>, vector<16xi32>,
    %get3A_774 = vector.shape_cast %get3A_773 : vector<16xi32> to vector<16xi32>
    %add3A_775 = arith.addi %mul3A_771, %get3A_774 : vector<16xi32>
    %swap3A_776 = arith.constant 5 : i32
    %swap3A_777 = arith.index_cast %swap3A_776 : i32 to index
    %swap3A_778 = arith.constant 64 : index
    %swap3A_779 = tpu.vector_load %arg10[%swap3A_777, %swap3A_778] {strides = array<i32>} : memref<16x128xi32, #tpu.memory_space<vmem>>, vector<1x16xi32>,
    %swap3A_780 = vector.shape_cast %swap3A_779 : vector<1x16xi32> to vector<16xi32>
    %swap3A_781 = vector.shape_cast %add3A_775 : vector<16xi32> to vector<1x16xi32>
    tpu.vector_store %arg10[%swap3A_777, %swap3A_778], %swap3A_781 {strides = array<i32>} : memref<16x128xi32, #tpu.memory_space<vmem>>, vector<1x16xi32>,
    %get3A_782 = arith.constant 720 : index
    %get3A_783 = tpu.vector_load %arg9[%get3A_782] {strides = array<i32>} : memref<2048xi32, #tpu.memory_space<vmem>>, vector<16xi32>,
    %get3A_784 = vector.shape_cast %get3A_783 : vector<16xi32> to vector<16xi32>
    %mul3A_785 = vector.broadcast %select_n3A : i32 to vector<16xi32>
    %mul3A_786 = arith.muli %get3A_784, %mul3A_785 : vector<16xi32>
    %get3A_787 = arith.constant 720 : index
    %get3A_788 = tpu.vector_load %arg8[%get3A_787] {strides = array<i32>} : memref<2048xi32, #tpu.memory_space<vmem>>, vector<16xi32>,
    %get3A_789 = vector.shape_cast %get3A_788 : vector<16xi32> to vector<16xi32>
    %add3A_790 = arith.addi %mul3A_786, %get3A_789 : vector<16xi32>
    %swap3A_791 = arith.constant 5 : i32
    %swap3A_792 = arith.index_cast %swap3A_791 : i32 to index
    %swap3A_793 = arith.constant 80 : index
    %swap3A_794 = tpu.vector_load %arg10[%swap3A_792, %swap3A_793] {strides = array<i32>} : memref<16x128xi32, #tpu.memory_space<vmem>>, vector<1x16xi32>,
    %swap3A_795 = vector.shape_cast %swap3A_794 : vector<1x16xi32> to vector<16xi32>
    %swap3A_796 = vector.shape_cast %add3A_790 : vector<16xi32> to vector<1x16xi32>
    tpu.vector_store %arg10[%swap3A_792, %swap3A_793], %swap3A_796 {strides = array<i32>} : memref<16x128xi32, #tpu.memory_space<vmem>>, vector<1x16xi32>,
    %get3A_797 = arith.constant 736 : index
    %get3A_798 = tpu.vector_load %arg9[%get3A_797] {strides = array<i32>} : memref<2048xi32, #tpu.memory_space<vmem>>, vector<16xi32>,
    %get3A_799 = vector.shape_cast %get3A_798 : vector<16xi32> to vector<16xi32>
    %mul3A_800 = vector.broadcast %select_n3A : i32 to vector<16xi32>
    %mul3A_801 = arith.muli %get3A_799, %mul3A_800 : vector<16xi32>
    %get3A_802 = arith.constant 736 : index
    %get3A_803 = tpu.vector_load %arg8[%get3A_802] {strides = array<i32>} : memref<2048xi32, #tpu.memory_space<vmem>>, vector<16xi32>,
    %get3A_804 = vector.shape_cast %get3A_803 : vector<16xi32> to vector<16xi32>
    %add3A_805 = arith.addi %mul3A_801, %get3A_804 : vector<16xi32>
    %swap3A_806 = arith.constant 5 : i32
    %swap3A_807 = arith.index_cast %swap3A_806 : i32 to index
    %swap3A_808 = arith.constant 96 : index
    %swap3A_809 = tpu.vector_load %arg10[%swap3A_807, %swap3A_808] {strides = array<i32>} : memref<16x128xi32, #tpu.memory_space<vmem>>, vector<1x16xi32>,
    %swap3A_810 = vector.shape_cast %swap3A_809 : vector<1x16xi32> to vector<16xi32>
    %swap3A_811 = vector.shape_cast %add3A_805 : vector<16xi32> to vector<1x16xi32>
    tpu.vector_store %arg10[%swap3A_807, %swap3A_808], %swap3A_811 {strides = array<i32>} : memref<16x128xi32, #tpu.memory_space<vmem>>, vector<1x16xi32>,
    %get3A_812 = arith.constant 752 : index
    %get3A_813 = tpu.vector_load %arg9[%get3A_812] {strides = array<i32>} : memref<2048xi32, #tpu.memory_space<vmem>>, vector<16xi32>,
    %get3A_814 = vector.shape_cast %get3A_813 : vector<16xi32> to vector<16xi32>
    %mul3A_815 = vector.broadcast %select_n3A : i32 to vector<16xi32>
    %mul3A_816 = arith.muli %get3A_814, %mul3A_815 : vector<16xi32>
    %get3A_817 = arith.constant 752 : index
    %get3A_818 = tpu.vector_load %arg8[%get3A_817] {strides = array<i32>} : memref<2048xi32, #tpu.memory_space<vmem>>, vector<16xi32>,
    %get3A_819 = vector.shape_cast %get3A_818 : vector<16xi32> to vector<16xi32>
    %add3A_820 = arith.addi %mul3A_816, %get3A_819 : vector<16xi32>
    %swap3A_821 = arith.constant 5 : i32
    %swap3A_822 = arith.index_cast %swap3A_821 : i32 to index
    %swap3A_823 = arith.constant 112 : index
    %swap3A_824 = tpu.vector_load %arg10[%swap3A_822, %swap3A_823] {strides = array<i32>} : memref<16x128xi32, #tpu.memory_space<vmem>>, vector<1x16xi32>,
    %swap3A_825 = vector.shape_cast %swap3A_824 : vector<1x16xi32> to vector<16xi32>
    %swap3A_826 = vector.shape_cast %add3A_820 : vector<16xi32> to vector<1x16xi32>
    tpu.vector_store %arg10[%swap3A_822, %swap3A_823], %swap3A_826 {strides = array<i32>} : memref<16x128xi32, #tpu.memory_space<vmem>>, vector<1x16xi32>,
    %get3A_827 = arith.constant 768 : index
    %get3A_828 = tpu.vector_load %arg9[%get3A_827] {strides = array<i32>} : memref<2048xi32, #tpu.memory_space<vmem>>, vector<16xi32>,
    %get3A_829 = vector.shape_cast %get3A_828 : vector<16xi32> to vector<16xi32>
    %mul3A_830 = vector.broadcast %select_n3A : i32 to vector<16xi32>
    %mul3A_831 = arith.muli %get3A_829, %mul3A_830 : vector<16xi32>
    %get3A_832 = arith.constant 768 : index
    %get3A_833 = tpu.vector_load %arg8[%get3A_832] {strides = array<i32>} : memref<2048xi32, #tpu.memory_space<vmem>>, vector<16xi32>,
    %get3A_834 = vector.shape_cast %get3A_833 : vector<16xi32> to vector<16xi32>
    %add3A_835 = arith.addi %mul3A_831, %get3A_834 : vector<16xi32>
    %swap3A_836 = arith.constant 6 : i32
    %swap3A_837 = arith.index_cast %swap3A_836 : i32 to index
    %swap3A_838 = arith.constant 0 : index
    %swap3A_839 = tpu.vector_load %arg10[%swap3A_837, %swap3A_838] {strides = array<i32>} : memref<16x128xi32, #tpu.memory_space<vmem>>, vector<1x16xi32>,
    %swap3A_840 = vector.shape_cast %swap3A_839 : vector<1x16xi32> to vector<16xi32>
    %swap3A_841 = vector.shape_cast %add3A_835 : vector<16xi32> to vector<1x16xi32>
    tpu.vector_store %arg10[%swap3A_837, %swap3A_838], %swap3A_841 {strides = array<i32>} : memref<16x128xi32, #tpu.memory_space<vmem>>, vector<1x16xi32>,
    %get3A_842 = arith.constant 784 : index
    %get3A_843 = tpu.vector_load %arg9[%get3A_842] {strides = array<i32>} : memref<2048xi32, #tpu.memory_space<vmem>>, vector<16xi32>,
    %get3A_844 = vector.shape_cast %get3A_843 : vector<16xi32> to vector<16xi32>
    %mul3A_845 = vector.broadcast %select_n3A : i32 to vector<16xi32>
    %mul3A_846 = arith.muli %get3A_844, %mul3A_845 : vector<16xi32>
    %get3A_847 = arith.constant 784 : index
    %get3A_848 = tpu.vector_load %arg8[%get3A_847] {strides = array<i32>} : memref<2048xi32, #tpu.memory_space<vmem>>, vector<16xi32>,
    %get3A_849 = vector.shape_cast %get3A_848 : vector<16xi32> to vector<16xi32>
    %add3A_850 = arith.addi %mul3A_846, %get3A_849 : vector<16xi32>
    %swap3A_851 = arith.constant 6 : i32
    %swap3A_852 = arith.index_cast %swap3A_851 : i32 to index
    %swap3A_853 = arith.constant 16 : index
    %swap3A_854 = tpu.vector_load %arg10[%swap3A_852, %swap3A_853] {strides = array<i32>} : memref<16x128xi32, #tpu.memory_space<vmem>>, vector<1x16xi32>,
    %swap3A_855 = vector.shape_cast %swap3A_854 : vector<1x16xi32> to vector<16xi32>
    %swap3A_856 = vector.shape_cast %add3A_850 : vector<16xi32> to vector<1x16xi32>
    tpu.vector_store %arg10[%swap3A_852, %swap3A_853], %swap3A_856 {strides = array<i32>} : memref<16x128xi32, #tpu.memory_space<vmem>>, vector<1x16xi32>,
    %get3A_857 = arith.constant 800 : index
    %get3A_858 = tpu.vector_load %arg9[%get3A_857] {strides = array<i32>} : memref<2048xi32, #tpu.memory_space<vmem>>, vector<16xi32>,
    %get3A_859 = vector.shape_cast %get3A_858 : vector<16xi32> to vector<16xi32>
    %mul3A_860 = vector.broadcast %select_n3A : i32 to vector<16xi32>
    %mul3A_861 = arith.muli %get3A_859, %mul3A_860 : vector<16xi32>
    %get3A_862 = arith.constant 800 : index
    %get3A_863 = tpu.vector_load %arg8[%get3A_862] {strides = array<i32>} : memref<2048xi32, #tpu.memory_space<vmem>>, vector<16xi32>,
    %get3A_864 = vector.shape_cast %get3A_863 : vector<16xi32> to vector<16xi32>
    %add3A_865 = arith.addi %mul3A_861, %get3A_864 : vector<16xi32>
    %swap3A_866 = arith.constant 6 : i32
    %swap3A_867 = arith.index_cast %swap3A_866 : i32 to index
    %swap3A_868 = arith.constant 32 : index
    %swap3A_869 = tpu.vector_load %arg10[%swap3A_867, %swap3A_868] {strides = array<i32>} : memref<16x128xi32, #tpu.memory_space<vmem>>, vector<1x16xi32>,
    %swap3A_870 = vector.shape_cast %swap3A_869 : vector<1x16xi32> to vector<16xi32>
    %swap3A_871 = vector.shape_cast %add3A_865 : vector<16xi32> to vector<1x16xi32>
    tpu.vector_store %arg10[%swap3A_867, %swap3A_868], %swap3A_871 {strides = array<i32>} : memref<16x128xi32, #tpu.memory_space<vmem>>, vector<1x16xi32>,
    %get3A_872 = arith.constant 816 : index
    %get3A_873 = tpu.vector_load %arg9[%get3A_872] {strides = array<i32>} : memref<2048xi32, #tpu.memory_space<vmem>>, vector<16xi32>,
    %get3A_874 = vector.shape_cast %get3A_873 : vector<16xi32> to vector<16xi32>
    %mul3A_875 = vector.broadcast %select_n3A : i32 to vector<16xi32>
    %mul3A_876 = arith.muli %get3A_874, %mul3A_875 : vector<16xi32>
    %get3A_877 = arith.constant 816 : index
    %get3A_878 = tpu.vector_load %arg8[%get3A_877] {strides = array<i32>} : memref<2048xi32, #tpu.memory_space<vmem>>, vector<16xi32>,
    %get3A_879 = vector.shape_cast %get3A_878 : vector<16xi32> to vector<16xi32>
    %add3A_880 = arith.addi %mul3A_876, %get3A_879 : vector<16xi32>
    %swap3A_881 = arith.constant 6 : i32
    %swap3A_882 = arith.index_cast %swap3A_881 : i32 to index
    %swap3A_883 = arith.constant 48 : index
    %swap3A_884 = tpu.vector_load %arg10[%swap3A_882, %swap3A_883] {strides = array<i32>} : memref<16x128xi32, #tpu.memory_space<vmem>>, vector<1x16xi32>,
    %swap3A_885 = vector.shape_cast %swap3A_884 : vector<1x16xi32> to vector<16xi32>
    %swap3A_886 = vector.shape_cast %add3A_880 : vector<16xi32> to vector<1x16xi32>
    tpu.vector_store %arg10[%swap3A_882, %swap3A_883], %swap3A_886 {strides = array<i32>} : memref<16x128xi32, #tpu.memory_space<vmem>>, vector<1x16xi32>,
    %get3A_887 = arith.constant 832 : index
    %get3A_888 = tpu.vector_load %arg9[%get3A_887] {strides = array<i32>} : memref<2048xi32, #tpu.memory_space<vmem>>, vector<16xi32>,
    %get3A_889 = vector.shape_cast %get3A_888 : vector<16xi32> to vector<16xi32>
    %mul3A_890 = vector.broadcast %select_n3A : i32 to vector<16xi32>
    %mul3A_891 = arith.muli %get3A_889, %mul3A_890 : vector<16xi32>
    %get3A_892 = arith.constant 832 : index
    %get3A_893 = tpu.vector_load %arg8[%get3A_892] {strides = array<i32>} : memref<2048xi32, #tpu.memory_space<vmem>>, vector<16xi32>,
    %get3A_894 = vector.shape_cast %get3A_893 : vector<16xi32> to vector<16xi32>
    %add3A_895 = arith.addi %mul3A_891, %get3A_894 : vector<16xi32>
    %swap3A_896 = arith.constant 6 : i32
    %swap3A_897 = arith.index_cast %swap3A_896 : i32 to index
    %swap3A_898 = arith.constant 64 : index
    %swap3A_899 = tpu.vector_load %arg10[%swap3A_897, %swap3A_898] {strides = array<i32>} : memref<16x128xi32, #tpu.memory_space<vmem>>, vector<1x16xi32>,
    %swap3A_900 = vector.shape_cast %swap3A_899 : vector<1x16xi32> to vector<16xi32>
    %swap3A_901 = vector.shape_cast %add3A_895 : vector<16xi32> to vector<1x16xi32>
    tpu.vector_store %arg10[%swap3A_897, %swap3A_898], %swap3A_901 {strides = array<i32>} : memref<16x128xi32, #tpu.memory_space<vmem>>, vector<1x16xi32>,
    %get3A_902 = arith.constant 848 : index
    %get3A_903 = tpu.vector_load %arg9[%get3A_902] {strides = array<i32>} : memref<2048xi32, #tpu.memory_space<vmem>>, vector<16xi32>,
    %get3A_904 = vector.shape_cast %get3A_903 : vector<16xi32> to vector<16xi32>
    %mul3A_905 = vector.broadcast %select_n3A : i32 to vector<16xi32>
    %mul3A_906 = arith.muli %get3A_904, %mul3A_905 : vector<16xi32>
    %get3A_907 = arith.constant 848 : index
    %get3A_908 = tpu.vector_load %arg8[%get3A_907] {strides = array<i32>} : memref<2048xi32, #tpu.memory_space<vmem>>, vector<16xi32>,
    %get3A_909 = vector.shape_cast %get3A_908 : vector<16xi32> to vector<16xi32>
    %add3A_910 = arith.addi %mul3A_906, %get3A_909 : vector<16xi32>
    %swap3A_911 = arith.constant 6 : i32
    %swap3A_912 = arith.index_cast %swap3A_911 : i32 to index
    %swap3A_913 = arith.constant 80 : index
    %swap3A_914 = tpu.vector_load %arg10[%swap3A_912, %swap3A_913] {strides = array<i32>} : memref<16x128xi32, #tpu.memory_space<vmem>>, vector<1x16xi32>,
    %swap3A_915 = vector.shape_cast %swap3A_914 : vector<1x16xi32> to vector<16xi32>
    %swap3A_916 = vector.shape_cast %add3A_910 : vector<16xi32> to vector<1x16xi32>
    tpu.vector_store %arg10[%swap3A_912, %swap3A_913], %swap3A_916 {strides = array<i32>} : memref<16x128xi32, #tpu.memory_space<vmem>>, vector<1x16xi32>,
    %get3A_917 = arith.constant 864 : index
    %get3A_918 = tpu.vector_load %arg9[%get3A_917] {strides = array<i32>} : memref<2048xi32, #tpu.memory_space<vmem>>, vector<16xi32>,
    %get3A_919 = vector.shape_cast %get3A_918 : vector<16xi32> to vector<16xi32>
    %mul3A_920 = vector.broadcast %select_n3A : i32 to vector<16xi32>
    %mul3A_921 = arith.muli %get3A_919, %mul3A_920 : vector<16xi32>
    %get3A_922 = arith.constant 864 : index
    %get3A_923 = tpu.vector_load %arg8[%get3A_922] {strides = array<i32>} : memref<2048xi32, #tpu.memory_space<vmem>>, vector<16xi32>,
    %get3A_924 = vector.shape_cast %get3A_923 : vector<16xi32> to vector<16xi32>
    %add3A_925 = arith.addi %mul3A_921, %get3A_924 : vector<16xi32>
    %swap3A_926 = arith.constant 6 : i32
    %swap3A_927 = arith.index_cast %swap3A_926 : i32 to index
    %swap3A_928 = arith.constant 96 : index
    %swap3A_929 = tpu.vector_load %arg10[%swap3A_927, %swap3A_928] {strides = array<i32>} : memref<16x128xi32, #tpu.memory_space<vmem>>, vector<1x16xi32>,
    %swap3A_930 = vector.shape_cast %swap3A_929 : vector<1x16xi32> to vector<16xi32>
    %swap3A_931 = vector.shape_cast %add3A_925 : vector<16xi32> to vector<1x16xi32>
    tpu.vector_store %arg10[%swap3A_927, %swap3A_928], %swap3A_931 {strides = array<i32>} : memref<16x128xi32, #tpu.memory_space<vmem>>, vector<1x16xi32>,
    %get3A_932 = arith.constant 880 : index
    %get3A_933 = tpu.vector_load %arg9[%get3A_932] {strides = array<i32>} : memref<2048xi32, #tpu.memory_space<vmem>>, vector<16xi32>,
    %get3A_934 = vector.shape_cast %get3A_933 : vector<16xi32> to vector<16xi32>
    %mul3A_935 = vector.broadcast %select_n3A : i32 to vector<16xi32>
    %mul3A_936 = arith.muli %get3A_934, %mul3A_935 : vector<16xi32>
    %get3A_937 = arith.constant 880 : index
    %get3A_938 = tpu.vector_load %arg8[%get3A_937] {strides = array<i32>} : memref<2048xi32, #tpu.memory_space<vmem>>, vector<16xi32>,
    %get3A_939 = vector.shape_cast %get3A_938 : vector<16xi32> to vector<16xi32>
    %add3A_940 = arith.addi %mul3A_936, %get3A_939 : vector<16xi32>
    %swap3A_941 = arith.constant 6 : i32
    %swap3A_942 = arith.index_cast %swap3A_941 : i32 to index
    %swap3A_943 = arith.constant 112 : index
    %swap3A_944 = tpu.vector_load %arg10[%swap3A_942, %swap3A_943] {strides = array<i32>} : memref<16x128xi32, #tpu.memory_space<vmem>>, vector<1x16xi32>,
    %swap3A_945 = vector.shape_cast %swap3A_944 : vector<1x16xi32> to vector<16xi32>
    %swap3A_946 = vector.shape_cast %add3A_940 : vector<16xi32> to vector<1x16xi32>
    tpu.vector_store %arg10[%swap3A_942, %swap3A_943], %swap3A_946 {strides = array<i32>} : memref<16x128xi32, #tpu.memory_space<vmem>>, vector<1x16xi32>,
    %get3A_947 = arith.constant 896 : index
    %get3A_948 = tpu.vector_load %arg9[%get3A_947] {strides = array<i32>} : memref<2048xi32, #tpu.memory_space<vmem>>, vector<16xi32>,
    %get3A_949 = vector.shape_cast %get3A_948 : vector<16xi32> to vector<16xi32>
    %mul3A_950 = vector.broadcast %select_n3A : i32 to vector<16xi32>
    %mul3A_951 = arith.muli %get3A_949, %mul3A_950 : vector<16xi32>
    %get3A_952 = arith.constant 896 : index
    %get3A_953 = tpu.vector_load %arg8[%get3A_952] {strides = array<i32>} : memref<2048xi32, #tpu.memory_space<vmem>>, vector<16xi32>,
    %get3A_954 = vector.shape_cast %get3A_953 : vector<16xi32> to vector<16xi32>
    %add3A_955 = arith.addi %mul3A_951, %get3A_954 : vector<16xi32>
    %swap3A_956 = arith.constant 7 : i32
    %swap3A_957 = arith.index_cast %swap3A_956 : i32 to index
    %swap3A_958 = arith.constant 0 : index
    %swap3A_959 = tpu.vector_load %arg10[%swap3A_957, %swap3A_958] {strides = array<i32>} : memref<16x128xi32, #tpu.memory_space<vmem>>, vector<1x16xi32>,
    %swap3A_960 = vector.shape_cast %swap3A_959 : vector<1x16xi32> to vector<16xi32>
    %swap3A_961 = vector.shape_cast %add3A_955 : vector<16xi32> to vector<1x16xi32>
    tpu.vector_store %arg10[%swap3A_957, %swap3A_958], %swap3A_961 {strides = array<i32>} : memref<16x128xi32, #tpu.memory_space<vmem>>, vector<1x16xi32>,
    %get3A_962 = arith.constant 912 : index
    %get3A_963 = tpu.vector_load %arg9[%get3A_962] {strides = array<i32>} : memref<2048xi32, #tpu.memory_space<vmem>>, vector<16xi32>,
    %get3A_964 = vector.shape_cast %get3A_963 : vector<16xi32> to vector<16xi32>
    %mul3A_965 = vector.broadcast %select_n3A : i32 to vector<16xi32>
    %mul3A_966 = arith.muli %get3A_964, %mul3A_965 : vector<16xi32>
    %get3A_967 = arith.constant 912 : index
    %get3A_968 = tpu.vector_load %arg8[%get3A_967] {strides = array<i32>} : memref<2048xi32, #tpu.memory_space<vmem>>, vector<16xi32>,
    %get3A_969 = vector.shape_cast %get3A_968 : vector<16xi32> to vector<16xi32>
    %add3A_970 = arith.addi %mul3A_966, %get3A_969 : vector<16xi32>
    %swap3A_971 = arith.constant 7 : i32
    %swap3A_972 = arith.index_cast %swap3A_971 : i32 to index
    %swap3A_973 = arith.constant 16 : index
    %swap3A_974 = tpu.vector_load %arg10[%swap3A_972, %swap3A_973] {strides = array<i32>} : memref<16x128xi32, #tpu.memory_space<vmem>>, vector<1x16xi32>,
    %swap3A_975 = vector.shape_cast %swap3A_974 : vector<1x16xi32> to vector<16xi32>
    %swap3A_976 = vector.shape_cast %add3A_970 : vector<16xi32> to vector<1x16xi32>
    tpu.vector_store %arg10[%swap3A_972, %swap3A_973], %swap3A_976 {strides = array<i32>} : memref<16x128xi32, #tpu.memory_space<vmem>>, vector<1x16xi32>,
    %get3A_977 = arith.constant 928 : index
    %get3A_978 = tpu.vector_load %arg9[%get3A_977] {strides = array<i32>} : memref<2048xi32, #tpu.memory_space<vmem>>, vector<16xi32>,
    %get3A_979 = vector.shape_cast %get3A_978 : vector<16xi32> to vector<16xi32>
    %mul3A_980 = vector.broadcast %select_n3A : i32 to vector<16xi32>
    %mul3A_981 = arith.muli %get3A_979, %mul3A_980 : vector<16xi32>
    %get3A_982 = arith.constant 928 : index
    %get3A_983 = tpu.vector_load %arg8[%get3A_982] {strides = array<i32>} : memref<2048xi32, #tpu.memory_space<vmem>>, vector<16xi32>,
    %get3A_984 = vector.shape_cast %get3A_983 : vector<16xi32> to vector<16xi32>
    %add3A_985 = arith.addi %mul3A_981, %get3A_984 : vector<16xi32>
    %swap3A_986 = arith.constant 7 : i32
    %swap3A_987 = arith.index_cast %swap3A_986 : i32 to index
    %swap3A_988 = arith.constant 32 : index
    %swap3A_989 = tpu.vector_load %arg10[%swap3A_987, %swap3A_988] {strides = array<i32>} : memref<16x128xi32, #tpu.memory_space<vmem>>, vector<1x16xi32>,
    %swap3A_990 = vector.shape_cast %swap3A_989 : vector<1x16xi32> to vector<16xi32>
    %swap3A_991 = vector.shape_cast %add3A_985 : vector<16xi32> to vector<1x16xi32>
    tpu.vector_store %arg10[%swap3A_987, %swap3A_988], %swap3A_991 {strides = array<i32>} : memref<16x128xi32, #tpu.memory_space<vmem>>, vector<1x16xi32>,
    %get3A_992 = arith.constant 944 : index
    %get3A_993 = tpu.vector_load %arg9[%get3A_992] {strides = array<i32>} : memref<2048xi32, #tpu.memory_space<vmem>>, vector<16xi32>,
    %get3A_994 = vector.shape_cast %get3A_993 : vector<16xi32> to vector<16xi32>
    %mul3A_995 = vector.broadcast %select_n3A : i32 to vector<16xi32>
    %mul3A_996 = arith.muli %get3A_994, %mul3A_995 : vector<16xi32>
    %get3A_997 = arith.constant 944 : index
    %get3A_998 = tpu.vector_load %arg8[%get3A_997] {strides = array<i32>} : memref<2048xi32, #tpu.memory_space<vmem>>, vector<16xi32>,
    %get3A_999 = vector.shape_cast %get3A_998 : vector<16xi32> to vector<16xi32>
    %add3A_1000 = arith.addi %mul3A_996, %get3A_999 : vector<16xi32>
    %swap3A_1001 = arith.constant 7 : i32
    %swap3A_1002 = arith.index_cast %swap3A_1001 : i32 to index
    %swap3A_1003 = arith.constant 48 : index
    %swap3A_1004 = tpu.vector_load %arg10[%swap3A_1002, %swap3A_1003] {strides = array<i32>} : memref<16x128xi32, #tpu.memory_space<vmem>>, vector<1x16xi32>,
    %swap3A_1005 = vector.shape_cast %swap3A_1004 : vector<1x16xi32> to vector<16xi32>
    %swap3A_1006 = vector.shape_cast %add3A_1000 : vector<16xi32> to vector<1x16xi32>
    tpu.vector_store %arg10[%swap3A_1002, %swap3A_1003], %swap3A_1006 {strides = array<i32>} : memref<16x128xi32, #tpu.memory_space<vmem>>, vector<1x16xi32>,
    %get3A_1007 = arith.constant 960 : index
    %get3A_1008 = tpu.vector_load %arg9[%get3A_1007] {strides = array<i32>} : memref<2048xi32, #tpu.memory_space<vmem>>, vector<16xi32>,
    %get3A_1009 = vector.shape_cast %get3A_1008 : vector<16xi32> to vector<16xi32>
    %mul3A_1010 = vector.broadcast %select_n3A : i32 to vector<16xi32>
    %mul3A_1011 = arith.muli %get3A_1009, %mul3A_1010 : vector<16xi32>
    %get3A_1012 = arith.constant 960 : index
    %get3A_1013 = tpu.vector_load %arg8[%get3A_1012] {strides = array<i32>} : memref<2048xi32, #tpu.memory_space<vmem>>, vector<16xi32>,
    %get3A_1014 = vector.shape_cast %get3A_1013 : vector<16xi32> to vector<16xi32>
    %add3A_1015 = arith.addi %mul3A_1011, %get3A_1014 : vector<16xi32>
    %swap3A_1016 = arith.constant 7 : i32
    %swap3A_1017 = arith.index_cast %swap3A_1016 : i32 to index
    %swap3A_1018 = arith.constant 64 : index
    %swap3A_1019 = tpu.vector_load %arg10[%swap3A_1017, %swap3A_1018] {strides = array<i32>} : memref<16x128xi32, #tpu.memory_space<vmem>>, vector<1x16xi32>,
    %swap3A_1020 = vector.shape_cast %swap3A_1019 : vector<1x16xi32> to vector<16xi32>
    %swap3A_1021 = vector.shape_cast %add3A_1015 : vector<16xi32> to vector<1x16xi32>
    tpu.vector_store %arg10[%swap3A_1017, %swap3A_1018], %swap3A_1021 {strides = array<i32>} : memref<16x128xi32, #tpu.memory_space<vmem>>, vector<1x16xi32>,
    %get3A_1022 = arith.constant 976 : index
    %get3A_1023 = tpu.vector_load %arg9[%get3A_1022] {strides = array<i32>} : memref<2048xi32, #tpu.memory_space<vmem>>, vector<16xi32>,
    %get3A_1024 = vector.shape_cast %get3A_1023 : vector<16xi32> to vector<16xi32>
    %mul3A_1025 = vector.broadcast %select_n3A : i32 to vector<16xi32>
    %mul3A_1026 = arith.muli %get3A_1024, %mul3A_1025 : vector<16xi32>
    %get3A_1027 = arith.constant 976 : index
    %get3A_1028 = tpu.vector_load %arg8[%get3A_1027] {strides = array<i32>} : memref<2048xi32, #tpu.memory_space<vmem>>, vector<16xi32>,
    %get3A_1029 = vector.shape_cast %get3A_1028 : vector<16xi32> to vector<16xi32>
    %add3A_1030 = arith.addi %mul3A_1026, %get3A_1029 : vector<16xi32>
    %swap3A_1031 = arith.constant 7 : i32
    %swap3A_1032 = arith.index_cast %swap3A_1031 : i32 to index
    %swap3A_1033 = arith.constant 80 : index
    %swap3A_1034 = tpu.vector_load %arg10[%swap3A_1032, %swap3A_1033] {strides = array<i32>} : memref<16x128xi32, #tpu.memory_space<vmem>>, vector<1x16xi32>,
    %swap3A_1035 = vector.shape_cast %swap3A_1034 : vector<1x16xi32> to vector<16xi32>
    %swap3A_1036 = vector.shape_cast %add3A_1030 : vector<16xi32> to vector<1x16xi32>
    tpu.vector_store %arg10[%swap3A_1032, %swap3A_1033], %swap3A_1036 {strides = array<i32>} : memref<16x128xi32, #tpu.memory_space<vmem>>, vector<1x16xi32>,
    %get3A_1037 = arith.constant 992 : index
    %get3A_1038 = tpu.vector_load %arg9[%get3A_1037] {strides = array<i32>} : memref<2048xi32, #tpu.memory_space<vmem>>, vector<16xi32>,
    %get3A_1039 = vector.shape_cast %get3A_1038 : vector<16xi32> to vector<16xi32>
    %mul3A_1040 = vector.broadcast %select_n3A : i32 to vector<16xi32>
    %mul3A_1041 = arith.muli %get3A_1039, %mul3A_1040 : vector<16xi32>
    %get3A_1042 = arith.constant 992 : index
    %get3A_1043 = tpu.vector_load %arg8[%get3A_1042] {strides = array<i32>} : memref<2048xi32, #tpu.memory_space<vmem>>, vector<16xi32>,
    %get3A_1044 = vector.shape_cast %get3A_1043 : vector<16xi32> to vector<16xi32>
    %add3A_1045 = arith.addi %mul3A_1041, %get3A_1044 : vector<16xi32>
    %swap3A_1046 = arith.constant 7 : i32
    %swap3A_1047 = arith.index_cast %swap3A_1046 : i32 to index
    %swap3A_1048 = arith.constant 96 : index
    %swap3A_1049 = tpu.vector_load %arg10[%swap3A_1047, %swap3A_1048] {strides = array<i32>} : memref<16x128xi32, #tpu.memory_space<vmem>>, vector<1x16xi32>,
    %swap3A_1050 = vector.shape_cast %swap3A_1049 : vector<1x16xi32> to vector<16xi32>
    %swap3A_1051 = vector.shape_cast %add3A_1045 : vector<16xi32> to vector<1x16xi32>
    tpu.vector_store %arg10[%swap3A_1047, %swap3A_1048], %swap3A_1051 {strides = array<i32>} : memref<16x128xi32, #tpu.memory_space<vmem>>, vector<1x16xi32>,
    %get3A_1052 = arith.constant 1008 : index
    %get3A_1053 = tpu.vector_load %arg9[%get3A_1052] {strides = array<i32>} : memref<2048xi32, #tpu.memory_space<vmem>>, vector<16xi32>,
    %get3A_1054 = vector.shape_cast %get3A_1053 : vector<16xi32> to vector<16xi32>
    %mul3A_1055 = vector.broadcast %select_n3A : i32 to vector<16xi32>
    %mul3A_1056 = arith.muli %get3A_1054, %mul3A_1055 : vector<16xi32>
    %get3A_1057 = arith.constant 1008 : index
    %get3A_1058 = tpu.vector_load %arg8[%get3A_1057] {strides = array<i32>} : memref<2048xi32, #tpu.memory_space<vmem>>, vector<16xi32>,
    %get3A_1059 = vector.shape_cast %get3A_1058 : vector<16xi32> to vector<16xi32>
    %add3A_1060 = arith.addi %mul3A_1056, %get3A_1059 : vector<16xi32>
    %swap3A_1061 = arith.constant 7 : i32
    %swap3A_1062 = arith.index_cast %swap3A_1061 : i32 to index
    %swap3A_1063 = arith.constant 112 : index
    %swap3A_1064 = tpu.vector_load %arg10[%swap3A_1062, %swap3A_1063] {strides = array<i32>} : memref<16x128xi32, #tpu.memory_space<vmem>>, vector<1x16xi32>,
    %swap3A_1065 = vector.shape_cast %swap3A_1064 : vector<1x16xi32> to vector<16xi32>
    %swap3A_1066 = vector.shape_cast %add3A_1060 : vector<16xi32> to vector<1x16xi32>
    tpu.vector_store %arg10[%swap3A_1062, %swap3A_1063], %swap3A_1066 {strides = array<i32>} : memref<16x128xi32, #tpu.memory_space<vmem>>, vector<1x16xi32>,
    %get3A_1067 = arith.constant 1024 : index
    %get3A_1068 = tpu.vector_load %arg9[%get3A_1067] {strides = array<i32>} : memref<2048xi32, #tpu.memory_space<vmem>>, vector<16xi32>,
    %get3A_1069 = vector.shape_cast %get3A_1068 : vector<16xi32> to vector<16xi32>
    %mul3A_1070 = vector.broadcast %select_n3A : i32 to vector<16xi32>
    %mul3A_1071 = arith.muli %get3A_1069, %mul3A_1070 : vector<16xi32>
    %get3A_1072 = arith.constant 1024 : index
    %get3A_1073 = tpu.vector_load %arg8[%get3A_1072] {strides = array<i32>} : memref<2048xi32, #tpu.memory_space<vmem>>, vector<16xi32>,
    %get3A_1074 = vector.shape_cast %get3A_1073 : vector<16xi32> to vector<16xi32>
    %add3A_1075 = arith.addi %mul3A_1071, %get3A_1074 : vector<16xi32>
    %swap3A_1076 = arith.constant 8 : i32
    %swap3A_1077 = arith.index_cast %swap3A_1076 : i32 to index
    %swap3A_1078 = arith.constant 0 : index
    %swap3A_1079 = tpu.vector_load %arg10[%swap3A_1077, %swap3A_1078] {strides = array<i32>} : memref<16x128xi32, #tpu.memory_space<vmem>>, vector<1x16xi32>,
    %swap3A_1080 = vector.shape_cast %swap3A_1079 : vector<1x16xi32> to vector<16xi32>
    %swap3A_1081 = vector.shape_cast %add3A_1075 : vector<16xi32> to vector<1x16xi32>
    tpu.vector_store %arg10[%swap3A_1077, %swap3A_1078], %swap3A_1081 {strides = array<i32>} : memref<16x128xi32, #tpu.memory_space<vmem>>, vector<1x16xi32>,
    %get3A_1082 = arith.constant 1040 : index
    %get3A_1083 = tpu.vector_load %arg9[%get3A_1082] {strides = array<i32>} : memref<2048xi32, #tpu.memory_space<vmem>>, vector<16xi32>,
    %get3A_1084 = vector.shape_cast %get3A_1083 : vector<16xi32> to vector<16xi32>
    %mul3A_1085 = vector.broadcast %select_n3A : i32 to vector<16xi32>
    %mul3A_1086 = arith.muli %get3A_1084, %mul3A_1085 : vector<16xi32>
    %get3A_1087 = arith.constant 1040 : index
    %get3A_1088 = tpu.vector_load %arg8[%get3A_1087] {strides = array<i32>} : memref<2048xi32, #tpu.memory_space<vmem>>, vector<16xi32>,
    %get3A_1089 = vector.shape_cast %get3A_1088 : vector<16xi32> to vector<16xi32>
    %add3A_1090 = arith.addi %mul3A_1086, %get3A_1089 : vector<16xi32>
    %swap3A_1091 = arith.constant 8 : i32
    %swap3A_1092 = arith.index_cast %swap3A_1091 : i32 to index
    %swap3A_1093 = arith.constant 16 : index
    %swap3A_1094 = tpu.vector_load %arg10[%swap3A_1092, %swap3A_1093] {strides = array<i32>} : memref<16x128xi32, #tpu.memory_space<vmem>>, vector<1x16xi32>,
    %swap3A_1095 = vector.shape_cast %swap3A_1094 : vector<1x16xi32> to vector<16xi32>
    %swap3A_1096 = vector.shape_cast %add3A_1090 : vector<16xi32> to vector<1x16xi32>
    tpu.vector_store %arg10[%swap3A_1092, %swap3A_1093], %swap3A_1096 {strides = array<i32>} : memref<16x128xi32, #tpu.memory_space<vmem>>, vector<1x16xi32>,
    %get3A_1097 = arith.constant 1056 : index
    %get3A_1098 = tpu.vector_load %arg9[%get3A_1097] {strides = array<i32>} : memref<2048xi32, #tpu.memory_space<vmem>>, vector<16xi32>,
    %get3A_1099 = vector.shape_cast %get3A_1098 : vector<16xi32> to vector<16xi32>
    %mul3A_1100 = vector.broadcast %select_n3A : i32 to vector<16xi32>
    %mul3A_1101 = arith.muli %get3A_1099, %mul3A_1100 : vector<16xi32>
    %get3A_1102 = arith.constant 1056 : index
    %get3A_1103 = tpu.vector_load %arg8[%get3A_1102] {strides = array<i32>} : memref<2048xi32, #tpu.memory_space<vmem>>, vector<16xi32>,
    %get3A_1104 = vector.shape_cast %get3A_1103 : vector<16xi32> to vector<16xi32>
    %add3A_1105 = arith.addi %mul3A_1101, %get3A_1104 : vector<16xi32>
    %swap3A_1106 = arith.constant 8 : i32
    %swap3A_1107 = arith.index_cast %swap3A_1106 : i32 to index
    %swap3A_1108 = arith.constant 32 : index
    %swap3A_1109 = tpu.vector_load %arg10[%swap3A_1107, %swap3A_1108] {strides = array<i32>} : memref<16x128xi32, #tpu.memory_space<vmem>>, vector<1x16xi32>,
    %swap3A_1110 = vector.shape_cast %swap3A_1109 : vector<1x16xi32> to vector<16xi32>
    %swap3A_1111 = vector.shape_cast %add3A_1105 : vector<16xi32> to vector<1x16xi32>
    tpu.vector_store %arg10[%swap3A_1107, %swap3A_1108], %swap3A_1111 {strides = array<i32>} : memref<16x128xi32, #tpu.memory_space<vmem>>, vector<1x16xi32>,
    %get3A_1112 = arith.constant 1072 : index
    %get3A_1113 = tpu.vector_load %arg9[%get3A_1112] {strides = array<i32>} : memref<2048xi32, #tpu.memory_space<vmem>>, vector<16xi32>,
    %get3A_1114 = vector.shape_cast %get3A_1113 : vector<16xi32> to vector<16xi32>
    %mul3A_1115 = vector.broadcast %select_n3A : i32 to vector<16xi32>
    %mul3A_1116 = arith.muli %get3A_1114, %mul3A_1115 : vector<16xi32>
    %get3A_1117 = arith.constant 1072 : index
    %get3A_1118 = tpu.vector_load %arg8[%get3A_1117] {strides = array<i32>} : memref<2048xi32, #tpu.memory_space<vmem>>, vector<16xi32>,
    %get3A_1119 = vector.shape_cast %get3A_1118 : vector<16xi32> to vector<16xi32>
    %add3A_1120 = arith.addi %mul3A_1116, %get3A_1119 : vector<16xi32>
    %swap3A_1121 = arith.constant 8 : i32
    %swap3A_1122 = arith.index_cast %swap3A_1121 : i32 to index
    %swap3A_1123 = arith.constant 48 : index
    %swap3A_1124 = tpu.vector_load %arg10[%swap3A_1122, %swap3A_1123] {strides = array<i32>} : memref<16x128xi32, #tpu.memory_space<vmem>>, vector<1x16xi32>,
    %swap3A_1125 = vector.shape_cast %swap3A_1124 : vector<1x16xi32> to vector<16xi32>
    %swap3A_1126 = vector.shape_cast %add3A_1120 : vector<16xi32> to vector<1x16xi32>
    tpu.vector_store %arg10[%swap3A_1122, %swap3A_1123], %swap3A_1126 {strides = array<i32>} : memref<16x128xi32, #tpu.memory_space<vmem>>, vector<1x16xi32>,
    %get3A_1127 = arith.constant 1088 : index
    %get3A_1128 = tpu.vector_load %arg9[%get3A_1127] {strides = array<i32>} : memref<2048xi32, #tpu.memory_space<vmem>>, vector<16xi32>,
    %get3A_1129 = vector.shape_cast %get3A_1128 : vector<16xi32> to vector<16xi32>
    %mul3A_1130 = vector.broadcast %select_n3A : i32 to vector<16xi32>
    %mul3A_1131 = arith.muli %get3A_1129, %mul3A_1130 : vector<16xi32>
    %get3A_1132 = arith.constant 1088 : index
    %get3A_1133 = tpu.vector_load %arg8[%get3A_1132] {strides = array<i32>} : memref<2048xi32, #tpu.memory_space<vmem>>, vector<16xi32>,
    %get3A_1134 = vector.shape_cast %get3A_1133 : vector<16xi32> to vector<16xi32>
    %add3A_1135 = arith.addi %mul3A_1131, %get3A_1134 : vector<16xi32>
    %swap3A_1136 = arith.constant 8 : i32
    %swap3A_1137 = arith.index_cast %swap3A_1136 : i32 to index
    %swap3A_1138 = arith.constant 64 : index
    %swap3A_1139 = tpu.vector_load %arg10[%swap3A_1137, %swap3A_1138] {strides = array<i32>} : memref<16x128xi32, #tpu.memory_space<vmem>>, vector<1x16xi32>,
    %swap3A_1140 = vector.shape_cast %swap3A_1139 : vector<1x16xi32> to vector<16xi32>
    %swap3A_1141 = vector.shape_cast %add3A_1135 : vector<16xi32> to vector<1x16xi32>
    tpu.vector_store %arg10[%swap3A_1137, %swap3A_1138], %swap3A_1141 {strides = array<i32>} : memref<16x128xi32, #tpu.memory_space<vmem>>, vector<1x16xi32>,
    %get3A_1142 = arith.constant 1104 : index
    %get3A_1143 = tpu.vector_load %arg9[%get3A_1142] {strides = array<i32>} : memref<2048xi32, #tpu.memory_space<vmem>>, vector<16xi32>,
    %get3A_1144 = vector.shape_cast %get3A_1143 : vector<16xi32> to vector<16xi32>
    %mul3A_1145 = vector.broadcast %select_n3A : i32 to vector<16xi32>
    %mul3A_1146 = arith.muli %get3A_1144, %mul3A_1145 : vector<16xi32>
    %get3A_1147 = arith.constant 1104 : index
    %get3A_1148 = tpu.vector_load %arg8[%get3A_1147] {strides = array<i32>} : memref<2048xi32, #tpu.memory_space<vmem>>, vector<16xi32>,
    %get3A_1149 = vector.shape_cast %get3A_1148 : vector<16xi32> to vector<16xi32>
    %add3A_1150 = arith.addi %mul3A_1146, %get3A_1149 : vector<16xi32>
    %swap3A_1151 = arith.constant 8 : i32
    %swap3A_1152 = arith.index_cast %swap3A_1151 : i32 to index
    %swap3A_1153 = arith.constant 80 : index
    %swap3A_1154 = tpu.vector_load %arg10[%swap3A_1152, %swap3A_1153] {strides = array<i32>} : memref<16x128xi32, #tpu.memory_space<vmem>>, vector<1x16xi32>,
    %swap3A_1155 = vector.shape_cast %swap3A_1154 : vector<1x16xi32> to vector<16xi32>
    %swap3A_1156 = vector.shape_cast %add3A_1150 : vector<16xi32> to vector<1x16xi32>
    tpu.vector_store %arg10[%swap3A_1152, %swap3A_1153], %swap3A_1156 {strides = array<i32>} : memref<16x128xi32, #tpu.memory_space<vmem>>, vector<1x16xi32>,
    %get3A_1157 = arith.constant 1120 : index
    %get3A_1158 = tpu.vector_load %arg9[%get3A_1157] {strides = array<i32>} : memref<2048xi32, #tpu.memory_space<vmem>>, vector<16xi32>,
    %get3A_1159 = vector.shape_cast %get3A_1158 : vector<16xi32> to vector<16xi32>
    %mul3A_1160 = vector.broadcast %select_n3A : i32 to vector<16xi32>
    %mul3A_1161 = arith.muli %get3A_1159, %mul3A_1160 : vector<16xi32>
    %get3A_1162 = arith.constant 1120 : index
    %get3A_1163 = tpu.vector_load %arg8[%get3A_1162] {strides = array<i32>} : memref<2048xi32, #tpu.memory_space<vmem>>, vector<16xi32>,
    %get3A_1164 = vector.shape_cast %get3A_1163 : vector<16xi32> to vector<16xi32>
    %add3A_1165 = arith.addi %mul3A_1161, %get3A_1164 : vector<16xi32>
    %swap3A_1166 = arith.constant 8 : i32
    %swap3A_1167 = arith.index_cast %swap3A_1166 : i32 to index
    %swap3A_1168 = arith.constant 96 : index
    %swap3A_1169 = tpu.vector_load %arg10[%swap3A_1167, %swap3A_1168] {strides = array<i32>} : memref<16x128xi32, #tpu.memory_space<vmem>>, vector<1x16xi32>,
    %swap3A_1170 = vector.shape_cast %swap3A_1169 : vector<1x16xi32> to vector<16xi32>
    %swap3A_1171 = vector.shape_cast %add3A_1165 : vector<16xi32> to vector<1x16xi32>
    tpu.vector_store %arg10[%swap3A_1167, %swap3A_1168], %swap3A_1171 {strides = array<i32>} : memref<16x128xi32, #tpu.memory_space<vmem>>, vector<1x16xi32>,
    %get3A_1172 = arith.constant 1136 : index
    %get3A_1173 = tpu.vector_load %arg9[%get3A_1172] {strides = array<i32>} : memref<2048xi32, #tpu.memory_space<vmem>>, vector<16xi32>,
    %get3A_1174 = vector.shape_cast %get3A_1173 : vector<16xi32> to vector<16xi32>
    %mul3A_1175 = vector.broadcast %select_n3A : i32 to vector<16xi32>
    %mul3A_1176 = arith.muli %get3A_1174, %mul3A_1175 : vector<16xi32>
    %get3A_1177 = arith.constant 1136 : index
    %get3A_1178 = tpu.vector_load %arg8[%get3A_1177] {strides = array<i32>} : memref<2048xi32, #tpu.memory_space<vmem>>, vector<16xi32>,
    %get3A_1179 = vector.shape_cast %get3A_1178 : vector<16xi32> to vector<16xi32>
    %add3A_1180 = arith.addi %mul3A_1176, %get3A_1179 : vector<16xi32>
    %swap3A_1181 = arith.constant 8 : i32
    %swap3A_1182 = arith.index_cast %swap3A_1181 : i32 to index
    %swap3A_1183 = arith.constant 112 : index
    %swap3A_1184 = tpu.vector_load %arg10[%swap3A_1182, %swap3A_1183] {strides = array<i32>} : memref<16x128xi32, #tpu.memory_space<vmem>>, vector<1x16xi32>,
    %swap3A_1185 = vector.shape_cast %swap3A_1184 : vector<1x16xi32> to vector<16xi32>
    %swap3A_1186 = vector.shape_cast %add3A_1180 : vector<16xi32> to vector<1x16xi32>
    tpu.vector_store %arg10[%swap3A_1182, %swap3A_1183], %swap3A_1186 {strides = array<i32>} : memref<16x128xi32, #tpu.memory_space<vmem>>, vector<1x16xi32>,
    %get3A_1187 = arith.constant 1152 : index
    %get3A_1188 = tpu.vector_load %arg9[%get3A_1187] {strides = array<i32>} : memref<2048xi32, #tpu.memory_space<vmem>>, vector<16xi32>,
    %get3A_1189 = vector.shape_cast %get3A_1188 : vector<16xi32> to vector<16xi32>
    %mul3A_1190 = vector.broadcast %select_n3A : i32 to vector<16xi32>
    %mul3A_1191 = arith.muli %get3A_1189, %mul3A_1190 : vector<16xi32>
    %get3A_1192 = arith.constant 1152 : index
    %get3A_1193 = tpu.vector_load %arg8[%get3A_1192] {strides = array<i32>} : memref<2048xi32, #tpu.memory_space<vmem>>, vector<16xi32>,
    %get3A_1194 = vector.shape_cast %get3A_1193 : vector<16xi32> to vector<16xi32>
    %add3A_1195 = arith.addi %mul3A_1191, %get3A_1194 : vector<16xi32>
    %swap3A_1196 = arith.constant 9 : i32
    %swap3A_1197 = arith.index_cast %swap3A_1196 : i32 to index
    %swap3A_1198 = arith.constant 0 : index
    %swap3A_1199 = tpu.vector_load %arg10[%swap3A_1197, %swap3A_1198] {strides = array<i32>} : memref<16x128xi32, #tpu.memory_space<vmem>>, vector<1x16xi32>,
    %swap3A_1200 = vector.shape_cast %swap3A_1199 : vector<1x16xi32> to vector<16xi32>
    %swap3A_1201 = vector.shape_cast %add3A_1195 : vector<16xi32> to vector<1x16xi32>
    tpu.vector_store %arg10[%swap3A_1197, %swap3A_1198], %swap3A_1201 {strides = array<i32>} : memref<16x128xi32, #tpu.memory_space<vmem>>, vector<1x16xi32>,
    %get3A_1202 = arith.constant 1168 : index
    %get3A_1203 = tpu.vector_load %arg9[%get3A_1202] {strides = array<i32>} : memref<2048xi32, #tpu.memory_space<vmem>>, vector<16xi32>,
    %get3A_1204 = vector.shape_cast %get3A_1203 : vector<16xi32> to vector<16xi32>
    %mul3A_1205 = vector.broadcast %select_n3A : i32 to vector<16xi32>
    %mul3A_1206 = arith.muli %get3A_1204, %mul3A_1205 : vector<16xi32>
    %get3A_1207 = arith.constant 1168 : index
    %get3A_1208 = tpu.vector_load %arg8[%get3A_1207] {strides = array<i32>} : memref<2048xi32, #tpu.memory_space<vmem>>, vector<16xi32>,
    %get3A_1209 = vector.shape_cast %get3A_1208 : vector<16xi32> to vector<16xi32>
    %add3A_1210 = arith.addi %mul3A_1206, %get3A_1209 : vector<16xi32>
    %swap3A_1211 = arith.constant 9 : i32
    %swap3A_1212 = arith.index_cast %swap3A_1211 : i32 to index
    %swap3A_1213 = arith.constant 16 : index
    %swap3A_1214 = tpu.vector_load %arg10[%swap3A_1212, %swap3A_1213] {strides = array<i32>} : memref<16x128xi32, #tpu.memory_space<vmem>>, vector<1x16xi32>,
    %swap3A_1215 = vector.shape_cast %swap3A_1214 : vector<1x16xi32> to vector<16xi32>
    %swap3A_1216 = vector.shape_cast %add3A_1210 : vector<16xi32> to vector<1x16xi32>
    tpu.vector_store %arg10[%swap3A_1212, %swap3A_1213], %swap3A_1216 {strides = array<i32>} : memref<16x128xi32, #tpu.memory_space<vmem>>, vector<1x16xi32>,
    %get3A_1217 = arith.constant 1184 : index
    %get3A_1218 = tpu.vector_load %arg9[%get3A_1217] {strides = array<i32>} : memref<2048xi32, #tpu.memory_space<vmem>>, vector<16xi32>,
    %get3A_1219 = vector.shape_cast %get3A_1218 : vector<16xi32> to vector<16xi32>
    %mul3A_1220 = vector.broadcast %select_n3A : i32 to vector<16xi32>
    %mul3A_1221 = arith.muli %get3A_1219, %mul3A_1220 : vector<16xi32>
    %get3A_1222 = arith.constant 1184 : index
    %get3A_1223 = tpu.vector_load %arg8[%get3A_1222] {strides = array<i32>} : memref<2048xi32, #tpu.memory_space<vmem>>, vector<16xi32>,
    %get3A_1224 = vector.shape_cast %get3A_1223 : vector<16xi32> to vector<16xi32>
    %add3A_1225 = arith.addi %mul3A_1221, %get3A_1224 : vector<16xi32>
    %swap3A_1226 = arith.constant 9 : i32
    %swap3A_1227 = arith.index_cast %swap3A_1226 : i32 to index
    %swap3A_1228 = arith.constant 32 : index
    %swap3A_1229 = tpu.vector_load %arg10[%swap3A_1227, %swap3A_1228] {strides = array<i32>} : memref<16x128xi32, #tpu.memory_space<vmem>>, vector<1x16xi32>,
    %swap3A_1230 = vector.shape_cast %swap3A_1229 : vector<1x16xi32> to vector<16xi32>
    %swap3A_1231 = vector.shape_cast %add3A_1225 : vector<16xi32> to vector<1x16xi32>
    tpu.vector_store %arg10[%swap3A_1227, %swap3A_1228], %swap3A_1231 {strides = array<i32>} : memref<16x128xi32, #tpu.memory_space<vmem>>, vector<1x16xi32>,
    %get3A_1232 = arith.constant 1200 : index
    %get3A_1233 = tpu.vector_load %arg9[%get3A_1232] {strides = array<i32>} : memref<2048xi32, #tpu.memory_space<vmem>>, vector<16xi32>,
    %get3A_1234 = vector.shape_cast %get3A_1233 : vector<16xi32> to vector<16xi32>
    %mul3A_1235 = vector.broadcast %select_n3A : i32 to vector<16xi32>
    %mul3A_1236 = arith.muli %get3A_1234, %mul3A_1235 : vector<16xi32>
    %get3A_1237 = arith.constant 1200 : index
    %get3A_1238 = tpu.vector_load %arg8[%get3A_1237] {strides = array<i32>} : memref<2048xi32, #tpu.memory_space<vmem>>, vector<16xi32>,
    %get3A_1239 = vector.shape_cast %get3A_1238 : vector<16xi32> to vector<16xi32>
    %add3A_1240 = arith.addi %mul3A_1236, %get3A_1239 : vector<16xi32>
    %swap3A_1241 = arith.constant 9 : i32
    %swap3A_1242 = arith.index_cast %swap3A_1241 : i32 to index
    %swap3A_1243 = arith.constant 48 : index
    %swap3A_1244 = tpu.vector_load %arg10[%swap3A_1242, %swap3A_1243] {strides = array<i32>} : memref<16x128xi32, #tpu.memory_space<vmem>>, vector<1x16xi32>,
    %swap3A_1245 = vector.shape_cast %swap3A_1244 : vector<1x16xi32> to vector<16xi32>
    %swap3A_1246 = vector.shape_cast %add3A_1240 : vector<16xi32> to vector<1x16xi32>
    tpu.vector_store %arg10[%swap3A_1242, %swap3A_1243], %swap3A_1246 {strides = array<i32>} : memref<16x128xi32, #tpu.memory_space<vmem>>, vector<1x16xi32>,
    %get3A_1247 = arith.constant 1216 : index
    %get3A_1248 = tpu.vector_load %arg9[%get3A_1247] {strides = array<i32>} : memref<2048xi32, #tpu.memory_space<vmem>>, vector<16xi32>,
    %get3A_1249 = vector.shape_cast %get3A_1248 : vector<16xi32> to vector<16xi32>
    %mul3A_1250 = vector.broadcast %select_n3A : i32 to vector<16xi32>
    %mul3A_1251 = arith.muli %get3A_1249, %mul3A_1250 : vector<16xi32>
    %get3A_1252 = arith.constant 1216 : index
    %get3A_1253 = tpu.vector_load %arg8[%get3A_1252] {strides = array<i32>} : memref<2048xi32, #tpu.memory_space<vmem>>, vector<16xi32>,
    %get3A_1254 = vector.shape_cast %get3A_1253 : vector<16xi32> to vector<16xi32>
    %add3A_1255 = arith.addi %mul3A_1251, %get3A_1254 : vector<16xi32>
    %swap3A_1256 = arith.constant 9 : i32
    %swap3A_1257 = arith.index_cast %swap3A_1256 : i32 to index
    %swap3A_1258 = arith.constant 64 : index
    %swap3A_1259 = tpu.vector_load %arg10[%swap3A_1257, %swap3A_1258] {strides = array<i32>} : memref<16x128xi32, #tpu.memory_space<vmem>>, vector<1x16xi32>,
    %swap3A_1260 = vector.shape_cast %swap3A_1259 : vector<1x16xi32> to vector<16xi32>
    %swap3A_1261 = vector.shape_cast %add3A_1255 : vector<16xi32> to vector<1x16xi32>
    tpu.vector_store %arg10[%swap3A_1257, %swap3A_1258], %swap3A_1261 {strides = array<i32>} : memref<16x128xi32, #tpu.memory_space<vmem>>, vector<1x16xi32>,
    %get3A_1262 = arith.constant 1232 : index
    %get3A_1263 = tpu.vector_load %arg9[%get3A_1262] {strides = array<i32>} : memref<2048xi32, #tpu.memory_space<vmem>>, vector<16xi32>,
    %get3A_1264 = vector.shape_cast %get3A_1263 : vector<16xi32> to vector<16xi32>
    %mul3A_1265 = vector.broadcast %select_n3A : i32 to vector<16xi32>
    %mul3A_1266 = arith.muli %get3A_1264, %mul3A_1265 : vector<16xi32>
    %get3A_1267 = arith.constant 1232 : index
    %get3A_1268 = tpu.vector_load %arg8[%get3A_1267] {strides = array<i32>} : memref<2048xi32, #tpu.memory_space<vmem>>, vector<16xi32>,
    %get3A_1269 = vector.shape_cast %get3A_1268 : vector<16xi32> to vector<16xi32>
    %add3A_1270 = arith.addi %mul3A_1266, %get3A_1269 : vector<16xi32>
    %swap3A_1271 = arith.constant 9 : i32
    %swap3A_1272 = arith.index_cast %swap3A_1271 : i32 to index
    %swap3A_1273 = arith.constant 80 : index
    %swap3A_1274 = tpu.vector_load %arg10[%swap3A_1272, %swap3A_1273] {strides = array<i32>} : memref<16x128xi32, #tpu.memory_space<vmem>>, vector<1x16xi32>,
    %swap3A_1275 = vector.shape_cast %swap3A_1274 : vector<1x16xi32> to vector<16xi32>
    %swap3A_1276 = vector.shape_cast %add3A_1270 : vector<16xi32> to vector<1x16xi32>
    tpu.vector_store %arg10[%swap3A_1272, %swap3A_1273], %swap3A_1276 {strides = array<i32>} : memref<16x128xi32, #tpu.memory_space<vmem>>, vector<1x16xi32>,
    %get3A_1277 = arith.constant 1248 : index
    %get3A_1278 = tpu.vector_load %arg9[%get3A_1277] {strides = array<i32>} : memref<2048xi32, #tpu.memory_space<vmem>>, vector<16xi32>,
    %get3A_1279 = vector.shape_cast %get3A_1278 : vector<16xi32> to vector<16xi32>
    %mul3A_1280 = vector.broadcast %select_n3A : i32 to vector<16xi32>
    %mul3A_1281 = arith.muli %get3A_1279, %mul3A_1280 : vector<16xi32>
    %get3A_1282 = arith.constant 1248 : index
    %get3A_1283 = tpu.vector_load %arg8[%get3A_1282] {strides = array<i32>} : memref<2048xi32, #tpu.memory_space<vmem>>, vector<16xi32>,
    %get3A_1284 = vector.shape_cast %get3A_1283 : vector<16xi32> to vector<16xi32>
    %add3A_1285 = arith.addi %mul3A_1281, %get3A_1284 : vector<16xi32>
    %swap3A_1286 = arith.constant 9 : i32
    %swap3A_1287 = arith.index_cast %swap3A_1286 : i32 to index
    %swap3A_1288 = arith.constant 96 : index
    %swap3A_1289 = tpu.vector_load %arg10[%swap3A_1287, %swap3A_1288] {strides = array<i32>} : memref<16x128xi32, #tpu.memory_space<vmem>>, vector<1x16xi32>,
    %swap3A_1290 = vector.shape_cast %swap3A_1289 : vector<1x16xi32> to vector<16xi32>
    %swap3A_1291 = vector.shape_cast %add3A_1285 : vector<16xi32> to vector<1x16xi32>
    tpu.vector_store %arg10[%swap3A_1287, %swap3A_1288], %swap3A_1291 {strides = array<i32>} : memref<16x128xi32, #tpu.memory_space<vmem>>, vector<1x16xi32>,
    %get3A_1292 = arith.constant 1264 : index
    %get3A_1293 = tpu.vector_load %arg9[%get3A_1292] {strides = array<i32>} : memref<2048xi32, #tpu.memory_space<vmem>>, vector<16xi32>,
    %get3A_1294 = vector.shape_cast %get3A_1293 : vector<16xi32> to vector<16xi32>
    %mul3A_1295 = vector.broadcast %select_n3A : i32 to vector<16xi32>
    %mul3A_1296 = arith.muli %get3A_1294, %mul3A_1295 : vector<16xi32>
    %get3A_1297 = arith.constant 1264 : index
    %get3A_1298 = tpu.vector_load %arg8[%get3A_1297] {strides = array<i32>} : memref<2048xi32, #tpu.memory_space<vmem>>, vector<16xi32>,
    %get3A_1299 = vector.shape_cast %get3A_1298 : vector<16xi32> to vector<16xi32>
    %add3A_1300 = arith.addi %mul3A_1296, %get3A_1299 : vector<16xi32>
    %swap3A_1301 = arith.constant 9 : i32
    %swap3A_1302 = arith.index_cast %swap3A_1301 : i32 to index
    %swap3A_1303 = arith.constant 112 : index
    %swap3A_1304 = tpu.vector_load %arg10[%swap3A_1302, %swap3A_1303] {strides = array<i32>} : memref<16x128xi32, #tpu.memory_space<vmem>>, vector<1x16xi32>,
    %swap3A_1305 = vector.shape_cast %swap3A_1304 : vector<1x16xi32> to vector<16xi32>
    %swap3A_1306 = vector.shape_cast %add3A_1300 : vector<16xi32> to vector<1x16xi32>
    tpu.vector_store %arg10[%swap3A_1302, %swap3A_1303], %swap3A_1306 {strides = array<i32>} : memref<16x128xi32, #tpu.memory_space<vmem>>, vector<1x16xi32>,
    %get3A_1307 = arith.constant 1280 : index
    %get3A_1308 = tpu.vector_load %arg9[%get3A_1307] {strides = array<i32>} : memref<2048xi32, #tpu.memory_space<vmem>>, vector<16xi32>,
    %get3A_1309 = vector.shape_cast %get3A_1308 : vector<16xi32> to vector<16xi32>
    %mul3A_1310 = vector.broadcast %select_n3A : i32 to vector<16xi32>
    %mul3A_1311 = arith.muli %get3A_1309, %mul3A_1310 : vector<16xi32>
    %get3A_1312 = arith.constant 1280 : index
    %get3A_1313 = tpu.vector_load %arg8[%get3A_1312] {strides = array<i32>} : memref<2048xi32, #tpu.memory_space<vmem>>, vector<16xi32>,
    %get3A_1314 = vector.shape_cast %get3A_1313 : vector<16xi32> to vector<16xi32>
    %add3A_1315 = arith.addi %mul3A_1311, %get3A_1314 : vector<16xi32>
    %swap3A_1316 = arith.constant 10 : i32
    %swap3A_1317 = arith.index_cast %swap3A_1316 : i32 to index
    %swap3A_1318 = arith.constant 0 : index
    %swap3A_1319 = tpu.vector_load %arg10[%swap3A_1317, %swap3A_1318] {strides = array<i32>} : memref<16x128xi32, #tpu.memory_space<vmem>>, vector<1x16xi32>,
    %swap3A_1320 = vector.shape_cast %swap3A_1319 : vector<1x16xi32> to vector<16xi32>
    %swap3A_1321 = vector.shape_cast %add3A_1315 : vector<16xi32> to vector<1x16xi32>
    tpu.vector_store %arg10[%swap3A_1317, %swap3A_1318], %swap3A_1321 {strides = array<i32>} : memref<16x128xi32, #tpu.memory_space<vmem>>, vector<1x16xi32>,
    %get3A_1322 = arith.constant 1296 : index
    %get3A_1323 = tpu.vector_load %arg9[%get3A_1322] {strides = array<i32>} : memref<2048xi32, #tpu.memory_space<vmem>>, vector<16xi32>,
    %get3A_1324 = vector.shape_cast %get3A_1323 : vector<16xi32> to vector<16xi32>
    %mul3A_1325 = vector.broadcast %select_n3A : i32 to vector<16xi32>
    %mul3A_1326 = arith.muli %get3A_1324, %mul3A_1325 : vector<16xi32>
    %get3A_1327 = arith.constant 1296 : index
    %get3A_1328 = tpu.vector_load %arg8[%get3A_1327] {strides = array<i32>} : memref<2048xi32, #tpu.memory_space<vmem>>, vector<16xi32>,
    %get3A_1329 = vector.shape_cast %get3A_1328 : vector<16xi32> to vector<16xi32>
    %add3A_1330 = arith.addi %mul3A_1326, %get3A_1329 : vector<16xi32>
    %swap3A_1331 = arith.constant 10 : i32
    %swap3A_1332 = arith.index_cast %swap3A_1331 : i32 to index
    %swap3A_1333 = arith.constant 16 : index
    %swap3A_1334 = tpu.vector_load %arg10[%swap3A_1332, %swap3A_1333] {strides = array<i32>} : memref<16x128xi32, #tpu.memory_space<vmem>>, vector<1x16xi32>,
    %swap3A_1335 = vector.shape_cast %swap3A_1334 : vector<1x16xi32> to vector<16xi32>
    %swap3A_1336 = vector.shape_cast %add3A_1330 : vector<16xi32> to vector<1x16xi32>
    tpu.vector_store %arg10[%swap3A_1332, %swap3A_1333], %swap3A_1336 {strides = array<i32>} : memref<16x128xi32, #tpu.memory_space<vmem>>, vector<1x16xi32>,
    %get3A_1337 = arith.constant 1312 : index
    %get3A_1338 = tpu.vector_load %arg9[%get3A_1337] {strides = array<i32>} : memref<2048xi32, #tpu.memory_space<vmem>>, vector<16xi32>,
    %get3A_1339 = vector.shape_cast %get3A_1338 : vector<16xi32> to vector<16xi32>
    %mul3A_1340 = vector.broadcast %select_n3A : i32 to vector<16xi32>
    %mul3A_1341 = arith.muli %get3A_1339, %mul3A_1340 : vector<16xi32>
    %get3A_1342 = arith.constant 1312 : index
    %get3A_1343 = tpu.vector_load %arg8[%get3A_1342] {strides = array<i32>} : memref<2048xi32, #tpu.memory_space<vmem>>, vector<16xi32>,
    %get3A_1344 = vector.shape_cast %get3A_1343 : vector<16xi32> to vector<16xi32>
    %add3A_1345 = arith.addi %mul3A_1341, %get3A_1344 : vector<16xi32>
    %swap3A_1346 = arith.constant 10 : i32
    %swap3A_1347 = arith.index_cast %swap3A_1346 : i32 to index
    %swap3A_1348 = arith.constant 32 : index
    %swap3A_1349 = tpu.vector_load %arg10[%swap3A_1347, %swap3A_1348] {strides = array<i32>} : memref<16x128xi32, #tpu.memory_space<vmem>>, vector<1x16xi32>,
    %swap3A_1350 = vector.shape_cast %swap3A_1349 : vector<1x16xi32> to vector<16xi32>
    %swap3A_1351 = vector.shape_cast %add3A_1345 : vector<16xi32> to vector<1x16xi32>
    tpu.vector_store %arg10[%swap3A_1347, %swap3A_1348], %swap3A_1351 {strides = array<i32>} : memref<16x128xi32, #tpu.memory_space<vmem>>, vector<1x16xi32>,
    %get3A_1352 = arith.constant 1328 : index
    %get3A_1353 = tpu.vector_load %arg9[%get3A_1352] {strides = array<i32>} : memref<2048xi32, #tpu.memory_space<vmem>>, vector<16xi32>,
    %get3A_1354 = vector.shape_cast %get3A_1353 : vector<16xi32> to vector<16xi32>
    %mul3A_1355 = vector.broadcast %select_n3A : i32 to vector<16xi32>
    %mul3A_1356 = arith.muli %get3A_1354, %mul3A_1355 : vector<16xi32>
    %get3A_1357 = arith.constant 1328 : index
    %get3A_1358 = tpu.vector_load %arg8[%get3A_1357] {strides = array<i32>} : memref<2048xi32, #tpu.memory_space<vmem>>, vector<16xi32>,
    %get3A_1359 = vector.shape_cast %get3A_1358 : vector<16xi32> to vector<16xi32>
    %add3A_1360 = arith.addi %mul3A_1356, %get3A_1359 : vector<16xi32>
    %swap3A_1361 = arith.constant 10 : i32
    %swap3A_1362 = arith.index_cast %swap3A_1361 : i32 to index
    %swap3A_1363 = arith.constant 48 : index
    %swap3A_1364 = tpu.vector_load %arg10[%swap3A_1362, %swap3A_1363] {strides = array<i32>} : memref<16x128xi32, #tpu.memory_space<vmem>>, vector<1x16xi32>,
    %swap3A_1365 = vector.shape_cast %swap3A_1364 : vector<1x16xi32> to vector<16xi32>
    %swap3A_1366 = vector.shape_cast %add3A_1360 : vector<16xi32> to vector<1x16xi32>
    tpu.vector_store %arg10[%swap3A_1362, %swap3A_1363], %swap3A_1366 {strides = array<i32>} : memref<16x128xi32, #tpu.memory_space<vmem>>, vector<1x16xi32>,
    %get3A_1367 = arith.constant 1344 : index
    %get3A_1368 = tpu.vector_load %arg9[%get3A_1367] {strides = array<i32>} : memref<2048xi32, #tpu.memory_space<vmem>>, vector<16xi32>,
    %get3A_1369 = vector.shape_cast %get3A_1368 : vector<16xi32> to vector<16xi32>
    %mul3A_1370 = vector.broadcast %select_n3A : i32 to vector<16xi32>
    %mul3A_1371 = arith.muli %get3A_1369, %mul3A_1370 : vector<16xi32>
    %get3A_1372 = arith.constant 1344 : index
    %get3A_1373 = tpu.vector_load %arg8[%get3A_1372] {strides = array<i32>} : memref<2048xi32, #tpu.memory_space<vmem>>, vector<16xi32>,
    %get3A_1374 = vector.shape_cast %get3A_1373 : vector<16xi32> to vector<16xi32>
    %add3A_1375 = arith.addi %mul3A_1371, %get3A_1374 : vector<16xi32>
    %swap3A_1376 = arith.constant 10 : i32
    %swap3A_1377 = arith.index_cast %swap3A_1376 : i32 to index
    %swap3A_1378 = arith.constant 64 : index
    %swap3A_1379 = tpu.vector_load %arg10[%swap3A_1377, %swap3A_1378] {strides = array<i32>} : memref<16x128xi32, #tpu.memory_space<vmem>>, vector<1x16xi32>,
    %swap3A_1380 = vector.shape_cast %swap3A_1379 : vector<1x16xi32> to vector<16xi32>
    %swap3A_1381 = vector.shape_cast %add3A_1375 : vector<16xi32> to vector<1x16xi32>
    tpu.vector_store %arg10[%swap3A_1377, %swap3A_1378], %swap3A_1381 {strides = array<i32>} : memref<16x128xi32, #tpu.memory_space<vmem>>, vector<1x16xi32>,
    %get3A_1382 = arith.constant 1360 : index
    %get3A_1383 = tpu.vector_load %arg9[%get3A_1382] {strides = array<i32>} : memref<2048xi32, #tpu.memory_space<vmem>>, vector<16xi32>,
    %get3A_1384 = vector.shape_cast %get3A_1383 : vector<16xi32> to vector<16xi32>
    %mul3A_1385 = vector.broadcast %select_n3A : i32 to vector<16xi32>
    %mul3A_1386 = arith.muli %get3A_1384, %mul3A_1385 : vector<16xi32>
    %get3A_1387 = arith.constant 1360 : index
    %get3A_1388 = tpu.vector_load %arg8[%get3A_1387] {strides = array<i32>} : memref<2048xi32, #tpu.memory_space<vmem>>, vector<16xi32>,
    %get3A_1389 = vector.shape_cast %get3A_1388 : vector<16xi32> to vector<16xi32>
    %add3A_1390 = arith.addi %mul3A_1386, %get3A_1389 : vector<16xi32>
    %swap3A_1391 = arith.constant 10 : i32
    %swap3A_1392 = arith.index_cast %swap3A_1391 : i32 to index
    %swap3A_1393 = arith.constant 80 : index
    %swap3A_1394 = tpu.vector_load %arg10[%swap3A_1392, %swap3A_1393] {strides = array<i32>} : memref<16x128xi32, #tpu.memory_space<vmem>>, vector<1x16xi32>,
    %swap3A_1395 = vector.shape_cast %swap3A_1394 : vector<1x16xi32> to vector<16xi32>
    %swap3A_1396 = vector.shape_cast %add3A_1390 : vector<16xi32> to vector<1x16xi32>
    tpu.vector_store %arg10[%swap3A_1392, %swap3A_1393], %swap3A_1396 {strides = array<i32>} : memref<16x128xi32, #tpu.memory_space<vmem>>, vector<1x16xi32>,
    %get3A_1397 = arith.constant 1376 : index
    %get3A_1398 = tpu.vector_load %arg9[%get3A_1397] {strides = array<i32>} : memref<2048xi32, #tpu.memory_space<vmem>>, vector<16xi32>,
    %get3A_1399 = vector.shape_cast %get3A_1398 : vector<16xi32> to vector<16xi32>
    %mul3A_1400 = vector.broadcast %select_n3A : i32 to vector<16xi32>
    %mul3A_1401 = arith.muli %get3A_1399, %mul3A_1400 : vector<16xi32>
    %get3A_1402 = arith.constant 1376 : index
    %get3A_1403 = tpu.vector_load %arg8[%get3A_1402] {strides = array<i32>} : memref<2048xi32, #tpu.memory_space<vmem>>, vector<16xi32>,
    %get3A_1404 = vector.shape_cast %get3A_1403 : vector<16xi32> to vector<16xi32>
    %add3A_1405 = arith.addi %mul3A_1401, %get3A_1404 : vector<16xi32>
    %swap3A_1406 = arith.constant 10 : i32
    %swap3A_1407 = arith.index_cast %swap3A_1406 : i32 to index
    %swap3A_1408 = arith.constant 96 : index
    %swap3A_1409 = tpu.vector_load %arg10[%swap3A_1407, %swap3A_1408] {strides = array<i32>} : memref<16x128xi32, #tpu.memory_space<vmem>>, vector<1x16xi32>,
    %swap3A_1410 = vector.shape_cast %swap3A_1409 : vector<1x16xi32> to vector<16xi32>
    %swap3A_1411 = vector.shape_cast %add3A_1405 : vector<16xi32> to vector<1x16xi32>
    tpu.vector_store %arg10[%swap3A_1407, %swap3A_1408], %swap3A_1411 {strides = array<i32>} : memref<16x128xi32, #tpu.memory_space<vmem>>, vector<1x16xi32>,
    %get3A_1412 = arith.constant 1392 : index
    %get3A_1413 = tpu.vector_load %arg9[%get3A_1412] {strides = array<i32>} : memref<2048xi32, #tpu.memory_space<vmem>>, vector<16xi32>,
    %get3A_1414 = vector.shape_cast %get3A_1413 : vector<16xi32> to vector<16xi32>
    %mul3A_1415 = vector.broadcast %select_n3A : i32 to vector<16xi32>
    %mul3A_1416 = arith.muli %get3A_1414, %mul3A_1415 : vector<16xi32>
    %get3A_1417 = arith.constant 1392 : index
    %get3A_1418 = tpu.vector_load %arg8[%get3A_1417] {strides = array<i32>} : memref<2048xi32, #tpu.memory_space<vmem>>, vector<16xi32>,
    %get3A_1419 = vector.shape_cast %get3A_1418 : vector<16xi32> to vector<16xi32>
    %add3A_1420 = arith.addi %mul3A_1416, %get3A_1419 : vector<16xi32>
    %swap3A_1421 = arith.constant 10 : i32
    %swap3A_1422 = arith.index_cast %swap3A_1421 : i32 to index
    %swap3A_1423 = arith.constant 112 : index
    %swap3A_1424 = tpu.vector_load %arg10[%swap3A_1422, %swap3A_1423] {strides = array<i32>} : memref<16x128xi32, #tpu.memory_space<vmem>>, vector<1x16xi32>,
    %swap3A_1425 = vector.shape_cast %swap3A_1424 : vector<1x16xi32> to vector<16xi32>
    %swap3A_1426 = vector.shape_cast %add3A_1420 : vector<16xi32> to vector<1x16xi32>
    tpu.vector_store %arg10[%swap3A_1422, %swap3A_1423], %swap3A_1426 {strides = array<i32>} : memref<16x128xi32, #tpu.memory_space<vmem>>, vector<1x16xi32>,
    %get3A_1427 = arith.constant 1408 : index
    %get3A_1428 = tpu.vector_load %arg9[%get3A_1427] {strides = array<i32>} : memref<2048xi32, #tpu.memory_space<vmem>>, vector<16xi32>,
    %get3A_1429 = vector.shape_cast %get3A_1428 : vector<16xi32> to vector<16xi32>
    %mul3A_1430 = vector.broadcast %select_n3A : i32 to vector<16xi32>
    %mul3A_1431 = arith.muli %get3A_1429, %mul3A_1430 : vector<16xi32>
    %get3A_1432 = arith.constant 1408 : index
    %get3A_1433 = tpu.vector_load %arg8[%get3A_1432] {strides = array<i32>} : memref<2048xi32, #tpu.memory_space<vmem>>, vector<16xi32>,
    %get3A_1434 = vector.shape_cast %get3A_1433 : vector<16xi32> to vector<16xi32>
    %add3A_1435 = arith.addi %mul3A_1431, %get3A_1434 : vector<16xi32>
    %swap3A_1436 = arith.constant 11 : i32
    %swap3A_1437 = arith.index_cast %swap3A_1436 : i32 to index
    %swap3A_1438 = arith.constant 0 : index
    %swap3A_1439 = tpu.vector_load %arg10[%swap3A_1437, %swap3A_1438] {strides = array<i32>} : memref<16x128xi32, #tpu.memory_space<vmem>>, vector<1x16xi32>,
    %swap3A_1440 = vector.shape_cast %swap3A_1439 : vector<1x16xi32> to vector<16xi32>
    %swap3A_1441 = vector.shape_cast %add3A_1435 : vector<16xi32> to vector<1x16xi32>
    tpu.vector_store %arg10[%swap3A_1437, %swap3A_1438], %swap3A_1441 {strides = array<i32>} : memref<16x128xi32, #tpu.memory_space<vmem>>, vector<1x16xi32>,
    %get3A_1442 = arith.constant 1424 : index
    %get3A_1443 = tpu.vector_load %arg9[%get3A_1442] {strides = array<i32>} : memref<2048xi32, #tpu.memory_space<vmem>>, vector<16xi32>,
    %get3A_1444 = vector.shape_cast %get3A_1443 : vector<16xi32> to vector<16xi32>
    %mul3A_1445 = vector.broadcast %select_n3A : i32 to vector<16xi32>
    %mul3A_1446 = arith.muli %get3A_1444, %mul3A_1445 : vector<16xi32>
    %get3A_1447 = arith.constant 1424 : index
    %get3A_1448 = tpu.vector_load %arg8[%get3A_1447] {strides = array<i32>} : memref<2048xi32, #tpu.memory_space<vmem>>, vector<16xi32>,
    %get3A_1449 = vector.shape_cast %get3A_1448 : vector<16xi32> to vector<16xi32>
    %add3A_1450 = arith.addi %mul3A_1446, %get3A_1449 : vector<16xi32>
    %swap3A_1451 = arith.constant 11 : i32
    %swap3A_1452 = arith.index_cast %swap3A_1451 : i32 to index
    %swap3A_1453 = arith.constant 16 : index
    %swap3A_1454 = tpu.vector_load %arg10[%swap3A_1452, %swap3A_1453] {strides = array<i32>} : memref<16x128xi32, #tpu.memory_space<vmem>>, vector<1x16xi32>,
    %swap3A_1455 = vector.shape_cast %swap3A_1454 : vector<1x16xi32> to vector<16xi32>
    %swap3A_1456 = vector.shape_cast %add3A_1450 : vector<16xi32> to vector<1x16xi32>
    tpu.vector_store %arg10[%swap3A_1452, %swap3A_1453], %swap3A_1456 {strides = array<i32>} : memref<16x128xi32, #tpu.memory_space<vmem>>, vector<1x16xi32>,
    %get3A_1457 = arith.constant 1440 : index
    %get3A_1458 = tpu.vector_load %arg9[%get3A_1457] {strides = array<i32>} : memref<2048xi32, #tpu.memory_space<vmem>>, vector<16xi32>,
    %get3A_1459 = vector.shape_cast %get3A_1458 : vector<16xi32> to vector<16xi32>
    %mul3A_1460 = vector.broadcast %select_n3A : i32 to vector<16xi32>
    %mul3A_1461 = arith.muli %get3A_1459, %mul3A_1460 : vector<16xi32>
    %get3A_1462 = arith.constant 1440 : index
    %get3A_1463 = tpu.vector_load %arg8[%get3A_1462] {strides = array<i32>} : memref<2048xi32, #tpu.memory_space<vmem>>, vector<16xi32>,
    %get3A_1464 = vector.shape_cast %get3A_1463 : vector<16xi32> to vector<16xi32>
    %add3A_1465 = arith.addi %mul3A_1461, %get3A_1464 : vector<16xi32>
    %swap3A_1466 = arith.constant 11 : i32
    %swap3A_1467 = arith.index_cast %swap3A_1466 : i32 to index
    %swap3A_1468 = arith.constant 32 : index
    %swap3A_1469 = tpu.vector_load %arg10[%swap3A_1467, %swap3A_1468] {strides = array<i32>} : memref<16x128xi32, #tpu.memory_space<vmem>>, vector<1x16xi32>,
    %swap3A_1470 = vector.shape_cast %swap3A_1469 : vector<1x16xi32> to vector<16xi32>
    %swap3A_1471 = vector.shape_cast %add3A_1465 : vector<16xi32> to vector<1x16xi32>
    tpu.vector_store %arg10[%swap3A_1467, %swap3A_1468], %swap3A_1471 {strides = array<i32>} : memref<16x128xi32, #tpu.memory_space<vmem>>, vector<1x16xi32>,
    %get3A_1472 = arith.constant 1456 : index
    %get3A_1473 = tpu.vector_load %arg9[%get3A_1472] {strides = array<i32>} : memref<2048xi32, #tpu.memory_space<vmem>>, vector<16xi32>,
    %get3A_1474 = vector.shape_cast %get3A_1473 : vector<16xi32> to vector<16xi32>
    %mul3A_1475 = vector.broadcast %select_n3A : i32 to vector<16xi32>
    %mul3A_1476 = arith.muli %get3A_1474, %mul3A_1475 : vector<16xi32>
    %get3A_1477 = arith.constant 1456 : index
    %get3A_1478 = tpu.vector_load %arg8[%get3A_1477] {strides = array<i32>} : memref<2048xi32, #tpu.memory_space<vmem>>, vector<16xi32>,
    %get3A_1479 = vector.shape_cast %get3A_1478 : vector<16xi32> to vector<16xi32>
    %add3A_1480 = arith.addi %mul3A_1476, %get3A_1479 : vector<16xi32>
    %swap3A_1481 = arith.constant 11 : i32
    %swap3A_1482 = arith.index_cast %swap3A_1481 : i32 to index
    %swap3A_1483 = arith.constant 48 : index
    %swap3A_1484 = tpu.vector_load %arg10[%swap3A_1482, %swap3A_1483] {strides = array<i32>} : memref<16x128xi32, #tpu.memory_space<vmem>>, vector<1x16xi32>,
    %swap3A_1485 = vector.shape_cast %swap3A_1484 : vector<1x16xi32> to vector<16xi32>
    %swap3A_1486 = vector.shape_cast %add3A_1480 : vector<16xi32> to vector<1x16xi32>
    tpu.vector_store %arg10[%swap3A_1482, %swap3A_1483], %swap3A_1486 {strides = array<i32>} : memref<16x128xi32, #tpu.memory_space<vmem>>, vector<1x16xi32>,
    %get3A_1487 = arith.constant 1472 : index
    %get3A_1488 = tpu.vector_load %arg9[%get3A_1487] {strides = array<i32>} : memref<2048xi32, #tpu.memory_space<vmem>>, vector<16xi32>,
    %get3A_1489 = vector.shape_cast %get3A_1488 : vector<16xi32> to vector<16xi32>
    %mul3A_1490 = vector.broadcast %select_n3A : i32 to vector<16xi32>
    %mul3A_1491 = arith.muli %get3A_1489, %mul3A_1490 : vector<16xi32>
    %get3A_1492 = arith.constant 1472 : index
    %get3A_1493 = tpu.vector_load %arg8[%get3A_1492] {strides = array<i32>} : memref<2048xi32, #tpu.memory_space<vmem>>, vector<16xi32>,
    %get3A_1494 = vector.shape_cast %get3A_1493 : vector<16xi32> to vector<16xi32>
    %add3A_1495 = arith.addi %mul3A_1491, %get3A_1494 : vector<16xi32>
    %swap3A_1496 = arith.constant 11 : i32
    %swap3A_1497 = arith.index_cast %swap3A_1496 : i32 to index
    %swap3A_1498 = arith.constant 64 : index
    %swap3A_1499 = tpu.vector_load %arg10[%swap3A_1497, %swap3A_1498] {strides = array<i32>} : memref<16x128xi32, #tpu.memory_space<vmem>>, vector<1x16xi32>,
    %swap3A_1500 = vector.shape_cast %swap3A_1499 : vector<1x16xi32> to vector<16xi32>
    %swap3A_1501 = vector.shape_cast %add3A_1495 : vector<16xi32> to vector<1x16xi32>
    tpu.vector_store %arg10[%swap3A_1497, %swap3A_1498], %swap3A_1501 {strides = array<i32>} : memref<16x128xi32, #tpu.memory_space<vmem>>, vector<1x16xi32>,
    %get3A_1502 = arith.constant 1488 : index
    %get3A_1503 = tpu.vector_load %arg9[%get3A_1502] {strides = array<i32>} : memref<2048xi32, #tpu.memory_space<vmem>>, vector<16xi32>,
    %get3A_1504 = vector.shape_cast %get3A_1503 : vector<16xi32> to vector<16xi32>
    %mul3A_1505 = vector.broadcast %select_n3A : i32 to vector<16xi32>
    %mul3A_1506 = arith.muli %get3A_1504, %mul3A_1505 : vector<16xi32>
    %get3A_1507 = arith.constant 1488 : index
    %get3A_1508 = tpu.vector_load %arg8[%get3A_1507] {strides = array<i32>} : memref<2048xi32, #tpu.memory_space<vmem>>, vector<16xi32>,
    %get3A_1509 = vector.shape_cast %get3A_1508 : vector<16xi32> to vector<16xi32>
    %add3A_1510 = arith.addi %mul3A_1506, %get3A_1509 : vector<16xi32>
    %swap3A_1511 = arith.constant 11 : i32
    %swap3A_1512 = arith.index_cast %swap3A_1511 : i32 to index
    %swap3A_1513 = arith.constant 80 : index
    %swap3A_1514 = tpu.vector_load %arg10[%swap3A_1512, %swap3A_1513] {strides = array<i32>} : memref<16x128xi32, #tpu.memory_space<vmem>>, vector<1x16xi32>,
    %swap3A_1515 = vector.shape_cast %swap3A_1514 : vector<1x16xi32> to vector<16xi32>
    %swap3A_1516 = vector.shape_cast %add3A_1510 : vector<16xi32> to vector<1x16xi32>
    tpu.vector_store %arg10[%swap3A_1512, %swap3A_1513], %swap3A_1516 {strides = array<i32>} : memref<16x128xi32, #tpu.memory_space<vmem>>, vector<1x16xi32>,
    %get3A_1517 = arith.constant 1504 : index
    %get3A_1518 = tpu.vector_load %arg9[%get3A_1517] {strides = array<i32>} : memref<2048xi32, #tpu.memory_space<vmem>>, vector<16xi32>,
    %get3A_1519 = vector.shape_cast %get3A_1518 : vector<16xi32> to vector<16xi32>
    %mul3A_1520 = vector.broadcast %select_n3A : i32 to vector<16xi32>
    %mul3A_1521 = arith.muli %get3A_1519, %mul3A_1520 : vector<16xi32>
    %get3A_1522 = arith.constant 1504 : index
    %get3A_1523 = tpu.vector_load %arg8[%get3A_1522] {strides = array<i32>} : memref<2048xi32, #tpu.memory_space<vmem>>, vector<16xi32>,
    %get3A_1524 = vector.shape_cast %get3A_1523 : vector<16xi32> to vector<16xi32>
    %add3A_1525 = arith.addi %mul3A_1521, %get3A_1524 : vector<16xi32>
    %swap3A_1526 = arith.constant 11 : i32
    %swap3A_1527 = arith.index_cast %swap3A_1526 : i32 to index
    %swap3A_1528 = arith.constant 96 : index
    %swap3A_1529 = tpu.vector_load %arg10[%swap3A_1527, %swap3A_1528] {strides = array<i32>} : memref<16x128xi32, #tpu.memory_space<vmem>>, vector<1x16xi32>,
    %swap3A_1530 = vector.shape_cast %swap3A_1529 : vector<1x16xi32> to vector<16xi32>
    %swap3A_1531 = vector.shape_cast %add3A_1525 : vector<16xi32> to vector<1x16xi32>
    tpu.vector_store %arg10[%swap3A_1527, %swap3A_1528], %swap3A_1531 {strides = array<i32>} : memref<16x128xi32, #tpu.memory_space<vmem>>, vector<1x16xi32>,
    %get3A_1532 = arith.constant 1520 : index
    %get3A_1533 = tpu.vector_load %arg9[%get3A_1532] {strides = array<i32>} : memref<2048xi32, #tpu.memory_space<vmem>>, vector<16xi32>,
    %get3A_1534 = vector.shape_cast %get3A_1533 : vector<16xi32> to vector<16xi32>
    %mul3A_1535 = vector.broadcast %select_n3A : i32 to vector<16xi32>
    %mul3A_1536 = arith.muli %get3A_1534, %mul3A_1535 : vector<16xi32>
    %get3A_1537 = arith.constant 1520 : index
    %get3A_1538 = tpu.vector_load %arg8[%get3A_1537] {strides = array<i32>} : memref<2048xi32, #tpu.memory_space<vmem>>, vector<16xi32>,
    %get3A_1539 = vector.shape_cast %get3A_1538 : vector<16xi32> to vector<16xi32>
    %add3A_1540 = arith.addi %mul3A_1536, %get3A_1539 : vector<16xi32>
    %swap3A_1541 = arith.constant 11 : i32
    %swap3A_1542 = arith.index_cast %swap3A_1541 : i32 to index
    %swap3A_1543 = arith.constant 112 : index
    %swap3A_1544 = tpu.vector_load %arg10[%swap3A_1542, %swap3A_1543] {strides = array<i32>} : memref<16x128xi32, #tpu.memory_space<vmem>>, vector<1x16xi32>,
    %swap3A_1545 = vector.shape_cast %swap3A_1544 : vector<1x16xi32> to vector<16xi32>
    %swap3A_1546 = vector.shape_cast %add3A_1540 : vector<16xi32> to vector<1x16xi32>
    tpu.vector_store %arg10[%swap3A_1542, %swap3A_1543], %swap3A_1546 {strides = array<i32>} : memref<16x128xi32, #tpu.memory_space<vmem>>, vector<1x16xi32>,
    %get3A_1547 = arith.constant 1536 : index
    %get3A_1548 = tpu.vector_load %arg9[%get3A_1547] {strides = array<i32>} : memref<2048xi32, #tpu.memory_space<vmem>>, vector<16xi32>,
    %get3A_1549 = vector.shape_cast %get3A_1548 : vector<16xi32> to vector<16xi32>
    %mul3A_1550 = vector.broadcast %select_n3A : i32 to vector<16xi32>
    %mul3A_1551 = arith.muli %get3A_1549, %mul3A_1550 : vector<16xi32>
    %get3A_1552 = arith.constant 1536 : index
    %get3A_1553 = tpu.vector_load %arg8[%get3A_1552] {strides = array<i32>} : memref<2048xi32, #tpu.memory_space<vmem>>, vector<16xi32>,
    %get3A_1554 = vector.shape_cast %get3A_1553 : vector<16xi32> to vector<16xi32>
    %add3A_1555 = arith.addi %mul3A_1551, %get3A_1554 : vector<16xi32>
    %swap3A_1556 = arith.constant 12 : i32
    %swap3A_1557 = arith.index_cast %swap3A_1556 : i32 to index
    %swap3A_1558 = arith.constant 0 : index
    %swap3A_1559 = tpu.vector_load %arg10[%swap3A_1557, %swap3A_1558] {strides = array<i32>} : memref<16x128xi32, #tpu.memory_space<vmem>>, vector<1x16xi32>,
    %swap3A_1560 = vector.shape_cast %swap3A_1559 : vector<1x16xi32> to vector<16xi32>
    %swap3A_1561 = vector.shape_cast %add3A_1555 : vector<16xi32> to vector<1x16xi32>
    tpu.vector_store %arg10[%swap3A_1557, %swap3A_1558], %swap3A_1561 {strides = array<i32>} : memref<16x128xi32, #tpu.memory_space<vmem>>, vector<1x16xi32>,
    %get3A_1562 = arith.constant 1552 : index
    %get3A_1563 = tpu.vector_load %arg9[%get3A_1562] {strides = array<i32>} : memref<2048xi32, #tpu.memory_space<vmem>>, vector<16xi32>,
    %get3A_1564 = vector.shape_cast %get3A_1563 : vector<16xi32> to vector<16xi32>
    %mul3A_1565 = vector.broadcast %select_n3A : i32 to vector<16xi32>
    %mul3A_1566 = arith.muli %get3A_1564, %mul3A_1565 : vector<16xi32>
    %get3A_1567 = arith.constant 1552 : index
    %get3A_1568 = tpu.vector_load %arg8[%get3A_1567] {strides = array<i32>} : memref<2048xi32, #tpu.memory_space<vmem>>, vector<16xi32>,
    %get3A_1569 = vector.shape_cast %get3A_1568 : vector<16xi32> to vector<16xi32>
    %add3A_1570 = arith.addi %mul3A_1566, %get3A_1569 : vector<16xi32>
    %swap3A_1571 = arith.constant 12 : i32
    %swap3A_1572 = arith.index_cast %swap3A_1571 : i32 to index
    %swap3A_1573 = arith.constant 16 : index
    %swap3A_1574 = tpu.vector_load %arg10[%swap3A_1572, %swap3A_1573] {strides = array<i32>} : memref<16x128xi32, #tpu.memory_space<vmem>>, vector<1x16xi32>,
    %swap3A_1575 = vector.shape_cast %swap3A_1574 : vector<1x16xi32> to vector<16xi32>
    %swap3A_1576 = vector.shape_cast %add3A_1570 : vector<16xi32> to vector<1x16xi32>
    tpu.vector_store %arg10[%swap3A_1572, %swap3A_1573], %swap3A_1576 {strides = array<i32>} : memref<16x128xi32, #tpu.memory_space<vmem>>, vector<1x16xi32>,
    %get3A_1577 = arith.constant 1568 : index
    %get3A_1578 = tpu.vector_load %arg9[%get3A_1577] {strides = array<i32>} : memref<2048xi32, #tpu.memory_space<vmem>>, vector<16xi32>,
    %get3A_1579 = vector.shape_cast %get3A_1578 : vector<16xi32> to vector<16xi32>
    %mul3A_1580 = vector.broadcast %select_n3A : i32 to vector<16xi32>
    %mul3A_1581 = arith.muli %get3A_1579, %mul3A_1580 : vector<16xi32>
    %get3A_1582 = arith.constant 1568 : index
    %get3A_1583 = tpu.vector_load %arg8[%get3A_1582] {strides = array<i32>} : memref<2048xi32, #tpu.memory_space<vmem>>, vector<16xi32>,
    %get3A_1584 = vector.shape_cast %get3A_1583 : vector<16xi32> to vector<16xi32>
    %add3A_1585 = arith.addi %mul3A_1581, %get3A_1584 : vector<16xi32>
    %swap3A_1586 = arith.constant 12 : i32
    %swap3A_1587 = arith.index_cast %swap3A_1586 : i32 to index
    %swap3A_1588 = arith.constant 32 : index
    %swap3A_1589 = tpu.vector_load %arg10[%swap3A_1587, %swap3A_1588] {strides = array<i32>} : memref<16x128xi32, #tpu.memory_space<vmem>>, vector<1x16xi32>,
    %swap3A_1590 = vector.shape_cast %swap3A_1589 : vector<1x16xi32> to vector<16xi32>
    %swap3A_1591 = vector.shape_cast %add3A_1585 : vector<16xi32> to vector<1x16xi32>
    tpu.vector_store %arg10[%swap3A_1587, %swap3A_1588], %swap3A_1591 {strides = array<i32>} : memref<16x128xi32, #tpu.memory_space<vmem>>, vector<1x16xi32>,
    %get3A_1592 = arith.constant 1584 : index
    %get3A_1593 = tpu.vector_load %arg9[%get3A_1592] {strides = array<i32>} : memref<2048xi32, #tpu.memory_space<vmem>>, vector<16xi32>,
    %get3A_1594 = vector.shape_cast %get3A_1593 : vector<16xi32> to vector<16xi32>
    %mul3A_1595 = vector.broadcast %select_n3A : i32 to vector<16xi32>
    %mul3A_1596 = arith.muli %get3A_1594, %mul3A_1595 : vector<16xi32>
    %get3A_1597 = arith.constant 1584 : index
    %get3A_1598 = tpu.vector_load %arg8[%get3A_1597] {strides = array<i32>} : memref<2048xi32, #tpu.memory_space<vmem>>, vector<16xi32>,
    %get3A_1599 = vector.shape_cast %get3A_1598 : vector<16xi32> to vector<16xi32>
    %add3A_1600 = arith.addi %mul3A_1596, %get3A_1599 : vector<16xi32>
    %swap3A_1601 = arith.constant 12 : i32
    %swap3A_1602 = arith.index_cast %swap3A_1601 : i32 to index
    %swap3A_1603 = arith.constant 48 : index
    %swap3A_1604 = tpu.vector_load %arg10[%swap3A_1602, %swap3A_1603] {strides = array<i32>} : memref<16x128xi32, #tpu.memory_space<vmem>>, vector<1x16xi32>,
    %swap3A_1605 = vector.shape_cast %swap3A_1604 : vector<1x16xi32> to vector<16xi32>
    %swap3A_1606 = vector.shape_cast %add3A_1600 : vector<16xi32> to vector<1x16xi32>
    tpu.vector_store %arg10[%swap3A_1602, %swap3A_1603], %swap3A_1606 {strides = array<i32>} : memref<16x128xi32, #tpu.memory_space<vmem>>, vector<1x16xi32>,
    %get3A_1607 = arith.constant 1600 : index
    %get3A_1608 = tpu.vector_load %arg9[%get3A_1607] {strides = array<i32>} : memref<2048xi32, #tpu.memory_space<vmem>>, vector<16xi32>,
    %get3A_1609 = vector.shape_cast %get3A_1608 : vector<16xi32> to vector<16xi32>
    %mul3A_1610 = vector.broadcast %select_n3A : i32 to vector<16xi32>
    %mul3A_1611 = arith.muli %get3A_1609, %mul3A_1610 : vector<16xi32>
    %get3A_1612 = arith.constant 1600 : index
    %get3A_1613 = tpu.vector_load %arg8[%get3A_1612] {strides = array<i32>} : memref<2048xi32, #tpu.memory_space<vmem>>, vector<16xi32>,
    %get3A_1614 = vector.shape_cast %get3A_1613 : vector<16xi32> to vector<16xi32>
    %add3A_1615 = arith.addi %mul3A_1611, %get3A_1614 : vector<16xi32>
    %swap3A_1616 = arith.constant 12 : i32
    %swap3A_1617 = arith.index_cast %swap3A_1616 : i32 to index
    %swap3A_1618 = arith.constant 64 : index
    %swap3A_1619 = tpu.vector_load %arg10[%swap3A_1617, %swap3A_1618] {strides = array<i32>} : memref<16x128xi32, #tpu.memory_space<vmem>>, vector<1x16xi32>,
    %swap3A_1620 = vector.shape_cast %swap3A_1619 : vector<1x16xi32> to vector<16xi32>
    %swap3A_1621 = vector.shape_cast %add3A_1615 : vector<16xi32> to vector<1x16xi32>
    tpu.vector_store %arg10[%swap3A_1617, %swap3A_1618], %swap3A_1621 {strides = array<i32>} : memref<16x128xi32, #tpu.memory_space<vmem>>, vector<1x16xi32>,
    %get3A_1622 = arith.constant 1616 : index
    %get3A_1623 = tpu.vector_load %arg9[%get3A_1622] {strides = array<i32>} : memref<2048xi32, #tpu.memory_space<vmem>>, vector<16xi32>,
    %get3A_1624 = vector.shape_cast %get3A_1623 : vector<16xi32> to vector<16xi32>
    %mul3A_1625 = vector.broadcast %select_n3A : i32 to vector<16xi32>
    %mul3A_1626 = arith.muli %get3A_1624, %mul3A_1625 : vector<16xi32>
    %get3A_1627 = arith.constant 1616 : index
    %get3A_1628 = tpu.vector_load %arg8[%get3A_1627] {strides = array<i32>} : memref<2048xi32, #tpu.memory_space<vmem>>, vector<16xi32>,
    %get3A_1629 = vector.shape_cast %get3A_1628 : vector<16xi32> to vector<16xi32>
    %add3A_1630 = arith.addi %mul3A_1626, %get3A_1629 : vector<16xi32>
    %swap3A_1631 = arith.constant 12 : i32
    %swap3A_1632 = arith.index_cast %swap3A_1631 : i32 to index
    %swap3A_1633 = arith.constant 80 : index
    %swap3A_1634 = tpu.vector_load %arg10[%swap3A_1632, %swap3A_1633] {strides = array<i32>} : memref<16x128xi32, #tpu.memory_space<vmem>>, vector<1x16xi32>,
    %swap3A_1635 = vector.shape_cast %swap3A_1634 : vector<1x16xi32> to vector<16xi32>
    %swap3A_1636 = vector.shape_cast %add3A_1630 : vector<16xi32> to vector<1x16xi32>
    tpu.vector_store %arg10[%swap3A_1632, %swap3A_1633], %swap3A_1636 {strides = array<i32>} : memref<16x128xi32, #tpu.memory_space<vmem>>, vector<1x16xi32>,
    %get3A_1637 = arith.constant 1632 : index
    %get3A_1638 = tpu.vector_load %arg9[%get3A_1637] {strides = array<i32>} : memref<2048xi32, #tpu.memory_space<vmem>>, vector<16xi32>,
    %get3A_1639 = vector.shape_cast %get3A_1638 : vector<16xi32> to vector<16xi32>
    %mul3A_1640 = vector.broadcast %select_n3A : i32 to vector<16xi32>
    %mul3A_1641 = arith.muli %get3A_1639, %mul3A_1640 : vector<16xi32>
    %get3A_1642 = arith.constant 1632 : index
    %get3A_1643 = tpu.vector_load %arg8[%get3A_1642] {strides = array<i32>} : memref<2048xi32, #tpu.memory_space<vmem>>, vector<16xi32>,
    %get3A_1644 = vector.shape_cast %get3A_1643 : vector<16xi32> to vector<16xi32>
    %add3A_1645 = arith.addi %mul3A_1641, %get3A_1644 : vector<16xi32>
    %swap3A_1646 = arith.constant 12 : i32
    %swap3A_1647 = arith.index_cast %swap3A_1646 : i32 to index
    %swap3A_1648 = arith.constant 96 : index
    %swap3A_1649 = tpu.vector_load %arg10[%swap3A_1647, %swap3A_1648] {strides = array<i32>} : memref<16x128xi32, #tpu.memory_space<vmem>>, vector<1x16xi32>,
    %swap3A_1650 = vector.shape_cast %swap3A_1649 : vector<1x16xi32> to vector<16xi32>
    %swap3A_1651 = vector.shape_cast %add3A_1645 : vector<16xi32> to vector<1x16xi32>
    tpu.vector_store %arg10[%swap3A_1647, %swap3A_1648], %swap3A_1651 {strides = array<i32>} : memref<16x128xi32, #tpu.memory_space<vmem>>, vector<1x16xi32>,
    %get3A_1652 = arith.constant 1648 : index
    %get3A_1653 = tpu.vector_load %arg9[%get3A_1652] {strides = array<i32>} : memref<2048xi32, #tpu.memory_space<vmem>>, vector<16xi32>,
    %get3A_1654 = vector.shape_cast %get3A_1653 : vector<16xi32> to vector<16xi32>
    %mul3A_1655 = vector.broadcast %select_n3A : i32 to vector<16xi32>
    %mul3A_1656 = arith.muli %get3A_1654, %mul3A_1655 : vector<16xi32>
    %get3A_1657 = arith.constant 1648 : index
    %get3A_1658 = tpu.vector_load %arg8[%get3A_1657] {strides = array<i32>} : memref<2048xi32, #tpu.memory_space<vmem>>, vector<16xi32>,
    %get3A_1659 = vector.shape_cast %get3A_1658 : vector<16xi32> to vector<16xi32>
    %add3A_1660 = arith.addi %mul3A_1656, %get3A_1659 : vector<16xi32>
    %swap3A_1661 = arith.constant 12 : i32
    %swap3A_1662 = arith.index_cast %swap3A_1661 : i32 to index
    %swap3A_1663 = arith.constant 112 : index
    %swap3A_1664 = tpu.vector_load %arg10[%swap3A_1662, %swap3A_1663] {strides = array<i32>} : memref<16x128xi32, #tpu.memory_space<vmem>>, vector<1x16xi32>,
    %swap3A_1665 = vector.shape_cast %swap3A_1664 : vector<1x16xi32> to vector<16xi32>
    %swap3A_1666 = vector.shape_cast %add3A_1660 : vector<16xi32> to vector<1x16xi32>
    tpu.vector_store %arg10[%swap3A_1662, %swap3A_1663], %swap3A_1666 {strides = array<i32>} : memref<16x128xi32, #tpu.memory_space<vmem>>, vector<1x16xi32>,
    %get3A_1667 = arith.constant 1664 : index
    %get3A_1668 = tpu.vector_load %arg9[%get3A_1667] {strides = array<i32>} : memref<2048xi32, #tpu.memory_space<vmem>>, vector<16xi32>,
    %get3A_1669 = vector.shape_cast %get3A_1668 : vector<16xi32> to vector<16xi32>
    %mul3A_1670 = vector.broadcast %select_n3A : i32 to vector<16xi32>
    %mul3A_1671 = arith.muli %get3A_1669, %mul3A_1670 : vector<16xi32>
    %get3A_1672 = arith.constant 1664 : index
    %get3A_1673 = tpu.vector_load %arg8[%get3A_1672] {strides = array<i32>} : memref<2048xi32, #tpu.memory_space<vmem>>, vector<16xi32>,
    %get3A_1674 = vector.shape_cast %get3A_1673 : vector<16xi32> to vector<16xi32>
    %add3A_1675 = arith.addi %mul3A_1671, %get3A_1674 : vector<16xi32>
    %swap3A_1676 = arith.constant 13 : i32
    %swap3A_1677 = arith.index_cast %swap3A_1676 : i32 to index
    %swap3A_1678 = arith.constant 0 : index
    %swap3A_1679 = tpu.vector_load %arg10[%swap3A_1677, %swap3A_1678] {strides = array<i32>} : memref<16x128xi32, #tpu.memory_space<vmem>>, vector<1x16xi32>,
    %swap3A_1680 = vector.shape_cast %swap3A_1679 : vector<1x16xi32> to vector<16xi32>
    %swap3A_1681 = vector.shape_cast %add3A_1675 : vector<16xi32> to vector<1x16xi32>
    tpu.vector_store %arg10[%swap3A_1677, %swap3A_1678], %swap3A_1681 {strides = array<i32>} : memref<16x128xi32, #tpu.memory_space<vmem>>, vector<1x16xi32>,
    %get3A_1682 = arith.constant 1680 : index
    %get3A_1683 = tpu.vector_load %arg9[%get3A_1682] {strides = array<i32>} : memref<2048xi32, #tpu.memory_space<vmem>>, vector<16xi32>,
    %get3A_1684 = vector.shape_cast %get3A_1683 : vector<16xi32> to vector<16xi32>
    %mul3A_1685 = vector.broadcast %select_n3A : i32 to vector<16xi32>
    %mul3A_1686 = arith.muli %get3A_1684, %mul3A_1685 : vector<16xi32>
    %get3A_1687 = arith.constant 1680 : index
    %get3A_1688 = tpu.vector_load %arg8[%get3A_1687] {strides = array<i32>} : memref<2048xi32, #tpu.memory_space<vmem>>, vector<16xi32>,
    %get3A_1689 = vector.shape_cast %get3A_1688 : vector<16xi32> to vector<16xi32>
    %add3A_1690 = arith.addi %mul3A_1686, %get3A_1689 : vector<16xi32>
    %swap3A_1691 = arith.constant 13 : i32
    %swap3A_1692 = arith.index_cast %swap3A_1691 : i32 to index
    %swap3A_1693 = arith.constant 16 : index
    %swap3A_1694 = tpu.vector_load %arg10[%swap3A_1692, %swap3A_1693] {strides = array<i32>} : memref<16x128xi32, #tpu.memory_space<vmem>>, vector<1x16xi32>,
    %swap3A_1695 = vector.shape_cast %swap3A_1694 : vector<1x16xi32> to vector<16xi32>
    %swap3A_1696 = vector.shape_cast %add3A_1690 : vector<16xi32> to vector<1x16xi32>
    tpu.vector_store %arg10[%swap3A_1692, %swap3A_1693], %swap3A_1696 {strides = array<i32>} : memref<16x128xi32, #tpu.memory_space<vmem>>, vector<1x16xi32>,
    %get3A_1697 = arith.constant 1696 : index
    %get3A_1698 = tpu.vector_load %arg9[%get3A_1697] {strides = array<i32>} : memref<2048xi32, #tpu.memory_space<vmem>>, vector<16xi32>,
    %get3A_1699 = vector.shape_cast %get3A_1698 : vector<16xi32> to vector<16xi32>
    %mul3A_1700 = vector.broadcast %select_n3A : i32 to vector<16xi32>
    %mul3A_1701 = arith.muli %get3A_1699, %mul3A_1700 : vector<16xi32>
    %get3A_1702 = arith.constant 1696 : index
    %get3A_1703 = tpu.vector_load %arg8[%get3A_1702] {strides = array<i32>} : memref<2048xi32, #tpu.memory_space<vmem>>, vector<16xi32>,
    %get3A_1704 = vector.shape_cast %get3A_1703 : vector<16xi32> to vector<16xi32>
    %add3A_1705 = arith.addi %mul3A_1701, %get3A_1704 : vector<16xi32>
    %swap3A_1706 = arith.constant 13 : i32
    %swap3A_1707 = arith.index_cast %swap3A_1706 : i32 to index
    %swap3A_1708 = arith.constant 32 : index
    %swap3A_1709 = tpu.vector_load %arg10[%swap3A_1707, %swap3A_1708] {strides = array<i32>} : memref<16x128xi32, #tpu.memory_space<vmem>>, vector<1x16xi32>,
    %swap3A_1710 = vector.shape_cast %swap3A_1709 : vector<1x16xi32> to vector<16xi32>
    %swap3A_1711 = vector.shape_cast %add3A_1705 : vector<16xi32> to vector<1x16xi32>
    tpu.vector_store %arg10[%swap3A_1707, %swap3A_1708], %swap3A_1711 {strides = array<i32>} : memref<16x128xi32, #tpu.memory_space<vmem>>, vector<1x16xi32>,
    %get3A_1712 = arith.constant 1712 : index
    %get3A_1713 = tpu.vector_load %arg9[%get3A_1712] {strides = array<i32>} : memref<2048xi32, #tpu.memory_space<vmem>>, vector<16xi32>,
    %get3A_1714 = vector.shape_cast %get3A_1713 : vector<16xi32> to vector<16xi32>
    %mul3A_1715 = vector.broadcast %select_n3A : i32 to vector<16xi32>
    %mul3A_1716 = arith.muli %get3A_1714, %mul3A_1715 : vector<16xi32>
    %get3A_1717 = arith.constant 1712 : index
    %get3A_1718 = tpu.vector_load %arg8[%get3A_1717] {strides = array<i32>} : memref<2048xi32, #tpu.memory_space<vmem>>, vector<16xi32>,
    %get3A_1719 = vector.shape_cast %get3A_1718 : vector<16xi32> to vector<16xi32>
    %add3A_1720 = arith.addi %mul3A_1716, %get3A_1719 : vector<16xi32>
    %swap3A_1721 = arith.constant 13 : i32
    %swap3A_1722 = arith.index_cast %swap3A_1721 : i32 to index
    %swap3A_1723 = arith.constant 48 : index
    %swap3A_1724 = tpu.vector_load %arg10[%swap3A_1722, %swap3A_1723] {strides = array<i32>} : memref<16x128xi32, #tpu.memory_space<vmem>>, vector<1x16xi32>,
    %swap3A_1725 = vector.shape_cast %swap3A_1724 : vector<1x16xi32> to vector<16xi32>
    %swap3A_1726 = vector.shape_cast %add3A_1720 : vector<16xi32> to vector<1x16xi32>
    tpu.vector_store %arg10[%swap3A_1722, %swap3A_1723], %swap3A_1726 {strides = array<i32>} : memref<16x128xi32, #tpu.memory_space<vmem>>, vector<1x16xi32>,
    %get3A_1727 = arith.constant 1728 : index
    %get3A_1728 = tpu.vector_load %arg9[%get3A_1727] {strides = array<i32>} : memref<2048xi32, #tpu.memory_space<vmem>>, vector<16xi32>,
    %get3A_1729 = vector.shape_cast %get3A_1728 : vector<16xi32> to vector<16xi32>
    %mul3A_1730 = vector.broadcast %select_n3A : i32 to vector<16xi32>
    %mul3A_1731 = arith.muli %get3A_1729, %mul3A_1730 : vector<16xi32>
    %get3A_1732 = arith.constant 1728 : index
    %get3A_1733 = tpu.vector_load %arg8[%get3A_1732] {strides = array<i32>} : memref<2048xi32, #tpu.memory_space<vmem>>, vector<16xi32>,
    %get3A_1734 = vector.shape_cast %get3A_1733 : vector<16xi32> to vector<16xi32>
    %add3A_1735 = arith.addi %mul3A_1731, %get3A_1734 : vector<16xi32>
    %swap3A_1736 = arith.constant 13 : i32
    %swap3A_1737 = arith.index_cast %swap3A_1736 : i32 to index
    %swap3A_1738 = arith.constant 64 : index
    %swap3A_1739 = tpu.vector_load %arg10[%swap3A_1737, %swap3A_1738] {strides = array<i32>} : memref<16x128xi32, #tpu.memory_space<vmem>>, vector<1x16xi32>,
    %swap3A_1740 = vector.shape_cast %swap3A_1739 : vector<1x16xi32> to vector<16xi32>
    %swap3A_1741 = vector.shape_cast %add3A_1735 : vector<16xi32> to vector<1x16xi32>
    tpu.vector_store %arg10[%swap3A_1737, %swap3A_1738], %swap3A_1741 {strides = array<i32>} : memref<16x128xi32, #tpu.memory_space<vmem>>, vector<1x16xi32>,
    %get3A_1742 = arith.constant 1744 : index
    %get3A_1743 = tpu.vector_load %arg9[%get3A_1742] {strides = array<i32>} : memref<2048xi32, #tpu.memory_space<vmem>>, vector<16xi32>,
    %get3A_1744 = vector.shape_cast %get3A_1743 : vector<16xi32> to vector<16xi32>
    %mul3A_1745 = vector.broadcast %select_n3A : i32 to vector<16xi32>
    %mul3A_1746 = arith.muli %get3A_1744, %mul3A_1745 : vector<16xi32>
    %get3A_1747 = arith.constant 1744 : index
    %get3A_1748 = tpu.vector_load %arg8[%get3A_1747] {strides = array<i32>} : memref<2048xi32, #tpu.memory_space<vmem>>, vector<16xi32>,
    %get3A_1749 = vector.shape_cast %get3A_1748 : vector<16xi32> to vector<16xi32>
    %add3A_1750 = arith.addi %mul3A_1746, %get3A_1749 : vector<16xi32>
    %swap3A_1751 = arith.constant 13 : i32
    %swap3A_1752 = arith.index_cast %swap3A_1751 : i32 to index
    %swap3A_1753 = arith.constant 80 : index
    %swap3A_1754 = tpu.vector_load %arg10[%swap3A_1752, %swap3A_1753] {strides = array<i32>} : memref<16x128xi32, #tpu.memory_space<vmem>>, vector<1x16xi32>,
    %swap3A_1755 = vector.shape_cast %swap3A_1754 : vector<1x16xi32> to vector<16xi32>
    %swap3A_1756 = vector.shape_cast %add3A_1750 : vector<16xi32> to vector<1x16xi32>
    tpu.vector_store %arg10[%swap3A_1752, %swap3A_1753], %swap3A_1756 {strides = array<i32>} : memref<16x128xi32, #tpu.memory_space<vmem>>, vector<1x16xi32>,
    %get3A_1757 = arith.constant 1760 : index
    %get3A_1758 = tpu.vector_load %arg9[%get3A_1757] {strides = array<i32>} : memref<2048xi32, #tpu.memory_space<vmem>>, vector<16xi32>,
    %get3A_1759 = vector.shape_cast %get3A_1758 : vector<16xi32> to vector<16xi32>
    %mul3A_1760 = vector.broadcast %select_n3A : i32 to vector<16xi32>
    %mul3A_1761 = arith.muli %get3A_1759, %mul3A_1760 : vector<16xi32>
    %get3A_1762 = arith.constant 1760 : index
    %get3A_1763 = tpu.vector_load %arg8[%get3A_1762] {strides = array<i32>} : memref<2048xi32, #tpu.memory_space<vmem>>, vector<16xi32>,
    %get3A_1764 = vector.shape_cast %get3A_1763 : vector<16xi32> to vector<16xi32>
    %add3A_1765 = arith.addi %mul3A_1761, %get3A_1764 : vector<16xi32>
    %swap3A_1766 = arith.constant 13 : i32
    %swap3A_1767 = arith.index_cast %swap3A_1766 : i32 to index
    %swap3A_1768 = arith.constant 96 : index
    %swap3A_1769 = tpu.vector_load %arg10[%swap3A_1767, %swap3A_1768] {strides = array<i32>} : memref<16x128xi32, #tpu.memory_space<vmem>>, vector<1x16xi32>,
    %swap3A_1770 = vector.shape_cast %swap3A_1769 : vector<1x16xi32> to vector<16xi32>
    %swap3A_1771 = vector.shape_cast %add3A_1765 : vector<16xi32> to vector<1x16xi32>
    tpu.vector_store %arg10[%swap3A_1767, %swap3A_1768], %swap3A_1771 {strides = array<i32>} : memref<16x128xi32, #tpu.memory_space<vmem>>, vector<1x16xi32>,
    %get3A_1772 = arith.constant 1776 : index
    %get3A_1773 = tpu.vector_load %arg9[%get3A_1772] {strides = array<i32>} : memref<2048xi32, #tpu.memory_space<vmem>>, vector<16xi32>,
    %get3A_1774 = vector.shape_cast %get3A_1773 : vector<16xi32> to vector<16xi32>
    %mul3A_1775 = vector.broadcast %select_n3A : i32 to vector<16xi32>
    %mul3A_1776 = arith.muli %get3A_1774, %mul3A_1775 : vector<16xi32>
    %get3A_1777 = arith.constant 1776 : index
    %get3A_1778 = tpu.vector_load %arg8[%get3A_1777] {strides = array<i32>} : memref<2048xi32, #tpu.memory_space<vmem>>, vector<16xi32>,
    %get3A_1779 = vector.shape_cast %get3A_1778 : vector<16xi32> to vector<16xi32>
    %add3A_1780 = arith.addi %mul3A_1776, %get3A_1779 : vector<16xi32>
    %swap3A_1781 = arith.constant 13 : i32
    %swap3A_1782 = arith.index_cast %swap3A_1781 : i32 to index
    %swap3A_1783 = arith.constant 112 : index
    %swap3A_1784 = tpu.vector_load %arg10[%swap3A_1782, %swap3A_1783] {strides = array<i32>} : memref<16x128xi32, #tpu.memory_space<vmem>>, vector<1x16xi32>,
    %swap3A_1785 = vector.shape_cast %swap3A_1784 : vector<1x16xi32> to vector<16xi32>
    %swap3A_1786 = vector.shape_cast %add3A_1780 : vector<16xi32> to vector<1x16xi32>
    tpu.vector_store %arg10[%swap3A_1782, %swap3A_1783], %swap3A_1786 {strides = array<i32>} : memref<16x128xi32, #tpu.memory_space<vmem>>, vector<1x16xi32>,
    %get3A_1787 = arith.constant 1792 : index
    %get3A_1788 = tpu.vector_load %arg9[%get3A_1787] {strides = array<i32>} : memref<2048xi32, #tpu.memory_space<vmem>>, vector<16xi32>,
    %get3A_1789 = vector.shape_cast %get3A_1788 : vector<16xi32> to vector<16xi32>
    %mul3A_1790 = vector.broadcast %select_n3A : i32 to vector<16xi32>
    %mul3A_1791 = arith.muli %get3A_1789, %mul3A_1790 : vector<16xi32>
    %get3A_1792 = arith.constant 1792 : index
    %get3A_1793 = tpu.vector_load %arg8[%get3A_1792] {strides = array<i32>} : memref<2048xi32, #tpu.memory_space<vmem>>, vector<16xi32>,
    %get3A_1794 = vector.shape_cast %get3A_1793 : vector<16xi32> to vector<16xi32>
    %add3A_1795 = arith.addi %mul3A_1791, %get3A_1794 : vector<16xi32>
    %swap3A_1796 = arith.constant 14 : i32
    %swap3A_1797 = arith.index_cast %swap3A_1796 : i32 to index
    %swap3A_1798 = arith.constant 0 : index
    %swap3A_1799 = tpu.vector_load %arg10[%swap3A_1797, %swap3A_1798] {strides = array<i32>} : memref<16x128xi32, #tpu.memory_space<vmem>>, vector<1x16xi32>,
    %swap3A_1800 = vector.shape_cast %swap3A_1799 : vector<1x16xi32> to vector<16xi32>
    %swap3A_1801 = vector.shape_cast %add3A_1795 : vector<16xi32> to vector<1x16xi32>
    tpu.vector_store %arg10[%swap3A_1797, %swap3A_1798], %swap3A_1801 {strides = array<i32>} : memref<16x128xi32, #tpu.memory_space<vmem>>, vector<1x16xi32>,
    %get3A_1802 = arith.constant 1808 : index
    %get3A_1803 = tpu.vector_load %arg9[%get3A_1802] {strides = array<i32>} : memref<2048xi32, #tpu.memory_space<vmem>>, vector<16xi32>,
    %get3A_1804 = vector.shape_cast %get3A_1803 : vector<16xi32> to vector<16xi32>
    %mul3A_1805 = vector.broadcast %select_n3A : i32 to vector<16xi32>
    %mul3A_1806 = arith.muli %get3A_1804, %mul3A_1805 : vector<16xi32>
    %get3A_1807 = arith.constant 1808 : index
    %get3A_1808 = tpu.vector_load %arg8[%get3A_1807] {strides = array<i32>} : memref<2048xi32, #tpu.memory_space<vmem>>, vector<16xi32>,
    %get3A_1809 = vector.shape_cast %get3A_1808 : vector<16xi32> to vector<16xi32>
    %add3A_1810 = arith.addi %mul3A_1806, %get3A_1809 : vector<16xi32>
    %swap3A_1811 = arith.constant 14 : i32
    %swap3A_1812 = arith.index_cast %swap3A_1811 : i32 to index
    %swap3A_1813 = arith.constant 16 : index
    %swap3A_1814 = tpu.vector_load %arg10[%swap3A_1812, %swap3A_1813] {strides = array<i32>} : memref<16x128xi32, #tpu.memory_space<vmem>>, vector<1x16xi32>,
    %swap3A_1815 = vector.shape_cast %swap3A_1814 : vector<1x16xi32> to vector<16xi32>
    %swap3A_1816 = vector.shape_cast %add3A_1810 : vector<16xi32> to vector<1x16xi32>
    tpu.vector_store %arg10[%swap3A_1812, %swap3A_1813], %swap3A_1816 {strides = array<i32>} : memref<16x128xi32, #tpu.memory_space<vmem>>, vector<1x16xi32>,
    %get3A_1817 = arith.constant 1824 : index
    %get3A_1818 = tpu.vector_load %arg9[%get3A_1817] {strides = array<i32>} : memref<2048xi32, #tpu.memory_space<vmem>>, vector<16xi32>,
    %get3A_1819 = vector.shape_cast %get3A_1818 : vector<16xi32> to vector<16xi32>
    %mul3A_1820 = vector.broadcast %select_n3A : i32 to vector<16xi32>
    %mul3A_1821 = arith.muli %get3A_1819, %mul3A_1820 : vector<16xi32>
    %get3A_1822 = arith.constant 1824 : index
    %get3A_1823 = tpu.vector_load %arg8[%get3A_1822] {strides = array<i32>} : memref<2048xi32, #tpu.memory_space<vmem>>, vector<16xi32>,
    %get3A_1824 = vector.shape_cast %get3A_1823 : vector<16xi32> to vector<16xi32>
    %add3A_1825 = arith.addi %mul3A_1821, %get3A_1824 : vector<16xi32>
    %swap3A_1826 = arith.constant 14 : i32
    %swap3A_1827 = arith.index_cast %swap3A_1826 : i32 to index
    %swap3A_1828 = arith.constant 32 : index
    %swap3A_1829 = tpu.vector_load %arg10[%swap3A_1827, %swap3A_1828] {strides = array<i32>} : memref<16x128xi32, #tpu.memory_space<vmem>>, vector<1x16xi32>,
    %swap3A_1830 = vector.shape_cast %swap3A_1829 : vector<1x16xi32> to vector<16xi32>
    %swap3A_1831 = vector.shape_cast %add3A_1825 : vector<16xi32> to vector<1x16xi32>
    tpu.vector_store %arg10[%swap3A_1827, %swap3A_1828], %swap3A_1831 {strides = array<i32>} : memref<16x128xi32, #tpu.memory_space<vmem>>, vector<1x16xi32>,
    %get3A_1832 = arith.constant 1840 : index
    %get3A_1833 = tpu.vector_load %arg9[%get3A_1832] {strides = array<i32>} : memref<2048xi32, #tpu.memory_space<vmem>>, vector<16xi32>,
    %get3A_1834 = vector.shape_cast %get3A_1833 : vector<16xi32> to vector<16xi32>
    %mul3A_1835 = vector.broadcast %select_n3A : i32 to vector<16xi32>
    %mul3A_1836 = arith.muli %get3A_1834, %mul3A_1835 : vector<16xi32>
    %get3A_1837 = arith.constant 1840 : index
    %get3A_1838 = tpu.vector_load %arg8[%get3A_1837] {strides = array<i32>} : memref<2048xi32, #tpu.memory_space<vmem>>, vector<16xi32>,
    %get3A_1839 = vector.shape_cast %get3A_1838 : vector<16xi32> to vector<16xi32>
    %add3A_1840 = arith.addi %mul3A_1836, %get3A_1839 : vector<16xi32>
    %swap3A_1841 = arith.constant 14 : i32
    %swap3A_1842 = arith.index_cast %swap3A_1841 : i32 to index
    %swap3A_1843 = arith.constant 48 : index
    %swap3A_1844 = tpu.vector_load %arg10[%swap3A_1842, %swap3A_1843] {strides = array<i32>} : memref<16x128xi32, #tpu.memory_space<vmem>>, vector<1x16xi32>,
    %swap3A_1845 = vector.shape_cast %swap3A_1844 : vector<1x16xi32> to vector<16xi32>
    %swap3A_1846 = vector.shape_cast %add3A_1840 : vector<16xi32> to vector<1x16xi32>
    tpu.vector_store %arg10[%swap3A_1842, %swap3A_1843], %swap3A_1846 {strides = array<i32>} : memref<16x128xi32, #tpu.memory_space<vmem>>, vector<1x16xi32>,
    %get3A_1847 = arith.constant 1856 : index
    %get3A_1848 = tpu.vector_load %arg9[%get3A_1847] {strides = array<i32>} : memref<2048xi32, #tpu.memory_space<vmem>>, vector<16xi32>,
    %get3A_1849 = vector.shape_cast %get3A_1848 : vector<16xi32> to vector<16xi32>
    %mul3A_1850 = vector.broadcast %select_n3A : i32 to vector<16xi32>
    %mul3A_1851 = arith.muli %get3A_1849, %mul3A_1850 : vector<16xi32>
    %get3A_1852 = arith.constant 1856 : index
    %get3A_1853 = tpu.vector_load %arg8[%get3A_1852] {strides = array<i32>} : memref<2048xi32, #tpu.memory_space<vmem>>, vector<16xi32>,
    %get3A_1854 = vector.shape_cast %get3A_1853 : vector<16xi32> to vector<16xi32>
    %add3A_1855 = arith.addi %mul3A_1851, %get3A_1854 : vector<16xi32>
    %swap3A_1856 = arith.constant 14 : i32
    %swap3A_1857 = arith.index_cast %swap3A_1856 : i32 to index
    %swap3A_1858 = arith.constant 64 : index
    %swap3A_1859 = tpu.vector_load %arg10[%swap3A_1857, %swap3A_1858] {strides = array<i32>} : memref<16x128xi32, #tpu.memory_space<vmem>>, vector<1x16xi32>,
    %swap3A_1860 = vector.shape_cast %swap3A_1859 : vector<1x16xi32> to vector<16xi32>
    %swap3A_1861 = vector.shape_cast %add3A_1855 : vector<16xi32> to vector<1x16xi32>
    tpu.vector_store %arg10[%swap3A_1857, %swap3A_1858], %swap3A_1861 {strides = array<i32>} : memref<16x128xi32, #tpu.memory_space<vmem>>, vector<1x16xi32>,
    %get3A_1862 = arith.constant 1872 : index
    %get3A_1863 = tpu.vector_load %arg9[%get3A_1862] {strides = array<i32>} : memref<2048xi32, #tpu.memory_space<vmem>>, vector<16xi32>,
    %get3A_1864 = vector.shape_cast %get3A_1863 : vector<16xi32> to vector<16xi32>
    %mul3A_1865 = vector.broadcast %select_n3A : i32 to vector<16xi32>
    %mul3A_1866 = arith.muli %get3A_1864, %mul3A_1865 : vector<16xi32>
    %get3A_1867 = arith.constant 1872 : index
    %get3A_1868 = tpu.vector_load %arg8[%get3A_1867] {strides = array<i32>} : memref<2048xi32, #tpu.memory_space<vmem>>, vector<16xi32>,
    %get3A_1869 = vector.shape_cast %get3A_1868 : vector<16xi32> to vector<16xi32>
    %add3A_1870 = arith.addi %mul3A_1866, %get3A_1869 : vector<16xi32>
    %swap3A_1871 = arith.constant 14 : i32
    %swap3A_1872 = arith.index_cast %swap3A_1871 : i32 to index
    %swap3A_1873 = arith.constant 80 : index
    %swap3A_1874 = tpu.vector_load %arg10[%swap3A_1872, %swap3A_1873] {strides = array<i32>} : memref<16x128xi32, #tpu.memory_space<vmem>>, vector<1x16xi32>,
    %swap3A_1875 = vector.shape_cast %swap3A_1874 : vector<1x16xi32> to vector<16xi32>
    %swap3A_1876 = vector.shape_cast %add3A_1870 : vector<16xi32> to vector<1x16xi32>
    tpu.vector_store %arg10[%swap3A_1872, %swap3A_1873], %swap3A_1876 {strides = array<i32>} : memref<16x128xi32, #tpu.memory_space<vmem>>, vector<1x16xi32>,
    %get3A_1877 = arith.constant 1888 : index
    %get3A_1878 = tpu.vector_load %arg9[%get3A_1877] {strides = array<i32>} : memref<2048xi32, #tpu.memory_space<vmem>>, vector<16xi32>,
    %get3A_1879 = vector.shape_cast %get3A_1878 : vector<16xi32> to vector<16xi32>
    %mul3A_1880 = vector.broadcast %select_n3A : i32 to vector<16xi32>
    %mul3A_1881 = arith.muli %get3A_1879, %mul3A_1880 : vector<16xi32>
    %get3A_1882 = arith.constant 1888 : index
    %get3A_1883 = tpu.vector_load %arg8[%get3A_1882] {strides = array<i32>} : memref<2048xi32, #tpu.memory_space<vmem>>, vector<16xi32>,
    %get3A_1884 = vector.shape_cast %get3A_1883 : vector<16xi32> to vector<16xi32>
    %add3A_1885 = arith.addi %mul3A_1881, %get3A_1884 : vector<16xi32>
    %swap3A_1886 = arith.constant 14 : i32
    %swap3A_1887 = arith.index_cast %swap3A_1886 : i32 to index
    %swap3A_1888 = arith.constant 96 : index
    %swap3A_1889 = tpu.vector_load %arg10[%swap3A_1887, %swap3A_1888] {strides = array<i32>} : memref<16x128xi32, #tpu.memory_space<vmem>>, vector<1x16xi32>,
    %swap3A_1890 = vector.shape_cast %swap3A_1889 : vector<1x16xi32> to vector<16xi32>
    %swap3A_1891 = vector.shape_cast %add3A_1885 : vector<16xi32> to vector<1x16xi32>
    tpu.vector_store %arg10[%swap3A_1887, %swap3A_1888], %swap3A_1891 {strides = array<i32>} : memref<16x128xi32, #tpu.memory_space<vmem>>, vector<1x16xi32>,
    %get3A_1892 = arith.constant 1904 : index
    %get3A_1893 = tpu.vector_load %arg9[%get3A_1892] {strides = array<i32>} : memref<2048xi32, #tpu.memory_space<vmem>>, vector<16xi32>,
    %get3A_1894 = vector.shape_cast %get3A_1893 : vector<16xi32> to vector<16xi32>
    %mul3A_1895 = vector.broadcast %select_n3A : i32 to vector<16xi32>
    %mul3A_1896 = arith.muli %get3A_1894, %mul3A_1895 : vector<16xi32>
    %get3A_1897 = arith.constant 1904 : index
    %get3A_1898 = tpu.vector_load %arg8[%get3A_1897] {strides = array<i32>} : memref<2048xi32, #tpu.memory_space<vmem>>, vector<16xi32>,
    %get3A_1899 = vector.shape_cast %get3A_1898 : vector<16xi32> to vector<16xi32>
    %add3A_1900 = arith.addi %mul3A_1896, %get3A_1899 : vector<16xi32>
    %swap3A_1901 = arith.constant 14 : i32
    %swap3A_1902 = arith.index_cast %swap3A_1901 : i32 to index
    %swap3A_1903 = arith.constant 112 : index
    %swap3A_1904 = tpu.vector_load %arg10[%swap3A_1902, %swap3A_1903] {strides = array<i32>} : memref<16x128xi32, #tpu.memory_space<vmem>>, vector<1x16xi32>,
    %swap3A_1905 = vector.shape_cast %swap3A_1904 : vector<1x16xi32> to vector<16xi32>
    %swap3A_1906 = vector.shape_cast %add3A_1900 : vector<16xi32> to vector<1x16xi32>
    tpu.vector_store %arg10[%swap3A_1902, %swap3A_1903], %swap3A_1906 {strides = array<i32>} : memref<16x128xi32, #tpu.memory_space<vmem>>, vector<1x16xi32>,
    %get3A_1907 = arith.constant 1920 : index
    %get3A_1908 = tpu.vector_load %arg9[%get3A_1907] {strides = array<i32>} : memref<2048xi32, #tpu.memory_space<vmem>>, vector<16xi32>,
    %get3A_1909 = vector.shape_cast %get3A_1908 : vector<16xi32> to vector<16xi32>
    %mul3A_1910 = vector.broadcast %select_n3A : i32 to vector<16xi32>
    %mul3A_1911 = arith.muli %get3A_1909, %mul3A_1910 : vector<16xi32>
    %get3A_1912 = arith.constant 1920 : index
    %get3A_1913 = tpu.vector_load %arg8[%get3A_1912] {strides = array<i32>} : memref<2048xi32, #tpu.memory_space<vmem>>, vector<16xi32>,
    %get3A_1914 = vector.shape_cast %get3A_1913 : vector<16xi32> to vector<16xi32>
    %add3A_1915 = arith.addi %mul3A_1911, %get3A_1914 : vector<16xi32>
    %swap3A_1916 = arith.constant 15 : i32
    %swap3A_1917 = arith.index_cast %swap3A_1916 : i32 to index
    %swap3A_1918 = arith.constant 0 : index
    %swap3A_1919 = tpu.vector_load %arg10[%swap3A_1917, %swap3A_1918] {strides = array<i32>} : memref<16x128xi32, #tpu.memory_space<vmem>>, vector<1x16xi32>,
    %swap3A_1920 = vector.shape_cast %swap3A_1919 : vector<1x16xi32> to vector<16xi32>
    %swap3A_1921 = vector.shape_cast %add3A_1915 : vector<16xi32> to vector<1x16xi32>
    tpu.vector_store %arg10[%swap3A_1917, %swap3A_1918], %swap3A_1921 {strides = array<i32>} : memref<16x128xi32, #tpu.memory_space<vmem>>, vector<1x16xi32>,
    %get3A_1922 = arith.constant 1936 : index
    %get3A_1923 = tpu.vector_load %arg9[%get3A_1922] {strides = array<i32>} : memref<2048xi32, #tpu.memory_space<vmem>>, vector<16xi32>,
    %get3A_1924 = vector.shape_cast %get3A_1923 : vector<16xi32> to vector<16xi32>
    %mul3A_1925 = vector.broadcast %select_n3A : i32 to vector<16xi32>
    %mul3A_1926 = arith.muli %get3A_1924, %mul3A_1925 : vector<16xi32>
    %get3A_1927 = arith.constant 1936 : index
    %get3A_1928 = tpu.vector_load %arg8[%get3A_1927] {strides = array<i32>} : memref<2048xi32, #tpu.memory_space<vmem>>, vector<16xi32>,
    %get3A_1929 = vector.shape_cast %get3A_1928 : vector<16xi32> to vector<16xi32>
    %add3A_1930 = arith.addi %mul3A_1926, %get3A_1929 : vector<16xi32>
    %swap3A_1931 = arith.constant 15 : i32
    %swap3A_1932 = arith.index_cast %swap3A_1931 : i32 to index
    %swap3A_1933 = arith.constant 16 : index
    %swap3A_1934 = tpu.vector_load %arg10[%swap3A_1932, %swap3A_1933] {strides = array<i32>} : memref<16x128xi32, #tpu.memory_space<vmem>>, vector<1x16xi32>,
    %swap3A_1935 = vector.shape_cast %swap3A_1934 : vector<1x16xi32> to vector<16xi32>
    %swap3A_1936 = vector.shape_cast %add3A_1930 : vector<16xi32> to vector<1x16xi32>
    tpu.vector_store %arg10[%swap3A_1932, %swap3A_1933], %swap3A_1936 {strides = array<i32>} : memref<16x128xi32, #tpu.memory_space<vmem>>, vector<1x16xi32>,
    %get3A_1937 = arith.constant 1952 : index
    %get3A_1938 = tpu.vector_load %arg9[%get3A_1937] {strides = array<i32>} : memref<2048xi32, #tpu.memory_space<vmem>>, vector<16xi32>,
    %get3A_1939 = vector.shape_cast %get3A_1938 : vector<16xi32> to vector<16xi32>
    %mul3A_1940 = vector.broadcast %select_n3A : i32 to vector<16xi32>
    %mul3A_1941 = arith.muli %get3A_1939, %mul3A_1940 : vector<16xi32>
    %get3A_1942 = arith.constant 1952 : index
    %get3A_1943 = tpu.vector_load %arg8[%get3A_1942] {strides = array<i32>} : memref<2048xi32, #tpu.memory_space<vmem>>, vector<16xi32>,
    %get3A_1944 = vector.shape_cast %get3A_1943 : vector<16xi32> to vector<16xi32>
    %add3A_1945 = arith.addi %mul3A_1941, %get3A_1944 : vector<16xi32>
    %swap3A_1946 = arith.constant 15 : i32
    %swap3A_1947 = arith.index_cast %swap3A_1946 : i32 to index
    %swap3A_1948 = arith.constant 32 : index
    %swap3A_1949 = tpu.vector_load %arg10[%swap3A_1947, %swap3A_1948] {strides = array<i32>} : memref<16x128xi32, #tpu.memory_space<vmem>>, vector<1x16xi32>,
    %swap3A_1950 = vector.shape_cast %swap3A_1949 : vector<1x16xi32> to vector<16xi32>
    %swap3A_1951 = vector.shape_cast %add3A_1945 : vector<16xi32> to vector<1x16xi32>
    tpu.vector_store %arg10[%swap3A_1947, %swap3A_1948], %swap3A_1951 {strides = array<i32>} : memref<16x128xi32, #tpu.memory_space<vmem>>, vector<1x16xi32>,
    %get3A_1952 = arith.constant 1968 : index
    %get3A_1953 = tpu.vector_load %arg9[%get3A_1952] {strides = array<i32>} : memref<2048xi32, #tpu.memory_space<vmem>>, vector<16xi32>,
    %get3A_1954 = vector.shape_cast %get3A_1953 : vector<16xi32> to vector<16xi32>
    %mul3A_1955 = vector.broadcast %select_n3A : i32 to vector<16xi32>
    %mul3A_1956 = arith.muli %get3A_1954, %mul3A_1955 : vector<16xi32>
    %get3A_1957 = arith.constant 1968 : index
    %get3A_1958 = tpu.vector_load %arg8[%get3A_1957] {strides = array<i32>} : memref<2048xi32, #tpu.memory_space<vmem>>, vector<16xi32>,
    %get3A_1959 = vector.shape_cast %get3A_1958 : vector<16xi32> to vector<16xi32>
    %add3A_1960 = arith.addi %mul3A_1956, %get3A_1959 : vector<16xi32>
    %swap3A_1961 = arith.constant 15 : i32
    %swap3A_1962 = arith.index_cast %swap3A_1961 : i32 to index
    %swap3A_1963 = arith.constant 48 : index
    %swap3A_1964 = tpu.vector_load %arg10[%swap3A_1962, %swap3A_1963] {strides = array<i32>} : memref<16x128xi32, #tpu.memory_space<vmem>>, vector<1x16xi32>,
    %swap3A_1965 = vector.shape_cast %swap3A_1964 : vector<1x16xi32> to vector<16xi32>
    %swap3A_1966 = vector.shape_cast %add3A_1960 : vector<16xi32> to vector<1x16xi32>
    tpu.vector_store %arg10[%swap3A_1962, %swap3A_1963], %swap3A_1966 {strides = array<i32>} : memref<16x128xi32, #tpu.memory_space<vmem>>, vector<1x16xi32>,
    %get3A_1967 = arith.constant 1984 : index
    %get3A_1968 = tpu.vector_load %arg9[%get3A_1967] {strides = array<i32>} : memref<2048xi32, #tpu.memory_space<vmem>>, vector<16xi32>,
    %get3A_1969 = vector.shape_cast %get3A_1968 : vector<16xi32> to vector<16xi32>
    %mul3A_1970 = vector.broadcast %select_n3A : i32 to vector<16xi32>
    %mul3A_1971 = arith.muli %get3A_1969, %mul3A_1970 : vector<16xi32>
    %get3A_1972 = arith.constant 1984 : index
    %get3A_1973 = tpu.vector_load %arg8[%get3A_1972] {strides = array<i32>} : memref<2048xi32, #tpu.memory_space<vmem>>, vector<16xi32>,
    %get3A_1974 = vector.shape_cast %get3A_1973 : vector<16xi32> to vector<16xi32>
    %add3A_1975 = arith.addi %mul3A_1971, %get3A_1974 : vector<16xi32>
    %swap3A_1976 = arith.constant 15 : i32
    %swap3A_1977 = arith.index_cast %swap3A_1976 : i32 to index
    %swap3A_1978 = arith.constant 64 : index
    %swap3A_1979 = tpu.vector_load %arg10[%swap3A_1977, %swap3A_1978] {strides = array<i32>} : memref<16x128xi32, #tpu.memory_space<vmem>>, vector<1x16xi32>,
    %swap3A_1980 = vector.shape_cast %swap3A_1979 : vector<1x16xi32> to vector<16xi32>
    %swap3A_1981 = vector.shape_cast %add3A_1975 : vector<16xi32> to vector<1x16xi32>
    tpu.vector_store %arg10[%swap3A_1977, %swap3A_1978], %swap3A_1981 {strides = array<i32>} : memref<16x128xi32, #tpu.memory_space<vmem>>, vector<1x16xi32>,
    %get3A_1982 = arith.constant 2000 : index
    %get3A_1983 = tpu.vector_load %arg9[%get3A_1982] {strides = array<i32>} : memref<2048xi32, #tpu.memory_space<vmem>>, vector<16xi32>,
    %get3A_1984 = vector.shape_cast %get3A_1983 : vector<16xi32> to vector<16xi32>
    %mul3A_1985 = vector.broadcast %select_n3A : i32 to vector<16xi32>
    %mul3A_1986 = arith.muli %get3A_1984, %mul3A_1985 : vector<16xi32>
    %get3A_1987 = arith.constant 2000 : index
    %get3A_1988 = tpu.vector_load %arg8[%get3A_1987] {strides = array<i32>} : memref<2048xi32, #tpu.memory_space<vmem>>, vector<16xi32>,
    %get3A_1989 = vector.shape_cast %get3A_1988 : vector<16xi32> to vector<16xi32>
    %add3A_1990 = arith.addi %mul3A_1986, %get3A_1989 : vector<16xi32>
    %swap3A_1991 = arith.constant 15 : i32
    %swap3A_1992 = arith.index_cast %swap3A_1991 : i32 to index
    %swap3A_1993 = arith.constant 80 : index
    %swap3A_1994 = tpu.vector_load %arg10[%swap3A_1992, %swap3A_1993] {strides = array<i32>} : memref<16x128xi32, #tpu.memory_space<vmem>>, vector<1x16xi32>,
    %swap3A_1995 = vector.shape_cast %swap3A_1994 : vector<1x16xi32> to vector<16xi32>
    %swap3A_1996 = vector.shape_cast %add3A_1990 : vector<16xi32> to vector<1x16xi32>
    tpu.vector_store %arg10[%swap3A_1992, %swap3A_1993], %swap3A_1996 {strides = array<i32>} : memref<16x128xi32, #tpu.memory_space<vmem>>, vector<1x16xi32>,
    %get3A_1997 = arith.constant 2016 : index
    %get3A_1998 = tpu.vector_load %arg9[%get3A_1997] {strides = array<i32>} : memref<2048xi32, #tpu.memory_space<vmem>>, vector<16xi32>,
    %get3A_1999 = vector.shape_cast %get3A_1998 : vector<16xi32> to vector<16xi32>
    %mul3A_2000 = vector.broadcast %select_n3A : i32 to vector<16xi32>
    %mul3A_2001 = arith.muli %get3A_1999, %mul3A_2000 : vector<16xi32>
    %get3A_2002 = arith.constant 2016 : index
    %get3A_2003 = tpu.vector_load %arg8[%get3A_2002] {strides = array<i32>} : memref<2048xi32, #tpu.memory_space<vmem>>, vector<16xi32>,
    %get3A_2004 = vector.shape_cast %get3A_2003 : vector<16xi32> to vector<16xi32>
    %add3A_2005 = arith.addi %mul3A_2001, %get3A_2004 : vector<16xi32>
    %swap3A_2006 = arith.constant 15 : i32
    %swap3A_2007 = arith.index_cast %swap3A_2006 : i32 to index
    %swap3A_2008 = arith.constant 96 : index
    %swap3A_2009 = tpu.vector_load %arg10[%swap3A_2007, %swap3A_2008] {strides = array<i32>} : memref<16x128xi32, #tpu.memory_space<vmem>>, vector<1x16xi32>,
    %swap3A_2010 = vector.shape_cast %swap3A_2009 : vector<1x16xi32> to vector<16xi32>
    %swap3A_2011 = vector.shape_cast %add3A_2005 : vector<16xi32> to vector<1x16xi32>
    tpu.vector_store %arg10[%swap3A_2007, %swap3A_2008], %swap3A_2011 {strides = array<i32>} : memref<16x128xi32, #tpu.memory_space<vmem>>, vector<1x16xi32>,
    %get3A_2012 = arith.constant 2032 : index
    %get3A_2013 = tpu.vector_load %arg9[%get3A_2012] {strides = array<i32>} : memref<2048xi32, #tpu.memory_space<vmem>>, vector<16xi32>,
    %get3A_2014 = vector.shape_cast %get3A_2013 : vector<16xi32> to vector<16xi32>
    %mul3A_2015 = vector.broadcast %select_n3A : i32 to vector<16xi32>
    %mul3A_2016 = arith.muli %get3A_2014, %mul3A_2015 : vector<16xi32>
    %get3A_2017 = arith.constant 2032 : index
    %get3A_2018 = tpu.vector_load %arg8[%get3A_2017] {strides = array<i32>} : memref<2048xi32, #tpu.memory_space<vmem>>, vector<16xi32>,
    %get3A_2019 = vector.shape_cast %get3A_2018 : vector<16xi32> to vector<16xi32>
    %add3A_2020 = arith.addi %mul3A_2016, %get3A_2019 : vector<16xi32>
    %swap3A_2021 = arith.constant 15 : i32
    %swap3A_2022 = arith.index_cast %swap3A_2021 : i32 to index
    %swap3A_2023 = arith.constant 112 : index
    %swap3A_2024 = tpu.vector_load %arg10[%swap3A_2022, %swap3A_2023] {strides = array<i32>} : memref<16x128xi32, #tpu.memory_space<vmem>>, vector<1x16xi32>,
    %swap3A_2025 = vector.shape_cast %swap3A_2024 : vector<1x16xi32> to vector<16xi32>
    %swap3A_2026 = vector.shape_cast %add3A_2020 : vector<16xi32> to vector<1x16xi32>
    tpu.vector_store %arg10[%swap3A_2022, %swap3A_2023], %swap3A_2026 {strides = array<i32>} : memref<16x128xi32, #tpu.memory_space<vmem>>, vector<1x16xi32>,
    %dma_wait3A_2027 = tpu.memref_slice %arg13[%add3A_9] : memref<524288xf32, #tpu.memory_space<vmem_shared>> -> memref<4096xf32, #tpu.memory_space<vmem_shared>>
    %dma_wait3A_2028 = tpu.memref_slice %arg13[%add3A_9] : memref<524288xf32, #tpu.memory_space<vmem_shared>> -> memref<4096xf32, #tpu.memory_space<vmem_shared>>
    tpu.wait_dma2 semaphore(%arg15 : memref<!tpu.dma_semaphore, #tpu.memory_space<semaphore_mem>>) src(%arg12 : memref<4096xf32, #tpu.memory_space<vmem>>) dst(%dma_wait3A_2028 : memref<4096xf32, #tpu.memory_space<vmem_shared>>)
    %dma_wait3A_2029 = tpu.memref_slice %arg13[%add3A_14] : memref<524288xf32, #tpu.memory_space<vmem_shared>> -> memref<4096xf32, #tpu.memory_space<vmem_shared>>
    %dma_wait3A_2030 = tpu.memref_slice %arg13[%add3A_14] : memref<524288xf32, #tpu.memory_space<vmem_shared>> -> memref<4096xf32, #tpu.memory_space<vmem_shared>>
    tpu.wait_dma2 semaphore(%arg15 : memref<!tpu.dma_semaphore, #tpu.memory_space<semaphore_mem>>) src(%arg12 : memref<4096xf32, #tpu.memory_space<vmem>>) dst(%dma_wait3A_2030 : memref<4096xf32, #tpu.memory_space<vmem_shared>>)
    %dma_wait3A_2031 = tpu.memref_slice %arg13[%add3A_20] : memref<524288xf32, #tpu.memory_space<vmem_shared>> -> memref<4096xf32, #tpu.memory_space<vmem_shared>>
    %dma_wait3A_2032 = tpu.memref_slice %arg13[%add3A_20] : memref<524288xf32, #tpu.memory_space<vmem_shared>> -> memref<4096xf32, #tpu.memory_space<vmem_shared>>
    tpu.wait_dma2 semaphore(%arg15 : memref<!tpu.dma_semaphore, #tpu.memory_space<semaphore_mem>>) src(%arg12 : memref<4096xf32, #tpu.memory_space<vmem>>) dst(%dma_wait3A_2032 : memref<4096xf32, #tpu.memory_space<vmem_shared>>)
    %dma_wait3A_2033 = tpu.memref_slice %arg13[%add3A_26] : memref<524288xf32, #tpu.memory_space<vmem_shared>> -> memref<4096xf32, #tpu.memory_space<vmem_shared>>
    %dma_wait3A_2034 = tpu.memref_slice %arg13[%add3A_26] : memref<524288xf32, #tpu.memory_space<vmem_shared>> -> memref<4096xf32, #tpu.memory_space<vmem_shared>>
    tpu.wait_dma2 semaphore(%arg15 : memref<!tpu.dma_semaphore, #tpu.memory_space<semaphore_mem>>) src(%arg12 : memref<4096xf32, #tpu.memory_space<vmem>>) dst(%dma_wait3A_2034 : memref<4096xf32, #tpu.memory_space<vmem_shared>>)
    %dma_wait3A_2035 = tpu.memref_slice %arg13[%add3A_32] : memref<524288xf32, #tpu.memory_space<vmem_shared>> -> memref<4096xf32, #tpu.memory_space<vmem_shared>>
    %dma_wait3A_2036 = tpu.memref_slice %arg13[%add3A_32] : memref<524288xf32, #tpu.memory_space<vmem_shared>> -> memref<4096xf32, #tpu.memory_space<vmem_shared>>
    tpu.wait_dma2 semaphore(%arg15 : memref<!tpu.dma_semaphore, #tpu.memory_space<semaphore_mem>>) src(%arg12 : memref<4096xf32, #tpu.memory_space<vmem>>) dst(%dma_wait3A_2036 : memref<4096xf32, #tpu.memory_space<vmem_shared>>)
    %dma_wait3A_2037 = tpu.memref_slice %arg13[%add3A_38] : memref<524288xf32, #tpu.memory_space<vmem_shared>> -> memref<4096xf32, #tpu.memory_space<vmem_shared>>
    %dma_wait3A_2038 = tpu.memref_slice %arg13[%add3A_38] : memref<524288xf32, #tpu.memory_space<vmem_shared>> -> memref<4096xf32, #tpu.memory_space<vmem_shared>>
    tpu.wait_dma2 semaphore(%arg15 : memref<!tpu.dma_semaphore, #tpu.memory_space<semaphore_mem>>) src(%arg12 : memref<4096xf32, #tpu.memory_space<vmem>>) dst(%dma_wait3A_2038 : memref<4096xf32, #tpu.memory_space<vmem_shared>>)
    %dma_wait3A_2039 = tpu.memref_slice %arg13[%add3A_44] : memref<524288xf32, #tpu.memory_space<vmem_shared>> -> memref<4096xf32, #tpu.memory_space<vmem_shared>>
    %dma_wait3A_2040 = tpu.memref_slice %arg13[%add3A_44] : memref<524288xf32, #tpu.memory_space<vmem_shared>> -> memref<4096xf32, #tpu.memory_space<vmem_shared>>
    tpu.wait_dma2 semaphore(%arg15 : memref<!tpu.dma_semaphore, #tpu.memory_space<semaphore_mem>>) src(%arg12 : memref<4096xf32, #tpu.memory_space<vmem>>) dst(%dma_wait3A_2040 : memref<4096xf32, #tpu.memory_space<vmem_shared>>)
    %dma_wait3A_2041 = tpu.memref_slice %arg13[%add3A_50] : memref<524288xf32, #tpu.memory_space<vmem_shared>> -> memref<4096xf32, #tpu.memory_space<vmem_shared>>
    %dma_wait3A_2042 = tpu.memref_slice %arg13[%add3A_50] : memref<524288xf32, #tpu.memory_space<vmem_shared>> -> memref<4096xf32, #tpu.memory_space<vmem_shared>>
    tpu.wait_dma2 semaphore(%arg15 : memref<!tpu.dma_semaphore, #tpu.memory_space<semaphore_mem>>) src(%arg12 : memref<4096xf32, #tpu.memory_space<vmem>>) dst(%dma_wait3A_2042 : memref<4096xf32, #tpu.memory_space<vmem_shared>>)
    %barrier3A = arith.constant 0 : index
    tpu.barrier barrier_id(%barrier3A)
    %dma_start3A_2043 = arith.constant 0 : i32
    %dma_start3A_2044 = arith.constant 0 : i32
    %dma_start3A_2045 = tpu.memref_slice %arg10[%dma_start3A_2043, %dma_start3A_2044] : memref<16x128xi32, #tpu.memory_space<vmem>> -> memref<1x128xi32, #tpu.memory_space<vmem>>
    %dma_start3A_2046 = tpu.memref_squeeze %dma_start3A_2045 : memref<1x128xi32, #tpu.memory_space<vmem>> -> memref<128xi32, #tpu.memory_space<vmem>>
    %dma_start3A_2047 = arith.constant 0 : i32
    %dma_start3A_2048 = tpu.memref_slice %arg13[%dma_start3A_2047] : memref<524288xf32, #tpu.memory_space<vmem_shared>> -> memref<524288xf32, #tpu.memory_space<vmem_shared>>
    tpu.enqueue_indirect_dma source(%arg11 : memref<128xf32, #tpu.memory_space<vmem>>) target(%dma_start3A_2048 : memref<524288xf32, #tpu.memory_space<vmem_shared>>) offsets(%dma_start3A_2046 : memref<128xi32, #tpu.memory_space<vmem>>) semaphore(%arg16 : memref<!tpu.dma_semaphore, #tpu.memory_space<semaphore_mem>>) {add = true}
    %dma_start3A_2049 = arith.constant 1 : i32
    %dma_start3A_2050 = arith.constant 0 : i32
    %dma_start3A_2051 = tpu.memref_slice %arg10[%dma_start3A_2049, %dma_start3A_2050] : memref<16x128xi32, #tpu.memory_space<vmem>> -> memref<1x128xi32, #tpu.memory_space<vmem>>
    %dma_start3A_2052 = tpu.memref_squeeze %dma_start3A_2051 : memref<1x128xi32, #tpu.memory_space<vmem>> -> memref<128xi32, #tpu.memory_space<vmem>>
    %dma_start3A_2053 = arith.constant 0 : i32
    %dma_start3A_2054 = tpu.memref_slice %arg13[%dma_start3A_2053] : memref<524288xf32, #tpu.memory_space<vmem_shared>> -> memref<524288xf32, #tpu.memory_space<vmem_shared>>
    tpu.enqueue_indirect_dma source(%arg11 : memref<128xf32, #tpu.memory_space<vmem>>) target(%dma_start3A_2054 : memref<524288xf32, #tpu.memory_space<vmem_shared>>) offsets(%dma_start3A_2052 : memref<128xi32, #tpu.memory_space<vmem>>) semaphore(%arg16 : memref<!tpu.dma_semaphore, #tpu.memory_space<semaphore_mem>>) {add = true}
    %dma_start3A_2055 = arith.constant 2 : i32
    %dma_start3A_2056 = arith.constant 0 : i32
    %dma_start3A_2057 = tpu.memref_slice %arg10[%dma_start3A_2055, %dma_start3A_2056] : memref<16x128xi32, #tpu.memory_space<vmem>> -> memref<1x128xi32, #tpu.memory_space<vmem>>
    %dma_start3A_2058 = tpu.memref_squeeze %dma_start3A_2057 : memref<1x128xi32, #tpu.memory_space<vmem>> -> memref<128xi32, #tpu.memory_space<vmem>>
    %dma_start3A_2059 = arith.constant 0 : i32
    %dma_start3A_2060 = tpu.memref_slice %arg13[%dma_start3A_2059] : memref<524288xf32, #tpu.memory_space<vmem_shared>> -> memref<524288xf32, #tpu.memory_space<vmem_shared>>
    tpu.enqueue_indirect_dma source(%arg11 : memref<128xf32, #tpu.memory_space<vmem>>) target(%dma_start3A_2060 : memref<524288xf32, #tpu.memory_space<vmem_shared>>) offsets(%dma_start3A_2058 : memref<128xi32, #tpu.memory_space<vmem>>) semaphore(%arg16 : memref<!tpu.dma_semaphore, #tpu.memory_space<semaphore_mem>>) {add = true}
    %dma_start3A_2061 = arith.constant 3 : i32
    %dma_start3A_2062 = arith.constant 0 : i32
    %dma_start3A_2063 = tpu.memref_slice %arg10[%dma_start3A_2061, %dma_start3A_2062] : memref<16x128xi32, #tpu.memory_space<vmem>> -> memref<1x128xi32, #tpu.memory_space<vmem>>
    %dma_start3A_2064 = tpu.memref_squeeze %dma_start3A_2063 : memref<1x128xi32, #tpu.memory_space<vmem>> -> memref<128xi32, #tpu.memory_space<vmem>>
    %dma_start3A_2065 = arith.constant 0 : i32
    %dma_start3A_2066 = tpu.memref_slice %arg13[%dma_start3A_2065] : memref<524288xf32, #tpu.memory_space<vmem_shared>> -> memref<524288xf32, #tpu.memory_space<vmem_shared>>
    tpu.enqueue_indirect_dma source(%arg11 : memref<128xf32, #tpu.memory_space<vmem>>) target(%dma_start3A_2066 : memref<524288xf32, #tpu.memory_space<vmem_shared>>) offsets(%dma_start3A_2064 : memref<128xi32, #tpu.memory_space<vmem>>) semaphore(%arg16 : memref<!tpu.dma_semaphore, #tpu.memory_space<semaphore_mem>>) {add = true}
    %dma_start3A_2067 = arith.constant 4 : i32
    %dma_start3A_2068 = arith.constant 0 : i32
    %dma_start3A_2069 = tpu.memref_slice %arg10[%dma_start3A_2067, %dma_start3A_2068] : memref<16x128xi32, #tpu.memory_space<vmem>> -> memref<1x128xi32, #tpu.memory_space<vmem>>
    %dma_start3A_2070 = tpu.memref_squeeze %dma_start3A_2069 : memref<1x128xi32, #tpu.memory_space<vmem>> -> memref<128xi32, #tpu.memory_space<vmem>>
    %dma_start3A_2071 = arith.constant 0 : i32
    %dma_start3A_2072 = tpu.memref_slice %arg13[%dma_start3A_2071] : memref<524288xf32, #tpu.memory_space<vmem_shared>> -> memref<524288xf32, #tpu.memory_space<vmem_shared>>
    tpu.enqueue_indirect_dma source(%arg11 : memref<128xf32, #tpu.memory_space<vmem>>) target(%dma_start3A_2072 : memref<524288xf32, #tpu.memory_space<vmem_shared>>) offsets(%dma_start3A_2070 : memref<128xi32, #tpu.memory_space<vmem>>) semaphore(%arg16 : memref<!tpu.dma_semaphore, #tpu.memory_space<semaphore_mem>>) {add = true}
    %dma_start3A_2073 = arith.constant 5 : i32
    %dma_start3A_2074 = arith.constant 0 : i32
    %dma_start3A_2075 = tpu.memref_slice %arg10[%dma_start3A_2073, %dma_start3A_2074] : memref<16x128xi32, #tpu.memory_space<vmem>> -> memref<1x128xi32, #tpu.memory_space<vmem>>
    %dma_start3A_2076 = tpu.memref_squeeze %dma_start3A_2075 : memref<1x128xi32, #tpu.memory_space<vmem>> -> memref<128xi32, #tpu.memory_space<vmem>>
    %dma_start3A_2077 = arith.constant 0 : i32
    %dma_start3A_2078 = tpu.memref_slice %arg13[%dma_start3A_2077] : memref<524288xf32, #tpu.memory_space<vmem_shared>> -> memref<524288xf32, #tpu.memory_space<vmem_shared>>
    tpu.enqueue_indirect_dma source(%arg11 : memref<128xf32, #tpu.memory_space<vmem>>) target(%dma_start3A_2078 : memref<524288xf32, #tpu.memory_space<vmem_shared>>) offsets(%dma_start3A_2076 : memref<128xi32, #tpu.memory_space<vmem>>) semaphore(%arg16 : memref<!tpu.dma_semaphore, #tpu.memory_space<semaphore_mem>>) {add = true}
    %dma_start3A_2079 = arith.constant 6 : i32
    %dma_start3A_2080 = arith.constant 0 : i32
    %dma_start3A_2081 = tpu.memref_slice %arg10[%dma_start3A_2079, %dma_start3A_2080] : memref<16x128xi32, #tpu.memory_space<vmem>> -> memref<1x128xi32, #tpu.memory_space<vmem>>
    %dma_start3A_2082 = tpu.memref_squeeze %dma_start3A_2081 : memref<1x128xi32, #tpu.memory_space<vmem>> -> memref<128xi32, #tpu.memory_space<vmem>>
    %dma_start3A_2083 = arith.constant 0 : i32
    %dma_start3A_2084 = tpu.memref_slice %arg13[%dma_start3A_2083] : memref<524288xf32, #tpu.memory_space<vmem_shared>> -> memref<524288xf32, #tpu.memory_space<vmem_shared>>
    tpu.enqueue_indirect_dma source(%arg11 : memref<128xf32, #tpu.memory_space<vmem>>) target(%dma_start3A_2084 : memref<524288xf32, #tpu.memory_space<vmem_shared>>) offsets(%dma_start3A_2082 : memref<128xi32, #tpu.memory_space<vmem>>) semaphore(%arg16 : memref<!tpu.dma_semaphore, #tpu.memory_space<semaphore_mem>>) {add = true}
    %dma_start3A_2085 = arith.constant 7 : i32
    %dma_start3A_2086 = arith.constant 0 : i32
    %dma_start3A_2087 = tpu.memref_slice %arg10[%dma_start3A_2085, %dma_start3A_2086] : memref<16x128xi32, #tpu.memory_space<vmem>> -> memref<1x128xi32, #tpu.memory_space<vmem>>
    %dma_start3A_2088 = tpu.memref_squeeze %dma_start3A_2087 : memref<1x128xi32, #tpu.memory_space<vmem>> -> memref<128xi32, #tpu.memory_space<vmem>>
    %dma_start3A_2089 = arith.constant 0 : i32
    %dma_start3A_2090 = tpu.memref_slice %arg13[%dma_start3A_2089] : memref<524288xf32, #tpu.memory_space<vmem_shared>> -> memref<524288xf32, #tpu.memory_space<vmem_shared>>
    tpu.enqueue_indirect_dma source(%arg11 : memref<128xf32, #tpu.memory_space<vmem>>) target(%dma_start3A_2090 : memref<524288xf32, #tpu.memory_space<vmem_shared>>) offsets(%dma_start3A_2088 : memref<128xi32, #tpu.memory_space<vmem>>) semaphore(%arg16 : memref<!tpu.dma_semaphore, #tpu.memory_space<semaphore_mem>>) {add = true}
    %dma_start3A_2091 = arith.constant 8 : i32
    %dma_start3A_2092 = arith.constant 0 : i32
    %dma_start3A_2093 = tpu.memref_slice %arg10[%dma_start3A_2091, %dma_start3A_2092] : memref<16x128xi32, #tpu.memory_space<vmem>> -> memref<1x128xi32, #tpu.memory_space<vmem>>
    %dma_start3A_2094 = tpu.memref_squeeze %dma_start3A_2093 : memref<1x128xi32, #tpu.memory_space<vmem>> -> memref<128xi32, #tpu.memory_space<vmem>>
    %dma_start3A_2095 = arith.constant 0 : i32
    %dma_start3A_2096 = tpu.memref_slice %arg13[%dma_start3A_2095] : memref<524288xf32, #tpu.memory_space<vmem_shared>> -> memref<524288xf32, #tpu.memory_space<vmem_shared>>
    tpu.enqueue_indirect_dma source(%arg11 : memref<128xf32, #tpu.memory_space<vmem>>) target(%dma_start3A_2096 : memref<524288xf32, #tpu.memory_space<vmem_shared>>) offsets(%dma_start3A_2094 : memref<128xi32, #tpu.memory_space<vmem>>) semaphore(%arg16 : memref<!tpu.dma_semaphore, #tpu.memory_space<semaphore_mem>>) {add = true}
    %dma_start3A_2097 = arith.constant 9 : i32
    %dma_start3A_2098 = arith.constant 0 : i32
    %dma_start3A_2099 = tpu.memref_slice %arg10[%dma_start3A_2097, %dma_start3A_2098] : memref<16x128xi32, #tpu.memory_space<vmem>> -> memref<1x128xi32, #tpu.memory_space<vmem>>
    %dma_start3A_2100 = tpu.memref_squeeze %dma_start3A_2099 : memref<1x128xi32, #tpu.memory_space<vmem>> -> memref<128xi32, #tpu.memory_space<vmem>>
    %dma_start3A_2101 = arith.constant 0 : i32
    %dma_start3A_2102 = tpu.memref_slice %arg13[%dma_start3A_2101] : memref<524288xf32, #tpu.memory_space<vmem_shared>> -> memref<524288xf32, #tpu.memory_space<vmem_shared>>
    tpu.enqueue_indirect_dma source(%arg11 : memref<128xf32, #tpu.memory_space<vmem>>) target(%dma_start3A_2102 : memref<524288xf32, #tpu.memory_space<vmem_shared>>) offsets(%dma_start3A_2100 : memref<128xi32, #tpu.memory_space<vmem>>) semaphore(%arg16 : memref<!tpu.dma_semaphore, #tpu.memory_space<semaphore_mem>>) {add = true}
    %dma_start3A_2103 = arith.constant 10 : i32
    %dma_start3A_2104 = arith.constant 0 : i32
    %dma_start3A_2105 = tpu.memref_slice %arg10[%dma_start3A_2103, %dma_start3A_2104] : memref<16x128xi32, #tpu.memory_space<vmem>> -> memref<1x128xi32, #tpu.memory_space<vmem>>
    %dma_start3A_2106 = tpu.memref_squeeze %dma_start3A_2105 : memref<1x128xi32, #tpu.memory_space<vmem>> -> memref<128xi32, #tpu.memory_space<vmem>>
    %dma_start3A_2107 = arith.constant 0 : i32
    %dma_start3A_2108 = tpu.memref_slice %arg13[%dma_start3A_2107] : memref<524288xf32, #tpu.memory_space<vmem_shared>> -> memref<524288xf32, #tpu.memory_space<vmem_shared>>
    tpu.enqueue_indirect_dma source(%arg11 : memref<128xf32, #tpu.memory_space<vmem>>) target(%dma_start3A_2108 : memref<524288xf32, #tpu.memory_space<vmem_shared>>) offsets(%dma_start3A_2106 : memref<128xi32, #tpu.memory_space<vmem>>) semaphore(%arg16 : memref<!tpu.dma_semaphore, #tpu.memory_space<semaphore_mem>>) {add = true}
    %dma_start3A_2109 = arith.constant 11 : i32
    %dma_start3A_2110 = arith.constant 0 : i32
    %dma_start3A_2111 = tpu.memref_slice %arg10[%dma_start3A_2109, %dma_start3A_2110] : memref<16x128xi32, #tpu.memory_space<vmem>> -> memref<1x128xi32, #tpu.memory_space<vmem>>
    %dma_start3A_2112 = tpu.memref_squeeze %dma_start3A_2111 : memref<1x128xi32, #tpu.memory_space<vmem>> -> memref<128xi32, #tpu.memory_space<vmem>>
    %dma_start3A_2113 = arith.constant 0 : i32
    %dma_start3A_2114 = tpu.memref_slice %arg13[%dma_start3A_2113] : memref<524288xf32, #tpu.memory_space<vmem_shared>> -> memref<524288xf32, #tpu.memory_space<vmem_shared>>
    tpu.enqueue_indirect_dma source(%arg11 : memref<128xf32, #tpu.memory_space<vmem>>) target(%dma_start3A_2114 : memref<524288xf32, #tpu.memory_space<vmem_shared>>) offsets(%dma_start3A_2112 : memref<128xi32, #tpu.memory_space<vmem>>) semaphore(%arg16 : memref<!tpu.dma_semaphore, #tpu.memory_space<semaphore_mem>>) {add = true}
    %dma_start3A_2115 = arith.constant 12 : i32
    %dma_start3A_2116 = arith.constant 0 : i32
    %dma_start3A_2117 = tpu.memref_slice %arg10[%dma_start3A_2115, %dma_start3A_2116] : memref<16x128xi32, #tpu.memory_space<vmem>> -> memref<1x128xi32, #tpu.memory_space<vmem>>
    %dma_start3A_2118 = tpu.memref_squeeze %dma_start3A_2117 : memref<1x128xi32, #tpu.memory_space<vmem>> -> memref<128xi32, #tpu.memory_space<vmem>>
    %dma_start3A_2119 = arith.constant 0 : i32
    %dma_start3A_2120 = tpu.memref_slice %arg13[%dma_start3A_2119] : memref<524288xf32, #tpu.memory_space<vmem_shared>> -> memref<524288xf32, #tpu.memory_space<vmem_shared>>
    tpu.enqueue_indirect_dma source(%arg11 : memref<128xf32, #tpu.memory_space<vmem>>) target(%dma_start3A_2120 : memref<524288xf32, #tpu.memory_space<vmem_shared>>) offsets(%dma_start3A_2118 : memref<128xi32, #tpu.memory_space<vmem>>) semaphore(%arg16 : memref<!tpu.dma_semaphore, #tpu.memory_space<semaphore_mem>>) {add = true}
    %dma_start3A_2121 = arith.constant 13 : i32
    %dma_start3A_2122 = arith.constant 0 : i32
    %dma_start3A_2123 = tpu.memref_slice %arg10[%dma_start3A_2121, %dma_start3A_2122] : memref<16x128xi32, #tpu.memory_space<vmem>> -> memref<1x128xi32, #tpu.memory_space<vmem>>
    %dma_start3A_2124 = tpu.memref_squeeze %dma_start3A_2123 : memref<1x128xi32, #tpu.memory_space<vmem>> -> memref<128xi32, #tpu.memory_space<vmem>>
    %dma_start3A_2125 = arith.constant 0 : i32
    %dma_start3A_2126 = tpu.memref_slice %arg13[%dma_start3A_2125] : memref<524288xf32, #tpu.memory_space<vmem_shared>> -> memref<524288xf32, #tpu.memory_space<vmem_shared>>
    tpu.enqueue_indirect_dma source(%arg11 : memref<128xf32, #tpu.memory_space<vmem>>) target(%dma_start3A_2126 : memref<524288xf32, #tpu.memory_space<vmem_shared>>) offsets(%dma_start3A_2124 : memref<128xi32, #tpu.memory_space<vmem>>) semaphore(%arg16 : memref<!tpu.dma_semaphore, #tpu.memory_space<semaphore_mem>>) {add = true}
    %dma_start3A_2127 = arith.constant 14 : i32
    %dma_start3A_2128 = arith.constant 0 : i32
    %dma_start3A_2129 = tpu.memref_slice %arg10[%dma_start3A_2127, %dma_start3A_2128] : memref<16x128xi32, #tpu.memory_space<vmem>> -> memref<1x128xi32, #tpu.memory_space<vmem>>
    %dma_start3A_2130 = tpu.memref_squeeze %dma_start3A_2129 : memref<1x128xi32, #tpu.memory_space<vmem>> -> memref<128xi32, #tpu.memory_space<vmem>>
    %dma_start3A_2131 = arith.constant 0 : i32
    %dma_start3A_2132 = tpu.memref_slice %arg13[%dma_start3A_2131] : memref<524288xf32, #tpu.memory_space<vmem_shared>> -> memref<524288xf32, #tpu.memory_space<vmem_shared>>
    tpu.enqueue_indirect_dma source(%arg11 : memref<128xf32, #tpu.memory_space<vmem>>) target(%dma_start3A_2132 : memref<524288xf32, #tpu.memory_space<vmem_shared>>) offsets(%dma_start3A_2130 : memref<128xi32, #tpu.memory_space<vmem>>) semaphore(%arg16 : memref<!tpu.dma_semaphore, #tpu.memory_space<semaphore_mem>>) {add = true}
    %dma_start3A_2133 = arith.constant 15 : i32
    %dma_start3A_2134 = arith.constant 0 : i32
    %dma_start3A_2135 = tpu.memref_slice %arg10[%dma_start3A_2133, %dma_start3A_2134] : memref<16x128xi32, #tpu.memory_space<vmem>> -> memref<1x128xi32, #tpu.memory_space<vmem>>
    %dma_start3A_2136 = tpu.memref_squeeze %dma_start3A_2135 : memref<1x128xi32, #tpu.memory_space<vmem>> -> memref<128xi32, #tpu.memory_space<vmem>>
    %dma_start3A_2137 = arith.constant 0 : i32
    %dma_start3A_2138 = tpu.memref_slice %arg13[%dma_start3A_2137] : memref<524288xf32, #tpu.memory_space<vmem_shared>> -> memref<524288xf32, #tpu.memory_space<vmem_shared>>
    tpu.enqueue_indirect_dma source(%arg11 : memref<128xf32, #tpu.memory_space<vmem>>) target(%dma_start3A_2138 : memref<524288xf32, #tpu.memory_space<vmem_shared>>) offsets(%dma_start3A_2136 : memref<128xi32, #tpu.memory_space<vmem>>) semaphore(%arg16 : memref<!tpu.dma_semaphore, #tpu.memory_space<semaphore_mem>>) {add = true}
    %dma_wait3A_2139 = arith.constant 0 : i32
    %dma_wait3A_2140 = arith.constant 0 : i32
    %dma_wait3A_2141 = tpu.memref_slice %arg10[%dma_wait3A_2139, %dma_wait3A_2140] : memref<16x128xi32, #tpu.memory_space<vmem>> -> memref<1x128xi32, #tpu.memory_space<vmem>>
    %dma_wait3A_2142 = tpu.memref_squeeze %dma_wait3A_2141 : memref<1x128xi32, #tpu.memory_space<vmem>> -> memref<128xi32, #tpu.memory_space<vmem>>
    %dma_wait3A_2143 = arith.constant 0 : i32
    %dma_wait3A_2144 = tpu.memref_slice %arg13[%dma_wait3A_2143] : memref<524288xf32, #tpu.memory_space<vmem_shared>> -> memref<524288xf32, #tpu.memory_space<vmem_shared>>
    tpu.wait_indirect_dma semaphore(%arg16 : memref<!tpu.dma_semaphore, #tpu.memory_space<semaphore_mem>>) src(%arg11 : memref<128xf32, #tpu.memory_space<vmem>>) dst(%dma_wait3A_2144 : memref<524288xf32, #tpu.memory_space<vmem_shared>>)
    %dma_wait3A_2145 = arith.constant 1 : i32
    %dma_wait3A_2146 = arith.constant 0 : i32
    %dma_wait3A_2147 = tpu.memref_slice %arg10[%dma_wait3A_2145, %dma_wait3A_2146] : memref<16x128xi32, #tpu.memory_space<vmem>> -> memref<1x128xi32, #tpu.memory_space<vmem>>
    %dma_wait3A_2148 = tpu.memref_squeeze %dma_wait3A_2147 : memref<1x128xi32, #tpu.memory_space<vmem>> -> memref<128xi32, #tpu.memory_space<vmem>>
    %dma_wait3A_2149 = arith.constant 0 : i32
    %dma_wait3A_2150 = tpu.memref_slice %arg13[%dma_wait3A_2149] : memref<524288xf32, #tpu.memory_space<vmem_shared>> -> memref<524288xf32, #tpu.memory_space<vmem_shared>>
    tpu.wait_indirect_dma semaphore(%arg16 : memref<!tpu.dma_semaphore, #tpu.memory_space<semaphore_mem>>) src(%arg11 : memref<128xf32, #tpu.memory_space<vmem>>) dst(%dma_wait3A_2150 : memref<524288xf32, #tpu.memory_space<vmem_shared>>)
    %dma_wait3A_2151 = arith.constant 2 : i32
    %dma_wait3A_2152 = arith.constant 0 : i32
    %dma_wait3A_2153 = tpu.memref_slice %arg10[%dma_wait3A_2151, %dma_wait3A_2152] : memref<16x128xi32, #tpu.memory_space<vmem>> -> memref<1x128xi32, #tpu.memory_space<vmem>>
    %dma_wait3A_2154 = tpu.memref_squeeze %dma_wait3A_2153 : memref<1x128xi32, #tpu.memory_space<vmem>> -> memref<128xi32, #tpu.memory_space<vmem>>
    %dma_wait3A_2155 = arith.constant 0 : i32
    %dma_wait3A_2156 = tpu.memref_slice %arg13[%dma_wait3A_2155] : memref<524288xf32, #tpu.memory_space<vmem_shared>> -> memref<524288xf32, #tpu.memory_space<vmem_shared>>
    tpu.wait_indirect_dma semaphore(%arg16 : memref<!tpu.dma_semaphore, #tpu.memory_space<semaphore_mem>>) src(%arg11 : memref<128xf32, #tpu.memory_space<vmem>>) dst(%dma_wait3A_2156 : memref<524288xf32, #tpu.memory_space<vmem_shared>>)
    %dma_wait3A_2157 = arith.constant 3 : i32
    %dma_wait3A_2158 = arith.constant 0 : i32
    %dma_wait3A_2159 = tpu.memref_slice %arg10[%dma_wait3A_2157, %dma_wait3A_2158] : memref<16x128xi32, #tpu.memory_space<vmem>> -> memref<1x128xi32, #tpu.memory_space<vmem>>
    %dma_wait3A_2160 = tpu.memref_squeeze %dma_wait3A_2159 : memref<1x128xi32, #tpu.memory_space<vmem>> -> memref<128xi32, #tpu.memory_space<vmem>>
    %dma_wait3A_2161 = arith.constant 0 : i32
    %dma_wait3A_2162 = tpu.memref_slice %arg13[%dma_wait3A_2161] : memref<524288xf32, #tpu.memory_space<vmem_shared>> -> memref<524288xf32, #tpu.memory_space<vmem_shared>>
    tpu.wait_indirect_dma semaphore(%arg16 : memref<!tpu.dma_semaphore, #tpu.memory_space<semaphore_mem>>) src(%arg11 : memref<128xf32, #tpu.memory_space<vmem>>) dst(%dma_wait3A_2162 : memref<524288xf32, #tpu.memory_space<vmem_shared>>)
    %dma_wait3A_2163 = arith.constant 4 : i32
    %dma_wait3A_2164 = arith.constant 0 : i32
    %dma_wait3A_2165 = tpu.memref_slice %arg10[%dma_wait3A_2163, %dma_wait3A_2164] : memref<16x128xi32, #tpu.memory_space<vmem>> -> memref<1x128xi32, #tpu.memory_space<vmem>>
    %dma_wait3A_2166 = tpu.memref_squeeze %dma_wait3A_2165 : memref<1x128xi32, #tpu.memory_space<vmem>> -> memref<128xi32, #tpu.memory_space<vmem>>
    %dma_wait3A_2167 = arith.constant 0 : i32
    %dma_wait3A_2168 = tpu.memref_slice %arg13[%dma_wait3A_2167] : memref<524288xf32, #tpu.memory_space<vmem_shared>> -> memref<524288xf32, #tpu.memory_space<vmem_shared>>
    tpu.wait_indirect_dma semaphore(%arg16 : memref<!tpu.dma_semaphore, #tpu.memory_space<semaphore_mem>>) src(%arg11 : memref<128xf32, #tpu.memory_space<vmem>>) dst(%dma_wait3A_2168 : memref<524288xf32, #tpu.memory_space<vmem_shared>>)
    %dma_wait3A_2169 = arith.constant 5 : i32
    %dma_wait3A_2170 = arith.constant 0 : i32
    %dma_wait3A_2171 = tpu.memref_slice %arg10[%dma_wait3A_2169, %dma_wait3A_2170] : memref<16x128xi32, #tpu.memory_space<vmem>> -> memref<1x128xi32, #tpu.memory_space<vmem>>
    %dma_wait3A_2172 = tpu.memref_squeeze %dma_wait3A_2171 : memref<1x128xi32, #tpu.memory_space<vmem>> -> memref<128xi32, #tpu.memory_space<vmem>>
    %dma_wait3A_2173 = arith.constant 0 : i32
    %dma_wait3A_2174 = tpu.memref_slice %arg13[%dma_wait3A_2173] : memref<524288xf32, #tpu.memory_space<vmem_shared>> -> memref<524288xf32, #tpu.memory_space<vmem_shared>>
    tpu.wait_indirect_dma semaphore(%arg16 : memref<!tpu.dma_semaphore, #tpu.memory_space<semaphore_mem>>) src(%arg11 : memref<128xf32, #tpu.memory_space<vmem>>) dst(%dma_wait3A_2174 : memref<524288xf32, #tpu.memory_space<vmem_shared>>)
    %dma_wait3A_2175 = arith.constant 6 : i32
    %dma_wait3A_2176 = arith.constant 0 : i32
    %dma_wait3A_2177 = tpu.memref_slice %arg10[%dma_wait3A_2175, %dma_wait3A_2176] : memref<16x128xi32, #tpu.memory_space<vmem>> -> memref<1x128xi32, #tpu.memory_space<vmem>>
    %dma_wait3A_2178 = tpu.memref_squeeze %dma_wait3A_2177 : memref<1x128xi32, #tpu.memory_space<vmem>> -> memref<128xi32, #tpu.memory_space<vmem>>
    %dma_wait3A_2179 = arith.constant 0 : i32
    %dma_wait3A_2180 = tpu.memref_slice %arg13[%dma_wait3A_2179] : memref<524288xf32, #tpu.memory_space<vmem_shared>> -> memref<524288xf32, #tpu.memory_space<vmem_shared>>
    tpu.wait_indirect_dma semaphore(%arg16 : memref<!tpu.dma_semaphore, #tpu.memory_space<semaphore_mem>>) src(%arg11 : memref<128xf32, #tpu.memory_space<vmem>>) dst(%dma_wait3A_2180 : memref<524288xf32, #tpu.memory_space<vmem_shared>>)
    %dma_wait3A_2181 = arith.constant 7 : i32
    %dma_wait3A_2182 = arith.constant 0 : i32
    %dma_wait3A_2183 = tpu.memref_slice %arg10[%dma_wait3A_2181, %dma_wait3A_2182] : memref<16x128xi32, #tpu.memory_space<vmem>> -> memref<1x128xi32, #tpu.memory_space<vmem>>
    %dma_wait3A_2184 = tpu.memref_squeeze %dma_wait3A_2183 : memref<1x128xi32, #tpu.memory_space<vmem>> -> memref<128xi32, #tpu.memory_space<vmem>>
    %dma_wait3A_2185 = arith.constant 0 : i32
    %dma_wait3A_2186 = tpu.memref_slice %arg13[%dma_wait3A_2185] : memref<524288xf32, #tpu.memory_space<vmem_shared>> -> memref<524288xf32, #tpu.memory_space<vmem_shared>>
    tpu.wait_indirect_dma semaphore(%arg16 : memref<!tpu.dma_semaphore, #tpu.memory_space<semaphore_mem>>) src(%arg11 : memref<128xf32, #tpu.memory_space<vmem>>) dst(%dma_wait3A_2186 : memref<524288xf32, #tpu.memory_space<vmem_shared>>)
    %dma_wait3A_2187 = arith.constant 8 : i32
    %dma_wait3A_2188 = arith.constant 0 : i32
    %dma_wait3A_2189 = tpu.memref_slice %arg10[%dma_wait3A_2187, %dma_wait3A_2188] : memref<16x128xi32, #tpu.memory_space<vmem>> -> memref<1x128xi32, #tpu.memory_space<vmem>>
    %dma_wait3A_2190 = tpu.memref_squeeze %dma_wait3A_2189 : memref<1x128xi32, #tpu.memory_space<vmem>> -> memref<128xi32, #tpu.memory_space<vmem>>
    %dma_wait3A_2191 = arith.constant 0 : i32
    %dma_wait3A_2192 = tpu.memref_slice %arg13[%dma_wait3A_2191] : memref<524288xf32, #tpu.memory_space<vmem_shared>> -> memref<524288xf32, #tpu.memory_space<vmem_shared>>
    tpu.wait_indirect_dma semaphore(%arg16 : memref<!tpu.dma_semaphore, #tpu.memory_space<semaphore_mem>>) src(%arg11 : memref<128xf32, #tpu.memory_space<vmem>>) dst(%dma_wait3A_2192 : memref<524288xf32, #tpu.memory_space<vmem_shared>>)
    %dma_wait3A_2193 = arith.constant 9 : i32
    %dma_wait3A_2194 = arith.constant 0 : i32
    %dma_wait3A_2195 = tpu.memref_slice %arg10[%dma_wait3A_2193, %dma_wait3A_2194] : memref<16x128xi32, #tpu.memory_space<vmem>> -> memref<1x128xi32, #tpu.memory_space<vmem>>
    %dma_wait3A_2196 = tpu.memref_squeeze %dma_wait3A_2195 : memref<1x128xi32, #tpu.memory_space<vmem>> -> memref<128xi32, #tpu.memory_space<vmem>>
    %dma_wait3A_2197 = arith.constant 0 : i32
    %dma_wait3A_2198 = tpu.memref_slice %arg13[%dma_wait3A_2197] : memref<524288xf32, #tpu.memory_space<vmem_shared>> -> memref<524288xf32, #tpu.memory_space<vmem_shared>>
    tpu.wait_indirect_dma semaphore(%arg16 : memref<!tpu.dma_semaphore, #tpu.memory_space<semaphore_mem>>) src(%arg11 : memref<128xf32, #tpu.memory_space<vmem>>) dst(%dma_wait3A_2198 : memref<524288xf32, #tpu.memory_space<vmem_shared>>)
    %dma_wait3A_2199 = arith.constant 10 : i32
    %dma_wait3A_2200 = arith.constant 0 : i32
    %dma_wait3A_2201 = tpu.memref_slice %arg10[%dma_wait3A_2199, %dma_wait3A_2200] : memref<16x128xi32, #tpu.memory_space<vmem>> -> memref<1x128xi32, #tpu.memory_space<vmem>>
    %dma_wait3A_2202 = tpu.memref_squeeze %dma_wait3A_2201 : memref<1x128xi32, #tpu.memory_space<vmem>> -> memref<128xi32, #tpu.memory_space<vmem>>
    %dma_wait3A_2203 = arith.constant 0 : i32
    %dma_wait3A_2204 = tpu.memref_slice %arg13[%dma_wait3A_2203] : memref<524288xf32, #tpu.memory_space<vmem_shared>> -> memref<524288xf32, #tpu.memory_space<vmem_shared>>
    tpu.wait_indirect_dma semaphore(%arg16 : memref<!tpu.dma_semaphore, #tpu.memory_space<semaphore_mem>>) src(%arg11 : memref<128xf32, #tpu.memory_space<vmem>>) dst(%dma_wait3A_2204 : memref<524288xf32, #tpu.memory_space<vmem_shared>>)
    %dma_wait3A_2205 = arith.constant 11 : i32
    %dma_wait3A_2206 = arith.constant 0 : i32
    %dma_wait3A_2207 = tpu.memref_slice %arg10[%dma_wait3A_2205, %dma_wait3A_2206] : memref<16x128xi32, #tpu.memory_space<vmem>> -> memref<1x128xi32, #tpu.memory_space<vmem>>
    %dma_wait3A_2208 = tpu.memref_squeeze %dma_wait3A_2207 : memref<1x128xi32, #tpu.memory_space<vmem>> -> memref<128xi32, #tpu.memory_space<vmem>>
    %dma_wait3A_2209 = arith.constant 0 : i32
    %dma_wait3A_2210 = tpu.memref_slice %arg13[%dma_wait3A_2209] : memref<524288xf32, #tpu.memory_space<vmem_shared>> -> memref<524288xf32, #tpu.memory_space<vmem_shared>>
    tpu.wait_indirect_dma semaphore(%arg16 : memref<!tpu.dma_semaphore, #tpu.memory_space<semaphore_mem>>) src(%arg11 : memref<128xf32, #tpu.memory_space<vmem>>) dst(%dma_wait3A_2210 : memref<524288xf32, #tpu.memory_space<vmem_shared>>)
    %dma_wait3A_2211 = arith.constant 12 : i32
    %dma_wait3A_2212 = arith.constant 0 : i32
    %dma_wait3A_2213 = tpu.memref_slice %arg10[%dma_wait3A_2211, %dma_wait3A_2212] : memref<16x128xi32, #tpu.memory_space<vmem>> -> memref<1x128xi32, #tpu.memory_space<vmem>>
    %dma_wait3A_2214 = tpu.memref_squeeze %dma_wait3A_2213 : memref<1x128xi32, #tpu.memory_space<vmem>> -> memref<128xi32, #tpu.memory_space<vmem>>
    %dma_wait3A_2215 = arith.constant 0 : i32
    %dma_wait3A_2216 = tpu.memref_slice %arg13[%dma_wait3A_2215] : memref<524288xf32, #tpu.memory_space<vmem_shared>> -> memref<524288xf32, #tpu.memory_space<vmem_shared>>
    tpu.wait_indirect_dma semaphore(%arg16 : memref<!tpu.dma_semaphore, #tpu.memory_space<semaphore_mem>>) src(%arg11 : memref<128xf32, #tpu.memory_space<vmem>>) dst(%dma_wait3A_2216 : memref<524288xf32, #tpu.memory_space<vmem_shared>>)
    %dma_wait3A_2217 = arith.constant 13 : i32
    %dma_wait3A_2218 = arith.constant 0 : i32
    %dma_wait3A_2219 = tpu.memref_slice %arg10[%dma_wait3A_2217, %dma_wait3A_2218] : memref<16x128xi32, #tpu.memory_space<vmem>> -> memref<1x128xi32, #tpu.memory_space<vmem>>
    %dma_wait3A_2220 = tpu.memref_squeeze %dma_wait3A_2219 : memref<1x128xi32, #tpu.memory_space<vmem>> -> memref<128xi32, #tpu.memory_space<vmem>>
    %dma_wait3A_2221 = arith.constant 0 : i32
    %dma_wait3A_2222 = tpu.memref_slice %arg13[%dma_wait3A_2221] : memref<524288xf32, #tpu.memory_space<vmem_shared>> -> memref<524288xf32, #tpu.memory_space<vmem_shared>>
    tpu.wait_indirect_dma semaphore(%arg16 : memref<!tpu.dma_semaphore, #tpu.memory_space<semaphore_mem>>) src(%arg11 : memref<128xf32, #tpu.memory_space<vmem>>) dst(%dma_wait3A_2222 : memref<524288xf32, #tpu.memory_space<vmem_shared>>)
    %dma_wait3A_2223 = arith.constant 14 : i32
    %dma_wait3A_2224 = arith.constant 0 : i32
    %dma_wait3A_2225 = tpu.memref_slice %arg10[%dma_wait3A_2223, %dma_wait3A_2224] : memref<16x128xi32, #tpu.memory_space<vmem>> -> memref<1x128xi32, #tpu.memory_space<vmem>>
    %dma_wait3A_2226 = tpu.memref_squeeze %dma_wait3A_2225 : memref<1x128xi32, #tpu.memory_space<vmem>> -> memref<128xi32, #tpu.memory_space<vmem>>
    %dma_wait3A_2227 = arith.constant 0 : i32
    %dma_wait3A_2228 = tpu.memref_slice %arg13[%dma_wait3A_2227] : memref<524288xf32, #tpu.memory_space<vmem_shared>> -> memref<524288xf32, #tpu.memory_space<vmem_shared>>
    tpu.wait_indirect_dma semaphore(%arg16 : memref<!tpu.dma_semaphore, #tpu.memory_space<semaphore_mem>>) src(%arg11 : memref<128xf32, #tpu.memory_space<vmem>>) dst(%dma_wait3A_2228 : memref<524288xf32, #tpu.memory_space<vmem_shared>>)
    %dma_wait3A_2229 = arith.constant 15 : i32
    %dma_wait3A_2230 = arith.constant 0 : i32
    %dma_wait3A_2231 = tpu.memref_slice %arg10[%dma_wait3A_2229, %dma_wait3A_2230] : memref<16x128xi32, #tpu.memory_space<vmem>> -> memref<1x128xi32, #tpu.memory_space<vmem>>
    %dma_wait3A_2232 = tpu.memref_squeeze %dma_wait3A_2231 : memref<1x128xi32, #tpu.memory_space<vmem>> -> memref<128xi32, #tpu.memory_space<vmem>>
    %dma_wait3A_2233 = arith.constant 0 : i32
    %dma_wait3A_2234 = tpu.memref_slice %arg13[%dma_wait3A_2233] : memref<524288xf32, #tpu.memory_space<vmem_shared>> -> memref<524288xf32, #tpu.memory_space<vmem_shared>>
    tpu.wait_indirect_dma semaphore(%arg16 : memref<!tpu.dma_semaphore, #tpu.memory_space<semaphore_mem>>) src(%arg11 : memref<128xf32, #tpu.memory_space<vmem>>) dst(%dma_wait3A_2234 : memref<524288xf32, #tpu.memory_space<vmem_shared>>)
    %barrier3A_2235 = arith.constant 0 : index
    tpu.barrier barrier_id(%barrier3A_2235)
    %convert_element_type3A_2236 = arith.extui %eq3A_1 : i1 to i32
    %cond3A_2237 = arith.constant 0 : i32
    %cond3A_2238 = arith.cmpi ne, %convert_element_type3A_2236, %cond3A_2237 : i32
    scf.if %cond3A_2238 {
      %mul3A_2244 = arith.constant 32768 : i32
      %mul3A_2245 = arith.muli %arg1, %mul3A_2244 : i32
      %mul3A_2246 = arith.constant 32768 : i32
      %mul3A_2247 = arith.muli %arg1, %mul3A_2246 : i32
      "tpu.region"() ({
        %run_scoped3A = tpu.sem_alloc : memref<!tpu.dma_semaphore, #tpu.memory_space<semaphore_mem>>
        %dma_start3A_2248 = tpu.memref_slice %arg6[%mul3A_2247] : memref<524288xf32, #tpu.memory_space<hbm>> -> memref<32768xf32, #tpu.memory_space<hbm>>
        %dma_start3A_2249 = tpu.memref_slice %arg13[%mul3A_2245] : memref<524288xf32, #tpu.memory_space<vmem_shared>> -> memref<32768xf32, #tpu.memory_space<vmem_shared>>
        tpu.enqueue_dma source(%dma_start3A_2249 : memref<32768xf32, #tpu.memory_space<vmem_shared>>) target(%dma_start3A_2248 : memref<32768xf32, #tpu.memory_space<hbm>>) target_semaphore(%run_scoped3A : memref<!tpu.dma_semaphore, #tpu.memory_space<semaphore_mem>>)
        %dma_wait3A_2250 = tpu.memref_slice %arg6[%mul3A_2247] : memref<524288xf32, #tpu.memory_space<hbm>> -> memref<32768xf32, #tpu.memory_space<hbm>>
        %dma_wait3A_2251 = tpu.memref_slice %arg13[%mul3A_2245] : memref<524288xf32, #tpu.memory_space<vmem_shared>> -> memref<32768xf32, #tpu.memory_space<vmem_shared>>
        tpu.wait_dma2 semaphore(%run_scoped3A : memref<!tpu.dma_semaphore, #tpu.memory_space<semaphore_mem>>) src(%dma_wait3A_2251 : memref<32768xf32, #tpu.memory_space<vmem_shared>>) dst(%dma_wait3A_2250 : memref<32768xf32, #tpu.memory_space<hbm>>)
        tpu.yield
      }) : () -> ()
    } else {
    }
    %not3A_2239 = arith.constant true
    %not3A_2240 = arith.xori %eq3A_1, %not3A_2239 : i1
    %convert_element_type3A_2241 = arith.extui %not3A_2240 : i1 to i32
    %cond3A_2242 = arith.constant 0 : i32
    %cond3A_2243 = arith.cmpi ne, %convert_element_type3A_2241, %cond3A_2242 : i32
    scf.if %cond3A_2243 {
      %mul3A_2244 = arith.constant 32768 : i32
      %mul3A_2245 = arith.muli %arg1, %mul3A_2244 : i32
      %mul3A_2246 = arith.constant 32768 : i32
      %mul3A_2247 = arith.muli %arg1, %mul3A_2246 : i32
      "tpu.region"() ({
        %run_scoped3A = tpu.sem_alloc : memref<!tpu.dma_semaphore, #tpu.memory_space<semaphore_mem>>
        %dma_start3A_2248 = tpu.memref_slice %arg7[%mul3A_2247] : memref<524288xf32, #tpu.memory_space<hbm>> -> memref<32768xf32, #tpu.memory_space<hbm>>
        %dma_start3A_2249 = tpu.memref_slice %arg13[%mul3A_2245] : memref<524288xf32, #tpu.memory_space<vmem_shared>> -> memref<32768xf32, #tpu.memory_space<vmem_shared>>
        tpu.enqueue_dma source(%dma_start3A_2249 : memref<32768xf32, #tpu.memory_space<vmem_shared>>) target(%dma_start3A_2248 : memref<32768xf32, #tpu.memory_space<hbm>>) target_semaphore(%run_scoped3A : memref<!tpu.dma_semaphore, #tpu.memory_space<semaphore_mem>>)
        %dma_wait3A_2250 = tpu.memref_slice %arg7[%mul3A_2247] : memref<524288xf32, #tpu.memory_space<hbm>> -> memref<32768xf32, #tpu.memory_space<hbm>>
        %dma_wait3A_2251 = tpu.memref_slice %arg13[%mul3A_2245] : memref<524288xf32, #tpu.memory_space<vmem_shared>> -> memref<32768xf32, #tpu.memory_space<vmem_shared>>
        tpu.wait_dma2 semaphore(%run_scoped3A : memref<!tpu.dma_semaphore, #tpu.memory_space<semaphore_mem>>) src(%dma_wait3A_2251 : memref<32768xf32, #tpu.memory_space<vmem_shared>>) dst(%dma_wait3A_2250 : memref<32768xf32, #tpu.memory_space<hbm>>)
        tpu.yield
      }) : () -> ()
    } else {
    }
    return
  }
}

module attributes {stable_mosaic.version = 14 : i64} {
  func.func @_xm_body(%arg0: i32, %arg1: memref<3xf32, #tpu.memory_space<smem>>, %arg2: memref<1024x1024xf32, #tpu.memory_space<vmem>>, %arg3: memref<1024x256xf32, #tpu.memory_space<vmem>>, %arg4: memref<1024x512xf32, #tpu.memory_space<vmem>>, %arg5: memref<512x256xf32, #tpu.memory_space<vmem>>, %arg6: memref<1x256xf32, #tpu.memory_space<vmem>>, %arg7: memref<1024x1920xf32, #tpu.memory_space<vmem>>, %arg8: memref<1920x256xf32, #tpu.memory_space<vmem>>, %arg9: memref<1024x256xf32, #tpu.memory_space<vmem>>) attributes {dimension_semantics = [#tpu.dimension_semantics<arbitrary>], iteration_bounds = array<i64: 50>, scalar_prefetch = 0 : i64, scratch_operands = 0 : i64, tpu.core_type = #tpu.core_type<tc>, window_params = [{transform_indices = @transform_0, window_bounds = array<i64: 3>}, {pipeline_mode = #tpu.pipeline_mode<synchronous>, transform_indices = @transform_1, window_bounds = array<i64: 1024, 1024>}, {pipeline_mode = #tpu.pipeline_mode<synchronous>, transform_indices = @transform_2, window_bounds = array<i64: 1024, 256>}, {pipeline_mode = #tpu.pipeline_mode<synchronous>, transform_indices = @transform_3, window_bounds = array<i64: 1024, 512>}, {pipeline_mode = #tpu.pipeline_mode<synchronous>, transform_indices = @transform_4, window_bounds = array<i64: 512, 256>}, {pipeline_mode = #tpu.pipeline_mode<synchronous>, transform_indices = @transform_5, window_bounds = array<i64: 1, 256>}, {transform_indices = @transform_6, window_bounds = array<i64: 1024, 1920>}, {transform_indices = @transform_7, window_bounds = array<i64: 1920, 256>}, {pipeline_mode = #tpu.pipeline_mode<synchronous>, transform_indices = @transform_8, window_bounds = array<i64: 1024, 256>}]} {
    %eq3A = arith.constant 0 : i32
    %eq3A_0 = arith.cmpi eq, %arg0, %eq3A : i32
    %convert_element_type3A = arith.extui %eq3A_0 : i1 to i32
    %cond3A = arith.constant 0 : i32
    %cond3A_1 = arith.cmpi ne, %convert_element_type3A, %cond3A : i32
    scf.if %cond3A_1 {
      %get3A_18 = arith.constant 0 : index
      %get3A_19 = arith.constant 0 : index
      %get3A_20 = vector.load %arg2[%get3A_18, %get3A_19] : memref<1024x1024xf32, #tpu.memory_space<vmem>>, vector<1024x1024xf32>
      %get3A_21 = arith.constant 0 : index
      %get3A_22 = arith.constant 0 : index
      %get3A_23 = vector.load %arg3[%get3A_21, %get3A_22] : memref<1024x256xf32, #tpu.memory_space<vmem>>, vector<1024x256xf32>
      %dot_general3A_24 = arith.constant dense<0.000000e+00> : vector<1024x256xf32>
      %dot_general3A_25 = tpu.matmul %get3A_20, %get3A_23, %dot_general3A_24 {dimension_numbers = #tpu.dot_dimension_numbers<[1], [0], [0], [1], [0, 0, 1, 1], [], []>, transpose_lhs_hint = false} : vector<1024x1024xf32>, vector<1024x256xf32>, vector<1024x256xf32> -> vector<1024x256xf32>
      %get3A_26 = arith.constant 0 : index
      %get3A_27 = memref.load %arg1[%get3A_26] : memref<3xf32, #tpu.memory_space<smem>>
      %mul3A_28 = vector.broadcast %get3A_27 : f32 to vector<1024x256xf32>
      %mul3A_29 = arith.mulf %dot_general3A_25, %mul3A_28 : vector<1024x256xf32>
      %get3A_30 = arith.constant 0 : index
      %get3A_31 = arith.constant 0 : index
      %get3A_32 = vector.load %arg4[%get3A_30, %get3A_31] : memref<1024x512xf32, #tpu.memory_space<vmem>>, vector<1024x512xf32>
      %get3A_33 = arith.constant 0 : index
      %get3A_34 = arith.constant 0 : index
      %get3A_35 = vector.load %arg5[%get3A_33, %get3A_34] : memref<512x256xf32, #tpu.memory_space<vmem>>, vector<512x256xf32>
      %dot_general3A_36 = arith.constant dense<0.000000e+00> : vector<1024x256xf32>
      %dot_general3A_37 = tpu.matmul %get3A_32, %get3A_35, %dot_general3A_36 {dimension_numbers = #tpu.dot_dimension_numbers<[1], [0], [0], [1], [0, 0, 1, 1], [], []>, transpose_lhs_hint = false} : vector<1024x512xf32>, vector<512x256xf32>, vector<1024x256xf32> -> vector<1024x256xf32>
      %get3A_38 = arith.constant 1 : index
      %get3A_39 = memref.load %arg1[%get3A_38] : memref<3xf32, #tpu.memory_space<smem>>
      %mul3A_40 = vector.broadcast %get3A_39 : f32 to vector<1024x256xf32>
      %mul3A_41 = arith.mulf %dot_general3A_37, %mul3A_40 : vector<1024x256xf32>
      %add3A_42 = arith.addf %mul3A_29, %mul3A_41 : vector<1024x256xf32>
      %get3A_43 = arith.constant 0 : index
      %get3A_44 = arith.constant 0 : index
      %get3A_45 = vector.load %arg6[%get3A_43, %get3A_44] : memref<1x256xf32, #tpu.memory_space<vmem>>, vector<1x256xf32>
      %add3A_46 = vector.broadcast %get3A_45 : vector<1x256xf32> to vector<1024x256xf32>
      %add3A_47 = arith.addf %add3A_42, %add3A_46 : vector<1024x256xf32>
      %swap3A_48 = arith.constant 0 : index
      %swap3A_49 = arith.constant 0 : index
      %swap3A_50 = vector.load %arg9[%swap3A_48, %swap3A_49] : memref<1024x256xf32, #tpu.memory_space<vmem>>, vector<1024x256xf32>
      tpu.vector_store %arg9[%swap3A_48, %swap3A_49], %add3A_47 {strides = array<i32>} : memref<1024x256xf32, #tpu.memory_space<vmem>>, vector<1024x256xf32>,
    } else {
    }
    %get3A = arith.constant 0 : index
    %get3A_2 = arith.constant 0 : index
    %get3A_3 = vector.load %arg9[%get3A, %get3A_2] : memref<1024x256xf32, #tpu.memory_space<vmem>>, vector<1024x256xf32>
    %get3A_4 = arith.constant 0 : index
    %get3A_5 = arith.constant 0 : index
    %get3A_6 = vector.load %arg7[%get3A_4, %get3A_5] : memref<1024x1920xf32, #tpu.memory_space<vmem>>, vector<1024x1920xf32>
    %convert_element_type3A_7 = arith.truncf %get3A_6 : vector<1024x1920xf32> to vector<1024x1920xbf16>
    %get3A_8 = arith.constant 0 : index
    %get3A_9 = arith.constant 0 : index
    %get3A_10 = vector.load %arg8[%get3A_8, %get3A_9] : memref<1920x256xf32, #tpu.memory_space<vmem>>, vector<1920x256xf32>
    %convert_element_type3A_11 = arith.truncf %get3A_10 : vector<1920x256xf32> to vector<1920x256xbf16>
    %dot_general3A = arith.constant dense<0.000000e+00> : vector<1024x256xf32>
    %dot_general3A_12 = tpu.matmul %convert_element_type3A_7, %convert_element_type3A_11, %dot_general3A {dimension_numbers = #tpu.dot_dimension_numbers<[1], [0], [0], [1], [0, 0, 1, 1], [], []>, transpose_lhs_hint = false} : vector<1024x1920xbf16>, vector<1920x256xbf16>, vector<1024x256xf32> -> vector<1024x256xf32>
    %get3A_13 = arith.constant 2 : index
    %get3A_14 = memref.load %arg1[%get3A_13] : memref<3xf32, #tpu.memory_space<smem>>
    %mul3A = vector.broadcast %get3A_14 : f32 to vector<1024x256xf32>
    %mul3A_15 = arith.mulf %dot_general3A_12, %mul3A : vector<1024x256xf32>
    %add3A = arith.addf %get3A_3, %mul3A_15 : vector<1024x256xf32>
    %swap3A = arith.constant 0 : index
    %swap3A_16 = arith.constant 0 : index
    %swap3A_17 = vector.load %arg9[%swap3A, %swap3A_16] : memref<1024x256xf32, #tpu.memory_space<vmem>>, vector<1024x256xf32>
    tpu.vector_store %arg9[%swap3A, %swap3A_16], %add3A {strides = array<i32>} : memref<1024x256xf32, #tpu.memory_space<vmem>>, vector<1024x256xf32>,
    return
  }
  func.func @transform_0(%arg0: i32) -> i32 {
    %c0_i32 = arith.constant 0 : i32
    %c0_i32_0 = arith.constant 0 : i32
    return %c0_i32 : i32
  }
  func.func @transform_1(%arg0: i32) -> (i32, i32) {
    %c0_i32 = arith.constant 0 : i32
    %c0_i32_0 = arith.constant 0 : i32
    %c0_i32_1 = arith.constant 0 : i32
    return %c0_i32, %c0_i32_0 : i32, i32
  }
  func.func @transform_2(%arg0: i32) -> (i32, i32) {
    %c0_i32 = arith.constant 0 : i32
    %c0_i32_0 = arith.constant 0 : i32
    %c0_i32_1 = arith.constant 0 : i32
    return %c0_i32, %c0_i32_0 : i32, i32
  }
  func.func @transform_3(%arg0: i32) -> (i32, i32) {
    %c0_i32 = arith.constant 0 : i32
    %c0_i32_0 = arith.constant 0 : i32
    %c0_i32_1 = arith.constant 0 : i32
    return %c0_i32, %c0_i32_0 : i32, i32
  }
  func.func @transform_4(%arg0: i32) -> (i32, i32) {
    %c0_i32 = arith.constant 0 : i32
    %c0_i32_0 = arith.constant 0 : i32
    %c0_i32_1 = arith.constant 0 : i32
    return %c0_i32, %c0_i32_0 : i32, i32
  }
  func.func @transform_5(%arg0: i32) -> (i32, i32) {
    %c0_i32 = arith.constant 0 : i32
    %c0_i32_0 = arith.constant 0 : i32
    %c0_i32_1 = arith.constant 0 : i32
    return %c0_i32, %c0_i32_0 : i32, i32
  }
  func.func @transform_6(%arg0: i32) -> (i32, i32) {
    %c0_i32 = arith.constant 0 : i32
    %c0_i32_0 = arith.constant 0 : i32
    return %c0_i32, %arg0 : i32, i32
  }
  func.func @transform_7(%arg0: i32) -> (i32, i32) {
    %c0_i32 = arith.constant 0 : i32
    %c0_i32_0 = arith.constant 0 : i32
    return %arg0, %c0_i32 : i32, i32
  }
  func.func @transform_8(%arg0: i32) -> (i32, i32) {
    %c0_i32 = arith.constant 0 : i32
    %c0_i32_0 = arith.constant 0 : i32
    %c0_i32_1 = arith.constant 0 : i32
    return %c0_i32, %c0_i32_0 : i32, i32
  }
}

module attributes {stable_mosaic.version = 14 : i64} {
  func.func @_gnn_body(%arg0: i32, %arg1: memref<2xf32, #tpu.memory_space<smem>>, %arg2: memref<512x512xf32, #tpu.memory_space<vmem>>, %arg3: memref<512x256xf32, #tpu.memory_space<vmem>>, %arg4: memref<512x1024xf32, #tpu.memory_space<vmem>>, %arg5: memref<1024x256xf32, #tpu.memory_space<vmem>>, %arg6: memref<1x256xf32, #tpu.memory_space<vmem>>, %arg7: memref<1024x256xf32, #tpu.memory_space<vmem>>, %arg8: memref<512x1024xf32, #tpu.memory_space<vmem>>, %arg9: memref<1024x512xf32, #tpu.memory_space<vmem>>, %arg10: memref<256x512xf32, #tpu.memory_space<vmem>>, %arg11: memref<1x512xf32, #tpu.memory_space<vmem>>, %arg12: memref<256x512xf32, #tpu.memory_space<vmem>>, %arg13: memref<256x512xf32, #tpu.memory_space<vmem>>, %arg14: memref<1x512xf32, #tpu.memory_space<vmem>>, %arg15: memref<256x512xf32, #tpu.memory_space<vmem>>, %arg16: memref<512x256xf32, #tpu.memory_space<vmem>>, %arg17: memref<1x256xf32, #tpu.memory_space<vmem>>, %arg18: memref<512x256xf32, #tpu.memory_space<vmem>>, %arg19: memref<512x256xf32, #tpu.memory_space<vmem>>, %arg20: memref<1x256xf32, #tpu.memory_space<vmem>>, %arg21: memref<512x256xf32, #tpu.memory_space<vmem>>, %arg22: memref<256x128xf32, #tpu.memory_space<vmem>>, %arg23: memref<1x128xf32, #tpu.memory_space<vmem>>, %arg24: memref<256x128xf32, #tpu.memory_space<vmem>>, %arg25: memref<256x128xf32, #tpu.memory_space<vmem>>, %arg26: memref<1x128xf32, #tpu.memory_space<vmem>>, %arg27: memref<256x128xf32, #tpu.memory_space<vmem>>, %arg28: memref<1024x128xf32, #tpu.memory_space<vmem>>, %arg29: memref<512x128xf32, #tpu.memory_space<vmem>>) attributes {dimension_semantics = [#tpu.dimension_semantics<arbitrary>], iteration_bounds = array<i64: 1>, scalar_prefetch = 0 : i64, scratch_operands = 0 : i64, tpu.core_type = #tpu.core_type<tc>, window_params = [{transform_indices = @transform_0, window_bounds = array<i64: 2>}, {pipeline_mode = #tpu.pipeline_mode<synchronous>, transform_indices = @transform_1, window_bounds = array<i64: 512, 512>}, {pipeline_mode = #tpu.pipeline_mode<synchronous>, transform_indices = @transform_2, window_bounds = array<i64: 512, 256>}, {pipeline_mode = #tpu.pipeline_mode<synchronous>, transform_indices = @transform_3, window_bounds = array<i64: 512, 1024>}, {pipeline_mode = #tpu.pipeline_mode<synchronous>, transform_indices = @transform_4, window_bounds = array<i64: 1024, 256>}, {pipeline_mode = #tpu.pipeline_mode<synchronous>, transform_indices = @transform_5, window_bounds = array<i64: 1, 256>}, {pipeline_mode = #tpu.pipeline_mode<synchronous>, transform_indices = @transform_6, window_bounds = array<i64: 1024, 256>}, {pipeline_mode = #tpu.pipeline_mode<synchronous>, transform_indices = @transform_7, window_bounds = array<i64: 512, 1024>}, {pipeline_mode = #tpu.pipeline_mode<synchronous>, transform_indices = @transform_8, window_bounds = array<i64: 1024, 512>}, {pipeline_mode = #tpu.pipeline_mode<synchronous>, transform_indices = @transform_9, window_bounds = array<i64: 256, 512>}, {pipeline_mode = #tpu.pipeline_mode<synchronous>, transform_indices = @transform_10, window_bounds = array<i64: 1, 512>}, {pipeline_mode = #tpu.pipeline_mode<synchronous>, transform_indices = @transform_11, window_bounds = array<i64: 256, 512>}, {pipeline_mode = #tpu.pipeline_mode<synchronous>, transform_indices = @transform_12, window_bounds = array<i64: 256, 512>}, {pipeline_mode = #tpu.pipeline_mode<synchronous>, transform_indices = @transform_13, window_bounds = array<i64: 1, 512>}, {pipeline_mode = #tpu.pipeline_mode<synchronous>, transform_indices = @transform_14, window_bounds = array<i64: 256, 512>}, {pipeline_mode = #tpu.pipeline_mode<synchronous>, transform_indices = @transform_15, window_bounds = array<i64: 512, 256>}, {pipeline_mode = #tpu.pipeline_mode<synchronous>, transform_indices = @transform_16, window_bounds = array<i64: 1, 256>}, {pipeline_mode = #tpu.pipeline_mode<synchronous>, transform_indices = @transform_17, window_bounds = array<i64: 512, 256>}, {pipeline_mode = #tpu.pipeline_mode<synchronous>, transform_indices = @transform_18, window_bounds = array<i64: 512, 256>}, {pipeline_mode = #tpu.pipeline_mode<synchronous>, transform_indices = @transform_19, window_bounds = array<i64: 1, 256>}, {pipeline_mode = #tpu.pipeline_mode<synchronous>, transform_indices = @transform_20, window_bounds = array<i64: 512, 256>}, {pipeline_mode = #tpu.pipeline_mode<synchronous>, transform_indices = @transform_21, window_bounds = array<i64: 256, 128>}, {pipeline_mode = #tpu.pipeline_mode<synchronous>, transform_indices = @transform_22, window_bounds = array<i64: 1, 128>}, {pipeline_mode = #tpu.pipeline_mode<synchronous>, transform_indices = @transform_23, window_bounds = array<i64: 256, 128>}, {pipeline_mode = #tpu.pipeline_mode<synchronous>, transform_indices = @transform_24, window_bounds = array<i64: 256, 128>}, {pipeline_mode = #tpu.pipeline_mode<synchronous>, transform_indices = @transform_25, window_bounds = array<i64: 1, 128>}, {pipeline_mode = #tpu.pipeline_mode<synchronous>, transform_indices = @transform_26, window_bounds = array<i64: 256, 128>}, {pipeline_mode = #tpu.pipeline_mode<synchronous>, transform_indices = @transform_27, window_bounds = array<i64: 1024, 128>}, {pipeline_mode = #tpu.pipeline_mode<synchronous>, transform_indices = @transform_28, window_bounds = array<i64: 512, 128>}]} {
    %get3A = arith.constant 0 : index
    %get3A_0 = arith.constant 0 : index
    %get3A_1 = vector.load %arg2[%get3A, %get3A_0] : memref<512x512xf32, #tpu.memory_space<vmem>>, vector<512x512xf32>
    %get3A_2 = arith.constant 0 : index
    %get3A_3 = arith.constant 0 : index
    %get3A_4 = vector.load %arg3[%get3A_2, %get3A_3] : memref<512x256xf32, #tpu.memory_space<vmem>>, vector<512x256xf32>
    %dot_general3A = arith.constant dense<0.000000e+00> : vector<512x256xf32>
    %dot_general3A_5 = tpu.matmul %get3A_1, %get3A_4, %dot_general3A {dimension_numbers = #tpu.dot_dimension_numbers<[1], [0], [0], [1], [0, 0, 1, 1], [], []>, transpose_lhs_hint = false} : vector<512x512xf32>, vector<512x256xf32>, vector<512x256xf32> -> vector<512x256xf32>
    %get3A_6 = arith.constant 0 : index
    %get3A_7 = memref.load %arg1[%get3A_6] : memref<2xf32, #tpu.memory_space<smem>>
    %mul3A = vector.broadcast %get3A_7 : f32 to vector<512x256xf32>
    %mul3A_8 = arith.mulf %dot_general3A_5, %mul3A : vector<512x256xf32>
    %get3A_9 = arith.constant 0 : index
    %get3A_10 = arith.constant 0 : index
    %get3A_11 = vector.load %arg4[%get3A_9, %get3A_10] : memref<512x1024xf32, #tpu.memory_space<vmem>>, vector<512x1024xf32>
    %get3A_12 = arith.constant 0 : index
    %get3A_13 = arith.constant 0 : index
    %get3A_14 = vector.load %arg5[%get3A_12, %get3A_13] : memref<1024x256xf32, #tpu.memory_space<vmem>>, vector<1024x256xf32>
    %dot_general3A_15 = arith.constant dense<0.000000e+00> : vector<512x256xf32>
    %dot_general3A_16 = tpu.matmul %get3A_11, %get3A_14, %dot_general3A_15 {dimension_numbers = #tpu.dot_dimension_numbers<[1], [0], [0], [1], [0, 0, 1, 1], [], []>, transpose_lhs_hint = false} : vector<512x1024xf32>, vector<1024x256xf32>, vector<512x256xf32> -> vector<512x256xf32>
    %get3A_17 = arith.constant 1 : index
    %get3A_18 = memref.load %arg1[%get3A_17] : memref<2xf32, #tpu.memory_space<smem>>
    %mul3A_19 = vector.broadcast %get3A_18 : f32 to vector<512x256xf32>
    %mul3A_20 = arith.mulf %dot_general3A_16, %mul3A_19 : vector<512x256xf32>
    %add3A = arith.addf %mul3A_8, %mul3A_20 : vector<512x256xf32>
    %get3A_21 = arith.constant 0 : index
    %get3A_22 = arith.constant 0 : index
    %get3A_23 = vector.load %arg6[%get3A_21, %get3A_22] : memref<1x256xf32, #tpu.memory_space<vmem>>, vector<1x256xf32>
    %add3A_24 = vector.broadcast %get3A_23 : vector<1x256xf32> to vector<512x256xf32>
    %add3A_25 = arith.addf %add3A, %add3A_24 : vector<512x256xf32>
    %get3A_26 = arith.constant 0 : index
    %get3A_27 = arith.constant 0 : index
    %get3A_28 = vector.load %arg7[%get3A_26, %get3A_27] : memref<1024x256xf32, #tpu.memory_space<vmem>>, vector<1024x256xf32>
    %get3A_29 = arith.constant 0 : index
    %get3A_30 = arith.constant 0 : index
    %get3A_31 = vector.load %arg8[%get3A_29, %get3A_30] : memref<512x1024xf32, #tpu.memory_space<vmem>>, vector<512x1024xf32>
    %reduce_sum3A = arith.constant dense<0.000000e+00> : vector<512xf32>
    %reduce_sum3A_32 = vector.multi_reduction <add>, %get3A_31, %reduce_sum3A [1] : vector<512x1024xf32> to vector<512xf32>
    %broadcast_in_dim3A = vector.shape_cast %reduce_sum3A_32 : vector<512xf32> to vector<512x1xf32>
    %max3A = arith.constant 1.000000e+00 : f32
    %max3A_33 = vector.broadcast %max3A : f32 to vector<512x1xf32>
    %max3A_34 = arith.maximumf %broadcast_in_dim3A, %max3A_33 : vector<512x1xf32>
    %div3A = arith.constant 1.000000e+00 : f32
    %div3A_35 = vector.broadcast %div3A : f32 to vector<512x1xf32>
    %div3A_36 = arith.divf %div3A_35, %max3A_34 : vector<512x1xf32>
    %mul3A_37 = vector.broadcast %div3A_36 : vector<512x1xf32> to vector<512x1024xf32>
    %mul3A_38 = arith.mulf %get3A_31, %mul3A_37 : vector<512x1024xf32>
    %convert_element_type3A = arith.truncf %mul3A_38 : vector<512x1024xf32> to vector<512x1024xbf16>
    %get3A_39 = arith.constant 0 : index
    %get3A_40 = arith.constant 0 : index
    %get3A_41 = vector.load %arg9[%get3A_39, %get3A_40] : memref<1024x512xf32, #tpu.memory_space<vmem>>, vector<1024x512xf32>
    %reduce_sum3A_42 = arith.constant dense<0.000000e+00> : vector<1024xf32>
    %reduce_sum3A_43 = vector.multi_reduction <add>, %get3A_41, %reduce_sum3A_42 [1] : vector<1024x512xf32> to vector<1024xf32>
    %broadcast_in_dim3A_44 = vector.shape_cast %reduce_sum3A_43 : vector<1024xf32> to vector<1024x1xf32>
    %max3A_45 = arith.constant 1.000000e+00 : f32
    %max3A_46 = vector.broadcast %max3A_45 : f32 to vector<1024x1xf32>
    %max3A_47 = arith.maximumf %broadcast_in_dim3A_44, %max3A_46 : vector<1024x1xf32>
    %div3A_48 = arith.constant 1.000000e+00 : f32
    %div3A_49 = vector.broadcast %div3A_48 : f32 to vector<1024x1xf32>
    %div3A_50 = arith.divf %div3A_49, %max3A_47 : vector<1024x1xf32>
    %mul3A_51 = vector.broadcast %div3A_50 : vector<1024x1xf32> to vector<1024x512xf32>
    %mul3A_52 = arith.mulf %get3A_41, %mul3A_51 : vector<1024x512xf32>
    %convert_element_type3A_53 = arith.truncf %mul3A_52 : vector<1024x512xf32> to vector<1024x512xbf16>
    %convert_element_type3A_54 = arith.truncf %get3A_28 : vector<1024x256xf32> to vector<1024x256xbf16>
    %convert_element_type3A_55 = arith.truncf %add3A_25 : vector<512x256xf32> to vector<512x256xbf16>
    %dot_general3A_56 = arith.constant dense<0.000000e+00> : vector<512x256xf32>
    %dot_general3A_57 = tpu.matmul %convert_element_type3A, %convert_element_type3A_54, %dot_general3A_56 {dimension_numbers = #tpu.dot_dimension_numbers<[1], [0], [0], [1], [0, 0, 1, 1], [], []>, transpose_lhs_hint = false} : vector<512x1024xbf16>, vector<1024x256xbf16>, vector<512x256xf32> -> vector<512x256xf32>
    %dot_general3A_58 = arith.constant dense<0.000000e+00> : vector<1024x256xf32>
    %dot_general3A_59 = tpu.matmul %convert_element_type3A_53, %convert_element_type3A_55, %dot_general3A_58 {dimension_numbers = #tpu.dot_dimension_numbers<[1], [0], [0], [1], [0, 0, 1, 1], [], []>, transpose_lhs_hint = false} : vector<1024x512xbf16>, vector<512x256xbf16>, vector<1024x256xf32> -> vector<1024x256xf32>
    %convert_element_type3A_60 = arith.truncf %dot_general3A_57 : vector<512x256xf32> to vector<512x256xbf16>
    %get3A_61 = arith.constant 0 : index
    %get3A_62 = arith.constant 0 : index
    %get3A_63 = vector.load %arg10[%get3A_61, %get3A_62] : memref<256x512xf32, #tpu.memory_space<vmem>>, vector<256x512xf32>
    %convert_element_type3A_64 = arith.truncf %get3A_63 : vector<256x512xf32> to vector<256x512xbf16>
    %dot_general3A_65 = arith.constant dense<0.000000e+00> : vector<512x512xf32>
    %dot_general3A_66 = tpu.matmul %convert_element_type3A_60, %convert_element_type3A_64, %dot_general3A_65 {dimension_numbers = #tpu.dot_dimension_numbers<[1], [0], [0], [1], [0, 0, 1, 1], [], []>, transpose_lhs_hint = false} : vector<512x256xbf16>, vector<256x512xbf16>, vector<512x512xf32> -> vector<512x512xf32>
    %get3A_67 = arith.constant 0 : index
    %get3A_68 = arith.constant 0 : index
    %get3A_69 = vector.load %arg11[%get3A_67, %get3A_68] : memref<1x512xf32, #tpu.memory_space<vmem>>, vector<1x512xf32>
    %add3A_70 = vector.broadcast %get3A_69 : vector<1x512xf32> to vector<512x512xf32>
    %add3A_71 = arith.addf %dot_general3A_66, %add3A_70 : vector<512x512xf32>
    %get3A_72 = arith.constant 0 : index
    %get3A_73 = arith.constant 0 : index
    %get3A_74 = vector.load %arg12[%get3A_72, %get3A_73] : memref<256x512xf32, #tpu.memory_space<vmem>>, vector<256x512xf32>
    %convert_element_type3A_75 = arith.truncf %get3A_74 : vector<256x512xf32> to vector<256x512xbf16>
    %dot_general3A_76 = arith.constant dense<0.000000e+00> : vector<512x512xf32>
    %dot_general3A_77 = tpu.matmul %convert_element_type3A_55, %convert_element_type3A_75, %dot_general3A_76 {dimension_numbers = #tpu.dot_dimension_numbers<[1], [0], [0], [1], [0, 0, 1, 1], [], []>, transpose_lhs_hint = false} : vector<512x256xbf16>, vector<256x512xbf16>, vector<512x512xf32> -> vector<512x512xf32>
    %add3A_78 = arith.addf %add3A_71, %dot_general3A_77 : vector<512x512xf32>
    %ge3A = arith.constant 0.000000e+00 : f32
    %ge3A_79 = vector.broadcast %ge3A : f32 to vector<512x512xf32>
    %ge3A_80 = arith.cmpf oge, %add3A_78, %ge3A_79 : vector<512x512xf32>
    %mul3A_81 = arith.constant 0.00999999977 : f32
    %mul3A_82 = vector.broadcast %mul3A_81 : f32 to vector<512x512xf32>
    %mul3A_83 = arith.mulf %mul3A_82, %add3A_78 : vector<512x512xf32>
    %select_n3A = arith.select %ge3A_80, %add3A_78, %mul3A_83 : vector<512x512xi1>, vector<512x512xf32>
    %convert_element_type3A_84 = arith.truncf %dot_general3A_59 : vector<1024x256xf32> to vector<1024x256xbf16>
    %get3A_85 = arith.constant 0 : index
    %get3A_86 = arith.constant 0 : index
    %get3A_87 = vector.load %arg13[%get3A_85, %get3A_86] : memref<256x512xf32, #tpu.memory_space<vmem>>, vector<256x512xf32>
    %convert_element_type3A_88 = arith.truncf %get3A_87 : vector<256x512xf32> to vector<256x512xbf16>
    %dot_general3A_89 = arith.constant dense<0.000000e+00> : vector<1024x512xf32>
    %dot_general3A_90 = tpu.matmul %convert_element_type3A_84, %convert_element_type3A_88, %dot_general3A_89 {dimension_numbers = #tpu.dot_dimension_numbers<[1], [0], [0], [1], [0, 0, 1, 1], [], []>, transpose_lhs_hint = false} : vector<1024x256xbf16>, vector<256x512xbf16>, vector<1024x512xf32> -> vector<1024x512xf32>
    %get3A_91 = arith.constant 0 : index
    %get3A_92 = arith.constant 0 : index
    %get3A_93 = vector.load %arg14[%get3A_91, %get3A_92] : memref<1x512xf32, #tpu.memory_space<vmem>>, vector<1x512xf32>
    %add3A_94 = vector.broadcast %get3A_93 : vector<1x512xf32> to vector<1024x512xf32>
    %add3A_95 = arith.addf %dot_general3A_90, %add3A_94 : vector<1024x512xf32>
    %get3A_96 = arith.constant 0 : index
    %get3A_97 = arith.constant 0 : index
    %get3A_98 = vector.load %arg15[%get3A_96, %get3A_97] : memref<256x512xf32, #tpu.memory_space<vmem>>, vector<256x512xf32>
    %convert_element_type3A_99 = arith.truncf %get3A_98 : vector<256x512xf32> to vector<256x512xbf16>
    %dot_general3A_100 = arith.constant dense<0.000000e+00> : vector<1024x512xf32>
    %dot_general3A_101 = tpu.matmul %convert_element_type3A_54, %convert_element_type3A_99, %dot_general3A_100 {dimension_numbers = #tpu.dot_dimension_numbers<[1], [0], [0], [1], [0, 0, 1, 1], [], []>, transpose_lhs_hint = false} : vector<1024x256xbf16>, vector<256x512xbf16>, vector<1024x512xf32> -> vector<1024x512xf32>
    %add3A_102 = arith.addf %add3A_95, %dot_general3A_101 : vector<1024x512xf32>
    %ge3A_103 = arith.constant 0.000000e+00 : f32
    %ge3A_104 = vector.broadcast %ge3A_103 : f32 to vector<1024x512xf32>
    %ge3A_105 = arith.cmpf oge, %add3A_102, %ge3A_104 : vector<1024x512xf32>
    %mul3A_106 = arith.constant 0.00999999977 : f32
    %mul3A_107 = vector.broadcast %mul3A_106 : f32 to vector<1024x512xf32>
    %mul3A_108 = arith.mulf %mul3A_107, %add3A_102 : vector<1024x512xf32>
    %select_n3A_109 = arith.select %ge3A_105, %add3A_102, %mul3A_108 : vector<1024x512xi1>, vector<1024x512xf32>
    %convert_element_type3A_110 = arith.truncf %select_n3A_109 : vector<1024x512xf32> to vector<1024x512xbf16>
    %convert_element_type3A_111 = arith.truncf %select_n3A : vector<512x512xf32> to vector<512x512xbf16>
    %dot_general3A_112 = arith.constant dense<0.000000e+00> : vector<512x512xf32>
    %dot_general3A_113 = tpu.matmul %convert_element_type3A, %convert_element_type3A_110, %dot_general3A_112 {dimension_numbers = #tpu.dot_dimension_numbers<[1], [0], [0], [1], [0, 0, 1, 1], [], []>, transpose_lhs_hint = false} : vector<512x1024xbf16>, vector<1024x512xbf16>, vector<512x512xf32> -> vector<512x512xf32>
    %dot_general3A_114 = arith.constant dense<0.000000e+00> : vector<1024x512xf32>
    %dot_general3A_115 = tpu.matmul %convert_element_type3A_53, %convert_element_type3A_111, %dot_general3A_114 {dimension_numbers = #tpu.dot_dimension_numbers<[1], [0], [0], [1], [0, 0, 1, 1], [], []>, transpose_lhs_hint = false} : vector<1024x512xbf16>, vector<512x512xbf16>, vector<1024x512xf32> -> vector<1024x512xf32>
    %convert_element_type3A_116 = arith.truncf %dot_general3A_113 : vector<512x512xf32> to vector<512x512xbf16>
    %get3A_117 = arith.constant 0 : index
    %get3A_118 = arith.constant 0 : index
    %get3A_119 = vector.load %arg16[%get3A_117, %get3A_118] : memref<512x256xf32, #tpu.memory_space<vmem>>, vector<512x256xf32>
    %convert_element_type3A_120 = arith.truncf %get3A_119 : vector<512x256xf32> to vector<512x256xbf16>
    %dot_general3A_121 = arith.constant dense<0.000000e+00> : vector<512x256xf32>
    %dot_general3A_122 = tpu.matmul %convert_element_type3A_116, %convert_element_type3A_120, %dot_general3A_121 {dimension_numbers = #tpu.dot_dimension_numbers<[1], [0], [0], [1], [0, 0, 1, 1], [], []>, transpose_lhs_hint = false} : vector<512x512xbf16>, vector<512x256xbf16>, vector<512x256xf32> -> vector<512x256xf32>
    %get3A_123 = arith.constant 0 : index
    %get3A_124 = arith.constant 0 : index
    %get3A_125 = vector.load %arg17[%get3A_123, %get3A_124] : memref<1x256xf32, #tpu.memory_space<vmem>>, vector<1x256xf32>
    %add3A_126 = vector.broadcast %get3A_125 : vector<1x256xf32> to vector<512x256xf32>
    %add3A_127 = arith.addf %dot_general3A_122, %add3A_126 : vector<512x256xf32>
    %get3A_128 = arith.constant 0 : index
    %get3A_129 = arith.constant 0 : index
    %get3A_130 = vector.load %arg18[%get3A_128, %get3A_129] : memref<512x256xf32, #tpu.memory_space<vmem>>, vector<512x256xf32>
    %convert_element_type3A_131 = arith.truncf %get3A_130 : vector<512x256xf32> to vector<512x256xbf16>
    %dot_general3A_132 = arith.constant dense<0.000000e+00> : vector<512x256xf32>
    %dot_general3A_133 = tpu.matmul %convert_element_type3A_111, %convert_element_type3A_131, %dot_general3A_132 {dimension_numbers = #tpu.dot_dimension_numbers<[1], [0], [0], [1], [0, 0, 1, 1], [], []>, transpose_lhs_hint = false} : vector<512x512xbf16>, vector<512x256xbf16>, vector<512x256xf32> -> vector<512x256xf32>
    %add3A_134 = arith.addf %add3A_127, %dot_general3A_133 : vector<512x256xf32>
    %ge3A_135 = arith.constant 0.000000e+00 : f32
    %ge3A_136 = vector.broadcast %ge3A_135 : f32 to vector<512x256xf32>
    %ge3A_137 = arith.cmpf oge, %add3A_134, %ge3A_136 : vector<512x256xf32>
    %mul3A_138 = arith.constant 0.00999999977 : f32
    %mul3A_139 = vector.broadcast %mul3A_138 : f32 to vector<512x256xf32>
    %mul3A_140 = arith.mulf %mul3A_139, %add3A_134 : vector<512x256xf32>
    %select_n3A_141 = arith.select %ge3A_137, %add3A_134, %mul3A_140 : vector<512x256xi1>, vector<512x256xf32>
    %convert_element_type3A_142 = arith.truncf %dot_general3A_115 : vector<1024x512xf32> to vector<1024x512xbf16>
    %get3A_143 = arith.constant 0 : index
    %get3A_144 = arith.constant 0 : index
    %get3A_145 = vector.load %arg19[%get3A_143, %get3A_144] : memref<512x256xf32, #tpu.memory_space<vmem>>, vector<512x256xf32>
    %convert_element_type3A_146 = arith.truncf %get3A_145 : vector<512x256xf32> to vector<512x256xbf16>
    %dot_general3A_147 = arith.constant dense<0.000000e+00> : vector<1024x256xf32>
    %dot_general3A_148 = tpu.matmul %convert_element_type3A_142, %convert_element_type3A_146, %dot_general3A_147 {dimension_numbers = #tpu.dot_dimension_numbers<[1], [0], [0], [1], [0, 0, 1, 1], [], []>, transpose_lhs_hint = false} : vector<1024x512xbf16>, vector<512x256xbf16>, vector<1024x256xf32> -> vector<1024x256xf32>
    %get3A_149 = arith.constant 0 : index
    %get3A_150 = arith.constant 0 : index
    %get3A_151 = vector.load %arg20[%get3A_149, %get3A_150] : memref<1x256xf32, #tpu.memory_space<vmem>>, vector<1x256xf32>
    %add3A_152 = vector.broadcast %get3A_151 : vector<1x256xf32> to vector<1024x256xf32>
    %add3A_153 = arith.addf %dot_general3A_148, %add3A_152 : vector<1024x256xf32>
    %get3A_154 = arith.constant 0 : index
    %get3A_155 = arith.constant 0 : index
    %get3A_156 = vector.load %arg21[%get3A_154, %get3A_155] : memref<512x256xf32, #tpu.memory_space<vmem>>, vector<512x256xf32>
    %convert_element_type3A_157 = arith.truncf %get3A_156 : vector<512x256xf32> to vector<512x256xbf16>
    %dot_general3A_158 = arith.constant dense<0.000000e+00> : vector<1024x256xf32>
    %dot_general3A_159 = tpu.matmul %convert_element_type3A_110, %convert_element_type3A_157, %dot_general3A_158 {dimension_numbers = #tpu.dot_dimension_numbers<[1], [0], [0], [1], [0, 0, 1, 1], [], []>, transpose_lhs_hint = false} : vector<1024x512xbf16>, vector<512x256xbf16>, vector<1024x256xf32> -> vector<1024x256xf32>
    %add3A_160 = arith.addf %add3A_153, %dot_general3A_159 : vector<1024x256xf32>
    %ge3A_161 = arith.constant 0.000000e+00 : f32
    %ge3A_162 = vector.broadcast %ge3A_161 : f32 to vector<1024x256xf32>
    %ge3A_163 = arith.cmpf oge, %add3A_160, %ge3A_162 : vector<1024x256xf32>
    %mul3A_164 = arith.constant 0.00999999977 : f32
    %mul3A_165 = vector.broadcast %mul3A_164 : f32 to vector<1024x256xf32>
    %mul3A_166 = arith.mulf %mul3A_165, %add3A_160 : vector<1024x256xf32>
    %select_n3A_167 = arith.select %ge3A_163, %add3A_160, %mul3A_166 : vector<1024x256xi1>, vector<1024x256xf32>
    %convert_element_type3A_168 = arith.truncf %select_n3A_167 : vector<1024x256xf32> to vector<1024x256xbf16>
    %convert_element_type3A_169 = arith.truncf %select_n3A_141 : vector<512x256xf32> to vector<512x256xbf16>
    %dot_general3A_170 = arith.constant dense<0.000000e+00> : vector<512x256xf32>
    %dot_general3A_171 = tpu.matmul %convert_element_type3A, %convert_element_type3A_168, %dot_general3A_170 {dimension_numbers = #tpu.dot_dimension_numbers<[1], [0], [0], [1], [0, 0, 1, 1], [], []>, transpose_lhs_hint = false} : vector<512x1024xbf16>, vector<1024x256xbf16>, vector<512x256xf32> -> vector<512x256xf32>
    %dot_general3A_172 = arith.constant dense<0.000000e+00> : vector<1024x256xf32>
    %dot_general3A_173 = tpu.matmul %convert_element_type3A_53, %convert_element_type3A_169, %dot_general3A_172 {dimension_numbers = #tpu.dot_dimension_numbers<[1], [0], [0], [1], [0, 0, 1, 1], [], []>, transpose_lhs_hint = false} : vector<1024x512xbf16>, vector<512x256xbf16>, vector<1024x256xf32> -> vector<1024x256xf32>
    %convert_element_type3A_174 = arith.truncf %dot_general3A_171 : vector<512x256xf32> to vector<512x256xbf16>
    %get3A_175 = arith.constant 0 : index
    %get3A_176 = arith.constant 0 : index
    %get3A_177 = vector.load %arg22[%get3A_175, %get3A_176] : memref<256x128xf32, #tpu.memory_space<vmem>>, vector<256x128xf32>
    %convert_element_type3A_178 = arith.truncf %get3A_177 : vector<256x128xf32> to vector<256x128xbf16>
    %dot_general3A_179 = arith.constant dense<0.000000e+00> : vector<512x128xf32>
    %dot_general3A_180 = tpu.matmul %convert_element_type3A_174, %convert_element_type3A_178, %dot_general3A_179 {dimension_numbers = #tpu.dot_dimension_numbers<[1], [0], [0], [1], [0, 0, 1, 1], [], []>, transpose_lhs_hint = false} : vector<512x256xbf16>, vector<256x128xbf16>, vector<512x128xf32> -> vector<512x128xf32>
    %get3A_181 = arith.constant 0 : index
    %get3A_182 = arith.constant 0 : index
    %get3A_183 = vector.load %arg23[%get3A_181, %get3A_182] : memref<1x128xf32, #tpu.memory_space<vmem>>, vector<1x128xf32>
    %add3A_184 = vector.broadcast %get3A_183 : vector<1x128xf32> to vector<512x128xf32>
    %add3A_185 = arith.addf %dot_general3A_180, %add3A_184 : vector<512x128xf32>
    %get3A_186 = arith.constant 0 : index
    %get3A_187 = arith.constant 0 : index
    %get3A_188 = vector.load %arg24[%get3A_186, %get3A_187] : memref<256x128xf32, #tpu.memory_space<vmem>>, vector<256x128xf32>
    %convert_element_type3A_189 = arith.truncf %get3A_188 : vector<256x128xf32> to vector<256x128xbf16>
    %dot_general3A_190 = arith.constant dense<0.000000e+00> : vector<512x128xf32>
    %dot_general3A_191 = tpu.matmul %convert_element_type3A_169, %convert_element_type3A_189, %dot_general3A_190 {dimension_numbers = #tpu.dot_dimension_numbers<[1], [0], [0], [1], [0, 0, 1, 1], [], []>, transpose_lhs_hint = false} : vector<512x256xbf16>, vector<256x128xbf16>, vector<512x128xf32> -> vector<512x128xf32>
    %add3A_192 = arith.addf %add3A_185, %dot_general3A_191 : vector<512x128xf32>
    %ge3A_193 = arith.constant 0.000000e+00 : f32
    %ge3A_194 = vector.broadcast %ge3A_193 : f32 to vector<512x128xf32>
    %ge3A_195 = arith.cmpf oge, %add3A_192, %ge3A_194 : vector<512x128xf32>
    %mul3A_196 = arith.constant 0.00999999977 : f32
    %mul3A_197 = vector.broadcast %mul3A_196 : f32 to vector<512x128xf32>
    %mul3A_198 = arith.mulf %mul3A_197, %add3A_192 : vector<512x128xf32>
    %select_n3A_199 = arith.select %ge3A_195, %add3A_192, %mul3A_198 : vector<512x128xi1>, vector<512x128xf32>
    %convert_element_type3A_200 = arith.truncf %dot_general3A_173 : vector<1024x256xf32> to vector<1024x256xbf16>
    %get3A_201 = arith.constant 0 : index
    %get3A_202 = arith.constant 0 : index
    %get3A_203 = vector.load %arg25[%get3A_201, %get3A_202] : memref<256x128xf32, #tpu.memory_space<vmem>>, vector<256x128xf32>
    %convert_element_type3A_204 = arith.truncf %get3A_203 : vector<256x128xf32> to vector<256x128xbf16>
    %dot_general3A_205 = arith.constant dense<0.000000e+00> : vector<1024x128xf32>
    %dot_general3A_206 = tpu.matmul %convert_element_type3A_200, %convert_element_type3A_204, %dot_general3A_205 {dimension_numbers = #tpu.dot_dimension_numbers<[1], [0], [0], [1], [0, 0, 1, 1], [], []>, transpose_lhs_hint = false} : vector<1024x256xbf16>, vector<256x128xbf16>, vector<1024x128xf32> -> vector<1024x128xf32>
    %get3A_207 = arith.constant 0 : index
    %get3A_208 = arith.constant 0 : index
    %get3A_209 = vector.load %arg26[%get3A_207, %get3A_208] : memref<1x128xf32, #tpu.memory_space<vmem>>, vector<1x128xf32>
    %add3A_210 = vector.broadcast %get3A_209 : vector<1x128xf32> to vector<1024x128xf32>
    %add3A_211 = arith.addf %dot_general3A_206, %add3A_210 : vector<1024x128xf32>
    %get3A_212 = arith.constant 0 : index
    %get3A_213 = arith.constant 0 : index
    %get3A_214 = vector.load %arg27[%get3A_212, %get3A_213] : memref<256x128xf32, #tpu.memory_space<vmem>>, vector<256x128xf32>
    %convert_element_type3A_215 = arith.truncf %get3A_214 : vector<256x128xf32> to vector<256x128xbf16>
    %dot_general3A_216 = arith.constant dense<0.000000e+00> : vector<1024x128xf32>
    %dot_general3A_217 = tpu.matmul %convert_element_type3A_168, %convert_element_type3A_215, %dot_general3A_216 {dimension_numbers = #tpu.dot_dimension_numbers<[1], [0], [0], [1], [0, 0, 1, 1], [], []>, transpose_lhs_hint = false} : vector<1024x256xbf16>, vector<256x128xbf16>, vector<1024x128xf32> -> vector<1024x128xf32>
    %add3A_218 = arith.addf %add3A_211, %dot_general3A_217 : vector<1024x128xf32>
    %ge3A_219 = arith.constant 0.000000e+00 : f32
    %ge3A_220 = vector.broadcast %ge3A_219 : f32 to vector<1024x128xf32>
    %ge3A_221 = arith.cmpf oge, %add3A_218, %ge3A_220 : vector<1024x128xf32>
    %mul3A_222 = arith.constant 0.00999999977 : f32
    %mul3A_223 = vector.broadcast %mul3A_222 : f32 to vector<1024x128xf32>
    %mul3A_224 = arith.mulf %mul3A_223, %add3A_218 : vector<1024x128xf32>
    %select_n3A_225 = arith.select %ge3A_221, %add3A_218, %mul3A_224 : vector<1024x128xi1>, vector<1024x128xf32>
    %swap3A = arith.constant 0 : index
    %swap3A_226 = arith.constant 0 : index
    %swap3A_227 = vector.load %arg28[%swap3A, %swap3A_226] : memref<1024x128xf32, #tpu.memory_space<vmem>>, vector<1024x128xf32>
    tpu.vector_store %arg28[%swap3A, %swap3A_226], %select_n3A_225 {strides = array<i32>} : memref<1024x128xf32, #tpu.memory_space<vmem>>, vector<1024x128xf32>,
    %swap3A_228 = arith.constant 0 : index
    %swap3A_229 = arith.constant 0 : index
    %swap3A_230 = vector.load %arg29[%swap3A_228, %swap3A_229] : memref<512x128xf32, #tpu.memory_space<vmem>>, vector<512x128xf32>
    tpu.vector_store %arg29[%swap3A_228, %swap3A_229], %select_n3A_199 {strides = array<i32>} : memref<512x128xf32, #tpu.memory_space<vmem>>, vector<512x128xf32>,
    return
  }
  func.func @transform_0(%arg0: i32) -> i32 {
    %c0_i32 = arith.constant 0 : i32
    %c0_i32_0 = arith.constant 0 : i32
    return %c0_i32 : i32
  }
  func.func @transform_1(%arg0: i32) -> (i32, i32) {
    %c0_i32 = arith.constant 0 : i32
    %c0_i32_0 = arith.constant 0 : i32
    %c0_i32_1 = arith.constant 0 : i32
    return %c0_i32, %c0_i32_0 : i32, i32
  }
  func.func @transform_2(%arg0: i32) -> (i32, i32) {
    %c0_i32 = arith.constant 0 : i32
    %c0_i32_0 = arith.constant 0 : i32
    %c0_i32_1 = arith.constant 0 : i32
    return %c0_i32, %c0_i32_0 : i32, i32
  }
  func.func @transform_3(%arg0: i32) -> (i32, i32) {
    %c0_i32 = arith.constant 0 : i32
    %c0_i32_0 = arith.constant 0 : i32
    %c0_i32_1 = arith.constant 0 : i32
    return %c0_i32, %c0_i32_0 : i32, i32
  }
  func.func @transform_4(%arg0: i32) -> (i32, i32) {
    %c0_i32 = arith.constant 0 : i32
    %c0_i32_0 = arith.constant 0 : i32
    %c0_i32_1 = arith.constant 0 : i32
    return %c0_i32, %c0_i32_0 : i32, i32
  }
  func.func @transform_5(%arg0: i32) -> (i32, i32) {
    %c0_i32 = arith.constant 0 : i32
    %c0_i32_0 = arith.constant 0 : i32
    %c0_i32_1 = arith.constant 0 : i32
    return %c0_i32, %c0_i32_0 : i32, i32
  }
  func.func @transform_6(%arg0: i32) -> (i32, i32) {
    %c0_i32 = arith.constant 0 : i32
    %c0_i32_0 = arith.constant 0 : i32
    %c0_i32_1 = arith.constant 0 : i32
    return %c0_i32, %c0_i32_0 : i32, i32
  }
  func.func @transform_7(%arg0: i32) -> (i32, i32) {
    %c0_i32 = arith.constant 0 : i32
    %c0_i32_0 = arith.constant 0 : i32
    %c0_i32_1 = arith.constant 0 : i32
    return %c0_i32, %c0_i32_0 : i32, i32
  }
  func.func @transform_8(%arg0: i32) -> (i32, i32) {
    %c0_i32 = arith.constant 0 : i32
    %c0_i32_0 = arith.constant 0 : i32
    %c0_i32_1 = arith.constant 0 : i32
    return %c0_i32, %c0_i32_0 : i32, i32
  }
  func.func @transform_9(%arg0: i32) -> (i32, i32) {
    %c0_i32 = arith.constant 0 : i32
    %c0_i32_0 = arith.constant 0 : i32
    %c0_i32_1 = arith.constant 0 : i32
    return %c0_i32, %c0_i32_0 : i32, i32
  }
  func.func @transform_10(%arg0: i32) -> (i32, i32) {
    %c0_i32 = arith.constant 0 : i32
    %c0_i32_0 = arith.constant 0 : i32
    %c0_i32_1 = arith.constant 0 : i32
    return %c0_i32, %c0_i32_0 : i32, i32
  }
  func.func @transform_11(%arg0: i32) -> (i32, i32) {
    %c0_i32 = arith.constant 0 : i32
    %c0_i32_0 = arith.constant 0 : i32
    %c0_i32_1 = arith.constant 0 : i32
    return %c0_i32, %c0_i32_0 : i32, i32
  }
  func.func @transform_12(%arg0: i32) -> (i32, i32) {
    %c0_i32 = arith.constant 0 : i32
    %c0_i32_0 = arith.constant 0 : i32
    %c0_i32_1 = arith.constant 0 : i32
    return %c0_i32, %c0_i32_0 : i32, i32
  }
  func.func @transform_13(%arg0: i32) -> (i32, i32) {
    %c0_i32 = arith.constant 0 : i32
    %c0_i32_0 = arith.constant 0 : i32
    %c0_i32_1 = arith.constant 0 : i32
    return %c0_i32, %c0_i32_0 : i32, i32
  }
  func.func @transform_14(%arg0: i32) -> (i32, i32) {
    %c0_i32 = arith.constant 0 : i32
    %c0_i32_0 = arith.constant 0 : i32
    %c0_i32_1 = arith.constant 0 : i32
    return %c0_i32, %c0_i32_0 : i32, i32
  }
  func.func @transform_15(%arg0: i32) -> (i32, i32) {
    %c0_i32 = arith.constant 0 : i32
    %c0_i32_0 = arith.constant 0 : i32
    %c0_i32_1 = arith.constant 0 : i32
    return %c0_i32, %c0_i32_0 : i32, i32
  }
  func.func @transform_16(%arg0: i32) -> (i32, i32) {
    %c0_i32 = arith.constant 0 : i32
    %c0_i32_0 = arith.constant 0 : i32
    %c0_i32_1 = arith.constant 0 : i32
    return %c0_i32, %c0_i32_0 : i32, i32
  }
  func.func @transform_17(%arg0: i32) -> (i32, i32) {
    %c0_i32 = arith.constant 0 : i32
    %c0_i32_0 = arith.constant 0 : i32
    %c0_i32_1 = arith.constant 0 : i32
    return %c0_i32, %c0_i32_0 : i32, i32
  }
  func.func @transform_18(%arg0: i32) -> (i32, i32) {
    %c0_i32 = arith.constant 0 : i32
    %c0_i32_0 = arith.constant 0 : i32
    %c0_i32_1 = arith.constant 0 : i32
    return %c0_i32, %c0_i32_0 : i32, i32
  }
  func.func @transform_19(%arg0: i32) -> (i32, i32) {
    %c0_i32 = arith.constant 0 : i32
    %c0_i32_0 = arith.constant 0 : i32
    %c0_i32_1 = arith.constant 0 : i32
    return %c0_i32, %c0_i32_0 : i32, i32
  }
  func.func @transform_20(%arg0: i32) -> (i32, i32) {
    %c0_i32 = arith.constant 0 : i32
    %c0_i32_0 = arith.constant 0 : i32
    %c0_i32_1 = arith.constant 0 : i32
    return %c0_i32, %c0_i32_0 : i32, i32
  }
  func.func @transform_21(%arg0: i32) -> (i32, i32) {
    %c0_i32 = arith.constant 0 : i32
    %c0_i32_0 = arith.constant 0 : i32
    %c0_i32_1 = arith.constant 0 : i32
    return %c0_i32, %c0_i32_0 : i32, i32
  }
  func.func @transform_22(%arg0: i32) -> (i32, i32) {
    %c0_i32 = arith.constant 0 : i32
    %c0_i32_0 = arith.constant 0 : i32
    %c0_i32_1 = arith.constant 0 : i32
    return %c0_i32, %c0_i32_0 : i32, i32
  }
  func.func @transform_23(%arg0: i32) -> (i32, i32) {
    %c0_i32 = arith.constant 0 : i32
    %c0_i32_0 = arith.constant 0 : i32
    %c0_i32_1 = arith.constant 0 : i32
    return %c0_i32, %c0_i32_0 : i32, i32
  }
  func.func @transform_24(%arg0: i32) -> (i32, i32) {
    %c0_i32 = arith.constant 0 : i32
    %c0_i32_0 = arith.constant 0 : i32
    %c0_i32_1 = arith.constant 0 : i32
    return %c0_i32, %c0_i32_0 : i32, i32
  }
  func.func @transform_25(%arg0: i32) -> (i32, i32) {
    %c0_i32 = arith.constant 0 : i32
    %c0_i32_0 = arith.constant 0 : i32
    %c0_i32_1 = arith.constant 0 : i32
    return %c0_i32, %c0_i32_0 : i32, i32
  }
  func.func @transform_26(%arg0: i32) -> (i32, i32) {
    %c0_i32 = arith.constant 0 : i32
    %c0_i32_0 = arith.constant 0 : i32
    %c0_i32_1 = arith.constant 0 : i32
    return %c0_i32, %c0_i32_0 : i32, i32
  }
  func.func @transform_27(%arg0: i32) -> (i32, i32) {
    %c0_i32 = arith.constant 0 : i32
    %c0_i32_0 = arith.constant 0 : i32
    %c0_i32_1 = arith.constant 0 : i32
    return %c0_i32, %c0_i32_0 : i32, i32
  }
  func.func @transform_28(%arg0: i32) -> (i32, i32) {
    %c0_i32 = arith.constant 0 : i32
    %c0_i32_0 = arith.constant 0 : i32
    %c0_i32_1 = arith.constant 0 : i32
    return %c0_i32, %c0_i32_0 : i32, i32
  }
}

</mosaic_0001>

<sc_bundles>
// kernel: kernel.5.cloned.1.call-start
scs
__scs_entry_jumppad:
0x0: {  	(pc) =	sbr.rel $0x88, $3  }
0x1: {  	(tag) =	ssettag $0x0;
	lr =	simm.s32 $0x1  }
0x2: {  	[smem:$0x3F7C] =	sst lr;
	_ =	strace $0xD0000000  }
0x3: {  	_ = 	snop  }
0x4: {  	_ = 	snop  }
0x5: {  	_ = 	snop  }
0x6: {  	_ = 	snop  }
0x7: {  	_ = 	snop  }
__scs_overlays_trampoline_lowered:
0x8: {  	[smem:$0x3F8B] =	sst s0  }
0x9: {  	[smem:$0x3F8C] =	sst s1  }
0xa: {  	[smem:$0x3F8D] =	sst s2  }
0xb: {  	[smem:$0x3F8E] =	sst s3  }
0xc: {  	[smem:$0x3F8F] =	sst s4  }
0xd: {  	[smem:$0x3F90] =	sst s5  }
0xe: {  	[smem:$0x3F91] =	sst s6  }
0xf: {  	[smem:$0x3F92] =	sst s7  }
0x10: {  	[smem:$0x3F93] =	sst s8  }
0x11: {  	[smem:$0x3F94] =	sst s9;
	s0 =	simm.s32 @!p0 $0x0  }
0x12: {  	s1 =	sld [smem:$0x3F7A];
	s0 =	simm.s32 @p0 $0x1  }
0x13: {  	[smem:$0x3F95] =	sst s0;
	s0 =	simm.s32 @!p1 $0x0  }
0x14: {  	s2 =	sld [smem:$0x3F79];
	s0 =	simm.s32 @p1 $0x1  }
0x15: {  	[smem:$0x3F96] =	sst s0;
	s0 =	simm.s32 @!p2 $0x0  }
0x16: {  	s3 =	sld [smem:$0x3FDB];
	s0 =	simm.s32 @p2 $0x1  }
0x17: {  	s4 =	simm.s32 $0x1BF5;
	[smem:$0x3F98] =	sst s0  }
0x18: {  	s0 =	sld [smem:$0x3F7B];
	_ =	swait.ge [sflag:s4], $0x0  }
0x19: {  	s7 =	sld [smem:$0x3F7C]  }
0x1a: {  	s8 =	sadd.s32 $0xFFFFE003, lr  }
0x1b: {  	s9 =	sadd.s32 $0xFFFFFEF7, lr;
	s5 =	simm.s32 $0xFFFFFFFF;
	p2 =	slt.u32 s8, $0xFFFFF086  }
0x1c: {  	p1 =	slt.u32 s9, $0xF7A;
	s5 =	simm.s32 @!p2 $0x0  }
0x1d: {  	s5 =	simm.s32 @p1 $0x1;
	p0 =	seq.s32 s7, s2  }
0x1e: {  	s7 =	smul.u32 @!p0 $0xF7A, s2;
	p2 =	seq.s32 @!p0 s5, $0x0  }
0x1f: {  	s9 =	smul.u32 $0xF7A, s1;
	s8 =	simm.s32 @!p0 $0x1BF5;
	p2 =	por !p2, p0  }
0x20: {  	[sflag:s8] =	ssyncset.s32 @!p0 $0xFFFFF086;
	s6 =	sadd.s32 @!p0 s3, s7;
	s7 =	simm.s32 @!p0 $0x108  }
0x21: {  	s3 =	sadd.s32 s3, s9;
	s6 =	sadd.s32 @!p0 $0x88, s6;
	s7 =	simm.s32 @p2 $0x1082  }
0x22: {  	[simem:s7], [sflag:s8] =	dma.local @!p0 [hbm:s6], $0xF7A  }
0x23: {  	s9 =	sor.u32 $0xD0000000, s2;
	s6 =	simm.s32 $0x108;
	_ =	swait.ge @!p0 [sflag:s8], $0x0  }
0x24: {  	s3 =	sadd.s32 $0x88, s3;
	s6 =	simm.s32 @!p1 $0x1082;
	[sflag:s4] =	ssyncset.s32 $0xFFFFF086  }
0x25: {  	[simem:s6], [sflag:s4] =	dma.local [hbm:s3], $0xF7A  }
0x26: {  	[smem:$0x3F7C] =	sst s1;
	(tag) =	ssettag s2;
	_ =	strace s9  }
0x27: {  	s1 =	sld [smem:$0x3F8C]  }
0x28: {  	s2 =	sld [smem:$0x3F8D]  }
0x29: {  	s4 =	sld [smem:$0x3F8F]  }
0x2a: {  	p0 =	seq.s32 s5, $0x0;
	s5 =	sld [smem:$0x3F90]  }
0x2b: {  	s6 =	sld [smem:$0x3F91]  }
0x2c: {  	s7 =	sld [smem:$0x3F92]  }
0x2d: {  	s3 =	simm.s32 $0x108;
	s8 =	sld [smem:$0x3F93]  }
0x2e: {  	s3 =	simm.s32 @!p0 $0x1082;
	s9 =	sld [smem:$0x3F94]  }
0x2f: {  	lr =	sadd.s32 s0, s3;
	s0 =	sld [smem:$0x3F8B]  }
0x30: {  	s3 =	sld [smem:$0x3F8E]  }
0x31: {  	[smem:$0x3F97] =	sst s10  }
0x32: {  	s10 =	sld [smem:$0x3F95];
	_ =	sdelay $0x3  }
0x33: {  	p0 =	seq.s32 s10, $0x1;
	s10 =	sld [smem:$0x3F97];
	_ =	sdelay $0x3  }
0x34: {  	[smem:$0x3F97] =	sst s10  }
0x35: {  	s10 =	sld [smem:$0x3F96];
	_ =	sdelay $0x3  }
0x36: {  	p1 =	seq.s32 s10, $0x1;
	s10 =	sld [smem:$0x3F97];
	_ =	sdelay $0x3  }
0x37: {  	[smem:$0x3F97] =	sst s10  }
0x38: {  	s10 =	sld [smem:$0x3F98]  }
0x39: {  	_ = 	snop;
	(pc) =	sbr.ind lr, $3  }
0x3a: {  	_ = 	snop  }
0x3b: {  	_ = 	snop  }
0x3c: {  	p2 =	seq.s32 s10, $0x1;
	s10 =	sld [smem:$0x3F97]  }
0x3d: {  	_ =	shalt  }
0x3e: {  	_ =	shalt  }
0x3f: {  	_ =	shalt  }
0x40: {  	_ =	shalt  }
0x41: {  	_ =	shalt  }
0x42: {  	_ =	shalt  }
0x43: {  	_ =	shalt  }
0x44: {  	_ =	shalt  }
0x45: {  	_ =	shalt  }
0x46: {  	_ =	shalt  }
0x47: {  	_ =	shalt  }
0x48: {  	_ =	shalt  }
0x49: {  	_ =	shalt  }
0x4a: {  	_ =	shalt  }
0x4b: {  	_ =	shalt  }
0x4c: {  	_ =	shalt  }
0x4d: {  	_ =	shalt  }
0x4e: {  	_ =	shalt  }
0x4f: {  	_ =	shalt  }
0x50: {  	_ =	shalt  }
0x51: {  	_ =	shalt  }
0x52: {  	_ =	shalt  }
0x53: {  	_ =	shalt  }
0x54: {  	_ =	shalt  }
0x55: {  	_ =	shalt  }
0x56: {  	_ =	shalt  }
0x57: {  	_ =	shalt  }
0x58: {  	_ =	shalt  }
0x59: {  	_ =	shalt  }
0x5a: {  	_ =	shalt  }
0x5b: {  	_ =	shalt  }
0x5c: {  	_ =	shalt  }
0x5d: {  	_ =	shalt  }
0x5e: {  	_ =	shalt  }
0x5f: {  	_ =	shalt  }
0x60: {  	_ =	shalt  }
0x61: {  	_ =	shalt  }
0x62: {  	_ =	shalt  }
0x63: {  	_ =	shalt  }
0x64: {  	_ =	shalt  }
0x65: {  	_ =	shalt  }
0x66: {  	_ =	shalt  }
0x67: {  	_ =	shalt  }
0x68: {  	_ =	shalt  }
0x69: {  	_ =	shalt  }
0x6a: {  	_ =	shalt  }
0x6b: {  	_ =	shalt  }
0x6c: {  	_ =	shalt  }
0x6d: {  	_ =	shalt  }
0x6e: {  	_ =	shalt  }
0x6f: {  	_ =	shalt  }
0x70: {  	_ =	shalt  }
0x71: {  	_ =	shalt  }
0x72: {  	_ =	shalt  }
0x73: {  	_ =	shalt  }
0x74: {  	_ =	shalt  }
0x75: {  	_ =	shalt  }
0x76: {  	_ =	shalt  }
0x77: {  	_ =	shalt  }
0x78: {  	_ =	shalt  }
0x79: {  	_ =	shalt  }
0x7a: {  	_ =	shalt  }
0x7b: {  	_ =	shalt  }
0x7c: {  	_ =	shalt  }
0x7d: {  	_ =	shalt  }
0x7e: {  	_ =	shalt  }
0x7f: {  	_ =	shalt  }
0x80: {  	_ =	shalt  }
0x81: {  	_ =	shalt  }
0x82: {  	_ =	shalt  }
0x83: {  	_ =	shalt  }
0x84: {  	_ =	shalt  }
0x85: {  	_ =	shalt  }
0x86: {  	_ =	shalt  }
0x87: {  	_ =	shalt  }
.Lfunc_end0:
.L_simem_size_0:
called_computation_lowered:
.L_overlay_start_0:
0x88: {  	s2 =	sld [smem:$0x3FD9]  }
0x89: {  	s3 =	sld [smem:$0x3FFE];
	_ =	sdelay $0x1  }
0x8a: {  	s1 =	srdreg.scid  }
0x8b: {  	s0 =	sand.u32 $0x1, s1  }
0x8c: {  	s14 =	sshll.u32 s0, $0xA;
	s2 =	sadd.s32 s3, s2  }
0x8d: {  	s2 =	sadd.s32 s2, s14  }
0x8e: {  	[smem:$0x3FA3] =	sst s2  }
0x8f: {  	_ = 	snop  }
0x90: {  	s2 =	sld [smem:$0x3FD0];
	_ =	sdelay $0x2  }
0x91: {  	s15 =	simm.s32 $0xA;
	s4 =	simm.s32 $0x10  }
0x92: {  	[smem:s4], [sflag:s15] =	dma.local [hbm:s2], $0x1  }
0x93: {  	_ =	swait.eq [sflag:s15], $0x1  }
0x94: {  	[sflag:s15] =	ssyncset.done $0x0  }
0x95: {  	s16 =	sld [smem:$0x10];
	[sflag:s15] =	ssyncadd.s32 $0xFFFFFFFF  }
0x96: {  	s17 =	sld [smem:$0x11];
	(tm) =	ssettm $0x1  }
0x97: {  	s18 =	sld [smem:$0x3FFB];
	_ =	sdelay $0x3  }
0x98: {  	_ =	strace s18  }
0x99: {  	s4 =	sld [smem:$0x3FFC];
	_ =	sdelay $0x3  }
0x9a: {  	_ =	strace s4  }
0x9b: {  	s4 =	sld [smem:$0x3FFD];
	_ =	sdelay $0x3  }
0x9c: {  	_ =	strace s4  }
0x9d: {  	_ =	strace $0x8FFFFFFF  }
0x9e: {  	s19 =	sld [smem:$0x3FDB];
	_ =	sdelay $0x1  }
0x9f: {  	s5 =	simm.s32 $_scs_section_size  }
0xa0: {  	s6 =	simm.s32 $_size__tile_overlayer_lowered;
	s7 =	simm.s32 $_tile_overlayer_lowered  }
0xa1: {  	s22 =	simm.s32 $0x1BFF;
	s21 =	sshll.u32 s7, $0x1;
	s4 =	sadd.s32 s5, s19  }
0xa2: {  	s8 =	simm.s32 $0x0;
	s20 =	sshll.u32 s6, $0x1;
	s6 =	sadd.s32 s21, s4  }
0xa3: {  	[timem:s8], [sflag:s22] =	dma.local [hbm:s6], s20  }
0xa4: {  	_ =	swait.ge [sflag:s22], s20  }
0xa5: {  	s5 =	ssub.s32 $0x0, s20;
	[sflag:s22] =	ssyncset.done $0x0  }
0xa6: {  	[sflag:s22] =	ssyncadd.s32 s5;
	_ =	sdelay $0x1  }
0xa7: {  	s23 =	simm.s32 $0x1B8B  }
0xa8: {  	_ =	swait.ge [sflag:s23], $0x1  }
0xa9: {  	[sflag:s23] =	ssyncset.done $0x0  }
0xaa: {  	s25 =	simm.s32 $0x1B8E;
	s24 =	sld [smem:$0x3FFE];
	[sflag:s23] =	ssyncadd.s32 $0xFFFFFFFF  }
0xab: {  	s26 =	simm.s32 $execute0_lowered;
	[smem:$0x3FD2] =	sst s25  }
0xac: {  	s6 =	sshll.u32 s26, $0x1;
	_ =	strace $0x80000046;
	[dreg:$0x1] =	wrdreg $0xFFFFFFFF  }
0xad: {  	s28 =	simm.s32 $_size_execute0_lowered;
	s4 =	sadd.s32 s4, s6;
	[dreg:$0x0] =	wrdreg $0x0  }
0xae: {  	s6 =	sshll.u32 s28, $0x1;
	[dreg:$0x2] =	wrdreg s4  }
0xaf: {  	[dreg:$0x3] =	wrdreg s6  }
0xb0: {  	[dreg:$0x4] =	wrdreg $0xC0  }
0xb1: {  	_ =	task [dreg:s8], $0x5FFFF  }
0xb2: {  	[dreg:$0x1] =	wrdreg $0xFFFFFFFF  }
0xb3: {  	[dreg:$0x0] =	wrdreg $0x60  }
0xb4: {  	[dreg:$0x2] =	wrdreg s16  }
0xb5: {  	[dreg:$0x3] =	wrdreg s17  }
0xb6: {  	[dreg:$0x4] =	wrdreg s24  }
0xb7: {  	[dreg:$0x5] =	wrdreg $0x28800  }
0xb8: {  	[dreg:$0x6] =	wrdreg $0x9  }
0xb9: {  	_ =	task.clear_ibuf [dreg:s8], $0x7FFFF;
	_ =	strace $0x90000046  }
0xba: {  	s29 =	simm.s32 $0x9;
	_ =	strace $0x80000048  }
0xbb: {  	_ =	swait.ge [sflag:s29], $0x1  }
0xbc: {  	[sflag:s29] =	ssyncadd.s32 $0xFFFFFFFF  }
0xbd: {  	_ =	strace $0x90000048  }
0xbe: {  	_ =	sfence  }
0xbf: {  	s30 =	sld [smem:$0x0];
	_ =	sdelay $0x2  }
0xc0: {  	s31 =	sshll.u32 s1, $0xD;
	s1 =	sshrl.u32 s1, $0x2  }
0xc1: {  	s3 =	sand.u32 $0x4000, s31;
	s1 =	sadd.s32 s1, s30  }
0xc2: {  	s0 =	sor.u32 s3, s0;
	s1 =	sshll.u32 s1, $0x11  }
0xc3: {  	s0 =	sor.u32 s1, s0  }
0xc4: {  	s0 =	sadd.s32 $0x8F2B, s0  }
0xc5: {  	[sflag:s0] =	ssyncadd.remote.s32 $0x1  }
0xc6: {  	_ =	sfence.sel $0xFFFF  }
0xc7: {  	[dreg:$0x0] =	wrdreg $0xFFFFFFFF;
	(pc) =	sbr.abs _section_cstart, $3  }
0xc8: {  	[dreg:$0x1] =	wrdreg $0xFFFFFFFF  }
0xc9: {  	_ =	task.clear_ibuf [dreg:s8], $0x2FFFF;
	_ =	strace $0x9FFFFFFF  }
0xca: {  	(tm) =	ssettm $0x7FFFFFFF  }
0xcb: {  	_ =	shalt  }
tec
execute0_lowered:
.L_overlay_start_1:
0x0: {  	(tag) =	ssettag $0x1  }
0x1: {  	s0 =	rddreg [dreg:$0x0]  }
0x2: {  	s14 =	rddreg [dreg:$0x1]  }
0x3: {  	s4 =	rddreg [dreg:$0x2]  }
0x4: {  	s1 =	rddreg [dreg:$0x3];
	s2 =	simm.s32 $0x0;
	s5 =	srdreg.scid  }
0x5: {  	s3 =	stileid.u32;
	s20 =	simm.s32 $0x80;
	s22 =	simm.s32 $0x1800  }
0x6: {  	s21 =	simm.s32 $0x1580;
	s23 =	simm.s32 $0x1600;
	s24 =	simm.s32 $0x1680  }
0x7: {  	s25 =	simm.s32 $0x1700;
	s26 =	simm.s32 $0x1780;
	s28 =	simm.s32 $0x3  }
0x8: {  	s29 =	simm.s32 $0x4;
	s30 =	simm.s32 $0x0;
	[smem:$0x7FF] =	sst s2  }
0x9: {  	s13 =	sadd.s32 $0x4E00, s4;
	s15 =	sadd.s32 $0x3E00, s4;
	s5 =	sand.u32 $0x1, s5  }
0xa: {  	s16 =	sadd.s32 $0x5E00, s4;
	s7 =	sshll.u32 s3, $0xF;
	s17 =	sadd.s32 $0x15E00, s4  }
0xb: {  	s18 =	sshll.u32 s3, $0x8;
	s19 =	sshll.u32 s3, $0xC;
	_ =	strace $0x80000047  }
0xc: {  	s6 =	ssub.s32 $0x2, s5;
	s4 =	sadd.s32 s7, s1;
	p0 =	seq.s32 s5, $0x0  }
0xd: {  	s8 =	sshrl.u32 s6, $0x1;
	s5 =	sadd.s32 $0x1000, s4;
	s7 =	sadd.s32 $0x3000, s4  }
0xe: {  	s9 =	sadd.s32 $0x5000, s4;
	s10 =	sadd.s32 $0x6000, s4;
	s11 =	sadd.s32 $0x7000, s4  }
0xf: {  	s13 =	smov.u32 @p0 s0;
	s15 =	smov.u32 @p0 s14;
	s0 =	simm.s32 $0x400  }
0x10: {  	s17 =	smov.u32 @p0 s16;
	s16 =	simm.s32 $0x1880;
	s12 =	ssub.s32 s6, s8  }
0x11: {  	s6 =	sadd.s32 $0x2000, s4;
	s8 =	sadd.s32 $0x4000, s4;
	s13 =	sadd.s32 s13, s18  }
0x12: {  	s14 =	sadd.s32 s15, s18;
	s0 =	simm.s32 @!p0 $0x200;
	s15 =	sadd.s32 s17, s19  }
0x13: {  	v1 =	vimm.f32 $0.0e+00;
	s18 =	simm.s32 $0x1;
	s19 =	simm.s32 $0x2;
	s12 =	smax.u32 s12, $0x1;
	v0 =	vmov s0  }
.LBB2_1:
0x14: {  	s0 =	simm.s32 $0x100;
	s31 =	simm.s32 $0x0  }
.LBB2_2:
0x15: {  	p0 =	sne.s32 s0, $0x3F00;
	[tilespmem:s31+$0x18B0] =	vst v1;
	s17 =	smov.u32 s0;
	s0 =	sadd.s32 $0x100, s0  }
.Ltmp0:
0x16: {  	[tilespmem:s31+$0x18A0] =	vst v1;
	(pc) =	sbr.rel @p0 .LBB2_2-.Ltmp0, $3  }
0x17: {  	[tilespmem:s31+$0x1880] =	vst v1  }
0x18: {  	[tilespmem:s31+$0x1890] =	vst v1;
	_ =	sdelay $0x1  }
0x19: {  	s31 =	sshra.s32 s17, $0x2  }
0x1a: {  	[tilespmem:s31+$0x18B0] =	vst v1  }
0x1b: {  	[tilespmem:s31+$0x18A0] =	vst v1  }
0x1c: {  	[tilespmem:s31+$0x1880] =	vst v1  }
0x1d: {  	[tilespmem:s31+$0x1890] =	vst v1  }
0x1e: {  	[spmem:s4] =	stream.linear.scatter [tilespmem:s16], [sflag:$0x2], $0x1000, $0x38;
	[tilespmem:$0xA880] =	vst v63  }
0x1f: {  	_ = 	snop  }
0x20: {  	[spmem:s5] =	stream.linear.scatter [tilespmem:s16], [sflag:$0x2], $0x1000, $0x38;
	[tilespmem:$0xA880] =	vst v63  }
0x21: {  	_ = 	snop  }
0x22: {  	[spmem:s6] =	stream.linear.scatter [tilespmem:s16], [sflag:$0x2], $0x1000, $0x38;
	[tilespmem:$0xA880] =	vst v63  }
0x23: {  	_ = 	snop  }
0x24: {  	[spmem:s7] =	stream.linear.scatter [tilespmem:s16], [sflag:$0x2], $0x1000, $0x38;
	[tilespmem:$0xA880] =	vst v63  }
0x25: {  	_ = 	snop  }
0x26: {  	[spmem:s8] =	stream.linear.scatter [tilespmem:s16], [sflag:$0x2], $0x1000, $0x38;
	[tilespmem:$0xA880] =	vst v63  }
0x27: {  	_ = 	snop  }
0x28: {  	[spmem:s9] =	stream.linear.scatter [tilespmem:s16], [sflag:$0x2], $0x1000, $0x38;
	[tilespmem:$0xA880] =	vst v63  }
0x29: {  	_ = 	snop  }
0x2a: {  	[spmem:s10] =	stream.linear.scatter [tilespmem:s16], [sflag:$0x2], $0x1000, $0x38;
	[tilespmem:$0xA880] =	vst v63  }
0x2b: {  	_ = 	snop  }
0x2c: {  	[spmem:s11] =	stream.linear.scatter [tilespmem:s16], [sflag:$0x2], $0x1000, $0x38;
	[tilespmem:$0xA880] =	vst v63  }
0x2d: {  	_ = 	snop  }
0x2e: {  	[tilespmem:s2], [sflag:$0x1] =	stream.linear.gather [hbm4b:s13+s2], $0x800, $0x38;
	[tilespmem:$0xA880] =	vst v63  }
0x2f: {  	s0 =	simm.s32 $0x800  }
0x30: {  	v2 =	vimm.f32 $1.000000000e+00;
	[tilespmem:s0], [sflag:$0x1] =	stream.linear.gather [hbm4b:s14+s2], $0x800, $0x38;
	[tilespmem:$0xA880] =	vst v63  }
0x31: {  	[tilespmem:$0x1800] =	vst v2  }
0x32: {  	[tilespmem:$0x1810] =	vst v2  }
0x33: {  	[tilespmem:$0x1820] =	vst v2  }
0x34: {  	[tilespmem:$0x1830] =	vst v2  }
0x35: {  	[tilespmem:$0x1840] =	vst v2  }
0x36: {  	[tilespmem:$0x1850] =	vst v2  }
0x37: {  	[tilespmem:$0x1860] =	vst v2  }
0x38: {  	[tilespmem:$0x1870] =	vst v2  }
0x39: {  	_ =	swait.ge [sflag:s18], $0x800  }
0x3a: {  	[sflag:s18] =	ssyncset.done $0x0  }
0x3b: {  	[sflag:s18] =	ssyncadd.s32 $0xFFFFF800  }
0x3c: {  	_ =	swait.ge [sflag:s18], $0x800  }
0x3d: {  	[sflag:s18] =	ssyncset.done $0x0  }
0x3e: {  	[sflag:s18] =	ssyncadd.s32 $0xFFFFF800  }
0x3f: {  	v63 =	vld [tilespmem:$0x1F0];
	_ =	sdelay $0x4  }
0x40: {  	[tilespmem:$0x1FAB0] =	vst v63;
	v63 =	vld [tilespmem:$0xA00];
	_ =	sdelay $0x4  }
0x41: {  	[tilespmem:$0x1FAA0] =	vst v63;
	v63 =	vld [tilespmem:$0x200];
	_ =	sdelay $0x4  }
0x42: {  	[tilespmem:$0x1FAD0] =	vst v63;
	v63 =	vld [tilespmem:$0xA10];
	_ =	sdelay $0x4  }
0x43: {  	[tilespmem:$0x1FAC0] =	vst v63;
	v63 =	vld [tilespmem:$0x210];
	_ =	sdelay $0x4  }
0x44: {  	[tilespmem:$0x1FAF0] =	vst v63;
	v63 =	vld [tilespmem:$0xA20];
	_ =	sdelay $0x4  }
0x45: {  	[tilespmem:$0x1FAE0] =	vst v63;
	v63 =	vld [tilespmem:$0x220];
	_ =	sdelay $0x4  }
0x46: {  	[tilespmem:$0x1FB10] =	vst v63;
	v63 =	vld [tilespmem:$0xA30];
	_ =	sdelay $0x4  }
0x47: {  	[tilespmem:$0x1FB00] =	vst v63;
	v63 =	vld [tilespmem:$0x230];
	_ =	sdelay $0x4  }
0x48: {  	[tilespmem:$0x1FB30] =	vst v63;
	v63 =	vld [tilespmem:$0xA40];
	_ =	sdelay $0x4  }
0x49: {  	[tilespmem:$0x1FB20] =	vst v63;
	v63 =	vld [tilespmem:$0x240];
	_ =	sdelay $0x4  }
0x4a: {  	[tilespmem:$0x1FB50] =	vst v63;
	v63 =	vld [tilespmem:$0xA50];
	_ =	sdelay $0x4  }
0x4b: {  	[tilespmem:$0x1FB40] =	vst v63;
	v63 =	vld [tilespmem:$0x250];
	_ =	sdelay $0x4  }
0x4c: {  	[tilespmem:$0x1FB70] =	vst v63;
	v63 =	vld [tilespmem:$0xA60];
	_ =	sdelay $0x4  }
0x4d: {  	[tilespmem:$0x1FB60] =	vst v63;
	v63 =	vld [tilespmem:$0x260];
	_ =	sdelay $0x4  }
0x4e: {  	[tilespmem:$0x1FB90] =	vst v63;
	v63 =	vld [tilespmem:$0xA70];
	_ =	sdelay $0x2  }
0x4f: {  	v2 =	vld [tilespmem:$0x800]  }
0x50: {  	v6 =	vld [tilespmem:$0x0]  }
0x51: {  	[tilespmem:$0x1FB80] =	vst v63;
	v63 =	vld [tilespmem:$0x270]  }
0x52: {  	v3 =	vld [tilespmem:$0x810]  }
0x53: {  	v8 =	vld [tilespmem:$0x10]  }
0x54: {  	v4 =	vld [tilespmem:$0x820]  }
0x55: {  	v10 =	vld [tilespmem:$0x20]  }
0x56: {  	[tilespmem:$0x1FBB0] =	vst v63;
	v63 =	vld [tilespmem:$0xA80]  }
0x57: {  	v5 =	vld [tilespmem:$0x830]  }
0x58: {  	v12 =	vld [tilespmem:$0x30]  }
0x59: {  	v7 =	vld [tilespmem:$0x840]  }
0x5a: {  	v14 =	vld [tilespmem:$0x40]  }
0x5b: {  	[tilespmem:$0x1FBA0] =	vst v63;
	v63 =	vld [tilespmem:$0x280]  }
0x5c: {  	v9 =	vld [tilespmem:$0x850]  }
0x5d: {  	v16 =	vld [tilespmem:$0x50]  }
0x5e: {  	v11 =	vld [tilespmem:$0x860]  }
0x5f: {  	v18 =	vld [tilespmem:$0x60]  }
0x60: {  	[tilespmem:$0x1FBD0] =	vst v63;
	v63 =	vld [tilespmem:$0xA90]  }
0x61: {  	v13 =	vld [tilespmem:$0x870]  }
0x62: {  	v20 =	vld [tilespmem:$0x70]  }
0x63: {  	v15 =	vld [tilespmem:$0x880]  }
0x64: {  	v22 =	vld [tilespmem:$0x80]  }
0x65: {  	[tilespmem:$0x1FBC0] =	vst v63;
	v63 =	vld [tilespmem:$0x290]  }
0x66: {  	v17 =	vld [tilespmem:$0x890]  }
0x67: {  	v24 =	vld [tilespmem:$0x90]  }
0x68: {  	v19 =	vld [tilespmem:$0x8A0]  }
0x69: {  	v26 =	vld [tilespmem:$0xA0]  }
0x6a: {  	[tilespmem:$0x1FBF0] =	vst v63;
	v63 =	vld [tilespmem:$0xAA0]  }
0x6b: {  	v21 =	vld [tilespmem:$0x8B0]  }
0x6c: {  	v28 =	vld [tilespmem:$0xB0]  }
0x6d: {  	v23 =	vld [tilespmem:$0x8C0]  }
0x6e: {  	v30 =	vld [tilespmem:$0xC0]  }
0x6f: {  	[tilespmem:$0x1FBE0] =	vst v63;
	v63 =	vld [tilespmem:$0x2A0]  }
0x70: {  	v25 =	vld [tilespmem:$0x8D0]  }
0x71: {  	v32 =	vld [tilespmem:$0xD0]  }
0x72: {  	v27 =	vld [tilespmem:$0x8E0]  }
0x73: {  	v34 =	vld [tilespmem:$0xE0]  }
0x74: {  	[tilespmem:$0x1FC10] =	vst v63;
	v63 =	vld [tilespmem:$0xAB0]  }
0x75: {  	v29 =	vld [tilespmem:$0x8F0]  }
0x76: {  	v36 =	vld [tilespmem:$0xF0]  }
0x77: {  	v31 =	vld [tilespmem:$0x900]  }
0x78: {  	v38 =	vld [tilespmem:$0x100]  }
0x79: {  	[tilespmem:$0x1FC00] =	vst v63;
	v63 =	vld [tilespmem:$0x2B0]  }
0x7a: {  	v33 =	vld [tilespmem:$0x910]  }
0x7b: {  	v61 =	vld [tilespmem:$0x110]  }
0x7c: {  	v35 =	vld [tilespmem:$0x920]  }
0x7d: {  	v58 =	vld [tilespmem:$0x120]  }
0x7e: {  	[tilespmem:$0x1FC30] =	vst v63;
	v63 =	vld [tilespmem:$0xAC0]  }
0x7f: {  	v37 =	vld [tilespmem:$0x930]  }
0x80: {  	v47 =	vld [tilespmem:$0x130]  }
0x81: {  	v39 =	vld [tilespmem:$0x940]  }
0x82: {  	v49 =	vld [tilespmem:$0x140]  }
0x83: {  	[tilespmem:$0x1FC20] =	vst v63;
	v63 =	vld [tilespmem:$0x2C0]  }
0x84: {  	v40 =	vld [tilespmem:$0x950]  }
0x85: {  	v43 =	vld [tilespmem:$0x150]  }
0x86: {  	v41 =	vld [tilespmem:$0x960]  }
0x87: {  	v45 =	vld [tilespmem:$0x160]  }
0x88: {  	[tilespmem:$0x1FC50] =	vst v63;
	v63 =	vld [tilespmem:$0xAD0]  }
0x89: {  	v42 =	vld [tilespmem:$0x970]  }
0x8a: {  	v48 =	vld [tilespmem:$0x170]  }
0x8b: {  	v44 =	vld [tilespmem:$0x980]  }
0x8c: {  	v52 =	vld [tilespmem:$0x180]  }
0x8d: {  	[tilespmem:$0x1FC40] =	vst v63;
	v63 =	vld [tilespmem:$0x2D0]  }
0x8e: {  	v46 =	vld [tilespmem:$0x990]  }
0x8f: {  	v53 =	vld [tilespmem:$0x190]  }
0x90: {  	v50 =	vld [tilespmem:$0x9A0]  }
0x91: {  	v55 =	vld [tilespmem:$0x1A0]  }
0x92: {  	[tilespmem:$0x1FC70] =	vst v63;
	v63 =	vld [tilespmem:$0xAE0]  }
0x93: {  	v51 =	vld [tilespmem:$0x9B0]  }
0x94: {  	v57 =	vld [tilespmem:$0x1B0]  }
0x95: {  	v59 =	vld [tilespmem:$0x1D0]  }
0x96: {  	v62 =	vld [tilespmem:$0x1E0]  }
0x97: {  	[tilespmem:$0x1FC60] =	vst v63;
	v63 =	vld [tilespmem:$0x2E0]  }
0x98: {  	v54 =	vld [tilespmem:$0x9C0]  }
0x99: {  	v60 =	vld [tilespmem:$0x1C0]  }
0x9a: {  	v56 =	vld [tilespmem:$0x9D0];
	[tilespmem:$0x1FA80] =	vst v59  }
0x9b: {  	v59 =	vld [tilespmem:$0x9E0];
	[tilespmem:$0x1FA90] =	vst v62;
	v2 =	vmul.u32 v0, v2  }
0x9c: {  	v62 =	vld [tilespmem:$0x9F0];
	v3 =	vmul.u32 v0, v3;
	[tilespmem:$0x1FC90] =	vst v63  }
0x9d: {  	v4 =	vmul.u32 v0, v4;
	v2 =	vadd.s32 v6, v2;
	v63 =	vld [tilespmem:$0xAF0]  }
0x9e: {  	[tilespmem:$0x1000] =	vst v2;
	v2 =	vadd.s32 v8, v3;
	v8 =	vld [tilespmem:$0xC30]  }
0x9f: {  	[tilespmem:$0x1010] =	vst v2;
	v2 =	vadd.s32 v10, v4;
	v10 =	vld [tilespmem:$0xC40]  }
0xa0: {  	v3 =	vmul.u32 v0, v5;
	v4 =	vmul.u32 v0, v7;
	v7 =	vld [tilespmem:$0xD10]  }
0xa1: {  	v5 =	vld [tilespmem:$0xD30]  }
0xa2: {  	[tilespmem:$0x1020] =	vst v2;
	v2 =	vadd.s32 v12, v3;
	v3 =	vmul.u32 v0, v9;
	v9 =	vld [tilespmem:$0x450]  }
0xa3: {  	v12 =	vmul.u32 v0, v11;
	v11 =	vmul.u32 v0, v19;
	v19 =	vld [tilespmem:$0xC90]  }
0xa4: {  	[tilespmem:$0x1030] =	vst v2;
	v2 =	vadd.s32 v14, v4;
	v14 =	vld [tilespmem:$0x440]  }
0xa5: {  	[tilespmem:$0x1040] =	vst v2;
	v2 =	vadd.s32 v16, v3;
	v16 =	vld [tilespmem:$0xC50]  }
0xa6: {  	v3 =	vmul.u32 v0, v13;
	v13 =	vld [tilespmem:$0xC70]  }
0xa7: {  	[tilespmem:$0x1050] =	vst v2;
	v2 =	vadd.s32 v18, v12;
	v12 =	vld [tilespmem:$0x460]  }
0xa8: {  	[tilespmem:$0x1FC80] =	vst v63;
	v63 =	vld [tilespmem:$0x2F0]  }
0xa9: {  	v18 =	vld [tilespmem:$0x480]  }
0xaa: {  	[tilespmem:$0x1FF00] =	vst v8;
	v8 =	vld [tilespmem:$0x430]  }
0xab: {  	[tilespmem:$0x1FF10] =	vst v10;
	v10 =	vld [tilespmem:$0xC60]  }
0xac: {  	[tilespmem:$0x1060] =	vst v2;
	v2 =	vadd.s32 v20, v3;
	v20 =	vmul.u32 v0, v31;
	v31 =	vld [tilespmem:$0xCE0]  }
0xad: {  	[tilespmem:$0x1FCB0] =	vst v63;
	v63 =	vld [tilespmem:$0xB00]  }
0xae: {  	v3 =	vmul.u32 v0, v17;
	v17 =	vmul.u32 v0, v27;
	v27 =	vmul.u32 v0, v44;
	v44 =	vld [tilespmem:$0x1FB30]  }
0xaf: {  	[tilespmem:$0x1FFB0] =	vst v19;
	v19 =	vld [tilespmem:$0x500]  }
0xb0: {  	[tilespmem:$0x1FF30] =	vst v16;
	v16 =	vld [tilespmem:$0xC80]  }
0xb1: {  	[tilespmem:$0x1FF70] =	vst v13;
	v13 =	vld [tilespmem:$0xD60]  }
0xb2: {  	[tilespmem:$0x1FCA0] =	vst v63;
	v63 =	vld [tilespmem:$0x300]  }
0xb3: {  	[tilespmem:$0x1FFC0] =	vst v18;
	v18 =	vld [tilespmem:$0xD80]  }
0xb4: {  	[tilespmem:$0x1FF20] =	vst v8;
	v8 =	vmul.u32 v0, v15;
	v15 =	vld [tilespmem:$0x470]  }
0xb5: {  	[tilespmem:$0x1FF50] =	vst v10;
	v10 =	vld [tilespmem:$0x510]  }
0xb6: {  	[tilespmem:$0x1070] =	vst v2;
	v2 =	vadd.s32 v22, v8;
	v22 =	vld [tilespmem:$0xCA0]  }
0xb7: {  	[tilespmem:$0x1FCD0] =	vst v63;
	v63 =	vld [tilespmem:$0xB10]  }
0xb8: {  	v8 =	vld [tilespmem:$0xD40]  }
0xb9: {  	[tilespmem:$0x1080] =	vst v2;
	v2 =	vadd.s32 v24, v3;
	v3 =	vmul.u32 v0, v21;
	v21 =	vld [tilespmem:$0x490]  }
0xba: {  	v24 =	vld [tilespmem:$0x4A0]  }
0xbb: {  	[tilespmem:$0x1FF90] =	vst v16;
	v16 =	vld [tilespmem:$0xD70]  }
0xbc: {  	[tilespmem:$0x1FCC0] =	vst v63;
	v63 =	vld [tilespmem:$0x310]  }
0xbd: {  	[tilespmem:$0x1090] =	vst v2;
	v2 =	vadd.s32 v26, v11;
	v26 =	vmul.u32 v0, v41;
	v41 =	vld [tilespmem:$0x1FB20]  }
0xbe: {  	v11 =	vld [tilespmem:$0xD50]  }
0xbf: {  	[tilespmem:$0x10A0] =	vst v2;
	v2 =	vadd.s32 v28, v3;
	v3 =	vmul.u32 v0, v25;
	v25 =	vmul.u32 v0, v39;
	v39 =	vld [tilespmem:$0xCD0]  }
0xc0: {  	[tilespmem:$0x1FFA0] =	vst v15;
	v15 =	vld [tilespmem:$0xD00]  }
0xc1: {  	v7 =	vmul.u32 v0, v7;
	[tilespmem:$0x1FCF0] =	vst v63;
	v63 =	vld [tilespmem:$0xB20]  }
0xc2: {  	[tilespmem:$0x1FF40] =	vst v14;
	v14 =	vmul.u32 v0, v23;
	v28 =	vmul.u32 v0, v50;
	v50 =	vld [tilespmem:$0x1FB60]  }
0xc3: {  	v7 =	vadd.s32 v10, v7;
	v10 =	vld [tilespmem:$0xEB0]  }
0xc4: {  	[tilespmem:$0x10B0] =	vst v2;
	v2 =	vadd.s32 v30, v14;
	v30 =	vmul.u32 v0, v59;
	v59 =	vld [tilespmem:$0x1FBB0]  }
0xc5: {  	[tilespmem:$0x1510] =	vst v7;
	v7 =	vld [tilespmem:$0x6B0]  }
0xc6: {  	[tilespmem:$0x1FCE0] =	vst v63;
	v63 =	vld [tilespmem:$0x320]  }
0xc7: {  	[tilespmem:$0x10C0] =	vst v2;
	v2 =	vadd.s32 v32, v3;
	v32 =	vld [tilespmem:$0x1FAA0]  }
0xc8: {  	[tilespmem:$0x10D0] =	vst v2;
	v2 =	vadd.s32 v34, v17;
	v34 =	vld [tilespmem:$0x4E0]  }
0xc9: {  	[tilespmem:$0x1FFE0] =	vst v21;
	v21 =	vld [tilespmem:$0x1FBE0]  }
0xca: {  	v3 =	vmul.u32 v0, v29;
	[tilespmem:$0x1FFF0] =	vst v24;
	v24 =	vld [tilespmem:$0x1FBF0]  }
0xcb: {  	[tilespmem:$0x1FD10] =	vst v63;
	v63 =	vld [tilespmem:$0xB30]  }
0xcc: {  	[tilespmem:$0x10E0] =	vst v2;
	v2 =	vadd.s32 v36, v3;
	v3 =	vmul.u32 v0, v33;
	v36 =	vld [tilespmem:$0x1FAF0]  }
0xcd: {  	[tilespmem:$0x10F0] =	vst v2;
	v2 =	vadd.s32 v38, v20;
	v20 =	vld [tilespmem:$0x1FBD0]  }
0xce: {  	[tilespmem:$0x1100] =	vst v2;
	v2 =	vadd.s32 v61, v3;
	v61 =	vld [tilespmem:$0xCB0]  }
0xcf: {  	v23 =	vmul.u32 v0, v35;
	v3 =	vmul.u32 v0, v37;
	v37 =	vld [tilespmem:$0x1FB00]  }
0xd0: {  	[tilespmem:$0x1FD00] =	vst v63;
	v63 =	vld [tilespmem:$0x330]  }
0xd1: {  	[tilespmem:$0x1110] =	vst v2;
	v2 =	vadd.s32 v58, v23;
	v58 =	vld [tilespmem:$0x4B0]  }
0xd2: {  	v15 =	vmul.u32 v0, v15;
	v23 =	vld [tilespmem:$0xCF0]  }
0xd3: {  	v4 =	vmul.u32 v0, v32;
	v32 =	vld [tilespmem:$0x1FC30]  }
0xd4: {  	v15 =	vadd.s32 v19, v15;
	v19 =	vld [tilespmem:$0x6A0]  }
0xd5: {  	[tilespmem:$0x1FD30] =	vst v63;
	v63 =	vld [tilespmem:$0xB40]  }
0xd6: {  	[tilespmem:$0x1120] =	vst v2;
	v2 =	vadd.s32 v47, v3;
	v47 =	vld [tilespmem:$0xCC0]  }
0xd7: {  	v31 =	vmul.u32 v0, v31;
	v3 =	vmul.u32 v0, v40;
	v40 =	vld [tilespmem:$0x1FB10]  }
0xd8: {  	[tilespmem:$0x1FFD0] =	vst v22;
	v22 =	vmul.u32 v0, v21;
	v21 =	vld [tilespmem:$0xD90]  }
0xd9: {  	v31 =	vadd.s32 v34, v31;
	v34 =	vld [tilespmem:$0x690]  }
0xda: {  	[tilespmem:$0x1FD20] =	vst v63;
	v63 =	vld [tilespmem:$0x340]  }
0xdb: {  	[tilespmem:$0x1500] =	vst v15;
	v15 =	vmul.u32 v0, v11;
	v11 =	vld [tilespmem:$0xEE0]  }
0xdc: {  	[tilespmem:$0x1130] =	vst v2;
	v2 =	vadd.s32 v49, v25;
	v49 =	vld [tilespmem:$0x4C0]  }
0xdd: {  	v25 =	vld [tilespmem:$0x4F0]  }
0xde: {  	[tilespmem:$0x1140] =	vst v2;
	v2 =	vadd.s32 v43, v3;
	v43 =	vld [tilespmem:$0x4D0]  }
0xdf: {  	[tilespmem:$0x1FD50] =	vst v63;
	v63 =	vld [tilespmem:$0xB50]  }
0xe0: {  	v3 =	vmul.u32 v0, v42;
	v42 =	vmul.u32 v0, v41;
	v41 =	vld [tilespmem:$0x1FC80]  }
0xe1: {  	[tilespmem:$0x1150] =	vst v2;
	v2 =	vadd.s32 v45, v26;
	v45 =	vld [tilespmem:$0x1FB40]  }
0xe2: {  	v26 =	vld [tilespmem:$0x1FC00]  }
0xe3: {  	v38 =	vmul.u32 v0, v37;
	v37 =	vld [tilespmem:$0x1FC60]  }
0xe4: {  	[tilespmem:$0x1FD40] =	vst v63;
	v63 =	vld [tilespmem:$0x350]  }
0xe5: {  	[tilespmem:$0x1160] =	vst v2;
	v2 =	vadd.s32 v48, v3;
	v3 =	vmul.u32 v0, v46;
	v48 =	vld [tilespmem:$0x1FB50]  }
0xe6: {  	[tilespmem:$0x1170] =	vst v2;
	v2 =	vadd.s32 v52, v27;
	v52 =	vld [tilespmem:$0x1FB70]  }
0xe7: {  	[tilespmem:$0x1180] =	vst v2;
	v2 =	vadd.s32 v53, v3;
	v53 =	vld [tilespmem:$0x1FB80]  }
0xe8: {  	v23 =	vmul.u32 v0, v23;
	v3 =	vmul.u32 v0, v51;
	v51 =	vmul.u32 v0, v50;
	v50 =	vld [tilespmem:$0x1FCC0]  }
0xe9: {  	[tilespmem:$0x1FD70] =	vst v63;
	v63 =	vld [tilespmem:$0xB60]  }
0xea: {  	v23 =	vadd.s32 v25, v23;
	v25 =	vld [tilespmem:$0xEA0]  }
0xeb: {  	[tilespmem:$0x1190] =	vst v2;
	v2 =	vadd.s32 v55, v28;
	v55 =	vld [tilespmem:$0x1FB90]  }
0xec: {  	v28 =	vld [tilespmem:$0x1FC10]  }
0xed: {  	v47 =	vmul.u32 v0, v47;
	[tilespmem:$0x14F0] =	vst v23;
	v23 =	vmul.u32 v0, v21;
	v21 =	vld [tilespmem:$0x720]  }
0xee: {  	v39 =	vmul.u32 v0, v39;
	[tilespmem:$0x1FD60] =	vst v63;
	v63 =	vld [tilespmem:$0x360]  }
0xef: {  	v47 =	vadd.s32 v49, v47;
	v49 =	vld [tilespmem:$0xF30]  }
0xf0: {  	v39 =	vadd.s32 v43, v39;
	v43 =	vld [tilespmem:$0x790]  }
0xf1: {  	[tilespmem:$0x11A0] =	vst v2;
	v2 =	vadd.s32 v57, v3;
	v3 =	vmul.u32 v0, v56;
	v56 =	vld [tilespmem:$0x1FBA0]  }
0xf2: {  	v29 =	vmul.u32 v0, v54;
	v46 =	vmul.u32 v0, v45;
	v45 =	vld [tilespmem:$0x1FCA0]  }
0xf3: {  	[tilespmem:$0x1FD90] =	vst v63;
	v63 =	vld [tilespmem:$0xB70]  }
0xf4: {  	[tilespmem:$0x11B0] =	vst v2;
	v2 =	vadd.s32 v60, v29;
	v60 =	vld [tilespmem:$0x1FBC0]  }
0xf5: {  	v29 =	vld [tilespmem:$0x1FC20]  }
0xf6: {  	[tilespmem:$0x1FF60] =	vst v9;
	v9 =	vadd.s32 v48, v42;
	v48 =	vld [tilespmem:$0x1FCB0]  }
0xf7: {  	[tilespmem:$0x11C0] =	vst v2;
	v2 =	vld [tilespmem:$0x1FA80]  }
0xf8: {  	[tilespmem:$0x1FD80] =	vst v63;
	v63 =	vld [tilespmem:$0x370]  }
0xf9: {  	[tilespmem:$0x1240] =	vst v9;
	v9 =	vadd.s32 v52, v46;
	v52 =	vld [tilespmem:$0x1FCD0]  }
0xfa: {  	[tilespmem:$0x1250] =	vst v9;
	v9 =	vld [tilespmem:$0x550]  }
0xfb: {  	[tilespmem:$0x1FF80] =	vst v12;
	v12 =	vadd.s32 v55, v51;
	v55 =	vld [tilespmem:$0x1FCF0]  }
0xfc: {  	v27 =	vmul.u32 v0, v26;
	v54 =	vmul.u32 v0, v53;
	v53 =	vld [tilespmem:$0x1FCE0]  }
0xfd: {  	v17 =	vadd.s32 v28, v22;
	[tilespmem:$0x1FDB0] =	vst v63;
	v63 =	vld [tilespmem:$0xB80]  }
0xfe: {  	[tilespmem:$0x12A0] =	vst v17;
	v17 =	vadd.s32 v32, v27;
	v27 =	vld [tilespmem:$0xDB0];
	v2 =	vadd.s32 v2, v3  }
0xff: {  	[tilespmem:$0x11D0] =	vst v2;
	v2 =	vld [tilespmem:$0x1FA90]  }
0x100: {  	[tilespmem:$0x1260] =	vst v12;
	v12 =	vadd.s32 v59, v54;
	v32 =	vld [tilespmem:$0xDD0]  }
0x101: {  	v57 =	vmul.u32 v0, v56;
	[tilespmem:$0x1270] =	vst v12;
	v12 =	vld [tilespmem:$0x560]  }
0x102: {  	v3 =	vmul.u32 v0, v62;
	v62 =	vmul.u32 v0, v60;
	[tilespmem:$0x1FDA0] =	vst v63;
	v63 =	vld [tilespmem:$0x380]  }
0x103: {  	[tilespmem:$0x12B0] =	vst v17;
	v17 =	vld [tilespmem:$0x580];
	v14 =	vadd.s32 v20, v57  }
0x104: {  	[tilespmem:$0x1280] =	vst v14;
	v14 =	vadd.s32 v24, v62;
	v24 =	vld [tilespmem:$0xDA0];
	v2 =	vadd.s32 v2, v30  }
0x105: {  	v46 =	vmul.u32 v0, v45;
	[tilespmem:$0x11E0] =	vst v2;
	v2 =	vld [tilespmem:$0x1FAB0]  }
0x106: {  	v51 =	vmul.u32 v0, v50;
	[tilespmem:$0x1290] =	vst v14;
	v14 =	vld [tilespmem:$0x570]  }
0x107: {  	v26 =	vadd.s32 v52, v46;
	[tilespmem:$0x1FDD0] =	vst v63;
	v63 =	vld [tilespmem:$0xB90]  }
0x108: {  	[tilespmem:$0x1300] =	vst v26;
	v26 =	vadd.s32 v55, v51;
	v59 =	vld [tilespmem:$0x1FD10]  }
0x109: {  	[tilespmem:$0x1310] =	vst v26;
	v26 =	vld [tilespmem:$0x5B0]  }
0x10a: {  	v3 =	vadd.s32 v2, v3;
	v2 =	vld [tilespmem:$0x1FAC0]  }
0x10b: {  	[tilespmem:$0x11F0] =	vst v3;
	v3 =	vld [tilespmem:$0x1FAD0]  }
0x10c: {  	[tilespmem:$0x1FDC0] =	vst v63;
	v63 =	vld [tilespmem:$0x390]  }
0x10d: {  	v30 =	vmul.u32 v0, v29;
	v29 =	vld [tilespmem:$0xDC0]  }
0x10e: {  	v56 =	vld [tilespmem:$0x1FD00]  }
0x10f: {  	v33 =	vmul.u32 v0, v2;
	v2 =	vld [tilespmem:$0xD20]  }
0x110: {  	v4 =	vadd.s32 v3, v4;
	v3 =	vld [tilespmem:$0x1FAE0]  }
0x111: {  	[tilespmem:$0x1FDF0] =	vst v63;
	v63 =	vld [tilespmem:$0xBA0]  }
0x112: {  	v60 =	vld [tilespmem:$0x1FD20]  }
0x113: {  	[tilespmem:$0x1200] =	vst v4;
	v4 =	vadd.s32 v36, v33;
	v36 =	vld [tilespmem:$0x1FC50]  }
0x114: {  	v33 =	vld [tilespmem:$0x1FC40]  }
0x115: {  	[tilespmem:$0x1210] =	vst v4;
	v4 =	vld [tilespmem:$0x530]  }
0x116: {  	[tilespmem:$0x1FDE0] =	vst v63;
	v63 =	vld [tilespmem:$0x3A0]  }
0x117: {  	v35 =	vmul.u32 v0, v3;
	v3 =	vld [tilespmem:$0x520]  }
0x118: {  	v20 =	vadd.s32 v36, v30;
	v36 =	vld [tilespmem:$0x1FD30]  }
0x119: {  	v6 =	vadd.s32 v40, v35;
	v40 =	vld [tilespmem:$0x1FC70]  }
0x11a: {  	[tilespmem:$0x1220] =	vst v6;
	v6 =	vadd.s32 v44, v38;
	v44 =	vld [tilespmem:$0x1FC90]  }
0x11b: {  	v54 =	vmul.u32 v0, v53;
	[tilespmem:$0x1FE10] =	vst v63;
	v63 =	vld [tilespmem:$0xBB0]  }
0x11c: {  	v2 =	vmul.u32 v0, v2;
	[tilespmem:$0x1230] =	vst v6;
	v6 =	vld [tilespmem:$0x540]  }
0x11d: {  	v5 =	vmul.u32 v0, v5;
	v28 =	vadd.s32 v59, v54;
	v38 =	vmul.u32 v0, v37;
	v37 =	vld [tilespmem:$0x1FD40]  }
0x11e: {  	[tilespmem:$0x1320] =	vst v28;
	v2 =	vadd.s32 v3, v2;
	v3 =	vmul.u32 v0, v8;
	v8 =	vld [tilespmem:$0xED0]  }
0x11f: {  	v57 =	vmul.u32 v0, v56;
	v35 =	vmul.u32 v0, v33;
	[tilespmem:$0x1520] =	vst v2;
	v2 =	vadd.s32 v4, v5;
	v5 =	vld [tilespmem:$0xEC0]  }
0x120: {  	[tilespmem:$0x1FE00] =	vst v63;
	v63 =	vld [tilespmem:$0x3B0]  }
0x121: {  	[tilespmem:$0x12C0] =	vst v20;
	v28 =	vadd.s32 v36, v57;
	v20 =	vadd.s32 v40, v35;
	v40 =	vld [tilespmem:$0x1FD50]  }
0x122: {  	[tilespmem:$0x1330] =	vst v28;
	v28 =	vld [tilespmem:$0x5C0]  }
0x123: {  	v35 =	vld [tilespmem:$0xDE0]  }
0x124: {  	[tilespmem:$0x12D0] =	vst v20;
	v20 =	vld [tilespmem:$0x590]  }
0x125: {  	v42 =	vmul.u32 v0, v41;
	[tilespmem:$0x1FE30] =	vst v63;
	v63 =	vld [tilespmem:$0xBC0]  }
0x126: {  	[tilespmem:$0x1530] =	vst v2;
	v22 =	vadd.s32 v44, v38;
	v2 =	vadd.s32 v6, v3;
	v6 =	vld [tilespmem:$0x6C0]  }
0x127: {  	[tilespmem:$0x12E0] =	vst v22;
	v22 =	vadd.s32 v48, v42;
	v3 =	vmul.u32 v0, v13;
	v13 =	vld [tilespmem:$0xEF0]  }
0x128: {  	[tilespmem:$0x12F0] =	vst v22;
	v22 =	vld [tilespmem:$0x5A0]  }
0x129: {  	v44 =	vld [tilespmem:$0x1FD70]  }
0x12a: {  	[tilespmem:$0x1FE20] =	vst v63;
	v63 =	vld [tilespmem:$0x3C0]  }
0x12b: {  	v38 =	vmul.u32 v0, v37;
	v37 =	vld [tilespmem:$0xDF0]  }
0x12c: {  	[tilespmem:$0x1540] =	vst v2;
	v2 =	vadd.s32 v9, v15;
	v9 =	vld [tilespmem:$0x6D0]  }
0x12d: {  	v15 =	vld [tilespmem:$0xF00]  }
0x12e: {  	[tilespmem:$0x1550] =	vst v2;
	v2 =	vadd.s32 v12, v3;
	v12 =	vld [tilespmem:$0x6E0]  }
0x12f: {  	v62 =	vmul.u32 v0, v60;
	[tilespmem:$0x1FE50] =	vst v63;
	v63 =	vld [tilespmem:$0xBD0]  }
0x130: {  	v16 =	vmul.u32 v0, v16;
	v3 =	vmul.u32 v0, v18;
	v18 =	vld [tilespmem:$0x710]  }
0x131: {  	v30 =	vadd.s32 v40, v62;
	v40 =	vld [tilespmem:$0xE00]  }
0x132: {  	[tilespmem:$0x1560] =	vst v2;
	v2 =	vadd.s32 v14, v16;
	v14 =	vld [tilespmem:$0x6F0]  }
0x133: {  	v16 =	vld [tilespmem:$0x700]  }
0x134: {  	[tilespmem:$0x1FE40] =	vst v63;
	v63 =	vld [tilespmem:$0x3D0]  }
0x135: {  	[tilespmem:$0x1570] =	vst v2;
	v2 =	vadd.s32 v17, v3;
	v17 =	vld [tilespmem:$0xF10]  }
0x136: {  	[tilespmem:$0x1580] =	vst v2;
	v2 =	vadd.s32 v20, v23;
	v20 =	vld [tilespmem:$0xF20]  }
0x137: {  	[tilespmem:$0x14D0] =	vst v39;
	v41 =	vld [tilespmem:$0x1FD60]  }
0x138: {  	[tilespmem:$0x1340] =	vst v30;
	v39 =	vmul.u32 v0, v37;
	v37 =	vld [tilespmem:$0x770]  }
0x139: {  	v30 =	vadd.s32 v44, v38;
	[tilespmem:$0x1FE70] =	vst v63;
	v63 =	vld [tilespmem:$0xBE0]  }
0x13a: {  	[tilespmem:$0x1350] =	vst v30;
	v30 =	vld [tilespmem:$0x5D0]  }
0x13b: {  	v48 =	vld [tilespmem:$0x1FD90]  }
0x13c: {  	v45 =	vld [tilespmem:$0x1FD80]  }
0x13d: {  	v52 =	vld [tilespmem:$0x1FDB0]  }
0x13e: {  	[tilespmem:$0x1FE60] =	vst v63;
	v63 =	vld [tilespmem:$0x3E0]  }
0x13f: {  	v50 =	vld [tilespmem:$0x1FDA0]  }
0x140: {  	v55 =	vld [tilespmem:$0x1FDD0]  }
0x141: {  	v53 =	vld [tilespmem:$0x1FDC0]  }
0x142: {  	v59 =	vld [tilespmem:$0x1FDF0]  }
0x143: {  	[tilespmem:$0x1FE90] =	vst v63;
	v63 =	vld [tilespmem:$0xBF0]  }
0x144: {  	v42 =	vmul.u32 v0, v41;
	v56 =	vld [tilespmem:$0x1FDE0]  }
0x145: {  	v44 =	vld [tilespmem:$0x1FE10]  }
0x146: {  	v33 =	vadd.s32 v48, v42;
	v46 =	vmul.u32 v0, v45;
	v60 =	vld [tilespmem:$0x1FE00]  }
0x147: {  	[tilespmem:$0x1360] =	vst v33;
	v51 =	vmul.u32 v0, v50;
	v48 =	vld [tilespmem:$0x1FE30]  }
0x148: {  	v33 =	vadd.s32 v52, v46;
	v54 =	vmul.u32 v0, v53;
	[tilespmem:$0x1FE80] =	vst v63;
	v63 =	vld [tilespmem:$0x3F0]  }
0x149: {  	v42 =	vld [tilespmem:$0xE10];
	[tilespmem:$0x1370] =	vst v33;
	v36 =	vadd.s32 v55, v51;
	v57 =	vmul.u32 v0, v56  }
0x14a: {  	v33 =	vld [tilespmem:$0x5E0];
	[tilespmem:$0x1380] =	vst v36;
	v36 =	vadd.s32 v59, v54  }
0x14b: {  	[tilespmem:$0x1390] =	vst v36;
	v38 =	vadd.s32 v44, v57;
	v62 =	vmul.u32 v0, v60;
	v45 =	vld [tilespmem:$0x1FE20]  }
0x14c: {  	v36 =	vld [tilespmem:$0x5F0];
	[tilespmem:$0x13A0] =	vst v38  }
0x14d: {  	v38 =	vadd.s32 v48, v62;
	[tilespmem:$0x1FEB0] =	vst v63;
	v63 =	vld [tilespmem:$0xC00]  }
0x14e: {  	[tilespmem:$0x13B0] =	vst v38;
	v38 =	vld [tilespmem:$0x600]  }
0x14f: {  	v52 =	vld [tilespmem:$0x1FE50]  }
0x150: {  	v46 =	vmul.u32 v0, v45;
	v45 =	vld [tilespmem:$0xE20]  }
0x151: {  	v50 =	vld [tilespmem:$0x1FE40]  }
0x152: {  	[tilespmem:$0x1FEA0] =	vst v63;
	v63 =	vld [tilespmem:$0x400]  }
0x153: {  	v55 =	vld [tilespmem:$0x1FE70]  }
0x154: {  	v53 =	vld [tilespmem:$0x1FE60]  }
0x155: {  	v59 =	vld [tilespmem:$0x1FE90]  }
0x156: {  	v56 =	vld [tilespmem:$0x1FE80]  }
0x157: {  	v51 =	vmul.u32 v0, v50;
	[tilespmem:$0x1FED0] =	vst v63;
	v63 =	vld [tilespmem:$0xC10]  }
0x158: {  	v41 =	vadd.s32 v52, v46;
	v52 =	vld [tilespmem:$0x1FEB0]  }
0x159: {  	[tilespmem:$0x13C0] =	vst v41;
	v41 =	vadd.s32 v55, v51;
	v51 =	vld [tilespmem:$0xE30]  }
0x15a: {  	v54 =	vmul.u32 v0, v53;
	v60 =	vld [tilespmem:$0x1FEA0]  }
0x15b: {  	[tilespmem:$0x13D0] =	vst v41;
	v41 =	vld [tilespmem:$0x610];
	v57 =	vmul.u32 v0, v56  }
0x15c: {  	v44 =	vadd.s32 v59, v54;
	[tilespmem:$0x1FEC0] =	vst v63;
	v63 =	vld [tilespmem:$0x410]  }
0x15d: {  	[tilespmem:$0x13E0] =	vst v44;
	v44 =	vadd.s32 v52, v57;
	v55 =	vld [tilespmem:$0x1FED0]  }
0x15e: {  	[tilespmem:$0x13F0] =	vst v44;
	v44 =	vld [tilespmem:$0x620]  }
0x15f: {  	v62 =	vmul.u32 v0, v60;
	v60 =	vld [tilespmem:$0x1FF00]  }
0x160: {  	v53 =	vld [tilespmem:$0x1FEC0]  }
0x161: {  	[tilespmem:$0x1FEF0] =	vst v63;
	v63 =	vld [tilespmem:$0xC20]  }
0x162: {  	v46 =	vadd.s32 v55, v62;
	v62 =	vld [tilespmem:$0x1FF10]  }
0x163: {  	v55 =	vld [tilespmem:$0x1FF40]  }
0x164: {  	v59 =	vld [tilespmem:$0x1FEF0]  }
0x165: {  	v54 =	vmul.u32 v0, v53;
	v53 =	vld [tilespmem:$0x1FF20]  }
0x166: {  	v48 =	vmul.u32 v0, v60;
	v60 =	vld [tilespmem:$0x1FF80];
	[tilespmem:$0x1FEE0] =	vst v63  }
0x167: {  	v56 =	vld [tilespmem:$0x1FEE0]  }
0x168: {  	[tilespmem:$0x14E0] =	vst v31;
	v63 =	vld [tilespmem:$0x420]  }
0x169: {  	[tilespmem:$0x1400] =	vst v46;
	v46 =	vadd.s32 v59, v54;
	v54 =	vld [tilespmem:$0x1FF30]  }
0x16a: {  	[tilespmem:$0x14C0] =	vst v47;
	v3 =	vmul.u32 v0, v24;
	v48 =	vadd.s32 v53, v48;
	v53 =	vld [tilespmem:$0xE40]  }
0x16b: {  	v31 =	vmul.u32 v0, v27;
	[tilespmem:$0x1590] =	vst v2;
	v59 =	vld [tilespmem:$0x1FF70]  }
0x16c: {  	v2 =	vadd.s32 v22, v3;
	v3 =	vmul.u32 v0, v29;
	[tilespmem:$0x1410] =	vst v46;
	v46 =	vld [tilespmem:$0x630];
	v57 =	vmul.u32 v0, v56  }
0x16d: {  	[tilespmem:$0x15A0] =	vst v2;
	v2 =	vadd.s32 v26, v31;
	v56 =	vld [tilespmem:$0x1FF50]  }
0x16e: {  	[tilespmem:$0x15B0] =	vst v2;
	v2 =	vadd.s32 v28, v3;
	v50 =	vadd.s32 v63, v57;
	v57 =	vld [tilespmem:$0x1FF60]  }
0x16f: {  	v32 =	vmul.u32 v0, v32;
	[tilespmem:$0x15C0] =	vst v2;
	v63 =	vmul.u32 v0, v62;
	v62 =	vld [tilespmem:$0x1FF90]  }
0x170: {  	v3 =	vmul.u32 v0, v35;
	[tilespmem:$0x1420] =	vst v50;
	v50 =	vmul.u32 v0, v54;
	v54 =	vld [tilespmem:$0x640]  }
0x171: {  	v2 =	vadd.s32 v30, v32;
	[tilespmem:$0x1430] =	vst v48;
	v48 =	vadd.s32 v55, v63;
	v55 =	vld [tilespmem:$0xE50]  }
0x172: {  	[tilespmem:$0x15D0] =	vst v2;
	v2 =	vadd.s32 v33, v3;
	v63 =	vld [tilespmem:$0x1FFA0]  }
0x173: {  	[tilespmem:$0x15E0] =	vst v2;
	v52 =	vmul.u32 v0, v56;
	v56 =	vld [tilespmem:$0x650]  }
0x174: {  	v3 =	vmul.u32 v0, v40;
	v2 =	vadd.s32 v36, v39;
	[tilespmem:$0x1440] =	vst v48;
	v48 =	vadd.s32 v57, v50;
	v57 =	vld [tilespmem:$0x1FFB0]  }
0x175: {  	[tilespmem:$0x15F0] =	vst v2;
	v50 =	vmul.u32 v0, v59;
	v59 =	vld [tilespmem:$0x1FFC0]  }
0x176: {  	v42 =	vmul.u32 v0, v42;
	v2 =	vadd.s32 v38, v3;
	[tilespmem:$0x1450] =	vst v48;
	v48 =	vadd.s32 v60, v52;
	v60 =	vld [tilespmem:$0x1FFD0]  }
0x177: {  	[tilespmem:$0x1600] =	vst v2;
	v52 =	vmul.u32 v0, v62;
	v62 =	vld [tilespmem:$0x1FFE0]  }
0x178: {  	v3 =	vmul.u32 v0, v45;
	v2 =	vadd.s32 v41, v42;
	[tilespmem:$0x1460] =	vst v48;
	v48 =	vadd.s32 v63, v50;
	v63 =	vld [tilespmem:$0x1FFF0]  }
0x179: {  	[tilespmem:$0x1610] =	vst v2;
	v50 =	vmul.u32 v0, v57;
	v57 =	vld [tilespmem:$0xE60]  }
0x17a: {  	v2 =	vadd.s32 v44, v3;
	[tilespmem:$0x1470] =	vst v48;
	v48 =	vadd.s32 v59, v52;
	v59 =	vld [tilespmem:$0x660]  }
0x17b: {  	v47 =	vmul.u32 v0, v51;
	[tilespmem:$0x1620] =	vst v2;
	v52 =	vmul.u32 v0, v60;
	v60 =	vld [tilespmem:$0xE70]  }
0x17c: {  	[tilespmem:$0x1480] =	vst v48;
	v48 =	vadd.s32 v62, v50;
	v62 =	vld [tilespmem:$0xE80]  }
0x17d: {  	v3 =	vmul.u32 v0, v53;
	v2 =	vadd.s32 v46, v47;
	[tilespmem:$0x1490] =	vst v48;
	v48 =	vadd.s32 v63, v52;
	v52 =	vld [tilespmem:$0x670]  }
0x17e: {  	[tilespmem:$0x1630] =	vst v2;
	v53 =	vmul.u32 v0, v55;
	v63 =	vld [tilespmem:$0xE90]  }
0x17f: {  	v2 =	vadd.s32 v54, v3;
	v50 =	vmul.u32 v0, v61;
	[tilespmem:$0x14A0] =	vst v48;
	v48 =	vld [tilespmem:$0x680]  }
0x180: {  	v32 =	vld [tilespmem:$0xF60];
	[tilespmem:$0x1640] =	vst v2;
	v2 =	vadd.s32 v56, v53;
	v3 =	vmul.u32 v0, v57  }
0x181: {  	v33 =	vld [tilespmem:$0x760];
	[tilespmem:$0x1650] =	vst v2;
	v61 =	vadd.s32 v58, v50;
	v60 =	vmul.u32 v0, v60  }
0x182: {  	v40 =	vld [tilespmem:$0x780];
	[tilespmem:$0x14B0] =	vst v61;
	v2 =	vadd.s32 v59, v3;
	v3 =	vmul.u32 v0, v62  }
0x183: {  	v36 =	vld [tilespmem:$0xF70];
	[tilespmem:$0x1660] =	vst v2;
	v2 =	vadd.s32 v52, v60;
	v63 =	vmul.u32 v0, v63  }
0x184: {  	v39 =	vld [tilespmem:$0xF80];
	[tilespmem:$0x1670] =	vst v2;
	v2 =	vadd.s32 v48, v3;
	v3 =	vmul.u32 v0, v25  }
0x185: {  	v35 =	vmul.u32 v0, v10;
	v45 =	vld [tilespmem:$0xFA0];
	[tilespmem:$0x1680] =	vst v2;
	v2 =	vadd.s32 v34, v63  }
0x186: {  	v51 =	vld [tilespmem:$0x730];
	[tilespmem:$0x1690] =	vst v2;
	v2 =	vadd.s32 v19, v3;
	v3 =	vmul.u32 v0, v5  }
0x187: {  	v38 =	vmul.u32 v0, v8;
	v42 =	vld [tilespmem:$0xF90];
	[tilespmem:$0x16A0] =	vst v2;
	v2 =	vadd.s32 v7, v35  }
0x188: {  	v46 =	vld [tilespmem:$0x7A0];
	[tilespmem:$0x16B0] =	vst v2;
	v2 =	vadd.s32 v6, v3;
	v3 =	vmul.u32 v0, v11  }
0x189: {  	v41 =	vmul.u32 v0, v13;
	v55 =	vld [tilespmem:$0xF40];
	[tilespmem:$0x16C0] =	vst v2;
	v2 =	vadd.s32 v9, v38  }
0x18a: {  	v61 =	vld [tilespmem:$0xF50];
	[tilespmem:$0x16D0] =	vst v2;
	v2 =	vadd.s32 v12, v3;
	v3 =	vmul.u32 v0, v15  }
0x18b: {  	v44 =	vmul.u32 v0, v17;
	v58 =	vld [tilespmem:$0x740];
	[tilespmem:$0x16E0] =	vst v2;
	v2 =	vadd.s32 v14, v41  }
0x18c: {  	v62 =	vld [tilespmem:$0x750];
	[tilespmem:$0x16F0] =	vst v2;
	v2 =	vadd.s32 v16, v3;
	v3 =	vmul.u32 v0, v20  }
0x18d: {  	v47 =	vmul.u32 v0, v49;
	v49 =	vld [tilespmem:$0x7B0];
	[tilespmem:$0x1700] =	vst v2;
	v2 =	vadd.s32 v18, v44  }
0x18e: {  	v54 =	vld [tilespmem:$0xFD0];
	[tilespmem:$0x1710] =	vst v2;
	v2 =	vadd.s32 v21, v3;
	v3 =	vmul.u32 v0, v55  }
0x18f: {  	v57 =	vld [tilespmem:$0xFE0];
	v50 =	vmul.u32 v0, v61;
	[tilespmem:$0x1720] =	vst v2;
	v2 =	vadd.s32 v51, v47  }
0x190: {  	v48 =	vld [tilespmem:$0xFB0];
	[tilespmem:$0x1730] =	vst v2;
	v2 =	vadd.s32 v58, v3;
	v3 =	vmul.u32 v0, v32  }
0x191: {  	v53 =	vmul.u32 v0, v36;
	v51 =	vld [tilespmem:$0xFC0];
	[tilespmem:$0x1740] =	vst v2;
	v2 =	vadd.s32 v62, v50  }
0x192: {  	v52 =	vld [tilespmem:$0x7C0];
	[tilespmem:$0x1750] =	vst v2;
	v2 =	vadd.s32 v33, v3;
	v3 =	vmul.u32 v0, v39  }
0x193: {  	v56 =	vmul.u32 v0, v42;
	v55 =	vld [tilespmem:$0x7D0];
	[tilespmem:$0x1760] =	vst v2;
	v2 =	vadd.s32 v37, v53  }
0x194: {  	v58 =	vld [tilespmem:$0xFF0];
	[tilespmem:$0x1770] =	vst v2;
	v2 =	vadd.s32 v40, v3;
	v3 =	vmul.u32 v0, v45  }
0x195: {  	v60 =	vld [tilespmem:$0x7E0];
	v59 =	vmul.u32 v0, v48;
	[tilespmem:$0x1780] =	vst v2;
	v2 =	vadd.s32 v43, v56  }
0x196: {  	v61 =	vld [tilespmem:$0x7F0];
	[tilespmem:$0x1790] =	vst v2;
	v2 =	vadd.s32 v46, v3;
	v3 =	vmul.u32 v0, v51  }
0x197: {  	v62 =	vmul.u32 v0, v54;
	[tilespmem:$0x17A0] =	vst v2;
	v2 =	vadd.s32 v49, v59  }
0x198: {  	[tilespmem:$0x17B0] =	vst v2;
	v2 =	vadd.s32 v52, v3;
	v3 =	vmul.u32 v0, v57  }
0x199: {  	v63 =	vmul.u32 v0, v58;
	[tilespmem:$0x17C0] =	vst v2;
	v2 =	vadd.s32 v55, v62  }
0x19a: {  	[tilespmem:$0x17D0] =	vst v2;
	v2 =	vadd.s32 v60, v3  }
0x19b: {  	[tilespmem:$0x17E0] =	vst v2;
	v2 =	vadd.s32 v61, v63  }
0x19c: {  	[tilespmem:$0x17F0] =	vst v2  }
0x19d: {  	_ =	swait.ge [sflag:s19], $0x1000  }
0x19e: {  	[sflag:s19] =	ssyncset.done $0x0  }
0x19f: {  	[sflag:s19] =	ssyncadd.s32 $0xFFFFF000  }
0x1a0: {  	_ =	swait.ge [sflag:s19], $0x1000  }
0x1a1: {  	[sflag:s19] =	ssyncset.done $0x0  }
0x1a2: {  	[sflag:s19] =	ssyncadd.s32 $0xFFFFF000  }
0x1a3: {  	_ =	swait.ge [sflag:s19], $0x1000  }
0x1a4: {  	[sflag:s19] =	ssyncset.done $0x0  }
0x1a5: {  	[sflag:s19] =	ssyncadd.s32 $0xFFFFF000  }
0x1a6: {  	_ =	swait.ge [sflag:s19], $0x1000  }
0x1a7: {  	[sflag:s19] =	ssyncset.done $0x0  }
0x1a8: {  	[sflag:s19] =	ssyncadd.s32 $0xFFFFF000  }
0x1a9: {  	_ =	swait.ge [sflag:s19], $0x1000  }
0x1aa: {  	[sflag:s19] =	ssyncset.done $0x0  }
0x1ab: {  	[sflag:s19] =	ssyncadd.s32 $0xFFFFF000  }
0x1ac: {  	_ =	swait.ge [sflag:s19], $0x1000  }
0x1ad: {  	[sflag:s19] =	ssyncset.done $0x0  }
0x1ae: {  	[sflag:s19] =	ssyncadd.s32 $0xFFFFF000  }
0x1af: {  	_ =	swait.ge [sflag:s19], $0x1000  }
0x1b0: {  	[sflag:s19] =	ssyncset.done $0x0  }
0x1b1: {  	[sflag:s19] =	ssyncadd.s32 $0xFFFFF000  }
0x1b2: {  	_ =	swait.ge [sflag:s19], $0x1000  }
0x1b3: {  	[sflag:s19] =	ssyncset.done $0x0  }
0x1b4: {  	[sflag:s19] =	ssyncadd.s32 $0xFFFFF000  }
0x1b5: {  	s17 =	simm.s32 $0x1000;
	[bflag:$0x0] =	sbarrier.arrive $0xFFFF  }
0x1b6: {  	[spmem:s1] =	stream.indirect.scatter.add.f32 [tilespmem:s22], [sflag:$0x3], $0x1, s17, s20, $0xb8;
	[tilespmem:$0xA880] =	vst v63  }
0x1b7: {  	s31 =	simm.s32 $0x1080  }
0x1b8: {  	[spmem:s1] =	stream.indirect.scatter.add.f32 [tilespmem:s22], [sflag:$0x3], $0x1, s31, s20, $0xb8;
	[tilespmem:$0xA880] =	vst v63  }
0x1b9: {  	s17 =	simm.s32 $0x1100  }
0x1ba: {  	[spmem:s1] =	stream.indirect.scatter.add.f32 [tilespmem:s22], [sflag:$0x3], $0x1, s17, s20, $0xb8;
	[tilespmem:$0xA880] =	vst v63  }
0x1bb: {  	s31 =	simm.s32 $0x1180  }
0x1bc: {  	[spmem:s1] =	stream.indirect.scatter.add.f32 [tilespmem:s22], [sflag:$0x3], $0x1, s31, s20, $0xb8;
	[tilespmem:$0xA880] =	vst v63  }
0x1bd: {  	s17 =	simm.s32 $0x1200  }
0x1be: {  	[spmem:s1] =	stream.indirect.scatter.add.f32 [tilespmem:s22], [sflag:$0x3], $0x1, s17, s20, $0xb8;
	[tilespmem:$0xA880] =	vst v63  }
0x1bf: {  	s31 =	simm.s32 $0x1280  }
0x1c0: {  	[spmem:s1] =	stream.indirect.scatter.add.f32 [tilespmem:s22], [sflag:$0x3], $0x1, s31, s20, $0xb8;
	[tilespmem:$0xA880] =	vst v63  }
0x1c1: {  	s17 =	simm.s32 $0x1300  }
0x1c2: {  	[spmem:s1] =	stream.indirect.scatter.add.f32 [tilespmem:s22], [sflag:$0x3], $0x1, s17, s20, $0xb8;
	[tilespmem:$0xA880] =	vst v63  }
0x1c3: {  	s31 =	simm.s32 $0x1380  }
0x1c4: {  	[spmem:s1] =	stream.indirect.scatter.add.f32 [tilespmem:s22], [sflag:$0x3], $0x1, s31, s20, $0xb8;
	[tilespmem:$0xA880] =	vst v63  }
0x1c5: {  	s17 =	simm.s32 $0x1400  }
0x1c6: {  	[spmem:s1] =	stream.indirect.scatter.add.f32 [tilespmem:s22], [sflag:$0x3], $0x1, s17, s20, $0xb8;
	[tilespmem:$0xA880] =	vst v63  }
0x1c7: {  	s31 =	simm.s32 $0x1480  }
0x1c8: {  	[spmem:s1] =	stream.indirect.scatter.add.f32 [tilespmem:s22], [sflag:$0x3], $0x1, s31, s20, $0xb8;
	[tilespmem:$0xA880] =	vst v63  }
0x1c9: {  	s17 =	simm.s32 $0x1500  }
0x1ca: {  	[spmem:s1] =	stream.indirect.scatter.add.f32 [tilespmem:s22], [sflag:$0x3], $0x1, s17, s20, $0xb8;
	[tilespmem:$0xA880] =	vst v63  }
0x1cb: {  	_ = 	snop  }
0x1cc: {  	[spmem:s1] =	stream.indirect.scatter.add.f32 [tilespmem:s22], [sflag:$0x3], $0x1, s21, s20, $0xb8;
	[tilespmem:$0xA880] =	vst v63  }
0x1cd: {  	_ = 	snop  }
0x1ce: {  	[spmem:s1] =	stream.indirect.scatter.add.f32 [tilespmem:s22], [sflag:$0x3], $0x1, s23, s20, $0xb8;
	[tilespmem:$0xA880] =	vst v63  }
0x1cf: {  	_ = 	snop  }
0x1d0: {  	[spmem:s1] =	stream.indirect.scatter.add.f32 [tilespmem:s22], [sflag:$0x3], $0x1, s24, s20, $0xb8;
	[tilespmem:$0xA880] =	vst v63  }
0x1d1: {  	_ = 	snop  }
0x1d2: {  	[spmem:s1] =	stream.indirect.scatter.add.f32 [tilespmem:s22], [sflag:$0x3], $0x1, s25, s20, $0xb8;
	[tilespmem:$0xA880] =	vst v63  }
0x1d3: {  	_ = 	snop  }
0x1d4: {  	[spmem:s1] =	stream.indirect.scatter.add.f32 [tilespmem:s22], [sflag:$0x3], $0x1, s26, s20, $0xb8;
	[tilespmem:$0xA880] =	vst v63  }
0x1d5: {  	_ =	swait.ge [sflag:s28], $0x80  }
0x1d6: {  	[sflag:s28] =	ssyncset.done $0x0  }
0x1d7: {  	[sflag:s28] =	ssyncadd.s32 $0xFFFFFF80  }
0x1d8: {  	_ =	swait.ge [sflag:s28], $0x80  }
0x1d9: {  	[sflag:s28] =	ssyncset.done $0x0  }
0x1da: {  	[sflag:s28] =	ssyncadd.s32 $0xFFFFFF80  }
0x1db: {  	_ =	swait.ge [sflag:s28], $0x80  }
0x1dc: {  	[sflag:s28] =	ssyncset.done $0x0  }
0x1dd: {  	[sflag:s28] =	ssyncadd.s32 $0xFFFFFF80  }
0x1de: {  	_ =	swait.ge [sflag:s28], $0x80  }
0x1df: {  	[sflag:s28] =	ssyncset.done $0x0  }
0x1e0: {  	[sflag:s28] =	ssyncadd.s32 $0xFFFFFF80  }
0x1e1: {  	_ =	swait.ge [sflag:s28], $0x80  }
0x1e2: {  	[sflag:s28] =	ssyncset.done $0x0  }
0x1e3: {  	[sflag:s28] =	ssyncadd.s32 $0xFFFFFF80  }
0x1e4: {  	_ =	swait.ge [sflag:s28], $0x80  }
0x1e5: {  	[sflag:s28] =	ssyncset.done $0x0  }
0x1e6: {  	[sflag:s28] =	ssyncadd.s32 $0xFFFFFF80  }
0x1e7: {  	_ =	swait.ge [sflag:s28], $0x80  }
0x1e8: {  	[sflag:s28] =	ssyncset.done $0x0  }
0x1e9: {  	[sflag:s28] =	ssyncadd.s32 $0xFFFFFF80  }
0x1ea: {  	_ =	swait.ge [sflag:s28], $0x80  }
0x1eb: {  	[sflag:s28] =	ssyncset.done $0x0  }
0x1ec: {  	[sflag:s28] =	ssyncadd.s32 $0xFFFFFF80  }
0x1ed: {  	_ =	swait.ge [sflag:s28], $0x80  }
0x1ee: {  	[sflag:s28] =	ssyncset.done $0x0  }
0x1ef: {  	[sflag:s28] =	ssyncadd.s32 $0xFFFFFF80  }
0x1f0: {  	_ =	swait.ge [sflag:s28], $0x80  }
0x1f1: {  	[sflag:s28] =	ssyncset.done $0x0  }
0x1f2: {  	[sflag:s28] =	ssyncadd.s32 $0xFFFFFF80  }
0x1f3: {  	_ =	swait.ge [sflag:s28], $0x80  }
0x1f4: {  	[sflag:s28] =	ssyncset.done $0x0  }
0x1f5: {  	[sflag:s28] =	ssyncadd.s32 $0xFFFFFF80  }
0x1f6: {  	_ =	swait.ge [sflag:s28], $0x80  }
0x1f7: {  	[sflag:s28] =	ssyncset.done $0x0  }
0x1f8: {  	[sflag:s28] =	ssyncadd.s32 $0xFFFFFF80  }
0x1f9: {  	_ =	swait.ge [sflag:s28], $0x80  }
0x1fa: {  	[sflag:s28] =	ssyncset.done $0x0  }
0x1fb: {  	[sflag:s28] =	ssyncadd.s32 $0xFFFFFF80  }
0x1fc: {  	_ =	swait.ge [sflag:s28], $0x80  }
0x1fd: {  	[sflag:s28] =	ssyncset.done $0x0  }
0x1fe: {  	[sflag:s28] =	ssyncadd.s32 $0xFFFFFF80  }
0x1ff: {  	_ =	swait.ge [sflag:s28], $0x80  }
0x200: {  	[sflag:s28] =	ssyncset.done $0x0  }
0x201: {  	[sflag:s28] =	ssyncadd.s32 $0xFFFFFF80  }
0x202: {  	_ =	swait.ge [sflag:s28], $0x80  }
0x203: {  	s30 =	sadd.s32 $0x1, s30;
	s31 =	sshll.u32 s3, $0x6;
	[sflag:s28] =	ssyncset.done $0x0  }
0x204: {  	p0 =	sne.s32 s30, s12;
	s0 =	sor.u32 $0x1C04, s31;
	[sflag:s28] =	ssyncadd.s32 $0xFFFFFF80  }
.Ltmp1:
0x205: {  	s17 =	sshrl.u32 s4, $0x3;
	[bflag:$0x0] =	sbarrier.arrive $0xFFFF;
	(pc) =	sbr.rel @p0 .LBB2_1-.Ltmp1, $4  }
0x206: {  	[hbm:s15], [sflag:s0] =	dma.local [spmem:s17], $0x1000  }
0x207: {  	_ =	swait.ge [sflag:s29], $0x1000  }
0x208: {  	[sflag:s29] =	ssyncset.done $0x0  }
0x209: {  	[sflag:s29] =	ssyncadd.s32 $0xFFFFF000  }
0x20a: {  	_ =	sfence.sel $0x180000  }
0x20b: {  	[bflag:$0x0] =	sbarrier.arrive $0xFFFF  }
0x20c: {  	_ =	strace $0x90000047  }
0x20d: {  	[bflag:$0x2] =	sbarrier.arrive $0xFFFF  }
0x20e: {  	p0 =	sne.s32 s3, $0x0;
	s0 =	rddreg [dreg:$0x4]  }
0x20f: {  	s0 =	sadd.s32 @!p0 $0x100000, s0  }
0x210: {  	[sflag:s0] =	ssyncadd.tile.s32 @!p0 $0x1;
	_ =	shalt  }
.Lfunc_end2:
_tile_overlayer_lowered:
.L_overlay_start_2:
0x211: {  	(tag) =	ssettag $0x2  }
0x212: {  	s0 =	rddreg [dreg:$0x0];
	s2 =	stileid.u32  }
0x213: {  	s1 =	rddreg [dreg:$0x1];
	p0 =	sne.s32 s2, $0x0  }
0x214: {  	s3 =	rddreg [dreg:$0x2];
	[bflag:$0x3] =	sbarrier.arrive $0xFFFF;
	s2 =	simm.s32 @!p0 $0x1C04  }
0x215: {  	[timem:s3], [sflag:s2] =	dma.local @!p0 [hbm:s0], s1  }
0x216: {  	s0 =	simm.s32 @!p0 $0x4  }
0x217: {  	_ =	swait.ge @!p0 [sflag:s0], s1  }
0x218: {  	s1 =	ssub.s32 @!p0 $0x0, s1;
	[sflag:s0] =	ssyncset.done @!p0 $0x0  }
0x219: {  	[sflag:s0] =	ssyncadd.s32 @!p0 s1  }
0x21a: {  	[bflag:$0x3] =	sbarrier.arrive $0xFFFF  }
0x21b: {  	_ =	shalt  }

</sc_bundles>
